<compile_context>
chip_gen: v7x
topology: tpu7x:2x2x1
jax: 0.10.2.dev20260603
libtpu: 0.0.44.dev20260713+nightly
codegen_flags: <defaults>
</compile_context>

<pallas_src>
import functools

import jax
import jax.numpy as jnp
from jax import lax
from jax.experimental import pallas as pl
from jax.experimental.pallas import tpu as pltpu
from jax.experimental.pallas import tpu_sc as plsc

N = 10000
E = 320000
F_IN = 128
H = 16

NC = 2
NS = 16
NW = NC * NS

CW = 80
EPT = E // NW
NCH = EPT // CW
NBUF = 5
NG = NCH // NBUF
RPT = N // NS

NPK = N * H // 128

_mesh = plsc.VectorSubcoreMesh(
    core_axis_name="c", subcore_axis_name="s", num_cores=NC, num_subcores=NS
)



@functools.partial(
    pl.kernel,
    out_type=jax.ShapeDtypeStruct((NC, N, H), jnp.float32),
    mesh=_mesh,
    compiler_params=pltpu.CompilerParams(use_tc_tiling_on_sc=False),
    scratch_types=(
        [
            pltpu.VMEM((EPT,), jnp.int32),
            pltpu.VMEM((EPT,), jnp.int32),
            pltpu.VMEM((NCH, CW), jnp.int32),
            pltpu.VMEM_SHARED((N, H), jnp.float32),
            pltpu.VMEM_SHARED((N, H), jnp.float32),
        ]
        + [pltpu.VMEM((CW, H), jnp.float32) for _ in range(NBUF)]
        + [pltpu.SemaphoreType.DMA for _ in range(2 * NBUF)]
    ),
)
def _sc_edge_aggregate(g_hbm, ei_hbm, zeros_hbm, out_hbm,
                       src_v, dst1_v, dst_v, acc, g_sh, *rest):
    bufs = rest[:NBUF]
    gsems = rest[NBUF:2 * NBUF]
    ssems = rest[2 * NBUF:]
    c = lax.axis_index("c")
    s = lax.axis_index("s")
    w = c * NS + s
    r0 = s * RPT

    pltpu.async_copy(ei_hbm.at[1, pl.ds(w * EPT, EPT)], dst1_v, gsems[0])
    pltpu.async_copy(ei_hbm.at[0, pl.ds(w * EPT, EPT)], src_v, gsems[1])
    pltpu.async_copy(zeros_hbm.at[pl.ds(r0, RPT)], acc.at[pl.ds(r0, RPT)],
                     gsems[2])
    pltpu.async_copy(g_hbm.at[pl.ds(r0, RPT)], g_sh.at[pl.ds(r0, RPT)],
                     gsems[3])
    pltpu.make_async_copy(ei_hbm.at[1, pl.ds(w * EPT, EPT)], dst1_v,
                          gsems[0]).wait()

    def repack(j, carry):
        base = pl.multiple_of(j * CW, CW)
        for k in range(CW // 16):
            dst_v[j, pl.ds(16 * k, 16)] = dst1_v[pl.ds(base + 16 * k, 16)]
        return carry

    lax.fori_loop(0, NCH, repack, 0)
    pltpu.make_async_copy(ei_hbm.at[0, pl.ds(w * EPT, EPT)], src_v,
                          gsems[1]).wait()
    pltpu.make_async_copy(zeros_hbm.at[pl.ds(r0, RPT)], acc.at[pl.ds(r0, RPT)],
                          gsems[2]).wait()
    pltpu.make_async_copy(g_hbm.at[pl.ds(r0, RPT)], g_sh.at[pl.ds(r0, RPT)],
                          gsems[3]).wait()
    plsc.subcore_barrier()

    for b in range(NBUF):
        pltpu.async_copy(g_sh.at[src_v.at[pl.ds(b * CW, CW)]], bufs[b], gsems[b])

    def group(t, carry):
        for b in range(NBUF):
            j = t * NBUF + b
            o = pl.multiple_of(j * CW, CW)
            pltpu.make_async_copy(g_sh.at[src_v.at[pl.ds(o, CW)]],
                                  bufs[b], gsems[b]).wait()
            pltpu.async_copy(bufs[b], acc.at[dst_v.at[j]], ssems[b], add=True)
        for b in range(NBUF):
            j = t * NBUF + b
            pltpu.make_async_copy(bufs[b], acc.at[dst_v.at[j]], ssems[b]).wait()
            jn = j + NBUF

            @pl.when(jn < NCH)
            def _():
                on = pl.multiple_of(jn * CW, CW)
                pltpu.async_copy(g_sh.at[src_v.at[pl.ds(on, CW)]],
                                 bufs[b], gsems[b])
        return carry

    lax.fori_loop(0, NG, group, 0)
    plsc.subcore_barrier()
    pltpu.sync_copy(acc.at[pl.ds(r0, RPT)], out_hbm.at[c, pl.ds(r0, RPT)])


@functools.partial(
    pl.kernel,
    out_type=jax.ShapeDtypeStruct((NC, N, H), jnp.float32),
    mesh=_mesh,
    compiler_params=pltpu.CompilerParams(use_tc_tiling_on_sc=False),
    scratch_types=(
        [
            pltpu.VMEM((EPT,), jnp.int32),
            pltpu.VMEM((NCH, CW), jnp.int32),
            pltpu.VMEM_SHARED((N, H), jnp.float32),
            pltpu.VMEM((CW, H), jnp.float32),
        ]
        + [pltpu.SemaphoreType.DMA for _ in range(NBUF)]
    ),
)
def _sc_degree(ei_hbm, zeros_hbm, ones_hbm, out_hbm, dst1_v, dst_v, acc,
               ones_v, *ssems):
    c = lax.axis_index("c")
    s = lax.axis_index("s")
    w = c * NS + s
    r0 = s * RPT

    pltpu.async_copy(ei_hbm.at[1, pl.ds(w * EPT, EPT)], dst1_v, ssems[0])
    pltpu.async_copy(ones_hbm, ones_v, ssems[1])
    pltpu.async_copy(zeros_hbm.at[pl.ds(r0, RPT)], acc.at[pl.ds(r0, RPT)],
                     ssems[2])
    pltpu.make_async_copy(ei_hbm.at[1, pl.ds(w * EPT, EPT)], dst1_v,
                          ssems[0]).wait()

    def repack(j, carry):
        base = pl.multiple_of(j * CW, CW)
        for k in range(CW // 16):
            dst_v[j, pl.ds(16 * k, 16)] = dst1_v[pl.ds(base + 16 * k, 16)]
        return carry

    lax.fori_loop(0, NCH, repack, 0)
    pltpu.make_async_copy(ones_hbm, ones_v, ssems[1]).wait()
    pltpu.make_async_copy(zeros_hbm.at[pl.ds(r0, RPT)], acc.at[pl.ds(r0, RPT)],
                          ssems[2]).wait()
    plsc.subcore_barrier()

    for b in range(NBUF):
        pltpu.async_copy(ones_v, acc.at[dst_v.at[b]], ssems[b], add=True)

    def dgroup(t, carry):
        for b in range(NBUF):
            j = t * NBUF + b
            pltpu.make_async_copy(ones_v, acc.at[dst_v.at[j]], ssems[b]).wait()
            jn = j + NBUF

            @pl.when(jn < NCH)
            def _():
                pltpu.async_copy(ones_v, acc.at[dst_v.at[jn]], ssems[b],
                                 add=True)
        return carry

    lax.fori_loop(0, NG, dgroup, 0)
    plsc.subcore_barrier()
    pltpu.sync_copy(acc.at[pl.ds(r0, RPT)], out_hbm.at[c, pl.ds(r0, RPT)])



def _tc_prologue(xp, W1big, dacc_p):
    def body(x_ref, w_ref, dacc_ref, dinv_ref, g_ref):
        deg = dacc_ref[0] + dacc_ref[1] + 1.0
        dinv = lax.rsqrt(deg)
        dinv_ref[...] = dinv
        h = jnp.dot(x_ref[...], w_ref[...], preferred_element_type=jnp.float32)
        g_ref[...] = dinv * h

    return pl.pallas_call(
        body,
        out_shape=(
            jax.ShapeDtypeStruct((NPK, 128), jnp.float32),
            jax.ShapeDtypeStruct((NPK, 128), jnp.float32),
        ),
    )(xp, W1big, dacc_p)


def _tc_mid(acc_p, g_p, btile, Wbig, dinv_p):
    def body(acc_ref, g_ref, b_ref, w_ref, dinv_ref, out_ref):
        dinv = dinv_ref[...]
        z = dinv * (acc_ref[0] + acc_ref[1] + g_ref[...]) + b_ref[...]
        h = jnp.where(z >= 0.0, z, 0.01 * z)
        out_ref[...] = dinv * jnp.dot(h, w_ref[...],
                                      preferred_element_type=jnp.float32)

    return pl.pallas_call(
        body,
        out_shape=jax.ShapeDtypeStruct((NPK, 128), jnp.float32),
    )(acc_p, g_p, btile, Wbig, dinv_p)


def _tc_final(acc_p, g_p, btile, dinv_p):
    def body(acc_ref, g_ref, b_ref, dinv_ref, out_ref):
        z = dinv_ref[...] * (acc_ref[0] + acc_ref[1] + g_ref[...]) + b_ref[...]
        z3 = z.reshape(NPK, 8, H)
        z3 = z3 - jnp.max(z3, axis=2, keepdims=True)
        e = jnp.exp(z3)
        out_ref[...] = e / jnp.sum(e, axis=2, keepdims=True)

    return pl.pallas_call(
        body,
        out_shape=jax.ShapeDtypeStruct((NPK, 8, H), jnp.float32),
    )(acc_p, g_p, btile, dinv_p)



def kernel(x, edge_index, W1, b1, W2, b2, W3, b3, W4, b4):
    f32 = jnp.float32
    xp = x.reshape(NPK, 8 * F_IN)

    eye8 = jnp.eye(8, dtype=f32)
    zeros = jnp.zeros((N, H), f32)
    ones_rows = jnp.ones((CW, H), f32)

    dacc = _sc_degree(edge_index, zeros, ones_rows)
    dinv_p, g_p = _tc_prologue(xp, jnp.kron(eye8, W1), dacc.reshape(NC, NPK, 128))

    for b, Wn in ((b1, W2), (b2, W3), (b3, W4)):
        acc = _sc_edge_aggregate(g_p.reshape(N, H), edge_index, zeros)
        g_p = _tc_mid(acc.reshape(NC, NPK, 128), g_p,
                      jnp.tile(b, 8).reshape(1, 128), jnp.kron(eye8, Wn), dinv_p)

    acc = _sc_edge_aggregate(g_p.reshape(N, H), edge_index, zeros)
    out = _tc_final(acc.reshape(NC, NPK, 128), g_p,
                    jnp.tile(b4, 8).reshape(1, 128), dinv_p)
    return out.reshape(N, H)

# --- scband reference (transcript-rebuilt; emitter-appended) ---
"""Pipeline reference for scband-gcn-31671088840777 (READ-ONLY COPY).

The authoritative reference and input builder live on the scoring server;
editing this copy changes nothing except your own understanding.
"""

import jax, jax.numpy as jnp
import numpy as np

N = 10000
E = 320000
F_IN = 128
H = 16
C = 16


def setup_inputs(seed: int = 0) -> dict:
    key = jax.random.key(seed)
    ks = jax.random.split(key, 8)
    x = jax.random.normal(ks[0], (N, F_IN), dtype=jnp.float32)
    edge_index = jax.random.randint(ks[1], (2, E), 0, N, dtype=jnp.int32)

    def winit(k, fan_in, fan_out):
        bound = float(np.sqrt(6.0 / (fan_in + fan_out)))
        return jax.random.uniform(k, (fan_in, fan_out), dtype=jnp.float32, minval=-bound, maxval=bound)

    W1 = winit(ks[2], F_IN, H)
    b1 = jnp.zeros((H,), jnp.float32)
    W2 = winit(ks[3], H, H)
    b2 = jnp.zeros((H,), jnp.float32)
    W3 = winit(ks[4], H, H)
    b3 = jnp.zeros((H,), jnp.float32)
    W4 = winit(ks[5], H, C)
    b4 = jnp.zeros((C,), jnp.float32)
    return {"x": x, "edge_index": edge_index, "W1": W1, "b1": b1, "W2": W2, "b2": b2, "W3": W3, "b3": b3, "W4": W4, "b4": b4}


def _gcn_conv(x, edge_index, W, b):
    # PyG GCNConv: linear transform, add self-loops, symmetric normalization, scatter-add aggregation, bias
    n = x.shape[0]
    loop = jnp.arange(n, dtype=edge_index.dtype)
    src = jnp.concatenate([edge_index[0], loop])
    dst = jnp.concatenate([edge_index[1], loop])
    h = x @ W
    deg = jnp.zeros((n,), h.dtype).at[dst].add(1.0)
    deg_inv_sqrt = jnp.where(deg > 0, jax.lax.rsqrt(jnp.maximum(deg, 1e-12)), 0.0)
    norm = deg_inv_sqrt[src] * deg_inv_sqrt[dst]
    msg = jnp.take(h, src, axis=0) * norm[:, None]
    out = jnp.zeros_like(h).at[dst].add(msg)
    return out + b


def reference(x, edge_index, W1, b1, W2, b2, W3, b3, W4, b4):
    h = jax.nn.leaky_relu(_gcn_conv(x, edge_index, W1, b1), 0.01)
    h = jax.nn.leaky_relu(_gcn_conv(h, edge_index, W2, b2), 0.01)
    h = jax.nn.leaky_relu(_gcn_conv(h, edge_index, W3, b3), 0.01)
    h = _gcn_conv(h, edge_index, W4, b4)
    return jax.nn.softmax(h, axis=1)

if __name__ == "__main__":
    import jax
    _d = setup_inputs()
    print(jax.jit(kernel)(*tuple(_d.values())))

</pallas_src>

<mosaic_0001>
#map = affine_map<(d0, d1) -> (0, 0)>
#map1 = affine_map<(d0, d1) -> (0, 0, 0)>
module attributes {stable_mosaic.version = 14 : i64} {
  func.func @_sc_edge_aggregate(%arg0: i32, %arg1: i32, %arg2: memref<10000x16xf32, #tpu.memory_space<hbm>>, %arg3: memref<2x320000xi32, #tpu.memory_space<hbm>>, %arg4: memref<10000x16xf32, #tpu.memory_space<hbm>>, %arg5: memref<2x10000x16xf32, #tpu.memory_space<hbm>>, %arg6: memref<10000xi32, #tpu.memory_space<vmem>>, %arg7: memref<10000xi32, #tpu.memory_space<vmem>>, %arg8: memref<125x80xi32, #tpu.memory_space<vmem>>, %arg9: memref<10000x16xf32, #tpu.memory_space<vmem_shared>>, %arg10: memref<10000x16xf32, #tpu.memory_space<vmem_shared>>, %arg11: memref<80x16xf32, #tpu.memory_space<vmem>>, %arg12: memref<80x16xf32, #tpu.memory_space<vmem>>, %arg13: memref<80x16xf32, #tpu.memory_space<vmem>>, %arg14: memref<80x16xf32, #tpu.memory_space<vmem>>, %arg15: memref<80x16xf32, #tpu.memory_space<vmem>>, %arg16: memref<!tpu.dma_semaphore, #tpu.memory_space<semaphore_mem>>, %arg17: memref<!tpu.dma_semaphore, #tpu.memory_space<semaphore_mem>>, %arg18: memref<!tpu.dma_semaphore, #tpu.memory_space<semaphore_mem>>, %arg19: memref<!tpu.dma_semaphore, #tpu.memory_space<semaphore_mem>>, %arg20: memref<!tpu.dma_semaphore, #tpu.memory_space<semaphore_mem>>, %arg21: memref<!tpu.dma_semaphore, #tpu.memory_space<semaphore_mem>>, %arg22: memref<!tpu.dma_semaphore, #tpu.memory_space<semaphore_mem>>, %arg23: memref<!tpu.dma_semaphore, #tpu.memory_space<semaphore_mem>>, %arg24: memref<!tpu.dma_semaphore, #tpu.memory_space<semaphore_mem>>, %arg25: memref<!tpu.dma_semaphore, #tpu.memory_space<semaphore_mem>>) attributes {dimension_semantics = [#tpu.dimension_semantics<core_parallel>, #tpu.dimension_semantics<subcore_parallel>], iteration_bounds = array<i64: 2, 16>, scalar_prefetch = 0 : i64, scratch_operands = 20 : i64, tpu.core_type = #tpu.core_type<sc_vector_subcore>, window_params = [{transform_indices = #map}, {transform_indices = #map}, {transform_indices = #map}, {transform_indices = #map1}]} {
    %mul3A = arith.constant 16 : i32
    %mul3A_0 = arith.muli %arg0, %mul3A : i32
    %add3A = arith.addi %mul3A_0, %arg1 : i32
    %mul3A_1 = arith.constant 625 : i32
    %mul3A_2 = arith.muli %arg1, %mul3A_1 : i32
    %mul3A_3 = arith.constant 10000 : i32
    %mul3A_4 = arith.muli %add3A, %mul3A_3 : i32
    %dma_start3A = arith.constant 1 : i32
    %dma_start3A_5 = tpu.memref_slice %arg3[%dma_start3A, %mul3A_4] : memref<2x320000xi32, #tpu.memory_space<hbm>> -> memref<1x10000xi32, #tpu.memory_space<hbm>>
    %dma_start3A_6 = tpu.memref_squeeze %dma_start3A_5 : memref<1x10000xi32, #tpu.memory_space<hbm>> -> memref<10000xi32, #tpu.memory_space<hbm>>
    %dma_start3A_7 = tpu.memref_slice %arg3[%dma_start3A, %mul3A_4] : memref<2x320000xi32, #tpu.memory_space<hbm>> -> memref<1x10000xi32, #tpu.memory_space<hbm>>
    %dma_start3A_8 = tpu.memref_squeeze %dma_start3A_7 : memref<1x10000xi32, #tpu.memory_space<hbm>> -> memref<10000xi32, #tpu.memory_space<hbm>>
    tpu.enqueue_dma source(%dma_start3A_8 : memref<10000xi32, #tpu.memory_space<hbm>>) target(%arg7 : memref<10000xi32, #tpu.memory_space<vmem>>) target_semaphore(%arg16 : memref<!tpu.dma_semaphore, #tpu.memory_space<semaphore_mem>>)
    %mul3A_9 = arith.constant 10000 : i32
    %mul3A_10 = arith.muli %add3A, %mul3A_9 : i32
    %dma_start3A_11 = arith.constant 0 : i32
    %dma_start3A_12 = tpu.memref_slice %arg3[%dma_start3A_11, %mul3A_10] : memref<2x320000xi32, #tpu.memory_space<hbm>> -> memref<1x10000xi32, #tpu.memory_space<hbm>>
    %dma_start3A_13 = tpu.memref_squeeze %dma_start3A_12 : memref<1x10000xi32, #tpu.memory_space<hbm>> -> memref<10000xi32, #tpu.memory_space<hbm>>
    %dma_start3A_14 = tpu.memref_slice %arg3[%dma_start3A_11, %mul3A_10] : memref<2x320000xi32, #tpu.memory_space<hbm>> -> memref<1x10000xi32, #tpu.memory_space<hbm>>
    %dma_start3A_15 = tpu.memref_squeeze %dma_start3A_14 : memref<1x10000xi32, #tpu.memory_space<hbm>> -> memref<10000xi32, #tpu.memory_space<hbm>>
    tpu.enqueue_dma source(%dma_start3A_15 : memref<10000xi32, #tpu.memory_space<hbm>>) target(%arg6 : memref<10000xi32, #tpu.memory_space<vmem>>) target_semaphore(%arg17 : memref<!tpu.dma_semaphore, #tpu.memory_space<semaphore_mem>>)
    %dma_start3A_16 = arith.constant 0 : i32
    %dma_start3A_17 = tpu.memref_slice %arg9[%mul3A_2, %dma_start3A_16] : memref<10000x16xf32, #tpu.memory_space<vmem_shared>> -> memref<625x16xf32, #tpu.memory_space<vmem_shared>>
    %dma_start3A_18 = arith.constant 0 : i32
    %dma_start3A_19 = tpu.memref_slice %arg4[%mul3A_2, %dma_start3A_18] : memref<10000x16xf32, #tpu.memory_space<hbm>> -> memref<625x16xf32, #tpu.memory_space<hbm>>
    tpu.enqueue_dma source(%dma_start3A_19 : memref<625x16xf32, #tpu.memory_space<hbm>>) target(%dma_start3A_17 : memref<625x16xf32, #tpu.memory_space<vmem_shared>>) target_semaphore(%arg18 : memref<!tpu.dma_semaphore, #tpu.memory_space<semaphore_mem>>)
    %dma_start3A_20 = arith.constant 0 : i32
    %dma_start3A_21 = tpu.memref_slice %arg10[%mul3A_2, %dma_start3A_20] : memref<10000x16xf32, #tpu.memory_space<vmem_shared>> -> memref<625x16xf32, #tpu.memory_space<vmem_shared>>
    %dma_start3A_22 = arith.constant 0 : i32
    %dma_start3A_23 = tpu.memref_slice %arg2[%mul3A_2, %dma_start3A_22] : memref<10000x16xf32, #tpu.memory_space<hbm>> -> memref<625x16xf32, #tpu.memory_space<hbm>>
    tpu.enqueue_dma source(%dma_start3A_23 : memref<625x16xf32, #tpu.memory_space<hbm>>) target(%dma_start3A_21 : memref<625x16xf32, #tpu.memory_space<vmem_shared>>) target_semaphore(%arg19 : memref<!tpu.dma_semaphore, #tpu.memory_space<semaphore_mem>>)
    %mul3A_24 = arith.constant 10000 : i32
    %mul3A_25 = arith.muli %add3A, %mul3A_24 : i32
    %dma_wait3A = arith.constant 1 : i32
    %dma_wait3A_26 = tpu.memref_slice %arg3[%dma_wait3A, %mul3A_25] : memref<2x320000xi32, #tpu.memory_space<hbm>> -> memref<1x10000xi32, #tpu.memory_space<hbm>>
    %dma_wait3A_27 = tpu.memref_squeeze %dma_wait3A_26 : memref<1x10000xi32, #tpu.memory_space<hbm>> -> memref<10000xi32, #tpu.memory_space<hbm>>
    %dma_wait3A_28 = tpu.memref_slice %arg3[%dma_wait3A, %mul3A_25] : memref<2x320000xi32, #tpu.memory_space<hbm>> -> memref<1x10000xi32, #tpu.memory_space<hbm>>
    %dma_wait3A_29 = tpu.memref_squeeze %dma_wait3A_28 : memref<1x10000xi32, #tpu.memory_space<hbm>> -> memref<10000xi32, #tpu.memory_space<hbm>>
    tpu.wait_dma2 semaphore(%arg16 : memref<!tpu.dma_semaphore, #tpu.memory_space<semaphore_mem>>) src(%dma_wait3A_29 : memref<10000xi32, #tpu.memory_space<hbm>>) dst(%arg7 : memref<10000xi32, #tpu.memory_space<vmem>>)
    %scan3A = arith.constant 0 : i32
    %scan3A_30 = arith.constant 0 : i32
    %scan3A_31 = arith.constant 125 : i32
    %scan3A_32 = arith.addi %scan3A_30, %scan3A_31 : i32
    %scan3A_33 = arith.constant 1 : i32
    scf.for %scan3A_82 = %scan3A_30 to %scan3A_32 step %scan3A_33  : i32 {
      %mul3A_83 = arith.constant 80 : i32
      %mul3A_84 = arith.muli %scan3A_82, %mul3A_83 : i32
      %multiple_of3A = tpu.assume_multiple %mul3A_84, 80 : i32
      %add3A_85 = arith.constant 0 : i32
      %add3A_86 = arith.addi %multiple_of3A, %add3A_85 : i32
      %get3A = arith.index_cast %add3A_86 : i32 to index
      %get3A_87 = tpu.vector_load %arg7[%get3A] {strides = array<i32>} : memref<10000xi32, #tpu.memory_space<vmem>>, vector<16xi32>,
      %get3A_88 = vector.shape_cast %get3A_87 : vector<16xi32> to vector<16xi32>
      %swap3A = arith.index_cast %scan3A_82 : i32 to index
      %swap3A_89 = arith.constant 0 : index
      %swap3A_90 = tpu.vector_load %arg8[%swap3A, %swap3A_89] {strides = array<i32>} : memref<125x80xi32, #tpu.memory_space<vmem>>, vector<1x16xi32>,
      %swap3A_91 = vector.shape_cast %swap3A_90 : vector<1x16xi32> to vector<16xi32>
      %swap3A_92 = vector.shape_cast %get3A_88 : vector<16xi32> to vector<1x16xi32>
      tpu.vector_store %arg8[%swap3A, %swap3A_89], %swap3A_92 {strides = array<i32>} : memref<125x80xi32, #tpu.memory_space<vmem>>, vector<1x16xi32>,
      %add3A_93 = arith.constant 16 : i32
      %add3A_94 = arith.addi %multiple_of3A, %add3A_93 : i32
      %get3A_95 = arith.index_cast %add3A_94 : i32 to index
      %get3A_96 = tpu.vector_load %arg7[%get3A_95] {strides = array<i32>} : memref<10000xi32, #tpu.memory_space<vmem>>, vector<16xi32>,
      %get3A_97 = vector.shape_cast %get3A_96 : vector<16xi32> to vector<16xi32>
      %swap3A_98 = arith.index_cast %scan3A_82 : i32 to index
      %swap3A_99 = arith.constant 16 : index
      %swap3A_100 = tpu.vector_load %arg8[%swap3A_98, %swap3A_99] {strides = array<i32>} : memref<125x80xi32, #tpu.memory_space<vmem>>, vector<1x16xi32>,
      %swap3A_101 = vector.shape_cast %swap3A_100 : vector<1x16xi32> to vector<16xi32>
      %swap3A_102 = vector.shape_cast %get3A_97 : vector<16xi32> to vector<1x16xi32>
      tpu.vector_store %arg8[%swap3A_98, %swap3A_99], %swap3A_102 {strides = array<i32>} : memref<125x80xi32, #tpu.memory_space<vmem>>, vector<1x16xi32>,
      %add3A_103 = arith.constant 32 : i32
      %add3A_104 = arith.addi %multiple_of3A, %add3A_103 : i32
      %get3A_105 = arith.index_cast %add3A_104 : i32 to index
      %get3A_106 = tpu.vector_load %arg7[%get3A_105] {strides = array<i32>} : memref<10000xi32, #tpu.memory_space<vmem>>, vector<16xi32>,
      %get3A_107 = vector.shape_cast %get3A_106 : vector<16xi32> to vector<16xi32>
      %swap3A_108 = arith.index_cast %scan3A_82 : i32 to index
      %swap3A_109 = arith.constant 32 : index
      %swap3A_110 = tpu.vector_load %arg8[%swap3A_108, %swap3A_109] {strides = array<i32>} : memref<125x80xi32, #tpu.memory_space<vmem>>, vector<1x16xi32>,
      %swap3A_111 = vector.shape_cast %swap3A_110 : vector<1x16xi32> to vector<16xi32>
      %swap3A_112 = vector.shape_cast %get3A_107 : vector<16xi32> to vector<1x16xi32>
      tpu.vector_store %arg8[%swap3A_108, %swap3A_109], %swap3A_112 {strides = array<i32>} : memref<125x80xi32, #tpu.memory_space<vmem>>, vector<1x16xi32>,
      %add3A_113 = arith.constant 48 : i32
      %add3A_114 = arith.addi %multiple_of3A, %add3A_113 : i32
      %get3A_115 = arith.index_cast %add3A_114 : i32 to index
      %get3A_116 = tpu.vector_load %arg7[%get3A_115] {strides = array<i32>} : memref<10000xi32, #tpu.memory_space<vmem>>, vector<16xi32>,
      %get3A_117 = vector.shape_cast %get3A_116 : vector<16xi32> to vector<16xi32>
      %swap3A_118 = arith.index_cast %scan3A_82 : i32 to index
      %swap3A_119 = arith.constant 48 : index
      %swap3A_120 = tpu.vector_load %arg8[%swap3A_118, %swap3A_119] {strides = array<i32>} : memref<125x80xi32, #tpu.memory_space<vmem>>, vector<1x16xi32>,
      %swap3A_121 = vector.shape_cast %swap3A_120 : vector<1x16xi32> to vector<16xi32>
      %swap3A_122 = vector.shape_cast %get3A_117 : vector<16xi32> to vector<1x16xi32>
      tpu.vector_store %arg8[%swap3A_118, %swap3A_119], %swap3A_122 {strides = array<i32>} : memref<125x80xi32, #tpu.memory_space<vmem>>, vector<1x16xi32>,
      %add3A_123 = arith.constant 64 : i32
      %add3A_124 = arith.addi %multiple_of3A, %add3A_123 : i32
      %get3A_125 = arith.index_cast %add3A_124 : i32 to index
      %get3A_126 = tpu.vector_load %arg7[%get3A_125] {strides = array<i32>} : memref<10000xi32, #tpu.memory_space<vmem>>, vector<16xi32>,
      %get3A_127 = vector.shape_cast %get3A_126 : vector<16xi32> to vector<16xi32>
      %swap3A_128 = arith.index_cast %scan3A_82 : i32 to index
      %swap3A_129 = arith.constant 64 : index
      %swap3A_130 = tpu.vector_load %arg8[%swap3A_128, %swap3A_129] {strides = array<i32>} : memref<125x80xi32, #tpu.memory_space<vmem>>, vector<1x16xi32>,
      %swap3A_131 = vector.shape_cast %swap3A_130 : vector<1x16xi32> to vector<16xi32>
      %swap3A_132 = vector.shape_cast %get3A_127 : vector<16xi32> to vector<1x16xi32>
      tpu.vector_store %arg8[%swap3A_128, %swap3A_129], %swap3A_132 {strides = array<i32>} : memref<125x80xi32, #tpu.memory_space<vmem>>, vector<1x16xi32>,
    }
    %scan3A_34 = arith.constant 125 : i32
    %mul3A_35 = arith.constant 10000 : i32
    %mul3A_36 = arith.muli %add3A, %mul3A_35 : i32
    %dma_wait3A_37 = arith.constant 0 : i32
    %dma_wait3A_38 = tpu.memref_slice %arg3[%dma_wait3A_37, %mul3A_36] : memref<2x320000xi32, #tpu.memory_space<hbm>> -> memref<1x10000xi32, #tpu.memory_space<hbm>>
    %dma_wait3A_39 = tpu.memref_squeeze %dma_wait3A_38 : memref<1x10000xi32, #tpu.memory_space<hbm>> -> memref<10000xi32, #tpu.memory_space<hbm>>
    %dma_wait3A_40 = tpu.memref_slice %arg3[%dma_wait3A_37, %mul3A_36] : memref<2x320000xi32, #tpu.memory_space<hbm>> -> memref<1x10000xi32, #tpu.memory_space<hbm>>
    %dma_wait3A_41 = tpu.memref_squeeze %dma_wait3A_40 : memref<1x10000xi32, #tpu.memory_space<hbm>> -> memref<10000xi32, #tpu.memory_space<hbm>>
    tpu.wait_dma2 semaphore(%arg17 : memref<!tpu.dma_semaphore, #tpu.memory_space<semaphore_mem>>) src(%dma_wait3A_41 : memref<10000xi32, #tpu.memory_space<hbm>>) dst(%arg6 : memref<10000xi32, #tpu.memory_space<vmem>>)
    %dma_wait3A_42 = arith.constant 0 : i32
    %dma_wait3A_43 = tpu.memref_slice %arg9[%mul3A_2, %dma_wait3A_42] : memref<10000x16xf32, #tpu.memory_space<vmem_shared>> -> memref<625x16xf32, #tpu.memory_space<vmem_shared>>
    %dma_wait3A_44 = arith.constant 0 : i32
    %dma_wait3A_45 = tpu.memref_slice %arg4[%mul3A_2, %dma_wait3A_44] : memref<10000x16xf32, #tpu.memory_space<hbm>> -> memref<625x16xf32, #tpu.memory_space<hbm>>
    tpu.wait_dma2 semaphore(%arg18 : memref<!tpu.dma_semaphore, #tpu.memory_space<semaphore_mem>>) src(%dma_wait3A_45 : memref<625x16xf32, #tpu.memory_space<hbm>>) dst(%dma_wait3A_43 : memref<625x16xf32, #tpu.memory_space<vmem_shared>>)
    %dma_wait3A_46 = arith.constant 0 : i32
    %dma_wait3A_47 = tpu.memref_slice %arg10[%mul3A_2, %dma_wait3A_46] : memref<10000x16xf32, #tpu.memory_space<vmem_shared>> -> memref<625x16xf32, #tpu.memory_space<vmem_shared>>
    %dma_wait3A_48 = arith.constant 0 : i32
    %dma_wait3A_49 = tpu.memref_slice %arg2[%mul3A_2, %dma_wait3A_48] : memref<10000x16xf32, #tpu.memory_space<hbm>> -> memref<625x16xf32, #tpu.memory_space<hbm>>
    tpu.wait_dma2 semaphore(%arg19 : memref<!tpu.dma_semaphore, #tpu.memory_space<semaphore_mem>>) src(%dma_wait3A_49 : memref<625x16xf32, #tpu.memory_space<hbm>>) dst(%dma_wait3A_47 : memref<625x16xf32, #tpu.memory_space<vmem_shared>>)
    %barrier3A = arith.constant 0 : index
    tpu.barrier barrier_id(%barrier3A)
    %dma_start3A_50 = arith.constant 0 : i32
    %dma_start3A_51 = tpu.memref_slice %arg6[%dma_start3A_50] : memref<10000xi32, #tpu.memory_space<vmem>> -> memref<80xi32, #tpu.memory_space<vmem>>
    %dma_start3A_52 = arith.constant 0 : i32
    %dma_start3A_53 = arith.constant 0 : i32
    %dma_start3A_54 = tpu.memref_slice %arg10[%dma_start3A_52, %dma_start3A_53] : memref<10000x16xf32, #tpu.memory_space<vmem_shared>> -> memref<10000x16xf32, #tpu.memory_space<vmem_shared>>
    tpu.enqueue_indirect_dma source(%dma_start3A_54 : memref<10000x16xf32, #tpu.memory_space<vmem_shared>>) target(%arg11 : memref<80x16xf32, #tpu.memory_space<vmem>>) offsets(%dma_start3A_51 : memref<80xi32, #tpu.memory_space<vmem>>) semaphore(%arg16 : memref<!tpu.dma_semaphore, #tpu.memory_space<semaphore_mem>>)
    %dma_start3A_55 = arith.constant 80 : i32
    %dma_start3A_56 = tpu.memref_slice %arg6[%dma_start3A_55] : memref<10000xi32, #tpu.memory_space<vmem>> -> memref<80xi32, #tpu.memory_space<vmem>>
    %dma_start3A_57 = arith.constant 0 : i32
    %dma_start3A_58 = arith.constant 0 : i32
    %dma_start3A_59 = tpu.memref_slice %arg10[%dma_start3A_57, %dma_start3A_58] : memref<10000x16xf32, #tpu.memory_space<vmem_shared>> -> memref<10000x16xf32, #tpu.memory_space<vmem_shared>>
    tpu.enqueue_indirect_dma source(%dma_start3A_59 : memref<10000x16xf32, #tpu.memory_space<vmem_shared>>) target(%arg12 : memref<80x16xf32, #tpu.memory_space<vmem>>) offsets(%dma_start3A_56 : memref<80xi32, #tpu.memory_space<vmem>>) semaphore(%arg17 : memref<!tpu.dma_semaphore, #tpu.memory_space<semaphore_mem>>)
    %dma_start3A_60 = arith.constant 160 : i32
    %dma_start3A_61 = tpu.memref_slice %arg6[%dma_start3A_60] : memref<10000xi32, #tpu.memory_space<vmem>> -> memref<80xi32, #tpu.memory_space<vmem>>
    %dma_start3A_62 = arith.constant 0 : i32
    %dma_start3A_63 = arith.constant 0 : i32
    %dma_start3A_64 = tpu.memref_slice %arg10[%dma_start3A_62, %dma_start3A_63] : memref<10000x16xf32, #tpu.memory_space<vmem_shared>> -> memref<10000x16xf32, #tpu.memory_space<vmem_shared>>
    tpu.enqueue_indirect_dma source(%dma_start3A_64 : memref<10000x16xf32, #tpu.memory_space<vmem_shared>>) target(%arg13 : memref<80x16xf32, #tpu.memory_space<vmem>>) offsets(%dma_start3A_61 : memref<80xi32, #tpu.memory_space<vmem>>) semaphore(%arg18 : memref<!tpu.dma_semaphore, #tpu.memory_space<semaphore_mem>>)
    %dma_start3A_65 = arith.constant 240 : i32
    %dma_start3A_66 = tpu.memref_slice %arg6[%dma_start3A_65] : memref<10000xi32, #tpu.memory_space<vmem>> -> memref<80xi32, #tpu.memory_space<vmem>>
    %dma_start3A_67 = arith.constant 0 : i32
    %dma_start3A_68 = arith.constant 0 : i32
    %dma_start3A_69 = tpu.memref_slice %arg10[%dma_start3A_67, %dma_start3A_68] : memref<10000x16xf32, #tpu.memory_space<vmem_shared>> -> memref<10000x16xf32, #tpu.memory_space<vmem_shared>>
    tpu.enqueue_indirect_dma source(%dma_start3A_69 : memref<10000x16xf32, #tpu.memory_space<vmem_shared>>) target(%arg14 : memref<80x16xf32, #tpu.memory_space<vmem>>) offsets(%dma_start3A_66 : memref<80xi32, #tpu.memory_space<vmem>>) semaphore(%arg19 : memref<!tpu.dma_semaphore, #tpu.memory_space<semaphore_mem>>)
    %dma_start3A_70 = arith.constant 320 : i32
    %dma_start3A_71 = tpu.memref_slice %arg6[%dma_start3A_70] : memref<10000xi32, #tpu.memory_space<vmem>> -> memref<80xi32, #tpu.memory_space<vmem>>
    %dma_start3A_72 = arith.constant 0 : i32
    %dma_start3A_73 = arith.constant 0 : i32
    %dma_start3A_74 = tpu.memref_slice %arg10[%dma_start3A_72, %dma_start3A_73] : memref<10000x16xf32, #tpu.memory_space<vmem_shared>> -> memref<10000x16xf32, #tpu.memory_space<vmem_shared>>
    tpu.enqueue_indirect_dma source(%dma_start3A_74 : memref<10000x16xf32, #tpu.memory_space<vmem_shared>>) target(%arg15 : memref<80x16xf32, #tpu.memory_space<vmem>>) offsets(%dma_start3A_71 : memref<80xi32, #tpu.memory_space<vmem>>) semaphore(%arg20 : memref<!tpu.dma_semaphore, #tpu.memory_space<semaphore_mem>>)
    %scan3A_75 = arith.constant 0 : i32
    %scan3A_76 = arith.constant 0 : i32
    %scan3A_77 = arith.constant 25 : i32
    %scan3A_78 = arith.addi %scan3A_76, %scan3A_77 : i32
    %scan3A_79 = arith.constant 1 : i32
    scf.for %scan3A_82 = %scan3A_76 to %scan3A_78 step %scan3A_79  : i32 {
      %mul3A_83 = arith.constant 5 : i32
      %mul3A_84 = arith.muli %scan3A_82, %mul3A_83 : i32
      %add3A_85 = arith.constant 0 : i32
      %add3A_86 = arith.addi %mul3A_84, %add3A_85 : i32
      %mul3A_87 = arith.constant 80 : i32
      %mul3A_88 = arith.muli %add3A_86, %mul3A_87 : i32
      %multiple_of3A = tpu.assume_multiple %mul3A_88, 80 : i32
      %dma_wait3A_89 = tpu.memref_slice %arg6[%multiple_of3A] : memref<10000xi32, #tpu.memory_space<vmem>> -> memref<80xi32, #tpu.memory_space<vmem>>
      %dma_wait3A_90 = arith.constant 0 : i32
      %dma_wait3A_91 = arith.constant 0 : i32
      %dma_wait3A_92 = tpu.memref_slice %arg10[%dma_wait3A_90, %dma_wait3A_91] : memref<10000x16xf32, #tpu.memory_space<vmem_shared>> -> memref<10000x16xf32, #tpu.memory_space<vmem_shared>>
      tpu.wait_indirect_dma semaphore(%arg16 : memref<!tpu.dma_semaphore, #tpu.memory_space<semaphore_mem>>) src(%dma_wait3A_92 : memref<10000x16xf32, #tpu.memory_space<vmem_shared>>) dst(%arg11 : memref<80x16xf32, #tpu.memory_space<vmem>>)
      %dma_start3A_93 = arith.constant 0 : i32
      %dma_start3A_94 = tpu.memref_slice %arg8[%add3A_86, %dma_start3A_93] : memref<125x80xi32, #tpu.memory_space<vmem>> -> memref<1x80xi32, #tpu.memory_space<vmem>>
      %dma_start3A_95 = tpu.memref_squeeze %dma_start3A_94 : memref<1x80xi32, #tpu.memory_space<vmem>> -> memref<80xi32, #tpu.memory_space<vmem>>
      %dma_start3A_96 = arith.constant 0 : i32
      %dma_start3A_97 = arith.constant 0 : i32
      %dma_start3A_98 = tpu.memref_slice %arg9[%dma_start3A_96, %dma_start3A_97] : memref<10000x16xf32, #tpu.memory_space<vmem_shared>> -> memref<10000x16xf32, #tpu.memory_space<vmem_shared>>
      tpu.enqueue_indirect_dma source(%arg11 : memref<80x16xf32, #tpu.memory_space<vmem>>) target(%dma_start3A_98 : memref<10000x16xf32, #tpu.memory_space<vmem_shared>>) offsets(%dma_start3A_95 : memref<80xi32, #tpu.memory_space<vmem>>) semaphore(%arg21 : memref<!tpu.dma_semaphore, #tpu.memory_space<semaphore_mem>>) {add = true}
      %mul3A_99 = arith.constant 5 : i32
      %mul3A_100 = arith.muli %scan3A_82, %mul3A_99 : i32
      %add3A_101 = arith.constant 1 : i32
      %add3A_102 = arith.addi %mul3A_100, %add3A_101 : i32
      %mul3A_103 = arith.constant 80 : i32
      %mul3A_104 = arith.muli %add3A_102, %mul3A_103 : i32
      %multiple_of3A_105 = tpu.assume_multiple %mul3A_104, 80 : i32
      %dma_wait3A_106 = tpu.memref_slice %arg6[%multiple_of3A_105] : memref<10000xi32, #tpu.memory_space<vmem>> -> memref<80xi32, #tpu.memory_space<vmem>>
      %dma_wait3A_107 = arith.constant 0 : i32
      %dma_wait3A_108 = arith.constant 0 : i32
      %dma_wait3A_109 = tpu.memref_slice %arg10[%dma_wait3A_107, %dma_wait3A_108] : memref<10000x16xf32, #tpu.memory_space<vmem_shared>> -> memref<10000x16xf32, #tpu.memory_space<vmem_shared>>
      tpu.wait_indirect_dma semaphore(%arg17 : memref<!tpu.dma_semaphore, #tpu.memory_space<semaphore_mem>>) src(%dma_wait3A_109 : memref<10000x16xf32, #tpu.memory_space<vmem_shared>>) dst(%arg12 : memref<80x16xf32, #tpu.memory_space<vmem>>)
      %dma_start3A_110 = arith.constant 0 : i32
      %dma_start3A_111 = tpu.memref_slice %arg8[%add3A_102, %dma_start3A_110] : memref<125x80xi32, #tpu.memory_space<vmem>> -> memref<1x80xi32, #tpu.memory_space<vmem>>
      %dma_start3A_112 = tpu.memref_squeeze %dma_start3A_111 : memref<1x80xi32, #tpu.memory_space<vmem>> -> memref<80xi32, #tpu.memory_space<vmem>>
      %dma_start3A_113 = arith.constant 0 : i32
      %dma_start3A_114 = arith.constant 0 : i32
      %dma_start3A_115 = tpu.memref_slice %arg9[%dma_start3A_113, %dma_start3A_114] : memref<10000x16xf32, #tpu.memory_space<vmem_shared>> -> memref<10000x16xf32, #tpu.memory_space<vmem_shared>>
      tpu.enqueue_indirect_dma source(%arg12 : memref<80x16xf32, #tpu.memory_space<vmem>>) target(%dma_start3A_115 : memref<10000x16xf32, #tpu.memory_space<vmem_shared>>) offsets(%dma_start3A_112 : memref<80xi32, #tpu.memory_space<vmem>>) semaphore(%arg22 : memref<!tpu.dma_semaphore, #tpu.memory_space<semaphore_mem>>) {add = true}
      %mul3A_116 = arith.constant 5 : i32
      %mul3A_117 = arith.muli %scan3A_82, %mul3A_116 : i32
      %add3A_118 = arith.constant 2 : i32
      %add3A_119 = arith.addi %mul3A_117, %add3A_118 : i32
      %mul3A_120 = arith.constant 80 : i32
      %mul3A_121 = arith.muli %add3A_119, %mul3A_120 : i32
      %multiple_of3A_122 = tpu.assume_multiple %mul3A_121, 80 : i32
      %dma_wait3A_123 = tpu.memref_slice %arg6[%multiple_of3A_122] : memref<10000xi32, #tpu.memory_space<vmem>> -> memref<80xi32, #tpu.memory_space<vmem>>
      %dma_wait3A_124 = arith.constant 0 : i32
      %dma_wait3A_125 = arith.constant 0 : i32
      %dma_wait3A_126 = tpu.memref_slice %arg10[%dma_wait3A_124, %dma_wait3A_125] : memref<10000x16xf32, #tpu.memory_space<vmem_shared>> -> memref<10000x16xf32, #tpu.memory_space<vmem_shared>>
      tpu.wait_indirect_dma semaphore(%arg18 : memref<!tpu.dma_semaphore, #tpu.memory_space<semaphore_mem>>) src(%dma_wait3A_126 : memref<10000x16xf32, #tpu.memory_space<vmem_shared>>) dst(%arg13 : memref<80x16xf32, #tpu.memory_space<vmem>>)
      %dma_start3A_127 = arith.constant 0 : i32
      %dma_start3A_128 = tpu.memref_slice %arg8[%add3A_119, %dma_start3A_127] : memref<125x80xi32, #tpu.memory_space<vmem>> -> memref<1x80xi32, #tpu.memory_space<vmem>>
      %dma_start3A_129 = tpu.memref_squeeze %dma_start3A_128 : memref<1x80xi32, #tpu.memory_space<vmem>> -> memref<80xi32, #tpu.memory_space<vmem>>
      %dma_start3A_130 = arith.constant 0 : i32
      %dma_start3A_131 = arith.constant 0 : i32
      %dma_start3A_132 = tpu.memref_slice %arg9[%dma_start3A_130, %dma_start3A_131] : memref<10000x16xf32, #tpu.memory_space<vmem_shared>> -> memref<10000x16xf32, #tpu.memory_space<vmem_shared>>
      tpu.enqueue_indirect_dma source(%arg13 : memref<80x16xf32, #tpu.memory_space<vmem>>) target(%dma_start3A_132 : memref<10000x16xf32, #tpu.memory_space<vmem_shared>>) offsets(%dma_start3A_129 : memref<80xi32, #tpu.memory_space<vmem>>) semaphore(%arg23 : memref<!tpu.dma_semaphore, #tpu.memory_space<semaphore_mem>>) {add = true}
      %mul3A_133 = arith.constant 5 : i32
      %mul3A_134 = arith.muli %scan3A_82, %mul3A_133 : i32
      %add3A_135 = arith.constant 3 : i32
      %add3A_136 = arith.addi %mul3A_134, %add3A_135 : i32
      %mul3A_137 = arith.constant 80 : i32
      %mul3A_138 = arith.muli %add3A_136, %mul3A_137 : i32
      %multiple_of3A_139 = tpu.assume_multiple %mul3A_138, 80 : i32
      %dma_wait3A_140 = tpu.memref_slice %arg6[%multiple_of3A_139] : memref<10000xi32, #tpu.memory_space<vmem>> -> memref<80xi32, #tpu.memory_space<vmem>>
      %dma_wait3A_141 = arith.constant 0 : i32
      %dma_wait3A_142 = arith.constant 0 : i32
      %dma_wait3A_143 = tpu.memref_slice %arg10[%dma_wait3A_141, %dma_wait3A_142] : memref<10000x16xf32, #tpu.memory_space<vmem_shared>> -> memref<10000x16xf32, #tpu.memory_space<vmem_shared>>
      tpu.wait_indirect_dma semaphore(%arg19 : memref<!tpu.dma_semaphore, #tpu.memory_space<semaphore_mem>>) src(%dma_wait3A_143 : memref<10000x16xf32, #tpu.memory_space<vmem_shared>>) dst(%arg14 : memref<80x16xf32, #tpu.memory_space<vmem>>)
      %dma_start3A_144 = arith.constant 0 : i32
      %dma_start3A_145 = tpu.memref_slice %arg8[%add3A_136, %dma_start3A_144] : memref<125x80xi32, #tpu.memory_space<vmem>> -> memref<1x80xi32, #tpu.memory_space<vmem>>
      %dma_start3A_146 = tpu.memref_squeeze %dma_start3A_145 : memref<1x80xi32, #tpu.memory_space<vmem>> -> memref<80xi32, #tpu.memory_space<vmem>>
      %dma_start3A_147 = arith.constant 0 : i32
      %dma_start3A_148 = arith.constant 0 : i32
      %dma_start3A_149 = tpu.memref_slice %arg9[%dma_start3A_147, %dma_start3A_148] : memref<10000x16xf32, #tpu.memory_space<vmem_shared>> -> memref<10000x16xf32, #tpu.memory_space<vmem_shared>>
      tpu.enqueue_indirect_dma source(%arg14 : memref<80x16xf32, #tpu.memory_space<vmem>>) target(%dma_start3A_149 : memref<10000x16xf32, #tpu.memory_space<vmem_shared>>) offsets(%dma_start3A_146 : memref<80xi32, #tpu.memory_space<vmem>>) semaphore(%arg24 : memref<!tpu.dma_semaphore, #tpu.memory_space<semaphore_mem>>) {add = true}
      %mul3A_150 = arith.constant 5 : i32
      %mul3A_151 = arith.muli %scan3A_82, %mul3A_150 : i32
      %add3A_152 = arith.constant 4 : i32
      %add3A_153 = arith.addi %mul3A_151, %add3A_152 : i32
      %mul3A_154 = arith.constant 80 : i32
      %mul3A_155 = arith.muli %add3A_153, %mul3A_154 : i32
      %multiple_of3A_156 = tpu.assume_multiple %mul3A_155, 80 : i32
      %dma_wait3A_157 = tpu.memref_slice %arg6[%multiple_of3A_156] : memref<10000xi32, #tpu.memory_space<vmem>> -> memref<80xi32, #tpu.memory_space<vmem>>
      %dma_wait3A_158 = arith.constant 0 : i32
      %dma_wait3A_159 = arith.constant 0 : i32
      %dma_wait3A_160 = tpu.memref_slice %arg10[%dma_wait3A_158, %dma_wait3A_159] : memref<10000x16xf32, #tpu.memory_space<vmem_shared>> -> memref<10000x16xf32, #tpu.memory_space<vmem_shared>>
      tpu.wait_indirect_dma semaphore(%arg20 : memref<!tpu.dma_semaphore, #tpu.memory_space<semaphore_mem>>) src(%dma_wait3A_160 : memref<10000x16xf32, #tpu.memory_space<vmem_shared>>) dst(%arg15 : memref<80x16xf32, #tpu.memory_space<vmem>>)
      %dma_start3A_161 = arith.constant 0 : i32
      %dma_start3A_162 = tpu.memref_slice %arg8[%add3A_153, %dma_start3A_161] : memref<125x80xi32, #tpu.memory_space<vmem>> -> memref<1x80xi32, #tpu.memory_space<vmem>>
      %dma_start3A_163 = tpu.memref_squeeze %dma_start3A_162 : memref<1x80xi32, #tpu.memory_space<vmem>> -> memref<80xi32, #tpu.memory_space<vmem>>
      %dma_start3A_164 = arith.constant 0 : i32
      %dma_start3A_165 = arith.constant 0 : i32
      %dma_start3A_166 = tpu.memref_slice %arg9[%dma_start3A_164, %dma_start3A_165] : memref<10000x16xf32, #tpu.memory_space<vmem_shared>> -> memref<10000x16xf32, #tpu.memory_space<vmem_shared>>
      tpu.enqueue_indirect_dma source(%arg15 : memref<80x16xf32, #tpu.memory_space<vmem>>) target(%dma_start3A_166 : memref<10000x16xf32, #tpu.memory_space<vmem_shared>>) offsets(%dma_start3A_163 : memref<80xi32, #tpu.memory_space<vmem>>) semaphore(%arg25 : memref<!tpu.dma_semaphore, #tpu.memory_space<semaphore_mem>>) {add = true}
      %mul3A_167 = arith.constant 5 : i32
      %mul3A_168 = arith.muli %scan3A_82, %mul3A_167 : i32
      %add3A_169 = arith.constant 0 : i32
      %add3A_170 = arith.addi %mul3A_168, %add3A_169 : i32
      %dma_wait3A_171 = arith.constant 0 : i32
      %dma_wait3A_172 = tpu.memref_slice %arg8[%add3A_170, %dma_wait3A_171] : memref<125x80xi32, #tpu.memory_space<vmem>> -> memref<1x80xi32, #tpu.memory_space<vmem>>
      %dma_wait3A_173 = tpu.memref_squeeze %dma_wait3A_172 : memref<1x80xi32, #tpu.memory_space<vmem>> -> memref<80xi32, #tpu.memory_space<vmem>>
      %dma_wait3A_174 = arith.constant 0 : i32
      %dma_wait3A_175 = arith.constant 0 : i32
      %dma_wait3A_176 = tpu.memref_slice %arg9[%dma_wait3A_174, %dma_wait3A_175] : memref<10000x16xf32, #tpu.memory_space<vmem_shared>> -> memref<10000x16xf32, #tpu.memory_space<vmem_shared>>
      tpu.wait_indirect_dma semaphore(%arg21 : memref<!tpu.dma_semaphore, #tpu.memory_space<semaphore_mem>>) src(%arg11 : memref<80x16xf32, #tpu.memory_space<vmem>>) dst(%dma_wait3A_176 : memref<10000x16xf32, #tpu.memory_space<vmem_shared>>)
      %add3A_177 = arith.constant 5 : i32
      %add3A_178 = arith.addi %add3A_170, %add3A_177 : i32
      %lt3A = arith.constant 125 : i32
      %lt3A_179 = arith.cmpi slt, %add3A_178, %lt3A : i32
      %convert_element_type3A = arith.extui %lt3A_179 : i1 to i32
      %cond3A = arith.constant 0 : i32
      %cond3A_180 = arith.cmpi ne, %convert_element_type3A, %cond3A : i32
      scf.if %cond3A_180 {
        %mul3A_249 = arith.constant 80 : i32
        %mul3A_250 = arith.muli %add3A_178, %mul3A_249 : i32
        %multiple_of3A_251 = tpu.assume_multiple %mul3A_250, 80 : i32
        %dma_start3A_252 = tpu.memref_slice %arg6[%multiple_of3A_251] : memref<10000xi32, #tpu.memory_space<vmem>> -> memref<80xi32, #tpu.memory_space<vmem>>
        %dma_start3A_253 = arith.constant 0 : i32
        %dma_start3A_254 = arith.constant 0 : i32
        %dma_start3A_255 = tpu.memref_slice %arg10[%dma_start3A_253, %dma_start3A_254] : memref<10000x16xf32, #tpu.memory_space<vmem_shared>> -> memref<10000x16xf32, #tpu.memory_space<vmem_shared>>
        tpu.enqueue_indirect_dma source(%dma_start3A_255 : memref<10000x16xf32, #tpu.memory_space<vmem_shared>>) target(%arg11 : memref<80x16xf32, #tpu.memory_space<vmem>>) offsets(%dma_start3A_252 : memref<80xi32, #tpu.memory_space<vmem>>) semaphore(%arg16 : memref<!tpu.dma_semaphore, #tpu.memory_space<semaphore_mem>>)
      } else {
      }
      %mul3A_181 = arith.constant 5 : i32
      %mul3A_182 = arith.muli %scan3A_82, %mul3A_181 : i32
      %add3A_183 = arith.constant 1 : i32
      %add3A_184 = arith.addi %mul3A_182, %add3A_183 : i32
      %dma_wait3A_185 = arith.constant 0 : i32
      %dma_wait3A_186 = tpu.memref_slice %arg8[%add3A_184, %dma_wait3A_185] : memref<125x80xi32, #tpu.memory_space<vmem>> -> memref<1x80xi32, #tpu.memory_space<vmem>>
      %dma_wait3A_187 = tpu.memref_squeeze %dma_wait3A_186 : memref<1x80xi32, #tpu.memory_space<vmem>> -> memref<80xi32, #tpu.memory_space<vmem>>
      %dma_wait3A_188 = arith.constant 0 : i32
      %dma_wait3A_189 = arith.constant 0 : i32
      %dma_wait3A_190 = tpu.memref_slice %arg9[%dma_wait3A_188, %dma_wait3A_189] : memref<10000x16xf32, #tpu.memory_space<vmem_shared>> -> memref<10000x16xf32, #tpu.memory_space<vmem_shared>>
      tpu.wait_indirect_dma semaphore(%arg22 : memref<!tpu.dma_semaphore, #tpu.memory_space<semaphore_mem>>) src(%arg12 : memref<80x16xf32, #tpu.memory_space<vmem>>) dst(%dma_wait3A_190 : memref<10000x16xf32, #tpu.memory_space<vmem_shared>>)
      %add3A_191 = arith.constant 5 : i32
      %add3A_192 = arith.addi %add3A_184, %add3A_191 : i32
      %lt3A_193 = arith.constant 125 : i32
      %lt3A_194 = arith.cmpi slt, %add3A_192, %lt3A_193 : i32
      %convert_element_type3A_195 = arith.extui %lt3A_194 : i1 to i32
      %cond3A_196 = arith.constant 0 : i32
      %cond3A_197 = arith.cmpi ne, %convert_element_type3A_195, %cond3A_196 : i32
      scf.if %cond3A_197 {
        %mul3A_249 = arith.constant 80 : i32
        %mul3A_250 = arith.muli %add3A_192, %mul3A_249 : i32
        %multiple_of3A_251 = tpu.assume_multiple %mul3A_250, 80 : i32
        %dma_start3A_252 = tpu.memref_slice %arg6[%multiple_of3A_251] : memref<10000xi32, #tpu.memory_space<vmem>> -> memref<80xi32, #tpu.memory_space<vmem>>
        %dma_start3A_253 = arith.constant 0 : i32
        %dma_start3A_254 = arith.constant 0 : i32
        %dma_start3A_255 = tpu.memref_slice %arg10[%dma_start3A_253, %dma_start3A_254] : memref<10000x16xf32, #tpu.memory_space<vmem_shared>> -> memref<10000x16xf32, #tpu.memory_space<vmem_shared>>
        tpu.enqueue_indirect_dma source(%dma_start3A_255 : memref<10000x16xf32, #tpu.memory_space<vmem_shared>>) target(%arg12 : memref<80x16xf32, #tpu.memory_space<vmem>>) offsets(%dma_start3A_252 : memref<80xi32, #tpu.memory_space<vmem>>) semaphore(%arg17 : memref<!tpu.dma_semaphore, #tpu.memory_space<semaphore_mem>>)
      } else {
      }
      %mul3A_198 = arith.constant 5 : i32
      %mul3A_199 = arith.muli %scan3A_82, %mul3A_198 : i32
      %add3A_200 = arith.constant 2 : i32
      %add3A_201 = arith.addi %mul3A_199, %add3A_200 : i32
      %dma_wait3A_202 = arith.constant 0 : i32
      %dma_wait3A_203 = tpu.memref_slice %arg8[%add3A_201, %dma_wait3A_202] : memref<125x80xi32, #tpu.memory_space<vmem>> -> memref<1x80xi32, #tpu.memory_space<vmem>>
      %dma_wait3A_204 = tpu.memref_squeeze %dma_wait3A_203 : memref<1x80xi32, #tpu.memory_space<vmem>> -> memref<80xi32, #tpu.memory_space<vmem>>
      %dma_wait3A_205 = arith.constant 0 : i32
      %dma_wait3A_206 = arith.constant 0 : i32
      %dma_wait3A_207 = tpu.memref_slice %arg9[%dma_wait3A_205, %dma_wait3A_206] : memref<10000x16xf32, #tpu.memory_space<vmem_shared>> -> memref<10000x16xf32, #tpu.memory_space<vmem_shared>>
      tpu.wait_indirect_dma semaphore(%arg23 : memref<!tpu.dma_semaphore, #tpu.memory_space<semaphore_mem>>) src(%arg13 : memref<80x16xf32, #tpu.memory_space<vmem>>) dst(%dma_wait3A_207 : memref<10000x16xf32, #tpu.memory_space<vmem_shared>>)
      %add3A_208 = arith.constant 5 : i32
      %add3A_209 = arith.addi %add3A_201, %add3A_208 : i32
      %lt3A_210 = arith.constant 125 : i32
      %lt3A_211 = arith.cmpi slt, %add3A_209, %lt3A_210 : i32
      %convert_element_type3A_212 = arith.extui %lt3A_211 : i1 to i32
      %cond3A_213 = arith.constant 0 : i32
      %cond3A_214 = arith.cmpi ne, %convert_element_type3A_212, %cond3A_213 : i32
      scf.if %cond3A_214 {
        %mul3A_249 = arith.constant 80 : i32
        %mul3A_250 = arith.muli %add3A_209, %mul3A_249 : i32
        %multiple_of3A_251 = tpu.assume_multiple %mul3A_250, 80 : i32
        %dma_start3A_252 = tpu.memref_slice %arg6[%multiple_of3A_251] : memref<10000xi32, #tpu.memory_space<vmem>> -> memref<80xi32, #tpu.memory_space<vmem>>
        %dma_start3A_253 = arith.constant 0 : i32
        %dma_start3A_254 = arith.constant 0 : i32
        %dma_start3A_255 = tpu.memref_slice %arg10[%dma_start3A_253, %dma_start3A_254] : memref<10000x16xf32, #tpu.memory_space<vmem_shared>> -> memref<10000x16xf32, #tpu.memory_space<vmem_shared>>
        tpu.enqueue_indirect_dma source(%dma_start3A_255 : memref<10000x16xf32, #tpu.memory_space<vmem_shared>>) target(%arg13 : memref<80x16xf32, #tpu.memory_space<vmem>>) offsets(%dma_start3A_252 : memref<80xi32, #tpu.memory_space<vmem>>) semaphore(%arg18 : memref<!tpu.dma_semaphore, #tpu.memory_space<semaphore_mem>>)
      } else {
      }
      %mul3A_215 = arith.constant 5 : i32
      %mul3A_216 = arith.muli %scan3A_82, %mul3A_215 : i32
      %add3A_217 = arith.constant 3 : i32
      %add3A_218 = arith.addi %mul3A_216, %add3A_217 : i32
      %dma_wait3A_219 = arith.constant 0 : i32
      %dma_wait3A_220 = tpu.memref_slice %arg8[%add3A_218, %dma_wait3A_219] : memref<125x80xi32, #tpu.memory_space<vmem>> -> memref<1x80xi32, #tpu.memory_space<vmem>>
      %dma_wait3A_221 = tpu.memref_squeeze %dma_wait3A_220 : memref<1x80xi32, #tpu.memory_space<vmem>> -> memref<80xi32, #tpu.memory_space<vmem>>
      %dma_wait3A_222 = arith.constant 0 : i32
      %dma_wait3A_223 = arith.constant 0 : i32
      %dma_wait3A_224 = tpu.memref_slice %arg9[%dma_wait3A_222, %dma_wait3A_223] : memref<10000x16xf32, #tpu.memory_space<vmem_shared>> -> memref<10000x16xf32, #tpu.memory_space<vmem_shared>>
      tpu.wait_indirect_dma semaphore(%arg24 : memref<!tpu.dma_semaphore, #tpu.memory_space<semaphore_mem>>) src(%arg14 : memref<80x16xf32, #tpu.memory_space<vmem>>) dst(%dma_wait3A_224 : memref<10000x16xf32, #tpu.memory_space<vmem_shared>>)
      %add3A_225 = arith.constant 5 : i32
      %add3A_226 = arith.addi %add3A_218, %add3A_225 : i32
      %lt3A_227 = arith.constant 125 : i32
      %lt3A_228 = arith.cmpi slt, %add3A_226, %lt3A_227 : i32
      %convert_element_type3A_229 = arith.extui %lt3A_228 : i1 to i32
      %cond3A_230 = arith.constant 0 : i32
      %cond3A_231 = arith.cmpi ne, %convert_element_type3A_229, %cond3A_230 : i32
      scf.if %cond3A_231 {
        %mul3A_249 = arith.constant 80 : i32
        %mul3A_250 = arith.muli %add3A_226, %mul3A_249 : i32
        %multiple_of3A_251 = tpu.assume_multiple %mul3A_250, 80 : i32
        %dma_start3A_252 = tpu.memref_slice %arg6[%multiple_of3A_251] : memref<10000xi32, #tpu.memory_space<vmem>> -> memref<80xi32, #tpu.memory_space<vmem>>
        %dma_start3A_253 = arith.constant 0 : i32
        %dma_start3A_254 = arith.constant 0 : i32
        %dma_start3A_255 = tpu.memref_slice %arg10[%dma_start3A_253, %dma_start3A_254] : memref<10000x16xf32, #tpu.memory_space<vmem_shared>> -> memref<10000x16xf32, #tpu.memory_space<vmem_shared>>
        tpu.enqueue_indirect_dma source(%dma_start3A_255 : memref<10000x16xf32, #tpu.memory_space<vmem_shared>>) target(%arg14 : memref<80x16xf32, #tpu.memory_space<vmem>>) offsets(%dma_start3A_252 : memref<80xi32, #tpu.memory_space<vmem>>) semaphore(%arg19 : memref<!tpu.dma_semaphore, #tpu.memory_space<semaphore_mem>>)
      } else {
      }
      %mul3A_232 = arith.constant 5 : i32
      %mul3A_233 = arith.muli %scan3A_82, %mul3A_232 : i32
      %add3A_234 = arith.constant 4 : i32
      %add3A_235 = arith.addi %mul3A_233, %add3A_234 : i32
      %dma_wait3A_236 = arith.constant 0 : i32
      %dma_wait3A_237 = tpu.memref_slice %arg8[%add3A_235, %dma_wait3A_236] : memref<125x80xi32, #tpu.memory_space<vmem>> -> memref<1x80xi32, #tpu.memory_space<vmem>>
      %dma_wait3A_238 = tpu.memref_squeeze %dma_wait3A_237 : memref<1x80xi32, #tpu.memory_space<vmem>> -> memref<80xi32, #tpu.memory_space<vmem>>
      %dma_wait3A_239 = arith.constant 0 : i32
      %dma_wait3A_240 = arith.constant 0 : i32
      %dma_wait3A_241 = tpu.memref_slice %arg9[%dma_wait3A_239, %dma_wait3A_240] : memref<10000x16xf32, #tpu.memory_space<vmem_shared>> -> memref<10000x16xf32, #tpu.memory_space<vmem_shared>>
      tpu.wait_indirect_dma semaphore(%arg25 : memref<!tpu.dma_semaphore, #tpu.memory_space<semaphore_mem>>) src(%arg15 : memref<80x16xf32, #tpu.memory_space<vmem>>) dst(%dma_wait3A_241 : memref<10000x16xf32, #tpu.memory_space<vmem_shared>>)
      %add3A_242 = arith.constant 5 : i32
      %add3A_243 = arith.addi %add3A_235, %add3A_242 : i32
      %lt3A_244 = arith.constant 125 : i32
      %lt3A_245 = arith.cmpi slt, %add3A_243, %lt3A_244 : i32
      %convert_element_type3A_246 = arith.extui %lt3A_245 : i1 to i32
      %cond3A_247 = arith.constant 0 : i32
      %cond3A_248 = arith.cmpi ne, %convert_element_type3A_246, %cond3A_247 : i32
      scf.if %cond3A_248 {
        %mul3A_249 = arith.constant 80 : i32
        %mul3A_250 = arith.muli %add3A_243, %mul3A_249 : i32
        %multiple_of3A_251 = tpu.assume_multiple %mul3A_250, 80 : i32
        %dma_start3A_252 = tpu.memref_slice %arg6[%multiple_of3A_251] : memref<10000xi32, #tpu.memory_space<vmem>> -> memref<80xi32, #tpu.memory_space<vmem>>
        %dma_start3A_253 = arith.constant 0 : i32
        %dma_start3A_254 = arith.constant 0 : i32
        %dma_start3A_255 = tpu.memref_slice %arg10[%dma_start3A_253, %dma_start3A_254] : memref<10000x16xf32, #tpu.memory_space<vmem_shared>> -> memref<10000x16xf32, #tpu.memory_space<vmem_shared>>
        tpu.enqueue_indirect_dma source(%dma_start3A_255 : memref<10000x16xf32, #tpu.memory_space<vmem_shared>>) target(%arg15 : memref<80x16xf32, #tpu.memory_space<vmem>>) offsets(%dma_start3A_252 : memref<80xi32, #tpu.memory_space<vmem>>) semaphore(%arg20 : memref<!tpu.dma_semaphore, #tpu.memory_space<semaphore_mem>>)
      } else {
      }
    }
    %scan3A_80 = arith.constant 25 : i32
    %barrier3A_81 = arith.constant 0 : index
    tpu.barrier barrier_id(%barrier3A_81)
    "tpu.region"() ({
      %run_scoped3A = tpu.sem_alloc : memref<!tpu.dma_semaphore, #tpu.memory_space<semaphore_mem>>
      %dma_start3A_82 = arith.constant 0 : i32
      %dma_start3A_83 = tpu.memref_slice %arg5[%arg0, %mul3A_2, %dma_start3A_82] : memref<2x10000x16xf32, #tpu.memory_space<hbm>> -> memref<1x625x16xf32, #tpu.memory_space<hbm>>
      %dma_start3A_84 = tpu.memref_squeeze %dma_start3A_83 : memref<1x625x16xf32, #tpu.memory_space<hbm>> -> memref<625x16xf32, #tpu.memory_space<hbm>>
      %dma_start3A_85 = arith.constant 0 : i32
      %dma_start3A_86 = tpu.memref_slice %arg9[%mul3A_2, %dma_start3A_85] : memref<10000x16xf32, #tpu.memory_space<vmem_shared>> -> memref<625x16xf32, #tpu.memory_space<vmem_shared>>
      tpu.enqueue_dma source(%dma_start3A_86 : memref<625x16xf32, #tpu.memory_space<vmem_shared>>) target(%dma_start3A_84 : memref<625x16xf32, #tpu.memory_space<hbm>>) target_semaphore(%run_scoped3A : memref<!tpu.dma_semaphore, #tpu.memory_space<semaphore_mem>>)
      %dma_wait3A_87 = arith.constant 0 : i32
      %dma_wait3A_88 = tpu.memref_slice %arg5[%arg0, %mul3A_2, %dma_wait3A_87] : memref<2x10000x16xf32, #tpu.memory_space<hbm>> -> memref<1x625x16xf32, #tpu.memory_space<hbm>>
      %dma_wait3A_89 = tpu.memref_squeeze %dma_wait3A_88 : memref<1x625x16xf32, #tpu.memory_space<hbm>> -> memref<625x16xf32, #tpu.memory_space<hbm>>
      %dma_wait3A_90 = arith.constant 0 : i32
      %dma_wait3A_91 = tpu.memref_slice %arg9[%mul3A_2, %dma_wait3A_90] : memref<10000x16xf32, #tpu.memory_space<vmem_shared>> -> memref<625x16xf32, #tpu.memory_space<vmem_shared>>
      tpu.wait_dma2 semaphore(%run_scoped3A : memref<!tpu.dma_semaphore, #tpu.memory_space<semaphore_mem>>) src(%dma_wait3A_91 : memref<625x16xf32, #tpu.memory_space<vmem_shared>>) dst(%dma_wait3A_89 : memref<625x16xf32, #tpu.memory_space<hbm>>)
      tpu.yield
    }) : () -> ()
    return
  }
}

#map = affine_map<(d0, d1) -> (0, 0)>
#map1 = affine_map<(d0, d1) -> (0, 0, 0)>
module attributes {stable_mosaic.version = 14 : i64} {
  func.func @_sc_degree(%arg0: i32, %arg1: i32, %arg2: memref<2x320000xi32, #tpu.memory_space<hbm>>, %arg3: memref<10000x16xf32, #tpu.memory_space<hbm>>, %arg4: memref<80x16xf32, #tpu.memory_space<hbm>>, %arg5: memref<2x10000x16xf32, #tpu.memory_space<hbm>>, %arg6: memref<10000xi32, #tpu.memory_space<vmem>>, %arg7: memref<125x80xi32, #tpu.memory_space<vmem>>, %arg8: memref<10000x16xf32, #tpu.memory_space<vmem_shared>>, %arg9: memref<80x16xf32, #tpu.memory_space<vmem>>, %arg10: memref<!tpu.dma_semaphore, #tpu.memory_space<semaphore_mem>>, %arg11: memref<!tpu.dma_semaphore, #tpu.memory_space<semaphore_mem>>, %arg12: memref<!tpu.dma_semaphore, #tpu.memory_space<semaphore_mem>>, %arg13: memref<!tpu.dma_semaphore, #tpu.memory_space<semaphore_mem>>, %arg14: memref<!tpu.dma_semaphore, #tpu.memory_space<semaphore_mem>>) attributes {dimension_semantics = [#tpu.dimension_semantics<core_parallel>, #tpu.dimension_semantics<subcore_parallel>], iteration_bounds = array<i64: 2, 16>, scalar_prefetch = 0 : i64, scratch_operands = 9 : i64, tpu.core_type = #tpu.core_type<sc_vector_subcore>, window_params = [{transform_indices = #map}, {transform_indices = #map}, {transform_indices = #map}, {transform_indices = #map1}]} {
    %mul3A = arith.constant 16 : i32
    %mul3A_0 = arith.muli %arg0, %mul3A : i32
    %add3A = arith.addi %mul3A_0, %arg1 : i32
    %mul3A_1 = arith.constant 625 : i32
    %mul3A_2 = arith.muli %arg1, %mul3A_1 : i32
    %mul3A_3 = arith.constant 10000 : i32
    %mul3A_4 = arith.muli %add3A, %mul3A_3 : i32
    %dma_start3A = arith.constant 1 : i32
    %dma_start3A_5 = tpu.memref_slice %arg2[%dma_start3A, %mul3A_4] : memref<2x320000xi32, #tpu.memory_space<hbm>> -> memref<1x10000xi32, #tpu.memory_space<hbm>>
    %dma_start3A_6 = tpu.memref_squeeze %dma_start3A_5 : memref<1x10000xi32, #tpu.memory_space<hbm>> -> memref<10000xi32, #tpu.memory_space<hbm>>
    %dma_start3A_7 = tpu.memref_slice %arg2[%dma_start3A, %mul3A_4] : memref<2x320000xi32, #tpu.memory_space<hbm>> -> memref<1x10000xi32, #tpu.memory_space<hbm>>
    %dma_start3A_8 = tpu.memref_squeeze %dma_start3A_7 : memref<1x10000xi32, #tpu.memory_space<hbm>> -> memref<10000xi32, #tpu.memory_space<hbm>>
    tpu.enqueue_dma source(%dma_start3A_8 : memref<10000xi32, #tpu.memory_space<hbm>>) target(%arg6 : memref<10000xi32, #tpu.memory_space<vmem>>) target_semaphore(%arg10 : memref<!tpu.dma_semaphore, #tpu.memory_space<semaphore_mem>>)
    tpu.enqueue_dma source(%arg4 : memref<80x16xf32, #tpu.memory_space<hbm>>) target(%arg9 : memref<80x16xf32, #tpu.memory_space<vmem>>) target_semaphore(%arg11 : memref<!tpu.dma_semaphore, #tpu.memory_space<semaphore_mem>>)
    %dma_start3A_9 = arith.constant 0 : i32
    %dma_start3A_10 = tpu.memref_slice %arg8[%mul3A_2, %dma_start3A_9] : memref<10000x16xf32, #tpu.memory_space<vmem_shared>> -> memref<625x16xf32, #tpu.memory_space<vmem_shared>>
    %dma_start3A_11 = arith.constant 0 : i32
    %dma_start3A_12 = tpu.memref_slice %arg3[%mul3A_2, %dma_start3A_11] : memref<10000x16xf32, #tpu.memory_space<hbm>> -> memref<625x16xf32, #tpu.memory_space<hbm>>
    tpu.enqueue_dma source(%dma_start3A_12 : memref<625x16xf32, #tpu.memory_space<hbm>>) target(%dma_start3A_10 : memref<625x16xf32, #tpu.memory_space<vmem_shared>>) target_semaphore(%arg12 : memref<!tpu.dma_semaphore, #tpu.memory_space<semaphore_mem>>)
    %mul3A_13 = arith.constant 10000 : i32
    %mul3A_14 = arith.muli %add3A, %mul3A_13 : i32
    %dma_wait3A = arith.constant 1 : i32
    %dma_wait3A_15 = tpu.memref_slice %arg2[%dma_wait3A, %mul3A_14] : memref<2x320000xi32, #tpu.memory_space<hbm>> -> memref<1x10000xi32, #tpu.memory_space<hbm>>
    %dma_wait3A_16 = tpu.memref_squeeze %dma_wait3A_15 : memref<1x10000xi32, #tpu.memory_space<hbm>> -> memref<10000xi32, #tpu.memory_space<hbm>>
    %dma_wait3A_17 = tpu.memref_slice %arg2[%dma_wait3A, %mul3A_14] : memref<2x320000xi32, #tpu.memory_space<hbm>> -> memref<1x10000xi32, #tpu.memory_space<hbm>>
    %dma_wait3A_18 = tpu.memref_squeeze %dma_wait3A_17 : memref<1x10000xi32, #tpu.memory_space<hbm>> -> memref<10000xi32, #tpu.memory_space<hbm>>
    tpu.wait_dma2 semaphore(%arg10 : memref<!tpu.dma_semaphore, #tpu.memory_space<semaphore_mem>>) src(%dma_wait3A_18 : memref<10000xi32, #tpu.memory_space<hbm>>) dst(%arg6 : memref<10000xi32, #tpu.memory_space<vmem>>)
    %scan3A = arith.constant 0 : i32
    %scan3A_19 = arith.constant 0 : i32
    %scan3A_20 = arith.constant 125 : i32
    %scan3A_21 = arith.addi %scan3A_19, %scan3A_20 : i32
    %scan3A_22 = arith.constant 1 : i32
    scf.for %scan3A_70 = %scan3A_19 to %scan3A_21 step %scan3A_22  : i32 {
      %mul3A_71 = arith.constant 80 : i32
      %mul3A_72 = arith.muli %scan3A_70, %mul3A_71 : i32
      %multiple_of3A = tpu.assume_multiple %mul3A_72, 80 : i32
      %add3A_73 = arith.constant 0 : i32
      %add3A_74 = arith.addi %multiple_of3A, %add3A_73 : i32
      %get3A = arith.index_cast %add3A_74 : i32 to index
      %get3A_75 = tpu.vector_load %arg6[%get3A] {strides = array<i32>} : memref<10000xi32, #tpu.memory_space<vmem>>, vector<16xi32>,
      %get3A_76 = vector.shape_cast %get3A_75 : vector<16xi32> to vector<16xi32>
      %swap3A = arith.index_cast %scan3A_70 : i32 to index
      %swap3A_77 = arith.constant 0 : index
      %swap3A_78 = tpu.vector_load %arg7[%swap3A, %swap3A_77] {strides = array<i32>} : memref<125x80xi32, #tpu.memory_space<vmem>>, vector<1x16xi32>,
      %swap3A_79 = vector.shape_cast %swap3A_78 : vector<1x16xi32> to vector<16xi32>
      %swap3A_80 = vector.shape_cast %get3A_76 : vector<16xi32> to vector<1x16xi32>
      tpu.vector_store %arg7[%swap3A, %swap3A_77], %swap3A_80 {strides = array<i32>} : memref<125x80xi32, #tpu.memory_space<vmem>>, vector<1x16xi32>,
      %add3A_81 = arith.constant 16 : i32
      %add3A_82 = arith.addi %multiple_of3A, %add3A_81 : i32
      %get3A_83 = arith.index_cast %add3A_82 : i32 to index
      %get3A_84 = tpu.vector_load %arg6[%get3A_83] {strides = array<i32>} : memref<10000xi32, #tpu.memory_space<vmem>>, vector<16xi32>,
      %get3A_85 = vector.shape_cast %get3A_84 : vector<16xi32> to vector<16xi32>
      %swap3A_86 = arith.index_cast %scan3A_70 : i32 to index
      %swap3A_87 = arith.constant 16 : index
      %swap3A_88 = tpu.vector_load %arg7[%swap3A_86, %swap3A_87] {strides = array<i32>} : memref<125x80xi32, #tpu.memory_space<vmem>>, vector<1x16xi32>,
      %swap3A_89 = vector.shape_cast %swap3A_88 : vector<1x16xi32> to vector<16xi32>
      %swap3A_90 = vector.shape_cast %get3A_85 : vector<16xi32> to vector<1x16xi32>
      tpu.vector_store %arg7[%swap3A_86, %swap3A_87], %swap3A_90 {strides = array<i32>} : memref<125x80xi32, #tpu.memory_space<vmem>>, vector<1x16xi32>,
      %add3A_91 = arith.constant 32 : i32
      %add3A_92 = arith.addi %multiple_of3A, %add3A_91 : i32
      %get3A_93 = arith.index_cast %add3A_92 : i32 to index
      %get3A_94 = tpu.vector_load %arg6[%get3A_93] {strides = array<i32>} : memref<10000xi32, #tpu.memory_space<vmem>>, vector<16xi32>,
      %get3A_95 = vector.shape_cast %get3A_94 : vector<16xi32> to vector<16xi32>
      %swap3A_96 = arith.index_cast %scan3A_70 : i32 to index
      %swap3A_97 = arith.constant 32 : index
      %swap3A_98 = tpu.vector_load %arg7[%swap3A_96, %swap3A_97] {strides = array<i32>} : memref<125x80xi32, #tpu.memory_space<vmem>>, vector<1x16xi32>,
      %swap3A_99 = vector.shape_cast %swap3A_98 : vector<1x16xi32> to vector<16xi32>
      %swap3A_100 = vector.shape_cast %get3A_95 : vector<16xi32> to vector<1x16xi32>
      tpu.vector_store %arg7[%swap3A_96, %swap3A_97], %swap3A_100 {strides = array<i32>} : memref<125x80xi32, #tpu.memory_space<vmem>>, vector<1x16xi32>,
      %add3A_101 = arith.constant 48 : i32
      %add3A_102 = arith.addi %multiple_of3A, %add3A_101 : i32
      %get3A_103 = arith.index_cast %add3A_102 : i32 to index
      %get3A_104 = tpu.vector_load %arg6[%get3A_103] {strides = array<i32>} : memref<10000xi32, #tpu.memory_space<vmem>>, vector<16xi32>,
      %get3A_105 = vector.shape_cast %get3A_104 : vector<16xi32> to vector<16xi32>
      %swap3A_106 = arith.index_cast %scan3A_70 : i32 to index
      %swap3A_107 = arith.constant 48 : index
      %swap3A_108 = tpu.vector_load %arg7[%swap3A_106, %swap3A_107] {strides = array<i32>} : memref<125x80xi32, #tpu.memory_space<vmem>>, vector<1x16xi32>,
      %swap3A_109 = vector.shape_cast %swap3A_108 : vector<1x16xi32> to vector<16xi32>
      %swap3A_110 = vector.shape_cast %get3A_105 : vector<16xi32> to vector<1x16xi32>
      tpu.vector_store %arg7[%swap3A_106, %swap3A_107], %swap3A_110 {strides = array<i32>} : memref<125x80xi32, #tpu.memory_space<vmem>>, vector<1x16xi32>,
      %add3A_111 = arith.constant 64 : i32
      %add3A_112 = arith.addi %multiple_of3A, %add3A_111 : i32
      %get3A_113 = arith.index_cast %add3A_112 : i32 to index
      %get3A_114 = tpu.vector_load %arg6[%get3A_113] {strides = array<i32>} : memref<10000xi32, #tpu.memory_space<vmem>>, vector<16xi32>,
      %get3A_115 = vector.shape_cast %get3A_114 : vector<16xi32> to vector<16xi32>
      %swap3A_116 = arith.index_cast %scan3A_70 : i32 to index
      %swap3A_117 = arith.constant 64 : index
      %swap3A_118 = tpu.vector_load %arg7[%swap3A_116, %swap3A_117] {strides = array<i32>} : memref<125x80xi32, #tpu.memory_space<vmem>>, vector<1x16xi32>,
      %swap3A_119 = vector.shape_cast %swap3A_118 : vector<1x16xi32> to vector<16xi32>
      %swap3A_120 = vector.shape_cast %get3A_115 : vector<16xi32> to vector<1x16xi32>
      tpu.vector_store %arg7[%swap3A_116, %swap3A_117], %swap3A_120 {strides = array<i32>} : memref<125x80xi32, #tpu.memory_space<vmem>>, vector<1x16xi32>,
    }
    %scan3A_23 = arith.constant 125 : i32
    tpu.wait_dma2 semaphore(%arg11 : memref<!tpu.dma_semaphore, #tpu.memory_space<semaphore_mem>>) src(%arg4 : memref<80x16xf32, #tpu.memory_space<hbm>>) dst(%arg9 : memref<80x16xf32, #tpu.memory_space<vmem>>)
    %dma_wait3A_24 = arith.constant 0 : i32
    %dma_wait3A_25 = tpu.memref_slice %arg8[%mul3A_2, %dma_wait3A_24] : memref<10000x16xf32, #tpu.memory_space<vmem_shared>> -> memref<625x16xf32, #tpu.memory_space<vmem_shared>>
    %dma_wait3A_26 = arith.constant 0 : i32
    %dma_wait3A_27 = tpu.memref_slice %arg3[%mul3A_2, %dma_wait3A_26] : memref<10000x16xf32, #tpu.memory_space<hbm>> -> memref<625x16xf32, #tpu.memory_space<hbm>>
    tpu.wait_dma2 semaphore(%arg12 : memref<!tpu.dma_semaphore, #tpu.memory_space<semaphore_mem>>) src(%dma_wait3A_27 : memref<625x16xf32, #tpu.memory_space<hbm>>) dst(%dma_wait3A_25 : memref<625x16xf32, #tpu.memory_space<vmem_shared>>)
    %barrier3A = arith.constant 0 : index
    tpu.barrier barrier_id(%barrier3A)
    %dma_start3A_28 = arith.constant 0 : i32
    %dma_start3A_29 = arith.constant 0 : i32
    %dma_start3A_30 = tpu.memref_slice %arg7[%dma_start3A_28, %dma_start3A_29] : memref<125x80xi32, #tpu.memory_space<vmem>> -> memref<1x80xi32, #tpu.memory_space<vmem>>
    %dma_start3A_31 = tpu.memref_squeeze %dma_start3A_30 : memref<1x80xi32, #tpu.memory_space<vmem>> -> memref<80xi32, #tpu.memory_space<vmem>>
    %dma_start3A_32 = arith.constant 0 : i32
    %dma_start3A_33 = arith.constant 0 : i32
    %dma_start3A_34 = tpu.memref_slice %arg8[%dma_start3A_32, %dma_start3A_33] : memref<10000x16xf32, #tpu.memory_space<vmem_shared>> -> memref<10000x16xf32, #tpu.memory_space<vmem_shared>>
    tpu.enqueue_indirect_dma source(%arg9 : memref<80x16xf32, #tpu.memory_space<vmem>>) target(%dma_start3A_34 : memref<10000x16xf32, #tpu.memory_space<vmem_shared>>) offsets(%dma_start3A_31 : memref<80xi32, #tpu.memory_space<vmem>>) semaphore(%arg10 : memref<!tpu.dma_semaphore, #tpu.memory_space<semaphore_mem>>) {add = true}
    %dma_start3A_35 = arith.constant 1 : i32
    %dma_start3A_36 = arith.constant 0 : i32
    %dma_start3A_37 = tpu.memref_slice %arg7[%dma_start3A_35, %dma_start3A_36] : memref<125x80xi32, #tpu.memory_space<vmem>> -> memref<1x80xi32, #tpu.memory_space<vmem>>
    %dma_start3A_38 = tpu.memref_squeeze %dma_start3A_37 : memref<1x80xi32, #tpu.memory_space<vmem>> -> memref<80xi32, #tpu.memory_space<vmem>>
    %dma_start3A_39 = arith.constant 0 : i32
    %dma_start3A_40 = arith.constant 0 : i32
    %dma_start3A_41 = tpu.memref_slice %arg8[%dma_start3A_39, %dma_start3A_40] : memref<10000x16xf32, #tpu.memory_space<vmem_shared>> -> memref<10000x16xf32, #tpu.memory_space<vmem_shared>>
    tpu.enqueue_indirect_dma source(%arg9 : memref<80x16xf32, #tpu.memory_space<vmem>>) target(%dma_start3A_41 : memref<10000x16xf32, #tpu.memory_space<vmem_shared>>) offsets(%dma_start3A_38 : memref<80xi32, #tpu.memory_space<vmem>>) semaphore(%arg11 : memref<!tpu.dma_semaphore, #tpu.memory_space<semaphore_mem>>) {add = true}
    %dma_start3A_42 = arith.constant 2 : i32
    %dma_start3A_43 = arith.constant 0 : i32
    %dma_start3A_44 = tpu.memref_slice %arg7[%dma_start3A_42, %dma_start3A_43] : memref<125x80xi32, #tpu.memory_space<vmem>> -> memref<1x80xi32, #tpu.memory_space<vmem>>
    %dma_start3A_45 = tpu.memref_squeeze %dma_start3A_44 : memref<1x80xi32, #tpu.memory_space<vmem>> -> memref<80xi32, #tpu.memory_space<vmem>>
    %dma_start3A_46 = arith.constant 0 : i32
    %dma_start3A_47 = arith.constant 0 : i32
    %dma_start3A_48 = tpu.memref_slice %arg8[%dma_start3A_46, %dma_start3A_47] : memref<10000x16xf32, #tpu.memory_space<vmem_shared>> -> memref<10000x16xf32, #tpu.memory_space<vmem_shared>>
    tpu.enqueue_indirect_dma source(%arg9 : memref<80x16xf32, #tpu.memory_space<vmem>>) target(%dma_start3A_48 : memref<10000x16xf32, #tpu.memory_space<vmem_shared>>) offsets(%dma_start3A_45 : memref<80xi32, #tpu.memory_space<vmem>>) semaphore(%arg12 : memref<!tpu.dma_semaphore, #tpu.memory_space<semaphore_mem>>) {add = true}
    %dma_start3A_49 = arith.constant 3 : i32
    %dma_start3A_50 = arith.constant 0 : i32
    %dma_start3A_51 = tpu.memref_slice %arg7[%dma_start3A_49, %dma_start3A_50] : memref<125x80xi32, #tpu.memory_space<vmem>> -> memref<1x80xi32, #tpu.memory_space<vmem>>
    %dma_start3A_52 = tpu.memref_squeeze %dma_start3A_51 : memref<1x80xi32, #tpu.memory_space<vmem>> -> memref<80xi32, #tpu.memory_space<vmem>>
    %dma_start3A_53 = arith.constant 0 : i32
    %dma_start3A_54 = arith.constant 0 : i32
    %dma_start3A_55 = tpu.memref_slice %arg8[%dma_start3A_53, %dma_start3A_54] : memref<10000x16xf32, #tpu.memory_space<vmem_shared>> -> memref<10000x16xf32, #tpu.memory_space<vmem_shared>>
    tpu.enqueue_indirect_dma source(%arg9 : memref<80x16xf32, #tpu.memory_space<vmem>>) target(%dma_start3A_55 : memref<10000x16xf32, #tpu.memory_space<vmem_shared>>) offsets(%dma_start3A_52 : memref<80xi32, #tpu.memory_space<vmem>>) semaphore(%arg13 : memref<!tpu.dma_semaphore, #tpu.memory_space<semaphore_mem>>) {add = true}
    %dma_start3A_56 = arith.constant 4 : i32
    %dma_start3A_57 = arith.constant 0 : i32
    %dma_start3A_58 = tpu.memref_slice %arg7[%dma_start3A_56, %dma_start3A_57] : memref<125x80xi32, #tpu.memory_space<vmem>> -> memref<1x80xi32, #tpu.memory_space<vmem>>
    %dma_start3A_59 = tpu.memref_squeeze %dma_start3A_58 : memref<1x80xi32, #tpu.memory_space<vmem>> -> memref<80xi32, #tpu.memory_space<vmem>>
    %dma_start3A_60 = arith.constant 0 : i32
    %dma_start3A_61 = arith.constant 0 : i32
    %dma_start3A_62 = tpu.memref_slice %arg8[%dma_start3A_60, %dma_start3A_61] : memref<10000x16xf32, #tpu.memory_space<vmem_shared>> -> memref<10000x16xf32, #tpu.memory_space<vmem_shared>>
    tpu.enqueue_indirect_dma source(%arg9 : memref<80x16xf32, #tpu.memory_space<vmem>>) target(%dma_start3A_62 : memref<10000x16xf32, #tpu.memory_space<vmem_shared>>) offsets(%dma_start3A_59 : memref<80xi32, #tpu.memory_space<vmem>>) semaphore(%arg14 : memref<!tpu.dma_semaphore, #tpu.memory_space<semaphore_mem>>) {add = true}
    %scan3A_63 = arith.constant 0 : i32
    %scan3A_64 = arith.constant 0 : i32
    %scan3A_65 = arith.constant 25 : i32
    %scan3A_66 = arith.addi %scan3A_64, %scan3A_65 : i32
    %scan3A_67 = arith.constant 1 : i32
    scf.for %scan3A_70 = %scan3A_64 to %scan3A_66 step %scan3A_67  : i32 {
      %mul3A_71 = arith.constant 5 : i32
      %mul3A_72 = arith.muli %scan3A_70, %mul3A_71 : i32
      %add3A_73 = arith.constant 0 : i32
      %add3A_74 = arith.addi %mul3A_72, %add3A_73 : i32
      %dma_wait3A_75 = arith.constant 0 : i32
      %dma_wait3A_76 = tpu.memref_slice %arg7[%add3A_74, %dma_wait3A_75] : memref<125x80xi32, #tpu.memory_space<vmem>> -> memref<1x80xi32, #tpu.memory_space<vmem>>
      %dma_wait3A_77 = tpu.memref_squeeze %dma_wait3A_76 : memref<1x80xi32, #tpu.memory_space<vmem>> -> memref<80xi32, #tpu.memory_space<vmem>>
      %dma_wait3A_78 = arith.constant 0 : i32
      %dma_wait3A_79 = arith.constant 0 : i32
      %dma_wait3A_80 = tpu.memref_slice %arg8[%dma_wait3A_78, %dma_wait3A_79] : memref<10000x16xf32, #tpu.memory_space<vmem_shared>> -> memref<10000x16xf32, #tpu.memory_space<vmem_shared>>
      tpu.wait_indirect_dma semaphore(%arg10 : memref<!tpu.dma_semaphore, #tpu.memory_space<semaphore_mem>>) src(%arg9 : memref<80x16xf32, #tpu.memory_space<vmem>>) dst(%dma_wait3A_80 : memref<10000x16xf32, #tpu.memory_space<vmem_shared>>)
      %add3A_81 = arith.constant 5 : i32
      %add3A_82 = arith.addi %add3A_74, %add3A_81 : i32
      %lt3A = arith.constant 125 : i32
      %lt3A_83 = arith.cmpi slt, %add3A_82, %lt3A : i32
      %convert_element_type3A = arith.extui %lt3A_83 : i1 to i32
      %cond3A = arith.constant 0 : i32
      %cond3A_84 = arith.cmpi ne, %convert_element_type3A, %cond3A : i32
      scf.if %cond3A_84 {
        %dma_start3A_153 = arith.constant 0 : i32
        %dma_start3A_154 = tpu.memref_slice %arg7[%add3A_82, %dma_start3A_153] : memref<125x80xi32, #tpu.memory_space<vmem>> -> memref<1x80xi32, #tpu.memory_space<vmem>>
        %dma_start3A_155 = tpu.memref_squeeze %dma_start3A_154 : memref<1x80xi32, #tpu.memory_space<vmem>> -> memref<80xi32, #tpu.memory_space<vmem>>
        %dma_start3A_156 = arith.constant 0 : i32
        %dma_start3A_157 = arith.constant 0 : i32
        %dma_start3A_158 = tpu.memref_slice %arg8[%dma_start3A_156, %dma_start3A_157] : memref<10000x16xf32, #tpu.memory_space<vmem_shared>> -> memref<10000x16xf32, #tpu.memory_space<vmem_shared>>
        tpu.enqueue_indirect_dma source(%arg9 : memref<80x16xf32, #tpu.memory_space<vmem>>) target(%dma_start3A_158 : memref<10000x16xf32, #tpu.memory_space<vmem_shared>>) offsets(%dma_start3A_155 : memref<80xi32, #tpu.memory_space<vmem>>) semaphore(%arg10 : memref<!tpu.dma_semaphore, #tpu.memory_space<semaphore_mem>>) {add = true}
      } else {
      }
      %mul3A_85 = arith.constant 5 : i32
      %mul3A_86 = arith.muli %scan3A_70, %mul3A_85 : i32
      %add3A_87 = arith.constant 1 : i32
      %add3A_88 = arith.addi %mul3A_86, %add3A_87 : i32
      %dma_wait3A_89 = arith.constant 0 : i32
      %dma_wait3A_90 = tpu.memref_slice %arg7[%add3A_88, %dma_wait3A_89] : memref<125x80xi32, #tpu.memory_space<vmem>> -> memref<1x80xi32, #tpu.memory_space<vmem>>
      %dma_wait3A_91 = tpu.memref_squeeze %dma_wait3A_90 : memref<1x80xi32, #tpu.memory_space<vmem>> -> memref<80xi32, #tpu.memory_space<vmem>>
      %dma_wait3A_92 = arith.constant 0 : i32
      %dma_wait3A_93 = arith.constant 0 : i32
      %dma_wait3A_94 = tpu.memref_slice %arg8[%dma_wait3A_92, %dma_wait3A_93] : memref<10000x16xf32, #tpu.memory_space<vmem_shared>> -> memref<10000x16xf32, #tpu.memory_space<vmem_shared>>
      tpu.wait_indirect_dma semaphore(%arg11 : memref<!tpu.dma_semaphore, #tpu.memory_space<semaphore_mem>>) src(%arg9 : memref<80x16xf32, #tpu.memory_space<vmem>>) dst(%dma_wait3A_94 : memref<10000x16xf32, #tpu.memory_space<vmem_shared>>)
      %add3A_95 = arith.constant 5 : i32
      %add3A_96 = arith.addi %add3A_88, %add3A_95 : i32
      %lt3A_97 = arith.constant 125 : i32
      %lt3A_98 = arith.cmpi slt, %add3A_96, %lt3A_97 : i32
      %convert_element_type3A_99 = arith.extui %lt3A_98 : i1 to i32
      %cond3A_100 = arith.constant 0 : i32
      %cond3A_101 = arith.cmpi ne, %convert_element_type3A_99, %cond3A_100 : i32
      scf.if %cond3A_101 {
        %dma_start3A_153 = arith.constant 0 : i32
        %dma_start3A_154 = tpu.memref_slice %arg7[%add3A_96, %dma_start3A_153] : memref<125x80xi32, #tpu.memory_space<vmem>> -> memref<1x80xi32, #tpu.memory_space<vmem>>
        %dma_start3A_155 = tpu.memref_squeeze %dma_start3A_154 : memref<1x80xi32, #tpu.memory_space<vmem>> -> memref<80xi32, #tpu.memory_space<vmem>>
        %dma_start3A_156 = arith.constant 0 : i32
        %dma_start3A_157 = arith.constant 0 : i32
        %dma_start3A_158 = tpu.memref_slice %arg8[%dma_start3A_156, %dma_start3A_157] : memref<10000x16xf32, #tpu.memory_space<vmem_shared>> -> memref<10000x16xf32, #tpu.memory_space<vmem_shared>>
        tpu.enqueue_indirect_dma source(%arg9 : memref<80x16xf32, #tpu.memory_space<vmem>>) target(%dma_start3A_158 : memref<10000x16xf32, #tpu.memory_space<vmem_shared>>) offsets(%dma_start3A_155 : memref<80xi32, #tpu.memory_space<vmem>>) semaphore(%arg11 : memref<!tpu.dma_semaphore, #tpu.memory_space<semaphore_mem>>) {add = true}
      } else {
      }
      %mul3A_102 = arith.constant 5 : i32
      %mul3A_103 = arith.muli %scan3A_70, %mul3A_102 : i32
      %add3A_104 = arith.constant 2 : i32
      %add3A_105 = arith.addi %mul3A_103, %add3A_104 : i32
      %dma_wait3A_106 = arith.constant 0 : i32
      %dma_wait3A_107 = tpu.memref_slice %arg7[%add3A_105, %dma_wait3A_106] : memref<125x80xi32, #tpu.memory_space<vmem>> -> memref<1x80xi32, #tpu.memory_space<vmem>>
      %dma_wait3A_108 = tpu.memref_squeeze %dma_wait3A_107 : memref<1x80xi32, #tpu.memory_space<vmem>> -> memref<80xi32, #tpu.memory_space<vmem>>
      %dma_wait3A_109 = arith.constant 0 : i32
      %dma_wait3A_110 = arith.constant 0 : i32
      %dma_wait3A_111 = tpu.memref_slice %arg8[%dma_wait3A_109, %dma_wait3A_110] : memref<10000x16xf32, #tpu.memory_space<vmem_shared>> -> memref<10000x16xf32, #tpu.memory_space<vmem_shared>>
      tpu.wait_indirect_dma semaphore(%arg12 : memref<!tpu.dma_semaphore, #tpu.memory_space<semaphore_mem>>) src(%arg9 : memref<80x16xf32, #tpu.memory_space<vmem>>) dst(%dma_wait3A_111 : memref<10000x16xf32, #tpu.memory_space<vmem_shared>>)
      %add3A_112 = arith.constant 5 : i32
      %add3A_113 = arith.addi %add3A_105, %add3A_112 : i32
      %lt3A_114 = arith.constant 125 : i32
      %lt3A_115 = arith.cmpi slt, %add3A_113, %lt3A_114 : i32
      %convert_element_type3A_116 = arith.extui %lt3A_115 : i1 to i32
      %cond3A_117 = arith.constant 0 : i32
      %cond3A_118 = arith.cmpi ne, %convert_element_type3A_116, %cond3A_117 : i32
      scf.if %cond3A_118 {
        %dma_start3A_153 = arith.constant 0 : i32
        %dma_start3A_154 = tpu.memref_slice %arg7[%add3A_113, %dma_start3A_153] : memref<125x80xi32, #tpu.memory_space<vmem>> -> memref<1x80xi32, #tpu.memory_space<vmem>>
        %dma_start3A_155 = tpu.memref_squeeze %dma_start3A_154 : memref<1x80xi32, #tpu.memory_space<vmem>> -> memref<80xi32, #tpu.memory_space<vmem>>
        %dma_start3A_156 = arith.constant 0 : i32
        %dma_start3A_157 = arith.constant 0 : i32
        %dma_start3A_158 = tpu.memref_slice %arg8[%dma_start3A_156, %dma_start3A_157] : memref<10000x16xf32, #tpu.memory_space<vmem_shared>> -> memref<10000x16xf32, #tpu.memory_space<vmem_shared>>
        tpu.enqueue_indirect_dma source(%arg9 : memref<80x16xf32, #tpu.memory_space<vmem>>) target(%dma_start3A_158 : memref<10000x16xf32, #tpu.memory_space<vmem_shared>>) offsets(%dma_start3A_155 : memref<80xi32, #tpu.memory_space<vmem>>) semaphore(%arg12 : memref<!tpu.dma_semaphore, #tpu.memory_space<semaphore_mem>>) {add = true}
      } else {
      }
      %mul3A_119 = arith.constant 5 : i32
      %mul3A_120 = arith.muli %scan3A_70, %mul3A_119 : i32
      %add3A_121 = arith.constant 3 : i32
      %add3A_122 = arith.addi %mul3A_120, %add3A_121 : i32
      %dma_wait3A_123 = arith.constant 0 : i32
      %dma_wait3A_124 = tpu.memref_slice %arg7[%add3A_122, %dma_wait3A_123] : memref<125x80xi32, #tpu.memory_space<vmem>> -> memref<1x80xi32, #tpu.memory_space<vmem>>
      %dma_wait3A_125 = tpu.memref_squeeze %dma_wait3A_124 : memref<1x80xi32, #tpu.memory_space<vmem>> -> memref<80xi32, #tpu.memory_space<vmem>>
      %dma_wait3A_126 = arith.constant 0 : i32
      %dma_wait3A_127 = arith.constant 0 : i32
      %dma_wait3A_128 = tpu.memref_slice %arg8[%dma_wait3A_126, %dma_wait3A_127] : memref<10000x16xf32, #tpu.memory_space<vmem_shared>> -> memref<10000x16xf32, #tpu.memory_space<vmem_shared>>
      tpu.wait_indirect_dma semaphore(%arg13 : memref<!tpu.dma_semaphore, #tpu.memory_space<semaphore_mem>>) src(%arg9 : memref<80x16xf32, #tpu.memory_space<vmem>>) dst(%dma_wait3A_128 : memref<10000x16xf32, #tpu.memory_space<vmem_shared>>)
      %add3A_129 = arith.constant 5 : i32
      %add3A_130 = arith.addi %add3A_122, %add3A_129 : i32
      %lt3A_131 = arith.constant 125 : i32
      %lt3A_132 = arith.cmpi slt, %add3A_130, %lt3A_131 : i32
      %convert_element_type3A_133 = arith.extui %lt3A_132 : i1 to i32
      %cond3A_134 = arith.constant 0 : i32
      %cond3A_135 = arith.cmpi ne, %convert_element_type3A_133, %cond3A_134 : i32
      scf.if %cond3A_135 {
        %dma_start3A_153 = arith.constant 0 : i32
        %dma_start3A_154 = tpu.memref_slice %arg7[%add3A_130, %dma_start3A_153] : memref<125x80xi32, #tpu.memory_space<vmem>> -> memref<1x80xi32, #tpu.memory_space<vmem>>
        %dma_start3A_155 = tpu.memref_squeeze %dma_start3A_154 : memref<1x80xi32, #tpu.memory_space<vmem>> -> memref<80xi32, #tpu.memory_space<vmem>>
        %dma_start3A_156 = arith.constant 0 : i32
        %dma_start3A_157 = arith.constant 0 : i32
        %dma_start3A_158 = tpu.memref_slice %arg8[%dma_start3A_156, %dma_start3A_157] : memref<10000x16xf32, #tpu.memory_space<vmem_shared>> -> memref<10000x16xf32, #tpu.memory_space<vmem_shared>>
        tpu.enqueue_indirect_dma source(%arg9 : memref<80x16xf32, #tpu.memory_space<vmem>>) target(%dma_start3A_158 : memref<10000x16xf32, #tpu.memory_space<vmem_shared>>) offsets(%dma_start3A_155 : memref<80xi32, #tpu.memory_space<vmem>>) semaphore(%arg13 : memref<!tpu.dma_semaphore, #tpu.memory_space<semaphore_mem>>) {add = true}
      } else {
      }
      %mul3A_136 = arith.constant 5 : i32
      %mul3A_137 = arith.muli %scan3A_70, %mul3A_136 : i32
      %add3A_138 = arith.constant 4 : i32
      %add3A_139 = arith.addi %mul3A_137, %add3A_138 : i32
      %dma_wait3A_140 = arith.constant 0 : i32
      %dma_wait3A_141 = tpu.memref_slice %arg7[%add3A_139, %dma_wait3A_140] : memref<125x80xi32, #tpu.memory_space<vmem>> -> memref<1x80xi32, #tpu.memory_space<vmem>>
      %dma_wait3A_142 = tpu.memref_squeeze %dma_wait3A_141 : memref<1x80xi32, #tpu.memory_space<vmem>> -> memref<80xi32, #tpu.memory_space<vmem>>
      %dma_wait3A_143 = arith.constant 0 : i32
      %dma_wait3A_144 = arith.constant 0 : i32
      %dma_wait3A_145 = tpu.memref_slice %arg8[%dma_wait3A_143, %dma_wait3A_144] : memref<10000x16xf32, #tpu.memory_space<vmem_shared>> -> memref<10000x16xf32, #tpu.memory_space<vmem_shared>>
      tpu.wait_indirect_dma semaphore(%arg14 : memref<!tpu.dma_semaphore, #tpu.memory_space<semaphore_mem>>) src(%arg9 : memref<80x16xf32, #tpu.memory_space<vmem>>) dst(%dma_wait3A_145 : memref<10000x16xf32, #tpu.memory_space<vmem_shared>>)
      %add3A_146 = arith.constant 5 : i32
      %add3A_147 = arith.addi %add3A_139, %add3A_146 : i32
      %lt3A_148 = arith.constant 125 : i32
      %lt3A_149 = arith.cmpi slt, %add3A_147, %lt3A_148 : i32
      %convert_element_type3A_150 = arith.extui %lt3A_149 : i1 to i32
      %cond3A_151 = arith.constant 0 : i32
      %cond3A_152 = arith.cmpi ne, %convert_element_type3A_150, %cond3A_151 : i32
      scf.if %cond3A_152 {
        %dma_start3A_153 = arith.constant 0 : i32
        %dma_start3A_154 = tpu.memref_slice %arg7[%add3A_147, %dma_start3A_153] : memref<125x80xi32, #tpu.memory_space<vmem>> -> memref<1x80xi32, #tpu.memory_space<vmem>>
        %dma_start3A_155 = tpu.memref_squeeze %dma_start3A_154 : memref<1x80xi32, #tpu.memory_space<vmem>> -> memref<80xi32, #tpu.memory_space<vmem>>
        %dma_start3A_156 = arith.constant 0 : i32
        %dma_start3A_157 = arith.constant 0 : i32
        %dma_start3A_158 = tpu.memref_slice %arg8[%dma_start3A_156, %dma_start3A_157] : memref<10000x16xf32, #tpu.memory_space<vmem_shared>> -> memref<10000x16xf32, #tpu.memory_space<vmem_shared>>
        tpu.enqueue_indirect_dma source(%arg9 : memref<80x16xf32, #tpu.memory_space<vmem>>) target(%dma_start3A_158 : memref<10000x16xf32, #tpu.memory_space<vmem_shared>>) offsets(%dma_start3A_155 : memref<80xi32, #tpu.memory_space<vmem>>) semaphore(%arg14 : memref<!tpu.dma_semaphore, #tpu.memory_space<semaphore_mem>>) {add = true}
      } else {
      }
    }
    %scan3A_68 = arith.constant 25 : i32
    %barrier3A_69 = arith.constant 0 : index
    tpu.barrier barrier_id(%barrier3A_69)
    "tpu.region"() ({
      %run_scoped3A = tpu.sem_alloc : memref<!tpu.dma_semaphore, #tpu.memory_space<semaphore_mem>>
      %dma_start3A_70 = arith.constant 0 : i32
      %dma_start3A_71 = tpu.memref_slice %arg5[%arg0, %mul3A_2, %dma_start3A_70] : memref<2x10000x16xf32, #tpu.memory_space<hbm>> -> memref<1x625x16xf32, #tpu.memory_space<hbm>>
      %dma_start3A_72 = tpu.memref_squeeze %dma_start3A_71 : memref<1x625x16xf32, #tpu.memory_space<hbm>> -> memref<625x16xf32, #tpu.memory_space<hbm>>
      %dma_start3A_73 = arith.constant 0 : i32
      %dma_start3A_74 = tpu.memref_slice %arg8[%mul3A_2, %dma_start3A_73] : memref<10000x16xf32, #tpu.memory_space<vmem_shared>> -> memref<625x16xf32, #tpu.memory_space<vmem_shared>>
      tpu.enqueue_dma source(%dma_start3A_74 : memref<625x16xf32, #tpu.memory_space<vmem_shared>>) target(%dma_start3A_72 : memref<625x16xf32, #tpu.memory_space<hbm>>) target_semaphore(%run_scoped3A : memref<!tpu.dma_semaphore, #tpu.memory_space<semaphore_mem>>)
      %dma_wait3A_75 = arith.constant 0 : i32
      %dma_wait3A_76 = tpu.memref_slice %arg5[%arg0, %mul3A_2, %dma_wait3A_75] : memref<2x10000x16xf32, #tpu.memory_space<hbm>> -> memref<1x625x16xf32, #tpu.memory_space<hbm>>
      %dma_wait3A_77 = tpu.memref_squeeze %dma_wait3A_76 : memref<1x625x16xf32, #tpu.memory_space<hbm>> -> memref<625x16xf32, #tpu.memory_space<hbm>>
      %dma_wait3A_78 = arith.constant 0 : i32
      %dma_wait3A_79 = tpu.memref_slice %arg8[%mul3A_2, %dma_wait3A_78] : memref<10000x16xf32, #tpu.memory_space<vmem_shared>> -> memref<625x16xf32, #tpu.memory_space<vmem_shared>>
      tpu.wait_dma2 semaphore(%run_scoped3A : memref<!tpu.dma_semaphore, #tpu.memory_space<semaphore_mem>>) src(%dma_wait3A_79 : memref<625x16xf32, #tpu.memory_space<vmem_shared>>) dst(%dma_wait3A_77 : memref<625x16xf32, #tpu.memory_space<hbm>>)
      tpu.yield
    }) : () -> ()
    return
  }
}

#map = affine_map<(d0, d1) -> (0, 0)>
#map1 = affine_map<(d0, d1) -> (0, 0, 0)>
module attributes {stable_mosaic.version = 14 : i64} {
  func.func @_sc_edge_aggregate(%arg0: i32, %arg1: i32, %arg2: memref<10000x16xf32, #tpu.memory_space<hbm>>, %arg3: memref<2x320000xi32, #tpu.memory_space<hbm>>, %arg4: memref<10000x16xf32, #tpu.memory_space<hbm>>, %arg5: memref<2x10000x16xf32, #tpu.memory_space<hbm>>, %arg6: memref<10000xi32, #tpu.memory_space<vmem>>, %arg7: memref<10000xi32, #tpu.memory_space<vmem>>, %arg8: memref<125x80xi32, #tpu.memory_space<vmem>>, %arg9: memref<10000x16xf32, #tpu.memory_space<vmem_shared>>, %arg10: memref<10000x16xf32, #tpu.memory_space<vmem_shared>>, %arg11: memref<80x16xf32, #tpu.memory_space<vmem>>, %arg12: memref<80x16xf32, #tpu.memory_space<vmem>>, %arg13: memref<80x16xf32, #tpu.memory_space<vmem>>, %arg14: memref<80x16xf32, #tpu.memory_space<vmem>>, %arg15: memref<80x16xf32, #tpu.memory_space<vmem>>, %arg16: memref<!tpu.dma_semaphore, #tpu.memory_space<semaphore_mem>>, %arg17: memref<!tpu.dma_semaphore, #tpu.memory_space<semaphore_mem>>, %arg18: memref<!tpu.dma_semaphore, #tpu.memory_space<semaphore_mem>>, %arg19: memref<!tpu.dma_semaphore, #tpu.memory_space<semaphore_mem>>, %arg20: memref<!tpu.dma_semaphore, #tpu.memory_space<semaphore_mem>>, %arg21: memref<!tpu.dma_semaphore, #tpu.memory_space<semaphore_mem>>, %arg22: memref<!tpu.dma_semaphore, #tpu.memory_space<semaphore_mem>>, %arg23: memref<!tpu.dma_semaphore, #tpu.memory_space<semaphore_mem>>, %arg24: memref<!tpu.dma_semaphore, #tpu.memory_space<semaphore_mem>>, %arg25: memref<!tpu.dma_semaphore, #tpu.memory_space<semaphore_mem>>) attributes {dimension_semantics = [#tpu.dimension_semantics<core_parallel>, #tpu.dimension_semantics<subcore_parallel>], iteration_bounds = array<i64: 2, 16>, scalar_prefetch = 0 : i64, scratch_operands = 20 : i64, tpu.core_type = #tpu.core_type<sc_vector_subcore>, window_params = [{transform_indices = #map}, {transform_indices = #map}, {transform_indices = #map}, {transform_indices = #map1}]} {
    %mul3A = arith.constant 16 : i32
    %mul3A_0 = arith.muli %arg0, %mul3A : i32
    %add3A = arith.addi %mul3A_0, %arg1 : i32
    %mul3A_1 = arith.constant 625 : i32
    %mul3A_2 = arith.muli %arg1, %mul3A_1 : i32
    %mul3A_3 = arith.constant 10000 : i32
    %mul3A_4 = arith.muli %add3A, %mul3A_3 : i32
    %dma_start3A = arith.constant 1 : i32
    %dma_start3A_5 = tpu.memref_slice %arg3[%dma_start3A, %mul3A_4] : memref<2x320000xi32, #tpu.memory_space<hbm>> -> memref<1x10000xi32, #tpu.memory_space<hbm>>
    %dma_start3A_6 = tpu.memref_squeeze %dma_start3A_5 : memref<1x10000xi32, #tpu.memory_space<hbm>> -> memref<10000xi32, #tpu.memory_space<hbm>>
    %dma_start3A_7 = tpu.memref_slice %arg3[%dma_start3A, %mul3A_4] : memref<2x320000xi32, #tpu.memory_space<hbm>> -> memref<1x10000xi32, #tpu.memory_space<hbm>>
    %dma_start3A_8 = tpu.memref_squeeze %dma_start3A_7 : memref<1x10000xi32, #tpu.memory_space<hbm>> -> memref<10000xi32, #tpu.memory_space<hbm>>
    tpu.enqueue_dma source(%dma_start3A_8 : memref<10000xi32, #tpu.memory_space<hbm>>) target(%arg7 : memref<10000xi32, #tpu.memory_space<vmem>>) target_semaphore(%arg16 : memref<!tpu.dma_semaphore, #tpu.memory_space<semaphore_mem>>)
    %mul3A_9 = arith.constant 10000 : i32
    %mul3A_10 = arith.muli %add3A, %mul3A_9 : i32
    %dma_start3A_11 = arith.constant 0 : i32
    %dma_start3A_12 = tpu.memref_slice %arg3[%dma_start3A_11, %mul3A_10] : memref<2x320000xi32, #tpu.memory_space<hbm>> -> memref<1x10000xi32, #tpu.memory_space<hbm>>
    %dma_start3A_13 = tpu.memref_squeeze %dma_start3A_12 : memref<1x10000xi32, #tpu.memory_space<hbm>> -> memref<10000xi32, #tpu.memory_space<hbm>>
    %dma_start3A_14 = tpu.memref_slice %arg3[%dma_start3A_11, %mul3A_10] : memref<2x320000xi32, #tpu.memory_space<hbm>> -> memref<1x10000xi32, #tpu.memory_space<hbm>>
    %dma_start3A_15 = tpu.memref_squeeze %dma_start3A_14 : memref<1x10000xi32, #tpu.memory_space<hbm>> -> memref<10000xi32, #tpu.memory_space<hbm>>
    tpu.enqueue_dma source(%dma_start3A_15 : memref<10000xi32, #tpu.memory_space<hbm>>) target(%arg6 : memref<10000xi32, #tpu.memory_space<vmem>>) target_semaphore(%arg17 : memref<!tpu.dma_semaphore, #tpu.memory_space<semaphore_mem>>)
    %dma_start3A_16 = arith.constant 0 : i32
    %dma_start3A_17 = tpu.memref_slice %arg9[%mul3A_2, %dma_start3A_16] : memref<10000x16xf32, #tpu.memory_space<vmem_shared>> -> memref<625x16xf32, #tpu.memory_space<vmem_shared>>
    %dma_start3A_18 = arith.constant 0 : i32
    %dma_start3A_19 = tpu.memref_slice %arg4[%mul3A_2, %dma_start3A_18] : memref<10000x16xf32, #tpu.memory_space<hbm>> -> memref<625x16xf32, #tpu.memory_space<hbm>>
    tpu.enqueue_dma source(%dma_start3A_19 : memref<625x16xf32, #tpu.memory_space<hbm>>) target(%dma_start3A_17 : memref<625x16xf32, #tpu.memory_space<vmem_shared>>) target_semaphore(%arg18 : memref<!tpu.dma_semaphore, #tpu.memory_space<semaphore_mem>>)
    %dma_start3A_20 = arith.constant 0 : i32
    %dma_start3A_21 = tpu.memref_slice %arg10[%mul3A_2, %dma_start3A_20] : memref<10000x16xf32, #tpu.memory_space<vmem_shared>> -> memref<625x16xf32, #tpu.memory_space<vmem_shared>>
    %dma_start3A_22 = arith.constant 0 : i32
    %dma_start3A_23 = tpu.memref_slice %arg2[%mul3A_2, %dma_start3A_22] : memref<10000x16xf32, #tpu.memory_space<hbm>> -> memref<625x16xf32, #tpu.memory_space<hbm>>
    tpu.enqueue_dma source(%dma_start3A_23 : memref<625x16xf32, #tpu.memory_space<hbm>>) target(%dma_start3A_21 : memref<625x16xf32, #tpu.memory_space<vmem_shared>>) target_semaphore(%arg19 : memref<!tpu.dma_semaphore, #tpu.memory_space<semaphore_mem>>)
    %mul3A_24 = arith.constant 10000 : i32
    %mul3A_25 = arith.muli %add3A, %mul3A_24 : i32
    %dma_wait3A = arith.constant 1 : i32
    %dma_wait3A_26 = tpu.memref_slice %arg3[%dma_wait3A, %mul3A_25] : memref<2x320000xi32, #tpu.memory_space<hbm>> -> memref<1x10000xi32, #tpu.memory_space<hbm>>
    %dma_wait3A_27 = tpu.memref_squeeze %dma_wait3A_26 : memref<1x10000xi32, #tpu.memory_space<hbm>> -> memref<10000xi32, #tpu.memory_space<hbm>>
    %dma_wait3A_28 = tpu.memref_slice %arg3[%dma_wait3A, %mul3A_25] : memref<2x320000xi32, #tpu.memory_space<hbm>> -> memref<1x10000xi32, #tpu.memory_space<hbm>>
    %dma_wait3A_29 = tpu.memref_squeeze %dma_wait3A_28 : memref<1x10000xi32, #tpu.memory_space<hbm>> -> memref<10000xi32, #tpu.memory_space<hbm>>
    tpu.wait_dma2 semaphore(%arg16 : memref<!tpu.dma_semaphore, #tpu.memory_space<semaphore_mem>>) src(%dma_wait3A_29 : memref<10000xi32, #tpu.memory_space<hbm>>) dst(%arg7 : memref<10000xi32, #tpu.memory_space<vmem>>)
    %scan3A = arith.constant 0 : i32
    %scan3A_30 = arith.constant 0 : i32
    %scan3A_31 = arith.constant 125 : i32
    %scan3A_32 = arith.addi %scan3A_30, %scan3A_31 : i32
    %scan3A_33 = arith.constant 1 : i32
    scf.for %scan3A_82 = %scan3A_30 to %scan3A_32 step %scan3A_33  : i32 {
      %mul3A_83 = arith.constant 80 : i32
      %mul3A_84 = arith.muli %scan3A_82, %mul3A_83 : i32
      %multiple_of3A = tpu.assume_multiple %mul3A_84, 80 : i32
      %add3A_85 = arith.constant 0 : i32
      %add3A_86 = arith.addi %multiple_of3A, %add3A_85 : i32
      %get3A = arith.index_cast %add3A_86 : i32 to index
      %get3A_87 = tpu.vector_load %arg7[%get3A] {strides = array<i32>} : memref<10000xi32, #tpu.memory_space<vmem>>, vector<16xi32>,
      %get3A_88 = vector.shape_cast %get3A_87 : vector<16xi32> to vector<16xi32>
      %swap3A = arith.index_cast %scan3A_82 : i32 to index
      %swap3A_89 = arith.constant 0 : index
      %swap3A_90 = tpu.vector_load %arg8[%swap3A, %swap3A_89] {strides = array<i32>} : memref<125x80xi32, #tpu.memory_space<vmem>>, vector<1x16xi32>,
      %swap3A_91 = vector.shape_cast %swap3A_90 : vector<1x16xi32> to vector<16xi32>
      %swap3A_92 = vector.shape_cast %get3A_88 : vector<16xi32> to vector<1x16xi32>
      tpu.vector_store %arg8[%swap3A, %swap3A_89], %swap3A_92 {strides = array<i32>} : memref<125x80xi32, #tpu.memory_space<vmem>>, vector<1x16xi32>,
      %add3A_93 = arith.constant 16 : i32
      %add3A_94 = arith.addi %multiple_of3A, %add3A_93 : i32
      %get3A_95 = arith.index_cast %add3A_94 : i32 to index
      %get3A_96 = tpu.vector_load %arg7[%get3A_95] {strides = array<i32>} : memref<10000xi32, #tpu.memory_space<vmem>>, vector<16xi32>,
      %get3A_97 = vector.shape_cast %get3A_96 : vector<16xi32> to vector<16xi32>
      %swap3A_98 = arith.index_cast %scan3A_82 : i32 to index
      %swap3A_99 = arith.constant 16 : index
      %swap3A_100 = tpu.vector_load %arg8[%swap3A_98, %swap3A_99] {strides = array<i32>} : memref<125x80xi32, #tpu.memory_space<vmem>>, vector<1x16xi32>,
      %swap3A_101 = vector.shape_cast %swap3A_100 : vector<1x16xi32> to vector<16xi32>
      %swap3A_102 = vector.shape_cast %get3A_97 : vector<16xi32> to vector<1x16xi32>
      tpu.vector_store %arg8[%swap3A_98, %swap3A_99], %swap3A_102 {strides = array<i32>} : memref<125x80xi32, #tpu.memory_space<vmem>>, vector<1x16xi32>,
      %add3A_103 = arith.constant 32 : i32
      %add3A_104 = arith.addi %multiple_of3A, %add3A_103 : i32
      %get3A_105 = arith.index_cast %add3A_104 : i32 to index
      %get3A_106 = tpu.vector_load %arg7[%get3A_105] {strides = array<i32>} : memref<10000xi32, #tpu.memory_space<vmem>>, vector<16xi32>,
      %get3A_107 = vector.shape_cast %get3A_106 : vector<16xi32> to vector<16xi32>
      %swap3A_108 = arith.index_cast %scan3A_82 : i32 to index
      %swap3A_109 = arith.constant 32 : index
      %swap3A_110 = tpu.vector_load %arg8[%swap3A_108, %swap3A_109] {strides = array<i32>} : memref<125x80xi32, #tpu.memory_space<vmem>>, vector<1x16xi32>,
      %swap3A_111 = vector.shape_cast %swap3A_110 : vector<1x16xi32> to vector<16xi32>
      %swap3A_112 = vector.shape_cast %get3A_107 : vector<16xi32> to vector<1x16xi32>
      tpu.vector_store %arg8[%swap3A_108, %swap3A_109], %swap3A_112 {strides = array<i32>} : memref<125x80xi32, #tpu.memory_space<vmem>>, vector<1x16xi32>,
      %add3A_113 = arith.constant 48 : i32
      %add3A_114 = arith.addi %multiple_of3A, %add3A_113 : i32
      %get3A_115 = arith.index_cast %add3A_114 : i32 to index
      %get3A_116 = tpu.vector_load %arg7[%get3A_115] {strides = array<i32>} : memref<10000xi32, #tpu.memory_space<vmem>>, vector<16xi32>,
      %get3A_117 = vector.shape_cast %get3A_116 : vector<16xi32> to vector<16xi32>
      %swap3A_118 = arith.index_cast %scan3A_82 : i32 to index
      %swap3A_119 = arith.constant 48 : index
      %swap3A_120 = tpu.vector_load %arg8[%swap3A_118, %swap3A_119] {strides = array<i32>} : memref<125x80xi32, #tpu.memory_space<vmem>>, vector<1x16xi32>,
      %swap3A_121 = vector.shape_cast %swap3A_120 : vector<1x16xi32> to vector<16xi32>
      %swap3A_122 = vector.shape_cast %get3A_117 : vector<16xi32> to vector<1x16xi32>
      tpu.vector_store %arg8[%swap3A_118, %swap3A_119], %swap3A_122 {strides = array<i32>} : memref<125x80xi32, #tpu.memory_space<vmem>>, vector<1x16xi32>,
      %add3A_123 = arith.constant 64 : i32
      %add3A_124 = arith.addi %multiple_of3A, %add3A_123 : i32
      %get3A_125 = arith.index_cast %add3A_124 : i32 to index
      %get3A_126 = tpu.vector_load %arg7[%get3A_125] {strides = array<i32>} : memref<10000xi32, #tpu.memory_space<vmem>>, vector<16xi32>,
      %get3A_127 = vector.shape_cast %get3A_126 : vector<16xi32> to vector<16xi32>
      %swap3A_128 = arith.index_cast %scan3A_82 : i32 to index
      %swap3A_129 = arith.constant 64 : index
      %swap3A_130 = tpu.vector_load %arg8[%swap3A_128, %swap3A_129] {strides = array<i32>} : memref<125x80xi32, #tpu.memory_space<vmem>>, vector<1x16xi32>,
      %swap3A_131 = vector.shape_cast %swap3A_130 : vector<1x16xi32> to vector<16xi32>
      %swap3A_132 = vector.shape_cast %get3A_127 : vector<16xi32> to vector<1x16xi32>
      tpu.vector_store %arg8[%swap3A_128, %swap3A_129], %swap3A_132 {strides = array<i32>} : memref<125x80xi32, #tpu.memory_space<vmem>>, vector<1x16xi32>,
    }
    %scan3A_34 = arith.constant 125 : i32
    %mul3A_35 = arith.constant 10000 : i32
    %mul3A_36 = arith.muli %add3A, %mul3A_35 : i32
    %dma_wait3A_37 = arith.constant 0 : i32
    %dma_wait3A_38 = tpu.memref_slice %arg3[%dma_wait3A_37, %mul3A_36] : memref<2x320000xi32, #tpu.memory_space<hbm>> -> memref<1x10000xi32, #tpu.memory_space<hbm>>
    %dma_wait3A_39 = tpu.memref_squeeze %dma_wait3A_38 : memref<1x10000xi32, #tpu.memory_space<hbm>> -> memref<10000xi32, #tpu.memory_space<hbm>>
    %dma_wait3A_40 = tpu.memref_slice %arg3[%dma_wait3A_37, %mul3A_36] : memref<2x320000xi32, #tpu.memory_space<hbm>> -> memref<1x10000xi32, #tpu.memory_space<hbm>>
    %dma_wait3A_41 = tpu.memref_squeeze %dma_wait3A_40 : memref<1x10000xi32, #tpu.memory_space<hbm>> -> memref<10000xi32, #tpu.memory_space<hbm>>
    tpu.wait_dma2 semaphore(%arg17 : memref<!tpu.dma_semaphore, #tpu.memory_space<semaphore_mem>>) src(%dma_wait3A_41 : memref<10000xi32, #tpu.memory_space<hbm>>) dst(%arg6 : memref<10000xi32, #tpu.memory_space<vmem>>)
    %dma_wait3A_42 = arith.constant 0 : i32
    %dma_wait3A_43 = tpu.memref_slice %arg9[%mul3A_2, %dma_wait3A_42] : memref<10000x16xf32, #tpu.memory_space<vmem_shared>> -> memref<625x16xf32, #tpu.memory_space<vmem_shared>>
    %dma_wait3A_44 = arith.constant 0 : i32
    %dma_wait3A_45 = tpu.memref_slice %arg4[%mul3A_2, %dma_wait3A_44] : memref<10000x16xf32, #tpu.memory_space<hbm>> -> memref<625x16xf32, #tpu.memory_space<hbm>>
    tpu.wait_dma2 semaphore(%arg18 : memref<!tpu.dma_semaphore, #tpu.memory_space<semaphore_mem>>) src(%dma_wait3A_45 : memref<625x16xf32, #tpu.memory_space<hbm>>) dst(%dma_wait3A_43 : memref<625x16xf32, #tpu.memory_space<vmem_shared>>)
    %dma_wait3A_46 = arith.constant 0 : i32
    %dma_wait3A_47 = tpu.memref_slice %arg10[%mul3A_2, %dma_wait3A_46] : memref<10000x16xf32, #tpu.memory_space<vmem_shared>> -> memref<625x16xf32, #tpu.memory_space<vmem_shared>>
    %dma_wait3A_48 = arith.constant 0 : i32
    %dma_wait3A_49 = tpu.memref_slice %arg2[%mul3A_2, %dma_wait3A_48] : memref<10000x16xf32, #tpu.memory_space<hbm>> -> memref<625x16xf32, #tpu.memory_space<hbm>>
    tpu.wait_dma2 semaphore(%arg19 : memref<!tpu.dma_semaphore, #tpu.memory_space<semaphore_mem>>) src(%dma_wait3A_49 : memref<625x16xf32, #tpu.memory_space<hbm>>) dst(%dma_wait3A_47 : memref<625x16xf32, #tpu.memory_space<vmem_shared>>)
    %barrier3A = arith.constant 0 : index
    tpu.barrier barrier_id(%barrier3A)
    %dma_start3A_50 = arith.constant 0 : i32
    %dma_start3A_51 = tpu.memref_slice %arg6[%dma_start3A_50] : memref<10000xi32, #tpu.memory_space<vmem>> -> memref<80xi32, #tpu.memory_space<vmem>>
    %dma_start3A_52 = arith.constant 0 : i32
    %dma_start3A_53 = arith.constant 0 : i32
    %dma_start3A_54 = tpu.memref_slice %arg10[%dma_start3A_52, %dma_start3A_53] : memref<10000x16xf32, #tpu.memory_space<vmem_shared>> -> memref<10000x16xf32, #tpu.memory_space<vmem_shared>>
    tpu.enqueue_indirect_dma source(%dma_start3A_54 : memref<10000x16xf32, #tpu.memory_space<vmem_shared>>) target(%arg11 : memref<80x16xf32, #tpu.memory_space<vmem>>) offsets(%dma_start3A_51 : memref<80xi32, #tpu.memory_space<vmem>>) semaphore(%arg16 : memref<!tpu.dma_semaphore, #tpu.memory_space<semaphore_mem>>)
    %dma_start3A_55 = arith.constant 80 : i32
    %dma_start3A_56 = tpu.memref_slice %arg6[%dma_start3A_55] : memref<10000xi32, #tpu.memory_space<vmem>> -> memref<80xi32, #tpu.memory_space<vmem>>
    %dma_start3A_57 = arith.constant 0 : i32
    %dma_start3A_58 = arith.constant 0 : i32
    %dma_start3A_59 = tpu.memref_slice %arg10[%dma_start3A_57, %dma_start3A_58] : memref<10000x16xf32, #tpu.memory_space<vmem_shared>> -> memref<10000x16xf32, #tpu.memory_space<vmem_shared>>
    tpu.enqueue_indirect_dma source(%dma_start3A_59 : memref<10000x16xf32, #tpu.memory_space<vmem_shared>>) target(%arg12 : memref<80x16xf32, #tpu.memory_space<vmem>>) offsets(%dma_start3A_56 : memref<80xi32, #tpu.memory_space<vmem>>) semaphore(%arg17 : memref<!tpu.dma_semaphore, #tpu.memory_space<semaphore_mem>>)
    %dma_start3A_60 = arith.constant 160 : i32
    %dma_start3A_61 = tpu.memref_slice %arg6[%dma_start3A_60] : memref<10000xi32, #tpu.memory_space<vmem>> -> memref<80xi32, #tpu.memory_space<vmem>>
    %dma_start3A_62 = arith.constant 0 : i32
    %dma_start3A_63 = arith.constant 0 : i32
    %dma_start3A_64 = tpu.memref_slice %arg10[%dma_start3A_62, %dma_start3A_63] : memref<10000x16xf32, #tpu.memory_space<vmem_shared>> -> memref<10000x16xf32, #tpu.memory_space<vmem_shared>>
    tpu.enqueue_indirect_dma source(%dma_start3A_64 : memref<10000x16xf32, #tpu.memory_space<vmem_shared>>) target(%arg13 : memref<80x16xf32, #tpu.memory_space<vmem>>) offsets(%dma_start3A_61 : memref<80xi32, #tpu.memory_space<vmem>>) semaphore(%arg18 : memref<!tpu.dma_semaphore, #tpu.memory_space<semaphore_mem>>)
    %dma_start3A_65 = arith.constant 240 : i32
    %dma_start3A_66 = tpu.memref_slice %arg6[%dma_start3A_65] : memref<10000xi32, #tpu.memory_space<vmem>> -> memref<80xi32, #tpu.memory_space<vmem>>
    %dma_start3A_67 = arith.constant 0 : i32
    %dma_start3A_68 = arith.constant 0 : i32
    %dma_start3A_69 = tpu.memref_slice %arg10[%dma_start3A_67, %dma_start3A_68] : memref<10000x16xf32, #tpu.memory_space<vmem_shared>> -> memref<10000x16xf32, #tpu.memory_space<vmem_shared>>
    tpu.enqueue_indirect_dma source(%dma_start3A_69 : memref<10000x16xf32, #tpu.memory_space<vmem_shared>>) target(%arg14 : memref<80x16xf32, #tpu.memory_space<vmem>>) offsets(%dma_start3A_66 : memref<80xi32, #tpu.memory_space<vmem>>) semaphore(%arg19 : memref<!tpu.dma_semaphore, #tpu.memory_space<semaphore_mem>>)
    %dma_start3A_70 = arith.constant 320 : i32
    %dma_start3A_71 = tpu.memref_slice %arg6[%dma_start3A_70] : memref<10000xi32, #tpu.memory_space<vmem>> -> memref<80xi32, #tpu.memory_space<vmem>>
    %dma_start3A_72 = arith.constant 0 : i32
    %dma_start3A_73 = arith.constant 0 : i32
    %dma_start3A_74 = tpu.memref_slice %arg10[%dma_start3A_72, %dma_start3A_73] : memref<10000x16xf32, #tpu.memory_space<vmem_shared>> -> memref<10000x16xf32, #tpu.memory_space<vmem_shared>>
    tpu.enqueue_indirect_dma source(%dma_start3A_74 : memref<10000x16xf32, #tpu.memory_space<vmem_shared>>) target(%arg15 : memref<80x16xf32, #tpu.memory_space<vmem>>) offsets(%dma_start3A_71 : memref<80xi32, #tpu.memory_space<vmem>>) semaphore(%arg20 : memref<!tpu.dma_semaphore, #tpu.memory_space<semaphore_mem>>)
    %scan3A_75 = arith.constant 0 : i32
    %scan3A_76 = arith.constant 0 : i32
    %scan3A_77 = arith.constant 25 : i32
    %scan3A_78 = arith.addi %scan3A_76, %scan3A_77 : i32
    %scan3A_79 = arith.constant 1 : i32
    scf.for %scan3A_82 = %scan3A_76 to %scan3A_78 step %scan3A_79  : i32 {
      %mul3A_83 = arith.constant 5 : i32
      %mul3A_84 = arith.muli %scan3A_82, %mul3A_83 : i32
      %add3A_85 = arith.constant 0 : i32
      %add3A_86 = arith.addi %mul3A_84, %add3A_85 : i32
      %mul3A_87 = arith.constant 80 : i32
      %mul3A_88 = arith.muli %add3A_86, %mul3A_87 : i32
      %multiple_of3A = tpu.assume_multiple %mul3A_88, 80 : i32
      %dma_wait3A_89 = tpu.memref_slice %arg6[%multiple_of3A] : memref<10000xi32, #tpu.memory_space<vmem>> -> memref<80xi32, #tpu.memory_space<vmem>>
      %dma_wait3A_90 = arith.constant 0 : i32
      %dma_wait3A_91 = arith.constant 0 : i32
      %dma_wait3A_92 = tpu.memref_slice %arg10[%dma_wait3A_90, %dma_wait3A_91] : memref<10000x16xf32, #tpu.memory_space<vmem_shared>> -> memref<10000x16xf32, #tpu.memory_space<vmem_shared>>
      tpu.wait_indirect_dma semaphore(%arg16 : memref<!tpu.dma_semaphore, #tpu.memory_space<semaphore_mem>>) src(%dma_wait3A_92 : memref<10000x16xf32, #tpu.memory_space<vmem_shared>>) dst(%arg11 : memref<80x16xf32, #tpu.memory_space<vmem>>)
      %dma_start3A_93 = arith.constant 0 : i32
      %dma_start3A_94 = tpu.memref_slice %arg8[%add3A_86, %dma_start3A_93] : memref<125x80xi32, #tpu.memory_space<vmem>> -> memref<1x80xi32, #tpu.memory_space<vmem>>
      %dma_start3A_95 = tpu.memref_squeeze %dma_start3A_94 : memref<1x80xi32, #tpu.memory_space<vmem>> -> memref<80xi32, #tpu.memory_space<vmem>>
      %dma_start3A_96 = arith.constant 0 : i32
      %dma_start3A_97 = arith.constant 0 : i32
      %dma_start3A_98 = tpu.memref_slice %arg9[%dma_start3A_96, %dma_start3A_97] : memref<10000x16xf32, #tpu.memory_space<vmem_shared>> -> memref<10000x16xf32, #tpu.memory_space<vmem_shared>>
      tpu.enqueue_indirect_dma source(%arg11 : memref<80x16xf32, #tpu.memory_space<vmem>>) target(%dma_start3A_98 : memref<10000x16xf32, #tpu.memory_space<vmem_shared>>) offsets(%dma_start3A_95 : memref<80xi32, #tpu.memory_space<vmem>>) semaphore(%arg21 : memref<!tpu.dma_semaphore, #tpu.memory_space<semaphore_mem>>) {add = true}
      %mul3A_99 = arith.constant 5 : i32
      %mul3A_100 = arith.muli %scan3A_82, %mul3A_99 : i32
      %add3A_101 = arith.constant 1 : i32
      %add3A_102 = arith.addi %mul3A_100, %add3A_101 : i32
      %mul3A_103 = arith.constant 80 : i32
      %mul3A_104 = arith.muli %add3A_102, %mul3A_103 : i32
      %multiple_of3A_105 = tpu.assume_multiple %mul3A_104, 80 : i32
      %dma_wait3A_106 = tpu.memref_slice %arg6[%multiple_of3A_105] : memref<10000xi32, #tpu.memory_space<vmem>> -> memref<80xi32, #tpu.memory_space<vmem>>
      %dma_wait3A_107 = arith.constant 0 : i32
      %dma_wait3A_108 = arith.constant 0 : i32
      %dma_wait3A_109 = tpu.memref_slice %arg10[%dma_wait3A_107, %dma_wait3A_108] : memref<10000x16xf32, #tpu.memory_space<vmem_shared>> -> memref<10000x16xf32, #tpu.memory_space<vmem_shared>>
      tpu.wait_indirect_dma semaphore(%arg17 : memref<!tpu.dma_semaphore, #tpu.memory_space<semaphore_mem>>) src(%dma_wait3A_109 : memref<10000x16xf32, #tpu.memory_space<vmem_shared>>) dst(%arg12 : memref<80x16xf32, #tpu.memory_space<vmem>>)
      %dma_start3A_110 = arith.constant 0 : i32
      %dma_start3A_111 = tpu.memref_slice %arg8[%add3A_102, %dma_start3A_110] : memref<125x80xi32, #tpu.memory_space<vmem>> -> memref<1x80xi32, #tpu.memory_space<vmem>>
      %dma_start3A_112 = tpu.memref_squeeze %dma_start3A_111 : memref<1x80xi32, #tpu.memory_space<vmem>> -> memref<80xi32, #tpu.memory_space<vmem>>
      %dma_start3A_113 = arith.constant 0 : i32
      %dma_start3A_114 = arith.constant 0 : i32
      %dma_start3A_115 = tpu.memref_slice %arg9[%dma_start3A_113, %dma_start3A_114] : memref<10000x16xf32, #tpu.memory_space<vmem_shared>> -> memref<10000x16xf32, #tpu.memory_space<vmem_shared>>
      tpu.enqueue_indirect_dma source(%arg12 : memref<80x16xf32, #tpu.memory_space<vmem>>) target(%dma_start3A_115 : memref<10000x16xf32, #tpu.memory_space<vmem_shared>>) offsets(%dma_start3A_112 : memref<80xi32, #tpu.memory_space<vmem>>) semaphore(%arg22 : memref<!tpu.dma_semaphore, #tpu.memory_space<semaphore_mem>>) {add = true}
      %mul3A_116 = arith.constant 5 : i32
      %mul3A_117 = arith.muli %scan3A_82, %mul3A_116 : i32
      %add3A_118 = arith.constant 2 : i32
      %add3A_119 = arith.addi %mul3A_117, %add3A_118 : i32
      %mul3A_120 = arith.constant 80 : i32
      %mul3A_121 = arith.muli %add3A_119, %mul3A_120 : i32
      %multiple_of3A_122 = tpu.assume_multiple %mul3A_121, 80 : i32
      %dma_wait3A_123 = tpu.memref_slice %arg6[%multiple_of3A_122] : memref<10000xi32, #tpu.memory_space<vmem>> -> memref<80xi32, #tpu.memory_space<vmem>>
      %dma_wait3A_124 = arith.constant 0 : i32
      %dma_wait3A_125 = arith.constant 0 : i32
      %dma_wait3A_126 = tpu.memref_slice %arg10[%dma_wait3A_124, %dma_wait3A_125] : memref<10000x16xf32, #tpu.memory_space<vmem_shared>> -> memref<10000x16xf32, #tpu.memory_space<vmem_shared>>
      tpu.wait_indirect_dma semaphore(%arg18 : memref<!tpu.dma_semaphore, #tpu.memory_space<semaphore_mem>>) src(%dma_wait3A_126 : memref<10000x16xf32, #tpu.memory_space<vmem_shared>>) dst(%arg13 : memref<80x16xf32, #tpu.memory_space<vmem>>)
      %dma_start3A_127 = arith.constant 0 : i32
      %dma_start3A_128 = tpu.memref_slice %arg8[%add3A_119, %dma_start3A_127] : memref<125x80xi32, #tpu.memory_space<vmem>> -> memref<1x80xi32, #tpu.memory_space<vmem>>
      %dma_start3A_129 = tpu.memref_squeeze %dma_start3A_128 : memref<1x80xi32, #tpu.memory_space<vmem>> -> memref<80xi32, #tpu.memory_space<vmem>>
      %dma_start3A_130 = arith.constant 0 : i32
      %dma_start3A_131 = arith.constant 0 : i32
      %dma_start3A_132 = tpu.memref_slice %arg9[%dma_start3A_130, %dma_start3A_131] : memref<10000x16xf32, #tpu.memory_space<vmem_shared>> -> memref<10000x16xf32, #tpu.memory_space<vmem_shared>>
      tpu.enqueue_indirect_dma source(%arg13 : memref<80x16xf32, #tpu.memory_space<vmem>>) target(%dma_start3A_132 : memref<10000x16xf32, #tpu.memory_space<vmem_shared>>) offsets(%dma_start3A_129 : memref<80xi32, #tpu.memory_space<vmem>>) semaphore(%arg23 : memref<!tpu.dma_semaphore, #tpu.memory_space<semaphore_mem>>) {add = true}
      %mul3A_133 = arith.constant 5 : i32
      %mul3A_134 = arith.muli %scan3A_82, %mul3A_133 : i32
      %add3A_135 = arith.constant 3 : i32
      %add3A_136 = arith.addi %mul3A_134, %add3A_135 : i32
      %mul3A_137 = arith.constant 80 : i32
      %mul3A_138 = arith.muli %add3A_136, %mul3A_137 : i32
      %multiple_of3A_139 = tpu.assume_multiple %mul3A_138, 80 : i32
      %dma_wait3A_140 = tpu.memref_slice %arg6[%multiple_of3A_139] : memref<10000xi32, #tpu.memory_space<vmem>> -> memref<80xi32, #tpu.memory_space<vmem>>
      %dma_wait3A_141 = arith.constant 0 : i32
      %dma_wait3A_142 = arith.constant 0 : i32
      %dma_wait3A_143 = tpu.memref_slice %arg10[%dma_wait3A_141, %dma_wait3A_142] : memref<10000x16xf32, #tpu.memory_space<vmem_shared>> -> memref<10000x16xf32, #tpu.memory_space<vmem_shared>>
      tpu.wait_indirect_dma semaphore(%arg19 : memref<!tpu.dma_semaphore, #tpu.memory_space<semaphore_mem>>) src(%dma_wait3A_143 : memref<10000x16xf32, #tpu.memory_space<vmem_shared>>) dst(%arg14 : memref<80x16xf32, #tpu.memory_space<vmem>>)
      %dma_start3A_144 = arith.constant 0 : i32
      %dma_start3A_145 = tpu.memref_slice %arg8[%add3A_136, %dma_start3A_144] : memref<125x80xi32, #tpu.memory_space<vmem>> -> memref<1x80xi32, #tpu.memory_space<vmem>>
      %dma_start3A_146 = tpu.memref_squeeze %dma_start3A_145 : memref<1x80xi32, #tpu.memory_space<vmem>> -> memref<80xi32, #tpu.memory_space<vmem>>
      %dma_start3A_147 = arith.constant 0 : i32
      %dma_start3A_148 = arith.constant 0 : i32
      %dma_start3A_149 = tpu.memref_slice %arg9[%dma_start3A_147, %dma_start3A_148] : memref<10000x16xf32, #tpu.memory_space<vmem_shared>> -> memref<10000x16xf32, #tpu.memory_space<vmem_shared>>
      tpu.enqueue_indirect_dma source(%arg14 : memref<80x16xf32, #tpu.memory_space<vmem>>) target(%dma_start3A_149 : memref<10000x16xf32, #tpu.memory_space<vmem_shared>>) offsets(%dma_start3A_146 : memref<80xi32, #tpu.memory_space<vmem>>) semaphore(%arg24 : memref<!tpu.dma_semaphore, #tpu.memory_space<semaphore_mem>>) {add = true}
      %mul3A_150 = arith.constant 5 : i32
      %mul3A_151 = arith.muli %scan3A_82, %mul3A_150 : i32
      %add3A_152 = arith.constant 4 : i32
      %add3A_153 = arith.addi %mul3A_151, %add3A_152 : i32
      %mul3A_154 = arith.constant 80 : i32
      %mul3A_155 = arith.muli %add3A_153, %mul3A_154 : i32
      %multiple_of3A_156 = tpu.assume_multiple %mul3A_155, 80 : i32
      %dma_wait3A_157 = tpu.memref_slice %arg6[%multiple_of3A_156] : memref<10000xi32, #tpu.memory_space<vmem>> -> memref<80xi32, #tpu.memory_space<vmem>>
      %dma_wait3A_158 = arith.constant 0 : i32
      %dma_wait3A_159 = arith.constant 0 : i32
      %dma_wait3A_160 = tpu.memref_slice %arg10[%dma_wait3A_158, %dma_wait3A_159] : memref<10000x16xf32, #tpu.memory_space<vmem_shared>> -> memref<10000x16xf32, #tpu.memory_space<vmem_shared>>
      tpu.wait_indirect_dma semaphore(%arg20 : memref<!tpu.dma_semaphore, #tpu.memory_space<semaphore_mem>>) src(%dma_wait3A_160 : memref<10000x16xf32, #tpu.memory_space<vmem_shared>>) dst(%arg15 : memref<80x16xf32, #tpu.memory_space<vmem>>)
      %dma_start3A_161 = arith.constant 0 : i32
      %dma_start3A_162 = tpu.memref_slice %arg8[%add3A_153, %dma_start3A_161] : memref<125x80xi32, #tpu.memory_space<vmem>> -> memref<1x80xi32, #tpu.memory_space<vmem>>
      %dma_start3A_163 = tpu.memref_squeeze %dma_start3A_162 : memref<1x80xi32, #tpu.memory_space<vmem>> -> memref<80xi32, #tpu.memory_space<vmem>>
      %dma_start3A_164 = arith.constant 0 : i32
      %dma_start3A_165 = arith.constant 0 : i32
      %dma_start3A_166 = tpu.memref_slice %arg9[%dma_start3A_164, %dma_start3A_165] : memref<10000x16xf32, #tpu.memory_space<vmem_shared>> -> memref<10000x16xf32, #tpu.memory_space<vmem_shared>>
      tpu.enqueue_indirect_dma source(%arg15 : memref<80x16xf32, #tpu.memory_space<vmem>>) target(%dma_start3A_166 : memref<10000x16xf32, #tpu.memory_space<vmem_shared>>) offsets(%dma_start3A_163 : memref<80xi32, #tpu.memory_space<vmem>>) semaphore(%arg25 : memref<!tpu.dma_semaphore, #tpu.memory_space<semaphore_mem>>) {add = true}
      %mul3A_167 = arith.constant 5 : i32
      %mul3A_168 = arith.muli %scan3A_82, %mul3A_167 : i32
      %add3A_169 = arith.constant 0 : i32
      %add3A_170 = arith.addi %mul3A_168, %add3A_169 : i32
      %dma_wait3A_171 = arith.constant 0 : i32
      %dma_wait3A_172 = tpu.memref_slice %arg8[%add3A_170, %dma_wait3A_171] : memref<125x80xi32, #tpu.memory_space<vmem>> -> memref<1x80xi32, #tpu.memory_space<vmem>>
      %dma_wait3A_173 = tpu.memref_squeeze %dma_wait3A_172 : memref<1x80xi32, #tpu.memory_space<vmem>> -> memref<80xi32, #tpu.memory_space<vmem>>
      %dma_wait3A_174 = arith.constant 0 : i32
      %dma_wait3A_175 = arith.constant 0 : i32
      %dma_wait3A_176 = tpu.memref_slice %arg9[%dma_wait3A_174, %dma_wait3A_175] : memref<10000x16xf32, #tpu.memory_space<vmem_shared>> -> memref<10000x16xf32, #tpu.memory_space<vmem_shared>>
      tpu.wait_indirect_dma semaphore(%arg21 : memref<!tpu.dma_semaphore, #tpu.memory_space<semaphore_mem>>) src(%arg11 : memref<80x16xf32, #tpu.memory_space<vmem>>) dst(%dma_wait3A_176 : memref<10000x16xf32, #tpu.memory_space<vmem_shared>>)
      %add3A_177 = arith.constant 5 : i32
      %add3A_178 = arith.addi %add3A_170, %add3A_177 : i32
      %lt3A = arith.constant 125 : i32
      %lt3A_179 = arith.cmpi slt, %add3A_178, %lt3A : i32
      %convert_element_type3A = arith.extui %lt3A_179 : i1 to i32
      %cond3A = arith.constant 0 : i32
      %cond3A_180 = arith.cmpi ne, %convert_element_type3A, %cond3A : i32
      scf.if %cond3A_180 {
        %mul3A_249 = arith.constant 80 : i32
        %mul3A_250 = arith.muli %add3A_178, %mul3A_249 : i32
        %multiple_of3A_251 = tpu.assume_multiple %mul3A_250, 80 : i32
        %dma_start3A_252 = tpu.memref_slice %arg6[%multiple_of3A_251] : memref<10000xi32, #tpu.memory_space<vmem>> -> memref<80xi32, #tpu.memory_space<vmem>>
        %dma_start3A_253 = arith.constant 0 : i32
        %dma_start3A_254 = arith.constant 0 : i32
        %dma_start3A_255 = tpu.memref_slice %arg10[%dma_start3A_253, %dma_start3A_254] : memref<10000x16xf32, #tpu.memory_space<vmem_shared>> -> memref<10000x16xf32, #tpu.memory_space<vmem_shared>>
        tpu.enqueue_indirect_dma source(%dma_start3A_255 : memref<10000x16xf32, #tpu.memory_space<vmem_shared>>) target(%arg11 : memref<80x16xf32, #tpu.memory_space<vmem>>) offsets(%dma_start3A_252 : memref<80xi32, #tpu.memory_space<vmem>>) semaphore(%arg16 : memref<!tpu.dma_semaphore, #tpu.memory_space<semaphore_mem>>)
      } else {
      }
      %mul3A_181 = arith.constant 5 : i32
      %mul3A_182 = arith.muli %scan3A_82, %mul3A_181 : i32
      %add3A_183 = arith.constant 1 : i32
      %add3A_184 = arith.addi %mul3A_182, %add3A_183 : i32
      %dma_wait3A_185 = arith.constant 0 : i32
      %dma_wait3A_186 = tpu.memref_slice %arg8[%add3A_184, %dma_wait3A_185] : memref<125x80xi32, #tpu.memory_space<vmem>> -> memref<1x80xi32, #tpu.memory_space<vmem>>
      %dma_wait3A_187 = tpu.memref_squeeze %dma_wait3A_186 : memref<1x80xi32, #tpu.memory_space<vmem>> -> memref<80xi32, #tpu.memory_space<vmem>>
      %dma_wait3A_188 = arith.constant 0 : i32
      %dma_wait3A_189 = arith.constant 0 : i32
      %dma_wait3A_190 = tpu.memref_slice %arg9[%dma_wait3A_188, %dma_wait3A_189] : memref<10000x16xf32, #tpu.memory_space<vmem_shared>> -> memref<10000x16xf32, #tpu.memory_space<vmem_shared>>
      tpu.wait_indirect_dma semaphore(%arg22 : memref<!tpu.dma_semaphore, #tpu.memory_space<semaphore_mem>>) src(%arg12 : memref<80x16xf32, #tpu.memory_space<vmem>>) dst(%dma_wait3A_190 : memref<10000x16xf32, #tpu.memory_space<vmem_shared>>)
      %add3A_191 = arith.constant 5 : i32
      %add3A_192 = arith.addi %add3A_184, %add3A_191 : i32
      %lt3A_193 = arith.constant 125 : i32
      %lt3A_194 = arith.cmpi slt, %add3A_192, %lt3A_193 : i32
      %convert_element_type3A_195 = arith.extui %lt3A_194 : i1 to i32
      %cond3A_196 = arith.constant 0 : i32
      %cond3A_197 = arith.cmpi ne, %convert_element_type3A_195, %cond3A_196 : i32
      scf.if %cond3A_197 {
        %mul3A_249 = arith.constant 80 : i32
        %mul3A_250 = arith.muli %add3A_192, %mul3A_249 : i32
        %multiple_of3A_251 = tpu.assume_multiple %mul3A_250, 80 : i32
        %dma_start3A_252 = tpu.memref_slice %arg6[%multiple_of3A_251] : memref<10000xi32, #tpu.memory_space<vmem>> -> memref<80xi32, #tpu.memory_space<vmem>>
        %dma_start3A_253 = arith.constant 0 : i32
        %dma_start3A_254 = arith.constant 0 : i32
        %dma_start3A_255 = tpu.memref_slice %arg10[%dma_start3A_253, %dma_start3A_254] : memref<10000x16xf32, #tpu.memory_space<vmem_shared>> -> memref<10000x16xf32, #tpu.memory_space<vmem_shared>>
        tpu.enqueue_indirect_dma source(%dma_start3A_255 : memref<10000x16xf32, #tpu.memory_space<vmem_shared>>) target(%arg12 : memref<80x16xf32, #tpu.memory_space<vmem>>) offsets(%dma_start3A_252 : memref<80xi32, #tpu.memory_space<vmem>>) semaphore(%arg17 : memref<!tpu.dma_semaphore, #tpu.memory_space<semaphore_mem>>)
      } else {
      }
      %mul3A_198 = arith.constant 5 : i32
      %mul3A_199 = arith.muli %scan3A_82, %mul3A_198 : i32
      %add3A_200 = arith.constant 2 : i32
      %add3A_201 = arith.addi %mul3A_199, %add3A_200 : i32
      %dma_wait3A_202 = arith.constant 0 : i32
      %dma_wait3A_203 = tpu.memref_slice %arg8[%add3A_201, %dma_wait3A_202] : memref<125x80xi32, #tpu.memory_space<vmem>> -> memref<1x80xi32, #tpu.memory_space<vmem>>
      %dma_wait3A_204 = tpu.memref_squeeze %dma_wait3A_203 : memref<1x80xi32, #tpu.memory_space<vmem>> -> memref<80xi32, #tpu.memory_space<vmem>>
      %dma_wait3A_205 = arith.constant 0 : i32
      %dma_wait3A_206 = arith.constant 0 : i32
      %dma_wait3A_207 = tpu.memref_slice %arg9[%dma_wait3A_205, %dma_wait3A_206] : memref<10000x16xf32, #tpu.memory_space<vmem_shared>> -> memref<10000x16xf32, #tpu.memory_space<vmem_shared>>
      tpu.wait_indirect_dma semaphore(%arg23 : memref<!tpu.dma_semaphore, #tpu.memory_space<semaphore_mem>>) src(%arg13 : memref<80x16xf32, #tpu.memory_space<vmem>>) dst(%dma_wait3A_207 : memref<10000x16xf32, #tpu.memory_space<vmem_shared>>)
      %add3A_208 = arith.constant 5 : i32
      %add3A_209 = arith.addi %add3A_201, %add3A_208 : i32
      %lt3A_210 = arith.constant 125 : i32
      %lt3A_211 = arith.cmpi slt, %add3A_209, %lt3A_210 : i32
      %convert_element_type3A_212 = arith.extui %lt3A_211 : i1 to i32
      %cond3A_213 = arith.constant 0 : i32
      %cond3A_214 = arith.cmpi ne, %convert_element_type3A_212, %cond3A_213 : i32
      scf.if %cond3A_214 {
        %mul3A_249 = arith.constant 80 : i32
        %mul3A_250 = arith.muli %add3A_209, %mul3A_249 : i32
        %multiple_of3A_251 = tpu.assume_multiple %mul3A_250, 80 : i32
        %dma_start3A_252 = tpu.memref_slice %arg6[%multiple_of3A_251] : memref<10000xi32, #tpu.memory_space<vmem>> -> memref<80xi32, #tpu.memory_space<vmem>>
        %dma_start3A_253 = arith.constant 0 : i32
        %dma_start3A_254 = arith.constant 0 : i32
        %dma_start3A_255 = tpu.memref_slice %arg10[%dma_start3A_253, %dma_start3A_254] : memref<10000x16xf32, #tpu.memory_space<vmem_shared>> -> memref<10000x16xf32, #tpu.memory_space<vmem_shared>>
        tpu.enqueue_indirect_dma source(%dma_start3A_255 : memref<10000x16xf32, #tpu.memory_space<vmem_shared>>) target(%arg13 : memref<80x16xf32, #tpu.memory_space<vmem>>) offsets(%dma_start3A_252 : memref<80xi32, #tpu.memory_space<vmem>>) semaphore(%arg18 : memref<!tpu.dma_semaphore, #tpu.memory_space<semaphore_mem>>)
      } else {
      }
      %mul3A_215 = arith.constant 5 : i32
      %mul3A_216 = arith.muli %scan3A_82, %mul3A_215 : i32
      %add3A_217 = arith.constant 3 : i32
      %add3A_218 = arith.addi %mul3A_216, %add3A_217 : i32
      %dma_wait3A_219 = arith.constant 0 : i32
      %dma_wait3A_220 = tpu.memref_slice %arg8[%add3A_218, %dma_wait3A_219] : memref<125x80xi32, #tpu.memory_space<vmem>> -> memref<1x80xi32, #tpu.memory_space<vmem>>
      %dma_wait3A_221 = tpu.memref_squeeze %dma_wait3A_220 : memref<1x80xi32, #tpu.memory_space<vmem>> -> memref<80xi32, #tpu.memory_space<vmem>>
      %dma_wait3A_222 = arith.constant 0 : i32
      %dma_wait3A_223 = arith.constant 0 : i32
      %dma_wait3A_224 = tpu.memref_slice %arg9[%dma_wait3A_222, %dma_wait3A_223] : memref<10000x16xf32, #tpu.memory_space<vmem_shared>> -> memref<10000x16xf32, #tpu.memory_space<vmem_shared>>
      tpu.wait_indirect_dma semaphore(%arg24 : memref<!tpu.dma_semaphore, #tpu.memory_space<semaphore_mem>>) src(%arg14 : memref<80x16xf32, #tpu.memory_space<vmem>>) dst(%dma_wait3A_224 : memref<10000x16xf32, #tpu.memory_space<vmem_shared>>)
      %add3A_225 = arith.constant 5 : i32
      %add3A_226 = arith.addi %add3A_218, %add3A_225 : i32
      %lt3A_227 = arith.constant 125 : i32
      %lt3A_228 = arith.cmpi slt, %add3A_226, %lt3A_227 : i32
      %convert_element_type3A_229 = arith.extui %lt3A_228 : i1 to i32
      %cond3A_230 = arith.constant 0 : i32
      %cond3A_231 = arith.cmpi ne, %convert_element_type3A_229, %cond3A_230 : i32
      scf.if %cond3A_231 {
        %mul3A_249 = arith.constant 80 : i32
        %mul3A_250 = arith.muli %add3A_226, %mul3A_249 : i32
        %multiple_of3A_251 = tpu.assume_multiple %mul3A_250, 80 : i32
        %dma_start3A_252 = tpu.memref_slice %arg6[%multiple_of3A_251] : memref<10000xi32, #tpu.memory_space<vmem>> -> memref<80xi32, #tpu.memory_space<vmem>>
        %dma_start3A_253 = arith.constant 0 : i32
        %dma_start3A_254 = arith.constant 0 : i32
        %dma_start3A_255 = tpu.memref_slice %arg10[%dma_start3A_253, %dma_start3A_254] : memref<10000x16xf32, #tpu.memory_space<vmem_shared>> -> memref<10000x16xf32, #tpu.memory_space<vmem_shared>>
        tpu.enqueue_indirect_dma source(%dma_start3A_255 : memref<10000x16xf32, #tpu.memory_space<vmem_shared>>) target(%arg14 : memref<80x16xf32, #tpu.memory_space<vmem>>) offsets(%dma_start3A_252 : memref<80xi32, #tpu.memory_space<vmem>>) semaphore(%arg19 : memref<!tpu.dma_semaphore, #tpu.memory_space<semaphore_mem>>)
      } else {
      }
      %mul3A_232 = arith.constant 5 : i32
      %mul3A_233 = arith.muli %scan3A_82, %mul3A_232 : i32
      %add3A_234 = arith.constant 4 : i32
      %add3A_235 = arith.addi %mul3A_233, %add3A_234 : i32
      %dma_wait3A_236 = arith.constant 0 : i32
      %dma_wait3A_237 = tpu.memref_slice %arg8[%add3A_235, %dma_wait3A_236] : memref<125x80xi32, #tpu.memory_space<vmem>> -> memref<1x80xi32, #tpu.memory_space<vmem>>
      %dma_wait3A_238 = tpu.memref_squeeze %dma_wait3A_237 : memref<1x80xi32, #tpu.memory_space<vmem>> -> memref<80xi32, #tpu.memory_space<vmem>>
      %dma_wait3A_239 = arith.constant 0 : i32
      %dma_wait3A_240 = arith.constant 0 : i32
      %dma_wait3A_241 = tpu.memref_slice %arg9[%dma_wait3A_239, %dma_wait3A_240] : memref<10000x16xf32, #tpu.memory_space<vmem_shared>> -> memref<10000x16xf32, #tpu.memory_space<vmem_shared>>
      tpu.wait_indirect_dma semaphore(%arg25 : memref<!tpu.dma_semaphore, #tpu.memory_space<semaphore_mem>>) src(%arg15 : memref<80x16xf32, #tpu.memory_space<vmem>>) dst(%dma_wait3A_241 : memref<10000x16xf32, #tpu.memory_space<vmem_shared>>)
      %add3A_242 = arith.constant 5 : i32
      %add3A_243 = arith.addi %add3A_235, %add3A_242 : i32
      %lt3A_244 = arith.constant 125 : i32
      %lt3A_245 = arith.cmpi slt, %add3A_243, %lt3A_244 : i32
      %convert_element_type3A_246 = arith.extui %lt3A_245 : i1 to i32
      %cond3A_247 = arith.constant 0 : i32
      %cond3A_248 = arith.cmpi ne, %convert_element_type3A_246, %cond3A_247 : i32
      scf.if %cond3A_248 {
        %mul3A_249 = arith.constant 80 : i32
        %mul3A_250 = arith.muli %add3A_243, %mul3A_249 : i32
        %multiple_of3A_251 = tpu.assume_multiple %mul3A_250, 80 : i32
        %dma_start3A_252 = tpu.memref_slice %arg6[%multiple_of3A_251] : memref<10000xi32, #tpu.memory_space<vmem>> -> memref<80xi32, #tpu.memory_space<vmem>>
        %dma_start3A_253 = arith.constant 0 : i32
        %dma_start3A_254 = arith.constant 0 : i32
        %dma_start3A_255 = tpu.memref_slice %arg10[%dma_start3A_253, %dma_start3A_254] : memref<10000x16xf32, #tpu.memory_space<vmem_shared>> -> memref<10000x16xf32, #tpu.memory_space<vmem_shared>>
        tpu.enqueue_indirect_dma source(%dma_start3A_255 : memref<10000x16xf32, #tpu.memory_space<vmem_shared>>) target(%arg15 : memref<80x16xf32, #tpu.memory_space<vmem>>) offsets(%dma_start3A_252 : memref<80xi32, #tpu.memory_space<vmem>>) semaphore(%arg20 : memref<!tpu.dma_semaphore, #tpu.memory_space<semaphore_mem>>)
      } else {
      }
    }
    %scan3A_80 = arith.constant 25 : i32
    %barrier3A_81 = arith.constant 0 : index
    tpu.barrier barrier_id(%barrier3A_81)
    "tpu.region"() ({
      %run_scoped3A = tpu.sem_alloc : memref<!tpu.dma_semaphore, #tpu.memory_space<semaphore_mem>>
      %dma_start3A_82 = arith.constant 0 : i32
      %dma_start3A_83 = tpu.memref_slice %arg5[%arg0, %mul3A_2, %dma_start3A_82] : memref<2x10000x16xf32, #tpu.memory_space<hbm>> -> memref<1x625x16xf32, #tpu.memory_space<hbm>>
      %dma_start3A_84 = tpu.memref_squeeze %dma_start3A_83 : memref<1x625x16xf32, #tpu.memory_space<hbm>> -> memref<625x16xf32, #tpu.memory_space<hbm>>
      %dma_start3A_85 = arith.constant 0 : i32
      %dma_start3A_86 = tpu.memref_slice %arg9[%mul3A_2, %dma_start3A_85] : memref<10000x16xf32, #tpu.memory_space<vmem_shared>> -> memref<625x16xf32, #tpu.memory_space<vmem_shared>>
      tpu.enqueue_dma source(%dma_start3A_86 : memref<625x16xf32, #tpu.memory_space<vmem_shared>>) target(%dma_start3A_84 : memref<625x16xf32, #tpu.memory_space<hbm>>) target_semaphore(%run_scoped3A : memref<!tpu.dma_semaphore, #tpu.memory_space<semaphore_mem>>)
      %dma_wait3A_87 = arith.constant 0 : i32
      %dma_wait3A_88 = tpu.memref_slice %arg5[%arg0, %mul3A_2, %dma_wait3A_87] : memref<2x10000x16xf32, #tpu.memory_space<hbm>> -> memref<1x625x16xf32, #tpu.memory_space<hbm>>
      %dma_wait3A_89 = tpu.memref_squeeze %dma_wait3A_88 : memref<1x625x16xf32, #tpu.memory_space<hbm>> -> memref<625x16xf32, #tpu.memory_space<hbm>>
      %dma_wait3A_90 = arith.constant 0 : i32
      %dma_wait3A_91 = tpu.memref_slice %arg9[%mul3A_2, %dma_wait3A_90] : memref<10000x16xf32, #tpu.memory_space<vmem_shared>> -> memref<625x16xf32, #tpu.memory_space<vmem_shared>>
      tpu.wait_dma2 semaphore(%run_scoped3A : memref<!tpu.dma_semaphore, #tpu.memory_space<semaphore_mem>>) src(%dma_wait3A_91 : memref<625x16xf32, #tpu.memory_space<vmem_shared>>) dst(%dma_wait3A_89 : memref<625x16xf32, #tpu.memory_space<hbm>>)
      tpu.yield
    }) : () -> ()
    return
  }
}

#map = affine_map<(d0, d1) -> (0, 0)>
#map1 = affine_map<(d0, d1) -> (0, 0, 0)>
module attributes {stable_mosaic.version = 14 : i64} {
  func.func @_sc_edge_aggregate(%arg0: i32, %arg1: i32, %arg2: memref<10000x16xf32, #tpu.memory_space<hbm>>, %arg3: memref<2x320000xi32, #tpu.memory_space<hbm>>, %arg4: memref<10000x16xf32, #tpu.memory_space<hbm>>, %arg5: memref<2x10000x16xf32, #tpu.memory_space<hbm>>, %arg6: memref<10000xi32, #tpu.memory_space<vmem>>, %arg7: memref<10000xi32, #tpu.memory_space<vmem>>, %arg8: memref<125x80xi32, #tpu.memory_space<vmem>>, %arg9: memref<10000x16xf32, #tpu.memory_space<vmem_shared>>, %arg10: memref<10000x16xf32, #tpu.memory_space<vmem_shared>>, %arg11: memref<80x16xf32, #tpu.memory_space<vmem>>, %arg12: memref<80x16xf32, #tpu.memory_space<vmem>>, %arg13: memref<80x16xf32, #tpu.memory_space<vmem>>, %arg14: memref<80x16xf32, #tpu.memory_space<vmem>>, %arg15: memref<80x16xf32, #tpu.memory_space<vmem>>, %arg16: memref<!tpu.dma_semaphore, #tpu.memory_space<semaphore_mem>>, %arg17: memref<!tpu.dma_semaphore, #tpu.memory_space<semaphore_mem>>, %arg18: memref<!tpu.dma_semaphore, #tpu.memory_space<semaphore_mem>>, %arg19: memref<!tpu.dma_semaphore, #tpu.memory_space<semaphore_mem>>, %arg20: memref<!tpu.dma_semaphore, #tpu.memory_space<semaphore_mem>>, %arg21: memref<!tpu.dma_semaphore, #tpu.memory_space<semaphore_mem>>, %arg22: memref<!tpu.dma_semaphore, #tpu.memory_space<semaphore_mem>>, %arg23: memref<!tpu.dma_semaphore, #tpu.memory_space<semaphore_mem>>, %arg24: memref<!tpu.dma_semaphore, #tpu.memory_space<semaphore_mem>>, %arg25: memref<!tpu.dma_semaphore, #tpu.memory_space<semaphore_mem>>) attributes {dimension_semantics = [#tpu.dimension_semantics<core_parallel>, #tpu.dimension_semantics<subcore_parallel>], iteration_bounds = array<i64: 2, 16>, scalar_prefetch = 0 : i64, scratch_operands = 20 : i64, tpu.core_type = #tpu.core_type<sc_vector_subcore>, window_params = [{transform_indices = #map}, {transform_indices = #map}, {transform_indices = #map}, {transform_indices = #map1}]} {
    %mul3A = arith.constant 16 : i32
    %mul3A_0 = arith.muli %arg0, %mul3A : i32
    %add3A = arith.addi %mul3A_0, %arg1 : i32
    %mul3A_1 = arith.constant 625 : i32
    %mul3A_2 = arith.muli %arg1, %mul3A_1 : i32
    %mul3A_3 = arith.constant 10000 : i32
    %mul3A_4 = arith.muli %add3A, %mul3A_3 : i32
    %dma_start3A = arith.constant 1 : i32
    %dma_start3A_5 = tpu.memref_slice %arg3[%dma_start3A, %mul3A_4] : memref<2x320000xi32, #tpu.memory_space<hbm>> -> memref<1x10000xi32, #tpu.memory_space<hbm>>
    %dma_start3A_6 = tpu.memref_squeeze %dma_start3A_5 : memref<1x10000xi32, #tpu.memory_space<hbm>> -> memref<10000xi32, #tpu.memory_space<hbm>>
    %dma_start3A_7 = tpu.memref_slice %arg3[%dma_start3A, %mul3A_4] : memref<2x320000xi32, #tpu.memory_space<hbm>> -> memref<1x10000xi32, #tpu.memory_space<hbm>>
    %dma_start3A_8 = tpu.memref_squeeze %dma_start3A_7 : memref<1x10000xi32, #tpu.memory_space<hbm>> -> memref<10000xi32, #tpu.memory_space<hbm>>
    tpu.enqueue_dma source(%dma_start3A_8 : memref<10000xi32, #tpu.memory_space<hbm>>) target(%arg7 : memref<10000xi32, #tpu.memory_space<vmem>>) target_semaphore(%arg16 : memref<!tpu.dma_semaphore, #tpu.memory_space<semaphore_mem>>)
    %mul3A_9 = arith.constant 10000 : i32
    %mul3A_10 = arith.muli %add3A, %mul3A_9 : i32
    %dma_start3A_11 = arith.constant 0 : i32
    %dma_start3A_12 = tpu.memref_slice %arg3[%dma_start3A_11, %mul3A_10] : memref<2x320000xi32, #tpu.memory_space<hbm>> -> memref<1x10000xi32, #tpu.memory_space<hbm>>
    %dma_start3A_13 = tpu.memref_squeeze %dma_start3A_12 : memref<1x10000xi32, #tpu.memory_space<hbm>> -> memref<10000xi32, #tpu.memory_space<hbm>>
    %dma_start3A_14 = tpu.memref_slice %arg3[%dma_start3A_11, %mul3A_10] : memref<2x320000xi32, #tpu.memory_space<hbm>> -> memref<1x10000xi32, #tpu.memory_space<hbm>>
    %dma_start3A_15 = tpu.memref_squeeze %dma_start3A_14 : memref<1x10000xi32, #tpu.memory_space<hbm>> -> memref<10000xi32, #tpu.memory_space<hbm>>
    tpu.enqueue_dma source(%dma_start3A_15 : memref<10000xi32, #tpu.memory_space<hbm>>) target(%arg6 : memref<10000xi32, #tpu.memory_space<vmem>>) target_semaphore(%arg17 : memref<!tpu.dma_semaphore, #tpu.memory_space<semaphore_mem>>)
    %dma_start3A_16 = arith.constant 0 : i32
    %dma_start3A_17 = tpu.memref_slice %arg9[%mul3A_2, %dma_start3A_16] : memref<10000x16xf32, #tpu.memory_space<vmem_shared>> -> memref<625x16xf32, #tpu.memory_space<vmem_shared>>
    %dma_start3A_18 = arith.constant 0 : i32
    %dma_start3A_19 = tpu.memref_slice %arg4[%mul3A_2, %dma_start3A_18] : memref<10000x16xf32, #tpu.memory_space<hbm>> -> memref<625x16xf32, #tpu.memory_space<hbm>>
    tpu.enqueue_dma source(%dma_start3A_19 : memref<625x16xf32, #tpu.memory_space<hbm>>) target(%dma_start3A_17 : memref<625x16xf32, #tpu.memory_space<vmem_shared>>) target_semaphore(%arg18 : memref<!tpu.dma_semaphore, #tpu.memory_space<semaphore_mem>>)
    %dma_start3A_20 = arith.constant 0 : i32
    %dma_start3A_21 = tpu.memref_slice %arg10[%mul3A_2, %dma_start3A_20] : memref<10000x16xf32, #tpu.memory_space<vmem_shared>> -> memref<625x16xf32, #tpu.memory_space<vmem_shared>>
    %dma_start3A_22 = arith.constant 0 : i32
    %dma_start3A_23 = tpu.memref_slice %arg2[%mul3A_2, %dma_start3A_22] : memref<10000x16xf32, #tpu.memory_space<hbm>> -> memref<625x16xf32, #tpu.memory_space<hbm>>
    tpu.enqueue_dma source(%dma_start3A_23 : memref<625x16xf32, #tpu.memory_space<hbm>>) target(%dma_start3A_21 : memref<625x16xf32, #tpu.memory_space<vmem_shared>>) target_semaphore(%arg19 : memref<!tpu.dma_semaphore, #tpu.memory_space<semaphore_mem>>)
    %mul3A_24 = arith.constant 10000 : i32
    %mul3A_25 = arith.muli %add3A, %mul3A_24 : i32
    %dma_wait3A = arith.constant 1 : i32
    %dma_wait3A_26 = tpu.memref_slice %arg3[%dma_wait3A, %mul3A_25] : memref<2x320000xi32, #tpu.memory_space<hbm>> -> memref<1x10000xi32, #tpu.memory_space<hbm>>
    %dma_wait3A_27 = tpu.memref_squeeze %dma_wait3A_26 : memref<1x10000xi32, #tpu.memory_space<hbm>> -> memref<10000xi32, #tpu.memory_space<hbm>>
    %dma_wait3A_28 = tpu.memref_slice %arg3[%dma_wait3A, %mul3A_25] : memref<2x320000xi32, #tpu.memory_space<hbm>> -> memref<1x10000xi32, #tpu.memory_space<hbm>>
    %dma_wait3A_29 = tpu.memref_squeeze %dma_wait3A_28 : memref<1x10000xi32, #tpu.memory_space<hbm>> -> memref<10000xi32, #tpu.memory_space<hbm>>
    tpu.wait_dma2 semaphore(%arg16 : memref<!tpu.dma_semaphore, #tpu.memory_space<semaphore_mem>>) src(%dma_wait3A_29 : memref<10000xi32, #tpu.memory_space<hbm>>) dst(%arg7 : memref<10000xi32, #tpu.memory_space<vmem>>)
    %scan3A = arith.constant 0 : i32
    %scan3A_30 = arith.constant 0 : i32
    %scan3A_31 = arith.constant 125 : i32
    %scan3A_32 = arith.addi %scan3A_30, %scan3A_31 : i32
    %scan3A_33 = arith.constant 1 : i32
    scf.for %scan3A_82 = %scan3A_30 to %scan3A_32 step %scan3A_33  : i32 {
      %mul3A_83 = arith.constant 80 : i32
      %mul3A_84 = arith.muli %scan3A_82, %mul3A_83 : i32
      %multiple_of3A = tpu.assume_multiple %mul3A_84, 80 : i32
      %add3A_85 = arith.constant 0 : i32
      %add3A_86 = arith.addi %multiple_of3A, %add3A_85 : i32
      %get3A = arith.index_cast %add3A_86 : i32 to index
      %get3A_87 = tpu.vector_load %arg7[%get3A] {strides = array<i32>} : memref<10000xi32, #tpu.memory_space<vmem>>, vector<16xi32>,
      %get3A_88 = vector.shape_cast %get3A_87 : vector<16xi32> to vector<16xi32>
      %swap3A = arith.index_cast %scan3A_82 : i32 to index
      %swap3A_89 = arith.constant 0 : index
      %swap3A_90 = tpu.vector_load %arg8[%swap3A, %swap3A_89] {strides = array<i32>} : memref<125x80xi32, #tpu.memory_space<vmem>>, vector<1x16xi32>,
      %swap3A_91 = vector.shape_cast %swap3A_90 : vector<1x16xi32> to vector<16xi32>
      %swap3A_92 = vector.shape_cast %get3A_88 : vector<16xi32> to vector<1x16xi32>
      tpu.vector_store %arg8[%swap3A, %swap3A_89], %swap3A_92 {strides = array<i32>} : memref<125x80xi32, #tpu.memory_space<vmem>>, vector<1x16xi32>,
      %add3A_93 = arith.constant 16 : i32
      %add3A_94 = arith.addi %multiple_of3A, %add3A_93 : i32
      %get3A_95 = arith.index_cast %add3A_94 : i32 to index
      %get3A_96 = tpu.vector_load %arg7[%get3A_95] {strides = array<i32>} : memref<10000xi32, #tpu.memory_space<vmem>>, vector<16xi32>,
      %get3A_97 = vector.shape_cast %get3A_96 : vector<16xi32> to vector<16xi32>
      %swap3A_98 = arith.index_cast %scan3A_82 : i32 to index
      %swap3A_99 = arith.constant 16 : index
      %swap3A_100 = tpu.vector_load %arg8[%swap3A_98, %swap3A_99] {strides = array<i32>} : memref<125x80xi32, #tpu.memory_space<vmem>>, vector<1x16xi32>,
      %swap3A_101 = vector.shape_cast %swap3A_100 : vector<1x16xi32> to vector<16xi32>
      %swap3A_102 = vector.shape_cast %get3A_97 : vector<16xi32> to vector<1x16xi32>
      tpu.vector_store %arg8[%swap3A_98, %swap3A_99], %swap3A_102 {strides = array<i32>} : memref<125x80xi32, #tpu.memory_space<vmem>>, vector<1x16xi32>,
      %add3A_103 = arith.constant 32 : i32
      %add3A_104 = arith.addi %multiple_of3A, %add3A_103 : i32
      %get3A_105 = arith.index_cast %add3A_104 : i32 to index
      %get3A_106 = tpu.vector_load %arg7[%get3A_105] {strides = array<i32>} : memref<10000xi32, #tpu.memory_space<vmem>>, vector<16xi32>,
      %get3A_107 = vector.shape_cast %get3A_106 : vector<16xi32> to vector<16xi32>
      %swap3A_108 = arith.index_cast %scan3A_82 : i32 to index
      %swap3A_109 = arith.constant 32 : index
      %swap3A_110 = tpu.vector_load %arg8[%swap3A_108, %swap3A_109] {strides = array<i32>} : memref<125x80xi32, #tpu.memory_space<vmem>>, vector<1x16xi32>,
      %swap3A_111 = vector.shape_cast %swap3A_110 : vector<1x16xi32> to vector<16xi32>
      %swap3A_112 = vector.shape_cast %get3A_107 : vector<16xi32> to vector<1x16xi32>
      tpu.vector_store %arg8[%swap3A_108, %swap3A_109], %swap3A_112 {strides = array<i32>} : memref<125x80xi32, #tpu.memory_space<vmem>>, vector<1x16xi32>,
      %add3A_113 = arith.constant 48 : i32
      %add3A_114 = arith.addi %multiple_of3A, %add3A_113 : i32
      %get3A_115 = arith.index_cast %add3A_114 : i32 to index
      %get3A_116 = tpu.vector_load %arg7[%get3A_115] {strides = array<i32>} : memref<10000xi32, #tpu.memory_space<vmem>>, vector<16xi32>,
      %get3A_117 = vector.shape_cast %get3A_116 : vector<16xi32> to vector<16xi32>
      %swap3A_118 = arith.index_cast %scan3A_82 : i32 to index
      %swap3A_119 = arith.constant 48 : index
      %swap3A_120 = tpu.vector_load %arg8[%swap3A_118, %swap3A_119] {strides = array<i32>} : memref<125x80xi32, #tpu.memory_space<vmem>>, vector<1x16xi32>,
      %swap3A_121 = vector.shape_cast %swap3A_120 : vector<1x16xi32> to vector<16xi32>
      %swap3A_122 = vector.shape_cast %get3A_117 : vector<16xi32> to vector<1x16xi32>
      tpu.vector_store %arg8[%swap3A_118, %swap3A_119], %swap3A_122 {strides = array<i32>} : memref<125x80xi32, #tpu.memory_space<vmem>>, vector<1x16xi32>,
      %add3A_123 = arith.constant 64 : i32
      %add3A_124 = arith.addi %multiple_of3A, %add3A_123 : i32
      %get3A_125 = arith.index_cast %add3A_124 : i32 to index
      %get3A_126 = tpu.vector_load %arg7[%get3A_125] {strides = array<i32>} : memref<10000xi32, #tpu.memory_space<vmem>>, vector<16xi32>,
      %get3A_127 = vector.shape_cast %get3A_126 : vector<16xi32> to vector<16xi32>
      %swap3A_128 = arith.index_cast %scan3A_82 : i32 to index
      %swap3A_129 = arith.constant 64 : index
      %swap3A_130 = tpu.vector_load %arg8[%swap3A_128, %swap3A_129] {strides = array<i32>} : memref<125x80xi32, #tpu.memory_space<vmem>>, vector<1x16xi32>,
      %swap3A_131 = vector.shape_cast %swap3A_130 : vector<1x16xi32> to vector<16xi32>
      %swap3A_132 = vector.shape_cast %get3A_127 : vector<16xi32> to vector<1x16xi32>
      tpu.vector_store %arg8[%swap3A_128, %swap3A_129], %swap3A_132 {strides = array<i32>} : memref<125x80xi32, #tpu.memory_space<vmem>>, vector<1x16xi32>,
    }
    %scan3A_34 = arith.constant 125 : i32
    %mul3A_35 = arith.constant 10000 : i32
    %mul3A_36 = arith.muli %add3A, %mul3A_35 : i32
    %dma_wait3A_37 = arith.constant 0 : i32
    %dma_wait3A_38 = tpu.memref_slice %arg3[%dma_wait3A_37, %mul3A_36] : memref<2x320000xi32, #tpu.memory_space<hbm>> -> memref<1x10000xi32, #tpu.memory_space<hbm>>
    %dma_wait3A_39 = tpu.memref_squeeze %dma_wait3A_38 : memref<1x10000xi32, #tpu.memory_space<hbm>> -> memref<10000xi32, #tpu.memory_space<hbm>>
    %dma_wait3A_40 = tpu.memref_slice %arg3[%dma_wait3A_37, %mul3A_36] : memref<2x320000xi32, #tpu.memory_space<hbm>> -> memref<1x10000xi32, #tpu.memory_space<hbm>>
    %dma_wait3A_41 = tpu.memref_squeeze %dma_wait3A_40 : memref<1x10000xi32, #tpu.memory_space<hbm>> -> memref<10000xi32, #tpu.memory_space<hbm>>
    tpu.wait_dma2 semaphore(%arg17 : memref<!tpu.dma_semaphore, #tpu.memory_space<semaphore_mem>>) src(%dma_wait3A_41 : memref<10000xi32, #tpu.memory_space<hbm>>) dst(%arg6 : memref<10000xi32, #tpu.memory_space<vmem>>)
    %dma_wait3A_42 = arith.constant 0 : i32
    %dma_wait3A_43 = tpu.memref_slice %arg9[%mul3A_2, %dma_wait3A_42] : memref<10000x16xf32, #tpu.memory_space<vmem_shared>> -> memref<625x16xf32, #tpu.memory_space<vmem_shared>>
    %dma_wait3A_44 = arith.constant 0 : i32
    %dma_wait3A_45 = tpu.memref_slice %arg4[%mul3A_2, %dma_wait3A_44] : memref<10000x16xf32, #tpu.memory_space<hbm>> -> memref<625x16xf32, #tpu.memory_space<hbm>>
    tpu.wait_dma2 semaphore(%arg18 : memref<!tpu.dma_semaphore, #tpu.memory_space<semaphore_mem>>) src(%dma_wait3A_45 : memref<625x16xf32, #tpu.memory_space<hbm>>) dst(%dma_wait3A_43 : memref<625x16xf32, #tpu.memory_space<vmem_shared>>)
    %dma_wait3A_46 = arith.constant 0 : i32
    %dma_wait3A_47 = tpu.memref_slice %arg10[%mul3A_2, %dma_wait3A_46] : memref<10000x16xf32, #tpu.memory_space<vmem_shared>> -> memref<625x16xf32, #tpu.memory_space<vmem_shared>>
    %dma_wait3A_48 = arith.constant 0 : i32
    %dma_wait3A_49 = tpu.memref_slice %arg2[%mul3A_2, %dma_wait3A_48] : memref<10000x16xf32, #tpu.memory_space<hbm>> -> memref<625x16xf32, #tpu.memory_space<hbm>>
    tpu.wait_dma2 semaphore(%arg19 : memref<!tpu.dma_semaphore, #tpu.memory_space<semaphore_mem>>) src(%dma_wait3A_49 : memref<625x16xf32, #tpu.memory_space<hbm>>) dst(%dma_wait3A_47 : memref<625x16xf32, #tpu.memory_space<vmem_shared>>)
    %barrier3A = arith.constant 0 : index
    tpu.barrier barrier_id(%barrier3A)
    %dma_start3A_50 = arith.constant 0 : i32
    %dma_start3A_51 = tpu.memref_slice %arg6[%dma_start3A_50] : memref<10000xi32, #tpu.memory_space<vmem>> -> memref<80xi32, #tpu.memory_space<vmem>>
    %dma_start3A_52 = arith.constant 0 : i32
    %dma_start3A_53 = arith.constant 0 : i32
    %dma_start3A_54 = tpu.memref_slice %arg10[%dma_start3A_52, %dma_start3A_53] : memref<10000x16xf32, #tpu.memory_space<vmem_shared>> -> memref<10000x16xf32, #tpu.memory_space<vmem_shared>>
    tpu.enqueue_indirect_dma source(%dma_start3A_54 : memref<10000x16xf32, #tpu.memory_space<vmem_shared>>) target(%arg11 : memref<80x16xf32, #tpu.memory_space<vmem>>) offsets(%dma_start3A_51 : memref<80xi32, #tpu.memory_space<vmem>>) semaphore(%arg16 : memref<!tpu.dma_semaphore, #tpu.memory_space<semaphore_mem>>)
    %dma_start3A_55 = arith.constant 80 : i32
    %dma_start3A_56 = tpu.memref_slice %arg6[%dma_start3A_55] : memref<10000xi32, #tpu.memory_space<vmem>> -> memref<80xi32, #tpu.memory_space<vmem>>
    %dma_start3A_57 = arith.constant 0 : i32
    %dma_start3A_58 = arith.constant 0 : i32
    %dma_start3A_59 = tpu.memref_slice %arg10[%dma_start3A_57, %dma_start3A_58] : memref<10000x16xf32, #tpu.memory_space<vmem_shared>> -> memref<10000x16xf32, #tpu.memory_space<vmem_shared>>
    tpu.enqueue_indirect_dma source(%dma_start3A_59 : memref<10000x16xf32, #tpu.memory_space<vmem_shared>>) target(%arg12 : memref<80x16xf32, #tpu.memory_space<vmem>>) offsets(%dma_start3A_56 : memref<80xi32, #tpu.memory_space<vmem>>) semaphore(%arg17 : memref<!tpu.dma_semaphore, #tpu.memory_space<semaphore_mem>>)
    %dma_start3A_60 = arith.constant 160 : i32
    %dma_start3A_61 = tpu.memref_slice %arg6[%dma_start3A_60] : memref<10000xi32, #tpu.memory_space<vmem>> -> memref<80xi32, #tpu.memory_space<vmem>>
    %dma_start3A_62 = arith.constant 0 : i32
    %dma_start3A_63 = arith.constant 0 : i32
    %dma_start3A_64 = tpu.memref_slice %arg10[%dma_start3A_62, %dma_start3A_63] : memref<10000x16xf32, #tpu.memory_space<vmem_shared>> -> memref<10000x16xf32, #tpu.memory_space<vmem_shared>>
    tpu.enqueue_indirect_dma source(%dma_start3A_64 : memref<10000x16xf32, #tpu.memory_space<vmem_shared>>) target(%arg13 : memref<80x16xf32, #tpu.memory_space<vmem>>) offsets(%dma_start3A_61 : memref<80xi32, #tpu.memory_space<vmem>>) semaphore(%arg18 : memref<!tpu.dma_semaphore, #tpu.memory_space<semaphore_mem>>)
    %dma_start3A_65 = arith.constant 240 : i32
    %dma_start3A_66 = tpu.memref_slice %arg6[%dma_start3A_65] : memref<10000xi32, #tpu.memory_space<vmem>> -> memref<80xi32, #tpu.memory_space<vmem>>
    %dma_start3A_67 = arith.constant 0 : i32
    %dma_start3A_68 = arith.constant 0 : i32
    %dma_start3A_69 = tpu.memref_slice %arg10[%dma_start3A_67, %dma_start3A_68] : memref<10000x16xf32, #tpu.memory_space<vmem_shared>> -> memref<10000x16xf32, #tpu.memory_space<vmem_shared>>
    tpu.enqueue_indirect_dma source(%dma_start3A_69 : memref<10000x16xf32, #tpu.memory_space<vmem_shared>>) target(%arg14 : memref<80x16xf32, #tpu.memory_space<vmem>>) offsets(%dma_start3A_66 : memref<80xi32, #tpu.memory_space<vmem>>) semaphore(%arg19 : memref<!tpu.dma_semaphore, #tpu.memory_space<semaphore_mem>>)
    %dma_start3A_70 = arith.constant 320 : i32
    %dma_start3A_71 = tpu.memref_slice %arg6[%dma_start3A_70] : memref<10000xi32, #tpu.memory_space<vmem>> -> memref<80xi32, #tpu.memory_space<vmem>>
    %dma_start3A_72 = arith.constant 0 : i32
    %dma_start3A_73 = arith.constant 0 : i32
    %dma_start3A_74 = tpu.memref_slice %arg10[%dma_start3A_72, %dma_start3A_73] : memref<10000x16xf32, #tpu.memory_space<vmem_shared>> -> memref<10000x16xf32, #tpu.memory_space<vmem_shared>>
    tpu.enqueue_indirect_dma source(%dma_start3A_74 : memref<10000x16xf32, #tpu.memory_space<vmem_shared>>) target(%arg15 : memref<80x16xf32, #tpu.memory_space<vmem>>) offsets(%dma_start3A_71 : memref<80xi32, #tpu.memory_space<vmem>>) semaphore(%arg20 : memref<!tpu.dma_semaphore, #tpu.memory_space<semaphore_mem>>)
    %scan3A_75 = arith.constant 0 : i32
    %scan3A_76 = arith.constant 0 : i32
    %scan3A_77 = arith.constant 25 : i32
    %scan3A_78 = arith.addi %scan3A_76, %scan3A_77 : i32
    %scan3A_79 = arith.constant 1 : i32
    scf.for %scan3A_82 = %scan3A_76 to %scan3A_78 step %scan3A_79  : i32 {
      %mul3A_83 = arith.constant 5 : i32
      %mul3A_84 = arith.muli %scan3A_82, %mul3A_83 : i32
      %add3A_85 = arith.constant 0 : i32
      %add3A_86 = arith.addi %mul3A_84, %add3A_85 : i32
      %mul3A_87 = arith.constant 80 : i32
      %mul3A_88 = arith.muli %add3A_86, %mul3A_87 : i32
      %multiple_of3A = tpu.assume_multiple %mul3A_88, 80 : i32
      %dma_wait3A_89 = tpu.memref_slice %arg6[%multiple_of3A] : memref<10000xi32, #tpu.memory_space<vmem>> -> memref<80xi32, #tpu.memory_space<vmem>>
      %dma_wait3A_90 = arith.constant 0 : i32
      %dma_wait3A_91 = arith.constant 0 : i32
      %dma_wait3A_92 = tpu.memref_slice %arg10[%dma_wait3A_90, %dma_wait3A_91] : memref<10000x16xf32, #tpu.memory_space<vmem_shared>> -> memref<10000x16xf32, #tpu.memory_space<vmem_shared>>
      tpu.wait_indirect_dma semaphore(%arg16 : memref<!tpu.dma_semaphore, #tpu.memory_space<semaphore_mem>>) src(%dma_wait3A_92 : memref<10000x16xf32, #tpu.memory_space<vmem_shared>>) dst(%arg11 : memref<80x16xf32, #tpu.memory_space<vmem>>)
      %dma_start3A_93 = arith.constant 0 : i32
      %dma_start3A_94 = tpu.memref_slice %arg8[%add3A_86, %dma_start3A_93] : memref<125x80xi32, #tpu.memory_space<vmem>> -> memref<1x80xi32, #tpu.memory_space<vmem>>
      %dma_start3A_95 = tpu.memref_squeeze %dma_start3A_94 : memref<1x80xi32, #tpu.memory_space<vmem>> -> memref<80xi32, #tpu.memory_space<vmem>>
      %dma_start3A_96 = arith.constant 0 : i32
      %dma_start3A_97 = arith.constant 0 : i32
      %dma_start3A_98 = tpu.memref_slice %arg9[%dma_start3A_96, %dma_start3A_97] : memref<10000x16xf32, #tpu.memory_space<vmem_shared>> -> memref<10000x16xf32, #tpu.memory_space<vmem_shared>>
      tpu.enqueue_indirect_dma source(%arg11 : memref<80x16xf32, #tpu.memory_space<vmem>>) target(%dma_start3A_98 : memref<10000x16xf32, #tpu.memory_space<vmem_shared>>) offsets(%dma_start3A_95 : memref<80xi32, #tpu.memory_space<vmem>>) semaphore(%arg21 : memref<!tpu.dma_semaphore, #tpu.memory_space<semaphore_mem>>) {add = true}
      %mul3A_99 = arith.constant 5 : i32
      %mul3A_100 = arith.muli %scan3A_82, %mul3A_99 : i32
      %add3A_101 = arith.constant 1 : i32
      %add3A_102 = arith.addi %mul3A_100, %add3A_101 : i32
      %mul3A_103 = arith.constant 80 : i32
      %mul3A_104 = arith.muli %add3A_102, %mul3A_103 : i32
      %multiple_of3A_105 = tpu.assume_multiple %mul3A_104, 80 : i32
      %dma_wait3A_106 = tpu.memref_slice %arg6[%multiple_of3A_105] : memref<10000xi32, #tpu.memory_space<vmem>> -> memref<80xi32, #tpu.memory_space<vmem>>
      %dma_wait3A_107 = arith.constant 0 : i32
      %dma_wait3A_108 = arith.constant 0 : i32
      %dma_wait3A_109 = tpu.memref_slice %arg10[%dma_wait3A_107, %dma_wait3A_108] : memref<10000x16xf32, #tpu.memory_space<vmem_shared>> -> memref<10000x16xf32, #tpu.memory_space<vmem_shared>>
      tpu.wait_indirect_dma semaphore(%arg17 : memref<!tpu.dma_semaphore, #tpu.memory_space<semaphore_mem>>) src(%dma_wait3A_109 : memref<10000x16xf32, #tpu.memory_space<vmem_shared>>) dst(%arg12 : memref<80x16xf32, #tpu.memory_space<vmem>>)
      %dma_start3A_110 = arith.constant 0 : i32
      %dma_start3A_111 = tpu.memref_slice %arg8[%add3A_102, %dma_start3A_110] : memref<125x80xi32, #tpu.memory_space<vmem>> -> memref<1x80xi32, #tpu.memory_space<vmem>>
      %dma_start3A_112 = tpu.memref_squeeze %dma_start3A_111 : memref<1x80xi32, #tpu.memory_space<vmem>> -> memref<80xi32, #tpu.memory_space<vmem>>
      %dma_start3A_113 = arith.constant 0 : i32
      %dma_start3A_114 = arith.constant 0 : i32
      %dma_start3A_115 = tpu.memref_slice %arg9[%dma_start3A_113, %dma_start3A_114] : memref<10000x16xf32, #tpu.memory_space<vmem_shared>> -> memref<10000x16xf32, #tpu.memory_space<vmem_shared>>
      tpu.enqueue_indirect_dma source(%arg12 : memref<80x16xf32, #tpu.memory_space<vmem>>) target(%dma_start3A_115 : memref<10000x16xf32, #tpu.memory_space<vmem_shared>>) offsets(%dma_start3A_112 : memref<80xi32, #tpu.memory_space<vmem>>) semaphore(%arg22 : memref<!tpu.dma_semaphore, #tpu.memory_space<semaphore_mem>>) {add = true}
      %mul3A_116 = arith.constant 5 : i32
      %mul3A_117 = arith.muli %scan3A_82, %mul3A_116 : i32
      %add3A_118 = arith.constant 2 : i32
      %add3A_119 = arith.addi %mul3A_117, %add3A_118 : i32
      %mul3A_120 = arith.constant 80 : i32
      %mul3A_121 = arith.muli %add3A_119, %mul3A_120 : i32
      %multiple_of3A_122 = tpu.assume_multiple %mul3A_121, 80 : i32
      %dma_wait3A_123 = tpu.memref_slice %arg6[%multiple_of3A_122] : memref<10000xi32, #tpu.memory_space<vmem>> -> memref<80xi32, #tpu.memory_space<vmem>>
      %dma_wait3A_124 = arith.constant 0 : i32
      %dma_wait3A_125 = arith.constant 0 : i32
      %dma_wait3A_126 = tpu.memref_slice %arg10[%dma_wait3A_124, %dma_wait3A_125] : memref<10000x16xf32, #tpu.memory_space<vmem_shared>> -> memref<10000x16xf32, #tpu.memory_space<vmem_shared>>
      tpu.wait_indirect_dma semaphore(%arg18 : memref<!tpu.dma_semaphore, #tpu.memory_space<semaphore_mem>>) src(%dma_wait3A_126 : memref<10000x16xf32, #tpu.memory_space<vmem_shared>>) dst(%arg13 : memref<80x16xf32, #tpu.memory_space<vmem>>)
      %dma_start3A_127 = arith.constant 0 : i32
      %dma_start3A_128 = tpu.memref_slice %arg8[%add3A_119, %dma_start3A_127] : memref<125x80xi32, #tpu.memory_space<vmem>> -> memref<1x80xi32, #tpu.memory_space<vmem>>
      %dma_start3A_129 = tpu.memref_squeeze %dma_start3A_128 : memref<1x80xi32, #tpu.memory_space<vmem>> -> memref<80xi32, #tpu.memory_space<vmem>>
      %dma_start3A_130 = arith.constant 0 : i32
      %dma_start3A_131 = arith.constant 0 : i32
      %dma_start3A_132 = tpu.memref_slice %arg9[%dma_start3A_130, %dma_start3A_131] : memref<10000x16xf32, #tpu.memory_space<vmem_shared>> -> memref<10000x16xf32, #tpu.memory_space<vmem_shared>>
      tpu.enqueue_indirect_dma source(%arg13 : memref<80x16xf32, #tpu.memory_space<vmem>>) target(%dma_start3A_132 : memref<10000x16xf32, #tpu.memory_space<vmem_shared>>) offsets(%dma_start3A_129 : memref<80xi32, #tpu.memory_space<vmem>>) semaphore(%arg23 : memref<!tpu.dma_semaphore, #tpu.memory_space<semaphore_mem>>) {add = true}
      %mul3A_133 = arith.constant 5 : i32
      %mul3A_134 = arith.muli %scan3A_82, %mul3A_133 : i32
      %add3A_135 = arith.constant 3 : i32
      %add3A_136 = arith.addi %mul3A_134, %add3A_135 : i32
      %mul3A_137 = arith.constant 80 : i32
      %mul3A_138 = arith.muli %add3A_136, %mul3A_137 : i32
      %multiple_of3A_139 = tpu.assume_multiple %mul3A_138, 80 : i32
      %dma_wait3A_140 = tpu.memref_slice %arg6[%multiple_of3A_139] : memref<10000xi32, #tpu.memory_space<vmem>> -> memref<80xi32, #tpu.memory_space<vmem>>
      %dma_wait3A_141 = arith.constant 0 : i32
      %dma_wait3A_142 = arith.constant 0 : i32
      %dma_wait3A_143 = tpu.memref_slice %arg10[%dma_wait3A_141, %dma_wait3A_142] : memref<10000x16xf32, #tpu.memory_space<vmem_shared>> -> memref<10000x16xf32, #tpu.memory_space<vmem_shared>>
      tpu.wait_indirect_dma semaphore(%arg19 : memref<!tpu.dma_semaphore, #tpu.memory_space<semaphore_mem>>) src(%dma_wait3A_143 : memref<10000x16xf32, #tpu.memory_space<vmem_shared>>) dst(%arg14 : memref<80x16xf32, #tpu.memory_space<vmem>>)
      %dma_start3A_144 = arith.constant 0 : i32
      %dma_start3A_145 = tpu.memref_slice %arg8[%add3A_136, %dma_start3A_144] : memref<125x80xi32, #tpu.memory_space<vmem>> -> memref<1x80xi32, #tpu.memory_space<vmem>>
      %dma_start3A_146 = tpu.memref_squeeze %dma_start3A_145 : memref<1x80xi32, #tpu.memory_space<vmem>> -> memref<80xi32, #tpu.memory_space<vmem>>
      %dma_start3A_147 = arith.constant 0 : i32
      %dma_start3A_148 = arith.constant 0 : i32
      %dma_start3A_149 = tpu.memref_slice %arg9[%dma_start3A_147, %dma_start3A_148] : memref<10000x16xf32, #tpu.memory_space<vmem_shared>> -> memref<10000x16xf32, #tpu.memory_space<vmem_shared>>
      tpu.enqueue_indirect_dma source(%arg14 : memref<80x16xf32, #tpu.memory_space<vmem>>) target(%dma_start3A_149 : memref<10000x16xf32, #tpu.memory_space<vmem_shared>>) offsets(%dma_start3A_146 : memref<80xi32, #tpu.memory_space<vmem>>) semaphore(%arg24 : memref<!tpu.dma_semaphore, #tpu.memory_space<semaphore_mem>>) {add = true}
      %mul3A_150 = arith.constant 5 : i32
      %mul3A_151 = arith.muli %scan3A_82, %mul3A_150 : i32
      %add3A_152 = arith.constant 4 : i32
      %add3A_153 = arith.addi %mul3A_151, %add3A_152 : i32
      %mul3A_154 = arith.constant 80 : i32
      %mul3A_155 = arith.muli %add3A_153, %mul3A_154 : i32
      %multiple_of3A_156 = tpu.assume_multiple %mul3A_155, 80 : i32
      %dma_wait3A_157 = tpu.memref_slice %arg6[%multiple_of3A_156] : memref<10000xi32, #tpu.memory_space<vmem>> -> memref<80xi32, #tpu.memory_space<vmem>>
      %dma_wait3A_158 = arith.constant 0 : i32
      %dma_wait3A_159 = arith.constant 0 : i32
      %dma_wait3A_160 = tpu.memref_slice %arg10[%dma_wait3A_158, %dma_wait3A_159] : memref<10000x16xf32, #tpu.memory_space<vmem_shared>> -> memref<10000x16xf32, #tpu.memory_space<vmem_shared>>
      tpu.wait_indirect_dma semaphore(%arg20 : memref<!tpu.dma_semaphore, #tpu.memory_space<semaphore_mem>>) src(%dma_wait3A_160 : memref<10000x16xf32, #tpu.memory_space<vmem_shared>>) dst(%arg15 : memref<80x16xf32, #tpu.memory_space<vmem>>)
      %dma_start3A_161 = arith.constant 0 : i32
      %dma_start3A_162 = tpu.memref_slice %arg8[%add3A_153, %dma_start3A_161] : memref<125x80xi32, #tpu.memory_space<vmem>> -> memref<1x80xi32, #tpu.memory_space<vmem>>
      %dma_start3A_163 = tpu.memref_squeeze %dma_start3A_162 : memref<1x80xi32, #tpu.memory_space<vmem>> -> memref<80xi32, #tpu.memory_space<vmem>>
      %dma_start3A_164 = arith.constant 0 : i32
      %dma_start3A_165 = arith.constant 0 : i32
      %dma_start3A_166 = tpu.memref_slice %arg9[%dma_start3A_164, %dma_start3A_165] : memref<10000x16xf32, #tpu.memory_space<vmem_shared>> -> memref<10000x16xf32, #tpu.memory_space<vmem_shared>>
      tpu.enqueue_indirect_dma source(%arg15 : memref<80x16xf32, #tpu.memory_space<vmem>>) target(%dma_start3A_166 : memref<10000x16xf32, #tpu.memory_space<vmem_shared>>) offsets(%dma_start3A_163 : memref<80xi32, #tpu.memory_space<vmem>>) semaphore(%arg25 : memref<!tpu.dma_semaphore, #tpu.memory_space<semaphore_mem>>) {add = true}
      %mul3A_167 = arith.constant 5 : i32
      %mul3A_168 = arith.muli %scan3A_82, %mul3A_167 : i32
      %add3A_169 = arith.constant 0 : i32
      %add3A_170 = arith.addi %mul3A_168, %add3A_169 : i32
      %dma_wait3A_171 = arith.constant 0 : i32
      %dma_wait3A_172 = tpu.memref_slice %arg8[%add3A_170, %dma_wait3A_171] : memref<125x80xi32, #tpu.memory_space<vmem>> -> memref<1x80xi32, #tpu.memory_space<vmem>>
      %dma_wait3A_173 = tpu.memref_squeeze %dma_wait3A_172 : memref<1x80xi32, #tpu.memory_space<vmem>> -> memref<80xi32, #tpu.memory_space<vmem>>
      %dma_wait3A_174 = arith.constant 0 : i32
      %dma_wait3A_175 = arith.constant 0 : i32
      %dma_wait3A_176 = tpu.memref_slice %arg9[%dma_wait3A_174, %dma_wait3A_175] : memref<10000x16xf32, #tpu.memory_space<vmem_shared>> -> memref<10000x16xf32, #tpu.memory_space<vmem_shared>>
      tpu.wait_indirect_dma semaphore(%arg21 : memref<!tpu.dma_semaphore, #tpu.memory_space<semaphore_mem>>) src(%arg11 : memref<80x16xf32, #tpu.memory_space<vmem>>) dst(%dma_wait3A_176 : memref<10000x16xf32, #tpu.memory_space<vmem_shared>>)
      %add3A_177 = arith.constant 5 : i32
      %add3A_178 = arith.addi %add3A_170, %add3A_177 : i32
      %lt3A = arith.constant 125 : i32
      %lt3A_179 = arith.cmpi slt, %add3A_178, %lt3A : i32
      %convert_element_type3A = arith.extui %lt3A_179 : i1 to i32
      %cond3A = arith.constant 0 : i32
      %cond3A_180 = arith.cmpi ne, %convert_element_type3A, %cond3A : i32
      scf.if %cond3A_180 {
        %mul3A_249 = arith.constant 80 : i32
        %mul3A_250 = arith.muli %add3A_178, %mul3A_249 : i32
        %multiple_of3A_251 = tpu.assume_multiple %mul3A_250, 80 : i32
        %dma_start3A_252 = tpu.memref_slice %arg6[%multiple_of3A_251] : memref<10000xi32, #tpu.memory_space<vmem>> -> memref<80xi32, #tpu.memory_space<vmem>>
        %dma_start3A_253 = arith.constant 0 : i32
        %dma_start3A_254 = arith.constant 0 : i32
        %dma_start3A_255 = tpu.memref_slice %arg10[%dma_start3A_253, %dma_start3A_254] : memref<10000x16xf32, #tpu.memory_space<vmem_shared>> -> memref<10000x16xf32, #tpu.memory_space<vmem_shared>>
        tpu.enqueue_indirect_dma source(%dma_start3A_255 : memref<10000x16xf32, #tpu.memory_space<vmem_shared>>) target(%arg11 : memref<80x16xf32, #tpu.memory_space<vmem>>) offsets(%dma_start3A_252 : memref<80xi32, #tpu.memory_space<vmem>>) semaphore(%arg16 : memref<!tpu.dma_semaphore, #tpu.memory_space<semaphore_mem>>)
      } else {
      }
      %mul3A_181 = arith.constant 5 : i32
      %mul3A_182 = arith.muli %scan3A_82, %mul3A_181 : i32
      %add3A_183 = arith.constant 1 : i32
      %add3A_184 = arith.addi %mul3A_182, %add3A_183 : i32
      %dma_wait3A_185 = arith.constant 0 : i32
      %dma_wait3A_186 = tpu.memref_slice %arg8[%add3A_184, %dma_wait3A_185] : memref<125x80xi32, #tpu.memory_space<vmem>> -> memref<1x80xi32, #tpu.memory_space<vmem>>
      %dma_wait3A_187 = tpu.memref_squeeze %dma_wait3A_186 : memref<1x80xi32, #tpu.memory_space<vmem>> -> memref<80xi32, #tpu.memory_space<vmem>>
      %dma_wait3A_188 = arith.constant 0 : i32
      %dma_wait3A_189 = arith.constant 0 : i32
      %dma_wait3A_190 = tpu.memref_slice %arg9[%dma_wait3A_188, %dma_wait3A_189] : memref<10000x16xf32, #tpu.memory_space<vmem_shared>> -> memref<10000x16xf32, #tpu.memory_space<vmem_shared>>
      tpu.wait_indirect_dma semaphore(%arg22 : memref<!tpu.dma_semaphore, #tpu.memory_space<semaphore_mem>>) src(%arg12 : memref<80x16xf32, #tpu.memory_space<vmem>>) dst(%dma_wait3A_190 : memref<10000x16xf32, #tpu.memory_space<vmem_shared>>)
      %add3A_191 = arith.constant 5 : i32
      %add3A_192 = arith.addi %add3A_184, %add3A_191 : i32
      %lt3A_193 = arith.constant 125 : i32
      %lt3A_194 = arith.cmpi slt, %add3A_192, %lt3A_193 : i32
      %convert_element_type3A_195 = arith.extui %lt3A_194 : i1 to i32
      %cond3A_196 = arith.constant 0 : i32
      %cond3A_197 = arith.cmpi ne, %convert_element_type3A_195, %cond3A_196 : i32
      scf.if %cond3A_197 {
        %mul3A_249 = arith.constant 80 : i32
        %mul3A_250 = arith.muli %add3A_192, %mul3A_249 : i32
        %multiple_of3A_251 = tpu.assume_multiple %mul3A_250, 80 : i32
        %dma_start3A_252 = tpu.memref_slice %arg6[%multiple_of3A_251] : memref<10000xi32, #tpu.memory_space<vmem>> -> memref<80xi32, #tpu.memory_space<vmem>>
        %dma_start3A_253 = arith.constant 0 : i32
        %dma_start3A_254 = arith.constant 0 : i32
        %dma_start3A_255 = tpu.memref_slice %arg10[%dma_start3A_253, %dma_start3A_254] : memref<10000x16xf32, #tpu.memory_space<vmem_shared>> -> memref<10000x16xf32, #tpu.memory_space<vmem_shared>>
        tpu.enqueue_indirect_dma source(%dma_start3A_255 : memref<10000x16xf32, #tpu.memory_space<vmem_shared>>) target(%arg12 : memref<80x16xf32, #tpu.memory_space<vmem>>) offsets(%dma_start3A_252 : memref<80xi32, #tpu.memory_space<vmem>>) semaphore(%arg17 : memref<!tpu.dma_semaphore, #tpu.memory_space<semaphore_mem>>)
      } else {
      }
      %mul3A_198 = arith.constant 5 : i32
      %mul3A_199 = arith.muli %scan3A_82, %mul3A_198 : i32
      %add3A_200 = arith.constant 2 : i32
      %add3A_201 = arith.addi %mul3A_199, %add3A_200 : i32
      %dma_wait3A_202 = arith.constant 0 : i32
      %dma_wait3A_203 = tpu.memref_slice %arg8[%add3A_201, %dma_wait3A_202] : memref<125x80xi32, #tpu.memory_space<vmem>> -> memref<1x80xi32, #tpu.memory_space<vmem>>
      %dma_wait3A_204 = tpu.memref_squeeze %dma_wait3A_203 : memref<1x80xi32, #tpu.memory_space<vmem>> -> memref<80xi32, #tpu.memory_space<vmem>>
      %dma_wait3A_205 = arith.constant 0 : i32
      %dma_wait3A_206 = arith.constant 0 : i32
      %dma_wait3A_207 = tpu.memref_slice %arg9[%dma_wait3A_205, %dma_wait3A_206] : memref<10000x16xf32, #tpu.memory_space<vmem_shared>> -> memref<10000x16xf32, #tpu.memory_space<vmem_shared>>
      tpu.wait_indirect_dma semaphore(%arg23 : memref<!tpu.dma_semaphore, #tpu.memory_space<semaphore_mem>>) src(%arg13 : memref<80x16xf32, #tpu.memory_space<vmem>>) dst(%dma_wait3A_207 : memref<10000x16xf32, #tpu.memory_space<vmem_shared>>)
      %add3A_208 = arith.constant 5 : i32
      %add3A_209 = arith.addi %add3A_201, %add3A_208 : i32
      %lt3A_210 = arith.constant 125 : i32
      %lt3A_211 = arith.cmpi slt, %add3A_209, %lt3A_210 : i32
      %convert_element_type3A_212 = arith.extui %lt3A_211 : i1 to i32
      %cond3A_213 = arith.constant 0 : i32
      %cond3A_214 = arith.cmpi ne, %convert_element_type3A_212, %cond3A_213 : i32
      scf.if %cond3A_214 {
        %mul3A_249 = arith.constant 80 : i32
        %mul3A_250 = arith.muli %add3A_209, %mul3A_249 : i32
        %multiple_of3A_251 = tpu.assume_multiple %mul3A_250, 80 : i32
        %dma_start3A_252 = tpu.memref_slice %arg6[%multiple_of3A_251] : memref<10000xi32, #tpu.memory_space<vmem>> -> memref<80xi32, #tpu.memory_space<vmem>>
        %dma_start3A_253 = arith.constant 0 : i32
        %dma_start3A_254 = arith.constant 0 : i32
        %dma_start3A_255 = tpu.memref_slice %arg10[%dma_start3A_253, %dma_start3A_254] : memref<10000x16xf32, #tpu.memory_space<vmem_shared>> -> memref<10000x16xf32, #tpu.memory_space<vmem_shared>>
        tpu.enqueue_indirect_dma source(%dma_start3A_255 : memref<10000x16xf32, #tpu.memory_space<vmem_shared>>) target(%arg13 : memref<80x16xf32, #tpu.memory_space<vmem>>) offsets(%dma_start3A_252 : memref<80xi32, #tpu.memory_space<vmem>>) semaphore(%arg18 : memref<!tpu.dma_semaphore, #tpu.memory_space<semaphore_mem>>)
      } else {
      }
      %mul3A_215 = arith.constant 5 : i32
      %mul3A_216 = arith.muli %scan3A_82, %mul3A_215 : i32
      %add3A_217 = arith.constant 3 : i32
      %add3A_218 = arith.addi %mul3A_216, %add3A_217 : i32
      %dma_wait3A_219 = arith.constant 0 : i32
      %dma_wait3A_220 = tpu.memref_slice %arg8[%add3A_218, %dma_wait3A_219] : memref<125x80xi32, #tpu.memory_space<vmem>> -> memref<1x80xi32, #tpu.memory_space<vmem>>
      %dma_wait3A_221 = tpu.memref_squeeze %dma_wait3A_220 : memref<1x80xi32, #tpu.memory_space<vmem>> -> memref<80xi32, #tpu.memory_space<vmem>>
      %dma_wait3A_222 = arith.constant 0 : i32
      %dma_wait3A_223 = arith.constant 0 : i32
      %dma_wait3A_224 = tpu.memref_slice %arg9[%dma_wait3A_222, %dma_wait3A_223] : memref<10000x16xf32, #tpu.memory_space<vmem_shared>> -> memref<10000x16xf32, #tpu.memory_space<vmem_shared>>
      tpu.wait_indirect_dma semaphore(%arg24 : memref<!tpu.dma_semaphore, #tpu.memory_space<semaphore_mem>>) src(%arg14 : memref<80x16xf32, #tpu.memory_space<vmem>>) dst(%dma_wait3A_224 : memref<10000x16xf32, #tpu.memory_space<vmem_shared>>)
      %add3A_225 = arith.constant 5 : i32
      %add3A_226 = arith.addi %add3A_218, %add3A_225 : i32
      %lt3A_227 = arith.constant 125 : i32
      %lt3A_228 = arith.cmpi slt, %add3A_226, %lt3A_227 : i32
      %convert_element_type3A_229 = arith.extui %lt3A_228 : i1 to i32
      %cond3A_230 = arith.constant 0 : i32
      %cond3A_231 = arith.cmpi ne, %convert_element_type3A_229, %cond3A_230 : i32
      scf.if %cond3A_231 {
        %mul3A_249 = arith.constant 80 : i32
        %mul3A_250 = arith.muli %add3A_226, %mul3A_249 : i32
        %multiple_of3A_251 = tpu.assume_multiple %mul3A_250, 80 : i32
        %dma_start3A_252 = tpu.memref_slice %arg6[%multiple_of3A_251] : memref<10000xi32, #tpu.memory_space<vmem>> -> memref<80xi32, #tpu.memory_space<vmem>>
        %dma_start3A_253 = arith.constant 0 : i32
        %dma_start3A_254 = arith.constant 0 : i32
        %dma_start3A_255 = tpu.memref_slice %arg10[%dma_start3A_253, %dma_start3A_254] : memref<10000x16xf32, #tpu.memory_space<vmem_shared>> -> memref<10000x16xf32, #tpu.memory_space<vmem_shared>>
        tpu.enqueue_indirect_dma source(%dma_start3A_255 : memref<10000x16xf32, #tpu.memory_space<vmem_shared>>) target(%arg14 : memref<80x16xf32, #tpu.memory_space<vmem>>) offsets(%dma_start3A_252 : memref<80xi32, #tpu.memory_space<vmem>>) semaphore(%arg19 : memref<!tpu.dma_semaphore, #tpu.memory_space<semaphore_mem>>)
      } else {
      }
      %mul3A_232 = arith.constant 5 : i32
      %mul3A_233 = arith.muli %scan3A_82, %mul3A_232 : i32
      %add3A_234 = arith.constant 4 : i32
      %add3A_235 = arith.addi %mul3A_233, %add3A_234 : i32
      %dma_wait3A_236 = arith.constant 0 : i32
      %dma_wait3A_237 = tpu.memref_slice %arg8[%add3A_235, %dma_wait3A_236] : memref<125x80xi32, #tpu.memory_space<vmem>> -> memref<1x80xi32, #tpu.memory_space<vmem>>
      %dma_wait3A_238 = tpu.memref_squeeze %dma_wait3A_237 : memref<1x80xi32, #tpu.memory_space<vmem>> -> memref<80xi32, #tpu.memory_space<vmem>>
      %dma_wait3A_239 = arith.constant 0 : i32
      %dma_wait3A_240 = arith.constant 0 : i32
      %dma_wait3A_241 = tpu.memref_slice %arg9[%dma_wait3A_239, %dma_wait3A_240] : memref<10000x16xf32, #tpu.memory_space<vmem_shared>> -> memref<10000x16xf32, #tpu.memory_space<vmem_shared>>
      tpu.wait_indirect_dma semaphore(%arg25 : memref<!tpu.dma_semaphore, #tpu.memory_space<semaphore_mem>>) src(%arg15 : memref<80x16xf32, #tpu.memory_space<vmem>>) dst(%dma_wait3A_241 : memref<10000x16xf32, #tpu.memory_space<vmem_shared>>)
      %add3A_242 = arith.constant 5 : i32
      %add3A_243 = arith.addi %add3A_235, %add3A_242 : i32
      %lt3A_244 = arith.constant 125 : i32
      %lt3A_245 = arith.cmpi slt, %add3A_243, %lt3A_244 : i32
      %convert_element_type3A_246 = arith.extui %lt3A_245 : i1 to i32
      %cond3A_247 = arith.constant 0 : i32
      %cond3A_248 = arith.cmpi ne, %convert_element_type3A_246, %cond3A_247 : i32
      scf.if %cond3A_248 {
        %mul3A_249 = arith.constant 80 : i32
        %mul3A_250 = arith.muli %add3A_243, %mul3A_249 : i32
        %multiple_of3A_251 = tpu.assume_multiple %mul3A_250, 80 : i32
        %dma_start3A_252 = tpu.memref_slice %arg6[%multiple_of3A_251] : memref<10000xi32, #tpu.memory_space<vmem>> -> memref<80xi32, #tpu.memory_space<vmem>>
        %dma_start3A_253 = arith.constant 0 : i32
        %dma_start3A_254 = arith.constant 0 : i32
        %dma_start3A_255 = tpu.memref_slice %arg10[%dma_start3A_253, %dma_start3A_254] : memref<10000x16xf32, #tpu.memory_space<vmem_shared>> -> memref<10000x16xf32, #tpu.memory_space<vmem_shared>>
        tpu.enqueue_indirect_dma source(%dma_start3A_255 : memref<10000x16xf32, #tpu.memory_space<vmem_shared>>) target(%arg15 : memref<80x16xf32, #tpu.memory_space<vmem>>) offsets(%dma_start3A_252 : memref<80xi32, #tpu.memory_space<vmem>>) semaphore(%arg20 : memref<!tpu.dma_semaphore, #tpu.memory_space<semaphore_mem>>)
      } else {
      }
    }
    %scan3A_80 = arith.constant 25 : i32
    %barrier3A_81 = arith.constant 0 : index
    tpu.barrier barrier_id(%barrier3A_81)
    "tpu.region"() ({
      %run_scoped3A = tpu.sem_alloc : memref<!tpu.dma_semaphore, #tpu.memory_space<semaphore_mem>>
      %dma_start3A_82 = arith.constant 0 : i32
      %dma_start3A_83 = tpu.memref_slice %arg5[%arg0, %mul3A_2, %dma_start3A_82] : memref<2x10000x16xf32, #tpu.memory_space<hbm>> -> memref<1x625x16xf32, #tpu.memory_space<hbm>>
      %dma_start3A_84 = tpu.memref_squeeze %dma_start3A_83 : memref<1x625x16xf32, #tpu.memory_space<hbm>> -> memref<625x16xf32, #tpu.memory_space<hbm>>
      %dma_start3A_85 = arith.constant 0 : i32
      %dma_start3A_86 = tpu.memref_slice %arg9[%mul3A_2, %dma_start3A_85] : memref<10000x16xf32, #tpu.memory_space<vmem_shared>> -> memref<625x16xf32, #tpu.memory_space<vmem_shared>>
      tpu.enqueue_dma source(%dma_start3A_86 : memref<625x16xf32, #tpu.memory_space<vmem_shared>>) target(%dma_start3A_84 : memref<625x16xf32, #tpu.memory_space<hbm>>) target_semaphore(%run_scoped3A : memref<!tpu.dma_semaphore, #tpu.memory_space<semaphore_mem>>)
      %dma_wait3A_87 = arith.constant 0 : i32
      %dma_wait3A_88 = tpu.memref_slice %arg5[%arg0, %mul3A_2, %dma_wait3A_87] : memref<2x10000x16xf32, #tpu.memory_space<hbm>> -> memref<1x625x16xf32, #tpu.memory_space<hbm>>
      %dma_wait3A_89 = tpu.memref_squeeze %dma_wait3A_88 : memref<1x625x16xf32, #tpu.memory_space<hbm>> -> memref<625x16xf32, #tpu.memory_space<hbm>>
      %dma_wait3A_90 = arith.constant 0 : i32
      %dma_wait3A_91 = tpu.memref_slice %arg9[%mul3A_2, %dma_wait3A_90] : memref<10000x16xf32, #tpu.memory_space<vmem_shared>> -> memref<625x16xf32, #tpu.memory_space<vmem_shared>>
      tpu.wait_dma2 semaphore(%run_scoped3A : memref<!tpu.dma_semaphore, #tpu.memory_space<semaphore_mem>>) src(%dma_wait3A_91 : memref<625x16xf32, #tpu.memory_space<vmem_shared>>) dst(%dma_wait3A_89 : memref<625x16xf32, #tpu.memory_space<hbm>>)
      tpu.yield
    }) : () -> ()
    return
  }
}

#map = affine_map<(d0, d1) -> (0, 0)>
#map1 = affine_map<(d0, d1) -> (0, 0, 0)>
module attributes {stable_mosaic.version = 14 : i64} {
  func.func @_sc_edge_aggregate(%arg0: i32, %arg1: i32, %arg2: memref<10000x16xf32, #tpu.memory_space<hbm>>, %arg3: memref<2x320000xi32, #tpu.memory_space<hbm>>, %arg4: memref<10000x16xf32, #tpu.memory_space<hbm>>, %arg5: memref<2x10000x16xf32, #tpu.memory_space<hbm>>, %arg6: memref<10000xi32, #tpu.memory_space<vmem>>, %arg7: memref<10000xi32, #tpu.memory_space<vmem>>, %arg8: memref<125x80xi32, #tpu.memory_space<vmem>>, %arg9: memref<10000x16xf32, #tpu.memory_space<vmem_shared>>, %arg10: memref<10000x16xf32, #tpu.memory_space<vmem_shared>>, %arg11: memref<80x16xf32, #tpu.memory_space<vmem>>, %arg12: memref<80x16xf32, #tpu.memory_space<vmem>>, %arg13: memref<80x16xf32, #tpu.memory_space<vmem>>, %arg14: memref<80x16xf32, #tpu.memory_space<vmem>>, %arg15: memref<80x16xf32, #tpu.memory_space<vmem>>, %arg16: memref<!tpu.dma_semaphore, #tpu.memory_space<semaphore_mem>>, %arg17: memref<!tpu.dma_semaphore, #tpu.memory_space<semaphore_mem>>, %arg18: memref<!tpu.dma_semaphore, #tpu.memory_space<semaphore_mem>>, %arg19: memref<!tpu.dma_semaphore, #tpu.memory_space<semaphore_mem>>, %arg20: memref<!tpu.dma_semaphore, #tpu.memory_space<semaphore_mem>>, %arg21: memref<!tpu.dma_semaphore, #tpu.memory_space<semaphore_mem>>, %arg22: memref<!tpu.dma_semaphore, #tpu.memory_space<semaphore_mem>>, %arg23: memref<!tpu.dma_semaphore, #tpu.memory_space<semaphore_mem>>, %arg24: memref<!tpu.dma_semaphore, #tpu.memory_space<semaphore_mem>>, %arg25: memref<!tpu.dma_semaphore, #tpu.memory_space<semaphore_mem>>) attributes {dimension_semantics = [#tpu.dimension_semantics<core_parallel>, #tpu.dimension_semantics<subcore_parallel>], iteration_bounds = array<i64: 2, 16>, scalar_prefetch = 0 : i64, scratch_operands = 20 : i64, tpu.core_type = #tpu.core_type<sc_vector_subcore>, window_params = [{transform_indices = #map}, {transform_indices = #map}, {transform_indices = #map}, {transform_indices = #map1}]} {
    %mul3A = arith.constant 16 : i32
    %mul3A_0 = arith.muli %arg0, %mul3A : i32
    %add3A = arith.addi %mul3A_0, %arg1 : i32
    %mul3A_1 = arith.constant 625 : i32
    %mul3A_2 = arith.muli %arg1, %mul3A_1 : i32
    %mul3A_3 = arith.constant 10000 : i32
    %mul3A_4 = arith.muli %add3A, %mul3A_3 : i32
    %dma_start3A = arith.constant 1 : i32
    %dma_start3A_5 = tpu.memref_slice %arg3[%dma_start3A, %mul3A_4] : memref<2x320000xi32, #tpu.memory_space<hbm>> -> memref<1x10000xi32, #tpu.memory_space<hbm>>
    %dma_start3A_6 = tpu.memref_squeeze %dma_start3A_5 : memref<1x10000xi32, #tpu.memory_space<hbm>> -> memref<10000xi32, #tpu.memory_space<hbm>>
    %dma_start3A_7 = tpu.memref_slice %arg3[%dma_start3A, %mul3A_4] : memref<2x320000xi32, #tpu.memory_space<hbm>> -> memref<1x10000xi32, #tpu.memory_space<hbm>>
    %dma_start3A_8 = tpu.memref_squeeze %dma_start3A_7 : memref<1x10000xi32, #tpu.memory_space<hbm>> -> memref<10000xi32, #tpu.memory_space<hbm>>
    tpu.enqueue_dma source(%dma_start3A_8 : memref<10000xi32, #tpu.memory_space<hbm>>) target(%arg7 : memref<10000xi32, #tpu.memory_space<vmem>>) target_semaphore(%arg16 : memref<!tpu.dma_semaphore, #tpu.memory_space<semaphore_mem>>)
    %mul3A_9 = arith.constant 10000 : i32
    %mul3A_10 = arith.muli %add3A, %mul3A_9 : i32
    %dma_start3A_11 = arith.constant 0 : i32
    %dma_start3A_12 = tpu.memref_slice %arg3[%dma_start3A_11, %mul3A_10] : memref<2x320000xi32, #tpu.memory_space<hbm>> -> memref<1x10000xi32, #tpu.memory_space<hbm>>
    %dma_start3A_13 = tpu.memref_squeeze %dma_start3A_12 : memref<1x10000xi32, #tpu.memory_space<hbm>> -> memref<10000xi32, #tpu.memory_space<hbm>>
    %dma_start3A_14 = tpu.memref_slice %arg3[%dma_start3A_11, %mul3A_10] : memref<2x320000xi32, #tpu.memory_space<hbm>> -> memref<1x10000xi32, #tpu.memory_space<hbm>>
    %dma_start3A_15 = tpu.memref_squeeze %dma_start3A_14 : memref<1x10000xi32, #tpu.memory_space<hbm>> -> memref<10000xi32, #tpu.memory_space<hbm>>
    tpu.enqueue_dma source(%dma_start3A_15 : memref<10000xi32, #tpu.memory_space<hbm>>) target(%arg6 : memref<10000xi32, #tpu.memory_space<vmem>>) target_semaphore(%arg17 : memref<!tpu.dma_semaphore, #tpu.memory_space<semaphore_mem>>)
    %dma_start3A_16 = arith.constant 0 : i32
    %dma_start3A_17 = tpu.memref_slice %arg9[%mul3A_2, %dma_start3A_16] : memref<10000x16xf32, #tpu.memory_space<vmem_shared>> -> memref<625x16xf32, #tpu.memory_space<vmem_shared>>
    %dma_start3A_18 = arith.constant 0 : i32
    %dma_start3A_19 = tpu.memref_slice %arg4[%mul3A_2, %dma_start3A_18] : memref<10000x16xf32, #tpu.memory_space<hbm>> -> memref<625x16xf32, #tpu.memory_space<hbm>>
    tpu.enqueue_dma source(%dma_start3A_19 : memref<625x16xf32, #tpu.memory_space<hbm>>) target(%dma_start3A_17 : memref<625x16xf32, #tpu.memory_space<vmem_shared>>) target_semaphore(%arg18 : memref<!tpu.dma_semaphore, #tpu.memory_space<semaphore_mem>>)
    %dma_start3A_20 = arith.constant 0 : i32
    %dma_start3A_21 = tpu.memref_slice %arg10[%mul3A_2, %dma_start3A_20] : memref<10000x16xf32, #tpu.memory_space<vmem_shared>> -> memref<625x16xf32, #tpu.memory_space<vmem_shared>>
    %dma_start3A_22 = arith.constant 0 : i32
    %dma_start3A_23 = tpu.memref_slice %arg2[%mul3A_2, %dma_start3A_22] : memref<10000x16xf32, #tpu.memory_space<hbm>> -> memref<625x16xf32, #tpu.memory_space<hbm>>
    tpu.enqueue_dma source(%dma_start3A_23 : memref<625x16xf32, #tpu.memory_space<hbm>>) target(%dma_start3A_21 : memref<625x16xf32, #tpu.memory_space<vmem_shared>>) target_semaphore(%arg19 : memref<!tpu.dma_semaphore, #tpu.memory_space<semaphore_mem>>)
    %mul3A_24 = arith.constant 10000 : i32
    %mul3A_25 = arith.muli %add3A, %mul3A_24 : i32
    %dma_wait3A = arith.constant 1 : i32
    %dma_wait3A_26 = tpu.memref_slice %arg3[%dma_wait3A, %mul3A_25] : memref<2x320000xi32, #tpu.memory_space<hbm>> -> memref<1x10000xi32, #tpu.memory_space<hbm>>
    %dma_wait3A_27 = tpu.memref_squeeze %dma_wait3A_26 : memref<1x10000xi32, #tpu.memory_space<hbm>> -> memref<10000xi32, #tpu.memory_space<hbm>>
    %dma_wait3A_28 = tpu.memref_slice %arg3[%dma_wait3A, %mul3A_25] : memref<2x320000xi32, #tpu.memory_space<hbm>> -> memref<1x10000xi32, #tpu.memory_space<hbm>>
    %dma_wait3A_29 = tpu.memref_squeeze %dma_wait3A_28 : memref<1x10000xi32, #tpu.memory_space<hbm>> -> memref<10000xi32, #tpu.memory_space<hbm>>
    tpu.wait_dma2 semaphore(%arg16 : memref<!tpu.dma_semaphore, #tpu.memory_space<semaphore_mem>>) src(%dma_wait3A_29 : memref<10000xi32, #tpu.memory_space<hbm>>) dst(%arg7 : memref<10000xi32, #tpu.memory_space<vmem>>)
    %scan3A = arith.constant 0 : i32
    %scan3A_30 = arith.constant 0 : i32
    %scan3A_31 = arith.constant 125 : i32
    %scan3A_32 = arith.addi %scan3A_30, %scan3A_31 : i32
    %scan3A_33 = arith.constant 1 : i32
    scf.for %scan3A_82 = %scan3A_30 to %scan3A_32 step %scan3A_33  : i32 {
      %mul3A_83 = arith.constant 80 : i32
      %mul3A_84 = arith.muli %scan3A_82, %mul3A_83 : i32
      %multiple_of3A = tpu.assume_multiple %mul3A_84, 80 : i32
      %add3A_85 = arith.constant 0 : i32
      %add3A_86 = arith.addi %multiple_of3A, %add3A_85 : i32
      %get3A = arith.index_cast %add3A_86 : i32 to index
      %get3A_87 = tpu.vector_load %arg7[%get3A] {strides = array<i32>} : memref<10000xi32, #tpu.memory_space<vmem>>, vector<16xi32>,
      %get3A_88 = vector.shape_cast %get3A_87 : vector<16xi32> to vector<16xi32>
      %swap3A = arith.index_cast %scan3A_82 : i32 to index
      %swap3A_89 = arith.constant 0 : index
      %swap3A_90 = tpu.vector_load %arg8[%swap3A, %swap3A_89] {strides = array<i32>} : memref<125x80xi32, #tpu.memory_space<vmem>>, vector<1x16xi32>,
      %swap3A_91 = vector.shape_cast %swap3A_90 : vector<1x16xi32> to vector<16xi32>
      %swap3A_92 = vector.shape_cast %get3A_88 : vector<16xi32> to vector<1x16xi32>
      tpu.vector_store %arg8[%swap3A, %swap3A_89], %swap3A_92 {strides = array<i32>} : memref<125x80xi32, #tpu.memory_space<vmem>>, vector<1x16xi32>,
      %add3A_93 = arith.constant 16 : i32
      %add3A_94 = arith.addi %multiple_of3A, %add3A_93 : i32
      %get3A_95 = arith.index_cast %add3A_94 : i32 to index
      %get3A_96 = tpu.vector_load %arg7[%get3A_95] {strides = array<i32>} : memref<10000xi32, #tpu.memory_space<vmem>>, vector<16xi32>,
      %get3A_97 = vector.shape_cast %get3A_96 : vector<16xi32> to vector<16xi32>
      %swap3A_98 = arith.index_cast %scan3A_82 : i32 to index
      %swap3A_99 = arith.constant 16 : index
      %swap3A_100 = tpu.vector_load %arg8[%swap3A_98, %swap3A_99] {strides = array<i32>} : memref<125x80xi32, #tpu.memory_space<vmem>>, vector<1x16xi32>,
      %swap3A_101 = vector.shape_cast %swap3A_100 : vector<1x16xi32> to vector<16xi32>
      %swap3A_102 = vector.shape_cast %get3A_97 : vector<16xi32> to vector<1x16xi32>
      tpu.vector_store %arg8[%swap3A_98, %swap3A_99], %swap3A_102 {strides = array<i32>} : memref<125x80xi32, #tpu.memory_space<vmem>>, vector<1x16xi32>,
      %add3A_103 = arith.constant 32 : i32
      %add3A_104 = arith.addi %multiple_of3A, %add3A_103 : i32
      %get3A_105 = arith.index_cast %add3A_104 : i32 to index
      %get3A_106 = tpu.vector_load %arg7[%get3A_105] {strides = array<i32>} : memref<10000xi32, #tpu.memory_space<vmem>>, vector<16xi32>,
      %get3A_107 = vector.shape_cast %get3A_106 : vector<16xi32> to vector<16xi32>
      %swap3A_108 = arith.index_cast %scan3A_82 : i32 to index
      %swap3A_109 = arith.constant 32 : index
      %swap3A_110 = tpu.vector_load %arg8[%swap3A_108, %swap3A_109] {strides = array<i32>} : memref<125x80xi32, #tpu.memory_space<vmem>>, vector<1x16xi32>,
      %swap3A_111 = vector.shape_cast %swap3A_110 : vector<1x16xi32> to vector<16xi32>
      %swap3A_112 = vector.shape_cast %get3A_107 : vector<16xi32> to vector<1x16xi32>
      tpu.vector_store %arg8[%swap3A_108, %swap3A_109], %swap3A_112 {strides = array<i32>} : memref<125x80xi32, #tpu.memory_space<vmem>>, vector<1x16xi32>,
      %add3A_113 = arith.constant 48 : i32
      %add3A_114 = arith.addi %multiple_of3A, %add3A_113 : i32
      %get3A_115 = arith.index_cast %add3A_114 : i32 to index
      %get3A_116 = tpu.vector_load %arg7[%get3A_115] {strides = array<i32>} : memref<10000xi32, #tpu.memory_space<vmem>>, vector<16xi32>,
      %get3A_117 = vector.shape_cast %get3A_116 : vector<16xi32> to vector<16xi32>
      %swap3A_118 = arith.index_cast %scan3A_82 : i32 to index
      %swap3A_119 = arith.constant 48 : index
      %swap3A_120 = tpu.vector_load %arg8[%swap3A_118, %swap3A_119] {strides = array<i32>} : memref<125x80xi32, #tpu.memory_space<vmem>>, vector<1x16xi32>,
      %swap3A_121 = vector.shape_cast %swap3A_120 : vector<1x16xi32> to vector<16xi32>
      %swap3A_122 = vector.shape_cast %get3A_117 : vector<16xi32> to vector<1x16xi32>
      tpu.vector_store %arg8[%swap3A_118, %swap3A_119], %swap3A_122 {strides = array<i32>} : memref<125x80xi32, #tpu.memory_space<vmem>>, vector<1x16xi32>,
      %add3A_123 = arith.constant 64 : i32
      %add3A_124 = arith.addi %multiple_of3A, %add3A_123 : i32
      %get3A_125 = arith.index_cast %add3A_124 : i32 to index
      %get3A_126 = tpu.vector_load %arg7[%get3A_125] {strides = array<i32>} : memref<10000xi32, #tpu.memory_space<vmem>>, vector<16xi32>,
      %get3A_127 = vector.shape_cast %get3A_126 : vector<16xi32> to vector<16xi32>
      %swap3A_128 = arith.index_cast %scan3A_82 : i32 to index
      %swap3A_129 = arith.constant 64 : index
      %swap3A_130 = tpu.vector_load %arg8[%swap3A_128, %swap3A_129] {strides = array<i32>} : memref<125x80xi32, #tpu.memory_space<vmem>>, vector<1x16xi32>,
      %swap3A_131 = vector.shape_cast %swap3A_130 : vector<1x16xi32> to vector<16xi32>
      %swap3A_132 = vector.shape_cast %get3A_127 : vector<16xi32> to vector<1x16xi32>
      tpu.vector_store %arg8[%swap3A_128, %swap3A_129], %swap3A_132 {strides = array<i32>} : memref<125x80xi32, #tpu.memory_space<vmem>>, vector<1x16xi32>,
    }
    %scan3A_34 = arith.constant 125 : i32
    %mul3A_35 = arith.constant 10000 : i32
    %mul3A_36 = arith.muli %add3A, %mul3A_35 : i32
    %dma_wait3A_37 = arith.constant 0 : i32
    %dma_wait3A_38 = tpu.memref_slice %arg3[%dma_wait3A_37, %mul3A_36] : memref<2x320000xi32, #tpu.memory_space<hbm>> -> memref<1x10000xi32, #tpu.memory_space<hbm>>
    %dma_wait3A_39 = tpu.memref_squeeze %dma_wait3A_38 : memref<1x10000xi32, #tpu.memory_space<hbm>> -> memref<10000xi32, #tpu.memory_space<hbm>>
    %dma_wait3A_40 = tpu.memref_slice %arg3[%dma_wait3A_37, %mul3A_36] : memref<2x320000xi32, #tpu.memory_space<hbm>> -> memref<1x10000xi32, #tpu.memory_space<hbm>>
    %dma_wait3A_41 = tpu.memref_squeeze %dma_wait3A_40 : memref<1x10000xi32, #tpu.memory_space<hbm>> -> memref<10000xi32, #tpu.memory_space<hbm>>
    tpu.wait_dma2 semaphore(%arg17 : memref<!tpu.dma_semaphore, #tpu.memory_space<semaphore_mem>>) src(%dma_wait3A_41 : memref<10000xi32, #tpu.memory_space<hbm>>) dst(%arg6 : memref<10000xi32, #tpu.memory_space<vmem>>)
    %dma_wait3A_42 = arith.constant 0 : i32
    %dma_wait3A_43 = tpu.memref_slice %arg9[%mul3A_2, %dma_wait3A_42] : memref<10000x16xf32, #tpu.memory_space<vmem_shared>> -> memref<625x16xf32, #tpu.memory_space<vmem_shared>>
    %dma_wait3A_44 = arith.constant 0 : i32
    %dma_wait3A_45 = tpu.memref_slice %arg4[%mul3A_2, %dma_wait3A_44] : memref<10000x16xf32, #tpu.memory_space<hbm>> -> memref<625x16xf32, #tpu.memory_space<hbm>>
    tpu.wait_dma2 semaphore(%arg18 : memref<!tpu.dma_semaphore, #tpu.memory_space<semaphore_mem>>) src(%dma_wait3A_45 : memref<625x16xf32, #tpu.memory_space<hbm>>) dst(%dma_wait3A_43 : memref<625x16xf32, #tpu.memory_space<vmem_shared>>)
    %dma_wait3A_46 = arith.constant 0 : i32
    %dma_wait3A_47 = tpu.memref_slice %arg10[%mul3A_2, %dma_wait3A_46] : memref<10000x16xf32, #tpu.memory_space<vmem_shared>> -> memref<625x16xf32, #tpu.memory_space<vmem_shared>>
    %dma_wait3A_48 = arith.constant 0 : i32
    %dma_wait3A_49 = tpu.memref_slice %arg2[%mul3A_2, %dma_wait3A_48] : memref<10000x16xf32, #tpu.memory_space<hbm>> -> memref<625x16xf32, #tpu.memory_space<hbm>>
    tpu.wait_dma2 semaphore(%arg19 : memref<!tpu.dma_semaphore, #tpu.memory_space<semaphore_mem>>) src(%dma_wait3A_49 : memref<625x16xf32, #tpu.memory_space<hbm>>) dst(%dma_wait3A_47 : memref<625x16xf32, #tpu.memory_space<vmem_shared>>)
    %barrier3A = arith.constant 0 : index
    tpu.barrier barrier_id(%barrier3A)
    %dma_start3A_50 = arith.constant 0 : i32
    %dma_start3A_51 = tpu.memref_slice %arg6[%dma_start3A_50] : memref<10000xi32, #tpu.memory_space<vmem>> -> memref<80xi32, #tpu.memory_space<vmem>>
    %dma_start3A_52 = arith.constant 0 : i32
    %dma_start3A_53 = arith.constant 0 : i32
    %dma_start3A_54 = tpu.memref_slice %arg10[%dma_start3A_52, %dma_start3A_53] : memref<10000x16xf32, #tpu.memory_space<vmem_shared>> -> memref<10000x16xf32, #tpu.memory_space<vmem_shared>>
    tpu.enqueue_indirect_dma source(%dma_start3A_54 : memref<10000x16xf32, #tpu.memory_space<vmem_shared>>) target(%arg11 : memref<80x16xf32, #tpu.memory_space<vmem>>) offsets(%dma_start3A_51 : memref<80xi32, #tpu.memory_space<vmem>>) semaphore(%arg16 : memref<!tpu.dma_semaphore, #tpu.memory_space<semaphore_mem>>)
    %dma_start3A_55 = arith.constant 80 : i32
    %dma_start3A_56 = tpu.memref_slice %arg6[%dma_start3A_55] : memref<10000xi32, #tpu.memory_space<vmem>> -> memref<80xi32, #tpu.memory_space<vmem>>
    %dma_start3A_57 = arith.constant 0 : i32
    %dma_start3A_58 = arith.constant 0 : i32
    %dma_start3A_59 = tpu.memref_slice %arg10[%dma_start3A_57, %dma_start3A_58] : memref<10000x16xf32, #tpu.memory_space<vmem_shared>> -> memref<10000x16xf32, #tpu.memory_space<vmem_shared>>
    tpu.enqueue_indirect_dma source(%dma_start3A_59 : memref<10000x16xf32, #tpu.memory_space<vmem_shared>>) target(%arg12 : memref<80x16xf32, #tpu.memory_space<vmem>>) offsets(%dma_start3A_56 : memref<80xi32, #tpu.memory_space<vmem>>) semaphore(%arg17 : memref<!tpu.dma_semaphore, #tpu.memory_space<semaphore_mem>>)
    %dma_start3A_60 = arith.constant 160 : i32
    %dma_start3A_61 = tpu.memref_slice %arg6[%dma_start3A_60] : memref<10000xi32, #tpu.memory_space<vmem>> -> memref<80xi32, #tpu.memory_space<vmem>>
    %dma_start3A_62 = arith.constant 0 : i32
    %dma_start3A_63 = arith.constant 0 : i32
    %dma_start3A_64 = tpu.memref_slice %arg10[%dma_start3A_62, %dma_start3A_63] : memref<10000x16xf32, #tpu.memory_space<vmem_shared>> -> memref<10000x16xf32, #tpu.memory_space<vmem_shared>>
    tpu.enqueue_indirect_dma source(%dma_start3A_64 : memref<10000x16xf32, #tpu.memory_space<vmem_shared>>) target(%arg13 : memref<80x16xf32, #tpu.memory_space<vmem>>) offsets(%dma_start3A_61 : memref<80xi32, #tpu.memory_space<vmem>>) semaphore(%arg18 : memref<!tpu.dma_semaphore, #tpu.memory_space<semaphore_mem>>)
    %dma_start3A_65 = arith.constant 240 : i32
    %dma_start3A_66 = tpu.memref_slice %arg6[%dma_start3A_65] : memref<10000xi32, #tpu.memory_space<vmem>> -> memref<80xi32, #tpu.memory_space<vmem>>
    %dma_start3A_67 = arith.constant 0 : i32
    %dma_start3A_68 = arith.constant 0 : i32
    %dma_start3A_69 = tpu.memref_slice %arg10[%dma_start3A_67, %dma_start3A_68] : memref<10000x16xf32, #tpu.memory_space<vmem_shared>> -> memref<10000x16xf32, #tpu.memory_space<vmem_shared>>
    tpu.enqueue_indirect_dma source(%dma_start3A_69 : memref<10000x16xf32, #tpu.memory_space<vmem_shared>>) target(%arg14 : memref<80x16xf32, #tpu.memory_space<vmem>>) offsets(%dma_start3A_66 : memref<80xi32, #tpu.memory_space<vmem>>) semaphore(%arg19 : memref<!tpu.dma_semaphore, #tpu.memory_space<semaphore_mem>>)
    %dma_start3A_70 = arith.constant 320 : i32
    %dma_start3A_71 = tpu.memref_slice %arg6[%dma_start3A_70] : memref<10000xi32, #tpu.memory_space<vmem>> -> memref<80xi32, #tpu.memory_space<vmem>>
    %dma_start3A_72 = arith.constant 0 : i32
    %dma_start3A_73 = arith.constant 0 : i32
    %dma_start3A_74 = tpu.memref_slice %arg10[%dma_start3A_72, %dma_start3A_73] : memref<10000x16xf32, #tpu.memory_space<vmem_shared>> -> memref<10000x16xf32, #tpu.memory_space<vmem_shared>>
    tpu.enqueue_indirect_dma source(%dma_start3A_74 : memref<10000x16xf32, #tpu.memory_space<vmem_shared>>) target(%arg15 : memref<80x16xf32, #tpu.memory_space<vmem>>) offsets(%dma_start3A_71 : memref<80xi32, #tpu.memory_space<vmem>>) semaphore(%arg20 : memref<!tpu.dma_semaphore, #tpu.memory_space<semaphore_mem>>)
    %scan3A_75 = arith.constant 0 : i32
    %scan3A_76 = arith.constant 0 : i32
    %scan3A_77 = arith.constant 25 : i32
    %scan3A_78 = arith.addi %scan3A_76, %scan3A_77 : i32
    %scan3A_79 = arith.constant 1 : i32
    scf.for %scan3A_82 = %scan3A_76 to %scan3A_78 step %scan3A_79  : i32 {
      %mul3A_83 = arith.constant 5 : i32
      %mul3A_84 = arith.muli %scan3A_82, %mul3A_83 : i32
      %add3A_85 = arith.constant 0 : i32
      %add3A_86 = arith.addi %mul3A_84, %add3A_85 : i32
      %mul3A_87 = arith.constant 80 : i32
      %mul3A_88 = arith.muli %add3A_86, %mul3A_87 : i32
      %multiple_of3A = tpu.assume_multiple %mul3A_88, 80 : i32
      %dma_wait3A_89 = tpu.memref_slice %arg6[%multiple_of3A] : memref<10000xi32, #tpu.memory_space<vmem>> -> memref<80xi32, #tpu.memory_space<vmem>>
      %dma_wait3A_90 = arith.constant 0 : i32
      %dma_wait3A_91 = arith.constant 0 : i32
      %dma_wait3A_92 = tpu.memref_slice %arg10[%dma_wait3A_90, %dma_wait3A_91] : memref<10000x16xf32, #tpu.memory_space<vmem_shared>> -> memref<10000x16xf32, #tpu.memory_space<vmem_shared>>
      tpu.wait_indirect_dma semaphore(%arg16 : memref<!tpu.dma_semaphore, #tpu.memory_space<semaphore_mem>>) src(%dma_wait3A_92 : memref<10000x16xf32, #tpu.memory_space<vmem_shared>>) dst(%arg11 : memref<80x16xf32, #tpu.memory_space<vmem>>)
      %dma_start3A_93 = arith.constant 0 : i32
      %dma_start3A_94 = tpu.memref_slice %arg8[%add3A_86, %dma_start3A_93] : memref<125x80xi32, #tpu.memory_space<vmem>> -> memref<1x80xi32, #tpu.memory_space<vmem>>
      %dma_start3A_95 = tpu.memref_squeeze %dma_start3A_94 : memref<1x80xi32, #tpu.memory_space<vmem>> -> memref<80xi32, #tpu.memory_space<vmem>>
      %dma_start3A_96 = arith.constant 0 : i32
      %dma_start3A_97 = arith.constant 0 : i32
      %dma_start3A_98 = tpu.memref_slice %arg9[%dma_start3A_96, %dma_start3A_97] : memref<10000x16xf32, #tpu.memory_space<vmem_shared>> -> memref<10000x16xf32, #tpu.memory_space<vmem_shared>>
      tpu.enqueue_indirect_dma source(%arg11 : memref<80x16xf32, #tpu.memory_space<vmem>>) target(%dma_start3A_98 : memref<10000x16xf32, #tpu.memory_space<vmem_shared>>) offsets(%dma_start3A_95 : memref<80xi32, #tpu.memory_space<vmem>>) semaphore(%arg21 : memref<!tpu.dma_semaphore, #tpu.memory_space<semaphore_mem>>) {add = true}
      %mul3A_99 = arith.constant 5 : i32
      %mul3A_100 = arith.muli %scan3A_82, %mul3A_99 : i32
      %add3A_101 = arith.constant 1 : i32
      %add3A_102 = arith.addi %mul3A_100, %add3A_101 : i32
      %mul3A_103 = arith.constant 80 : i32
      %mul3A_104 = arith.muli %add3A_102, %mul3A_103 : i32
      %multiple_of3A_105 = tpu.assume_multiple %mul3A_104, 80 : i32
      %dma_wait3A_106 = tpu.memref_slice %arg6[%multiple_of3A_105] : memref<10000xi32, #tpu.memory_space<vmem>> -> memref<80xi32, #tpu.memory_space<vmem>>
      %dma_wait3A_107 = arith.constant 0 : i32
      %dma_wait3A_108 = arith.constant 0 : i32
      %dma_wait3A_109 = tpu.memref_slice %arg10[%dma_wait3A_107, %dma_wait3A_108] : memref<10000x16xf32, #tpu.memory_space<vmem_shared>> -> memref<10000x16xf32, #tpu.memory_space<vmem_shared>>
      tpu.wait_indirect_dma semaphore(%arg17 : memref<!tpu.dma_semaphore, #tpu.memory_space<semaphore_mem>>) src(%dma_wait3A_109 : memref<10000x16xf32, #tpu.memory_space<vmem_shared>>) dst(%arg12 : memref<80x16xf32, #tpu.memory_space<vmem>>)
      %dma_start3A_110 = arith.constant 0 : i32
      %dma_start3A_111 = tpu.memref_slice %arg8[%add3A_102, %dma_start3A_110] : memref<125x80xi32, #tpu.memory_space<vmem>> -> memref<1x80xi32, #tpu.memory_space<vmem>>
      %dma_start3A_112 = tpu.memref_squeeze %dma_start3A_111 : memref<1x80xi32, #tpu.memory_space<vmem>> -> memref<80xi32, #tpu.memory_space<vmem>>
      %dma_start3A_113 = arith.constant 0 : i32
      %dma_start3A_114 = arith.constant 0 : i32
      %dma_start3A_115 = tpu.memref_slice %arg9[%dma_start3A_113, %dma_start3A_114] : memref<10000x16xf32, #tpu.memory_space<vmem_shared>> -> memref<10000x16xf32, #tpu.memory_space<vmem_shared>>
      tpu.enqueue_indirect_dma source(%arg12 : memref<80x16xf32, #tpu.memory_space<vmem>>) target(%dma_start3A_115 : memref<10000x16xf32, #tpu.memory_space<vmem_shared>>) offsets(%dma_start3A_112 : memref<80xi32, #tpu.memory_space<vmem>>) semaphore(%arg22 : memref<!tpu.dma_semaphore, #tpu.memory_space<semaphore_mem>>) {add = true}
      %mul3A_116 = arith.constant 5 : i32
      %mul3A_117 = arith.muli %scan3A_82, %mul3A_116 : i32
      %add3A_118 = arith.constant 2 : i32
      %add3A_119 = arith.addi %mul3A_117, %add3A_118 : i32
      %mul3A_120 = arith.constant 80 : i32
      %mul3A_121 = arith.muli %add3A_119, %mul3A_120 : i32
      %multiple_of3A_122 = tpu.assume_multiple %mul3A_121, 80 : i32
      %dma_wait3A_123 = tpu.memref_slice %arg6[%multiple_of3A_122] : memref<10000xi32, #tpu.memory_space<vmem>> -> memref<80xi32, #tpu.memory_space<vmem>>
      %dma_wait3A_124 = arith.constant 0 : i32
      %dma_wait3A_125 = arith.constant 0 : i32
      %dma_wait3A_126 = tpu.memref_slice %arg10[%dma_wait3A_124, %dma_wait3A_125] : memref<10000x16xf32, #tpu.memory_space<vmem_shared>> -> memref<10000x16xf32, #tpu.memory_space<vmem_shared>>
      tpu.wait_indirect_dma semaphore(%arg18 : memref<!tpu.dma_semaphore, #tpu.memory_space<semaphore_mem>>) src(%dma_wait3A_126 : memref<10000x16xf32, #tpu.memory_space<vmem_shared>>) dst(%arg13 : memref<80x16xf32, #tpu.memory_space<vmem>>)
      %dma_start3A_127 = arith.constant 0 : i32
      %dma_start3A_128 = tpu.memref_slice %arg8[%add3A_119, %dma_start3A_127] : memref<125x80xi32, #tpu.memory_space<vmem>> -> memref<1x80xi32, #tpu.memory_space<vmem>>
      %dma_start3A_129 = tpu.memref_squeeze %dma_start3A_128 : memref<1x80xi32, #tpu.memory_space<vmem>> -> memref<80xi32, #tpu.memory_space<vmem>>
      %dma_start3A_130 = arith.constant 0 : i32
      %dma_start3A_131 = arith.constant 0 : i32
      %dma_start3A_132 = tpu.memref_slice %arg9[%dma_start3A_130, %dma_start3A_131] : memref<10000x16xf32, #tpu.memory_space<vmem_shared>> -> memref<10000x16xf32, #tpu.memory_space<vmem_shared>>
      tpu.enqueue_indirect_dma source(%arg13 : memref<80x16xf32, #tpu.memory_space<vmem>>) target(%dma_start3A_132 : memref<10000x16xf32, #tpu.memory_space<vmem_shared>>) offsets(%dma_start3A_129 : memref<80xi32, #tpu.memory_space<vmem>>) semaphore(%arg23 : memref<!tpu.dma_semaphore, #tpu.memory_space<semaphore_mem>>) {add = true}
      %mul3A_133 = arith.constant 5 : i32
      %mul3A_134 = arith.muli %scan3A_82, %mul3A_133 : i32
      %add3A_135 = arith.constant 3 : i32
      %add3A_136 = arith.addi %mul3A_134, %add3A_135 : i32
      %mul3A_137 = arith.constant 80 : i32
      %mul3A_138 = arith.muli %add3A_136, %mul3A_137 : i32
      %multiple_of3A_139 = tpu.assume_multiple %mul3A_138, 80 : i32
      %dma_wait3A_140 = tpu.memref_slice %arg6[%multiple_of3A_139] : memref<10000xi32, #tpu.memory_space<vmem>> -> memref<80xi32, #tpu.memory_space<vmem>>
      %dma_wait3A_141 = arith.constant 0 : i32
      %dma_wait3A_142 = arith.constant 0 : i32
      %dma_wait3A_143 = tpu.memref_slice %arg10[%dma_wait3A_141, %dma_wait3A_142] : memref<10000x16xf32, #tpu.memory_space<vmem_shared>> -> memref<10000x16xf32, #tpu.memory_space<vmem_shared>>
      tpu.wait_indirect_dma semaphore(%arg19 : memref<!tpu.dma_semaphore, #tpu.memory_space<semaphore_mem>>) src(%dma_wait3A_143 : memref<10000x16xf32, #tpu.memory_space<vmem_shared>>) dst(%arg14 : memref<80x16xf32, #tpu.memory_space<vmem>>)
      %dma_start3A_144 = arith.constant 0 : i32
      %dma_start3A_145 = tpu.memref_slice %arg8[%add3A_136, %dma_start3A_144] : memref<125x80xi32, #tpu.memory_space<vmem>> -> memref<1x80xi32, #tpu.memory_space<vmem>>
      %dma_start3A_146 = tpu.memref_squeeze %dma_start3A_145 : memref<1x80xi32, #tpu.memory_space<vmem>> -> memref<80xi32, #tpu.memory_space<vmem>>
      %dma_start3A_147 = arith.constant 0 : i32
      %dma_start3A_148 = arith.constant 0 : i32
      %dma_start3A_149 = tpu.memref_slice %arg9[%dma_start3A_147, %dma_start3A_148] : memref<10000x16xf32, #tpu.memory_space<vmem_shared>> -> memref<10000x16xf32, #tpu.memory_space<vmem_shared>>
      tpu.enqueue_indirect_dma source(%arg14 : memref<80x16xf32, #tpu.memory_space<vmem>>) target(%dma_start3A_149 : memref<10000x16xf32, #tpu.memory_space<vmem_shared>>) offsets(%dma_start3A_146 : memref<80xi32, #tpu.memory_space<vmem>>) semaphore(%arg24 : memref<!tpu.dma_semaphore, #tpu.memory_space<semaphore_mem>>) {add = true}
      %mul3A_150 = arith.constant 5 : i32
      %mul3A_151 = arith.muli %scan3A_82, %mul3A_150 : i32
      %add3A_152 = arith.constant 4 : i32
      %add3A_153 = arith.addi %mul3A_151, %add3A_152 : i32
      %mul3A_154 = arith.constant 80 : i32
      %mul3A_155 = arith.muli %add3A_153, %mul3A_154 : i32
      %multiple_of3A_156 = tpu.assume_multiple %mul3A_155, 80 : i32
      %dma_wait3A_157 = tpu.memref_slice %arg6[%multiple_of3A_156] : memref<10000xi32, #tpu.memory_space<vmem>> -> memref<80xi32, #tpu.memory_space<vmem>>
      %dma_wait3A_158 = arith.constant 0 : i32
      %dma_wait3A_159 = arith.constant 0 : i32
      %dma_wait3A_160 = tpu.memref_slice %arg10[%dma_wait3A_158, %dma_wait3A_159] : memref<10000x16xf32, #tpu.memory_space<vmem_shared>> -> memref<10000x16xf32, #tpu.memory_space<vmem_shared>>
      tpu.wait_indirect_dma semaphore(%arg20 : memref<!tpu.dma_semaphore, #tpu.memory_space<semaphore_mem>>) src(%dma_wait3A_160 : memref<10000x16xf32, #tpu.memory_space<vmem_shared>>) dst(%arg15 : memref<80x16xf32, #tpu.memory_space<vmem>>)
      %dma_start3A_161 = arith.constant 0 : i32
      %dma_start3A_162 = tpu.memref_slice %arg8[%add3A_153, %dma_start3A_161] : memref<125x80xi32, #tpu.memory_space<vmem>> -> memref<1x80xi32, #tpu.memory_space<vmem>>
      %dma_start3A_163 = tpu.memref_squeeze %dma_start3A_162 : memref<1x80xi32, #tpu.memory_space<vmem>> -> memref<80xi32, #tpu.memory_space<vmem>>
      %dma_start3A_164 = arith.constant 0 : i32
      %dma_start3A_165 = arith.constant 0 : i32
      %dma_start3A_166 = tpu.memref_slice %arg9[%dma_start3A_164, %dma_start3A_165] : memref<10000x16xf32, #tpu.memory_space<vmem_shared>> -> memref<10000x16xf32, #tpu.memory_space<vmem_shared>>
      tpu.enqueue_indirect_dma source(%arg15 : memref<80x16xf32, #tpu.memory_space<vmem>>) target(%dma_start3A_166 : memref<10000x16xf32, #tpu.memory_space<vmem_shared>>) offsets(%dma_start3A_163 : memref<80xi32, #tpu.memory_space<vmem>>) semaphore(%arg25 : memref<!tpu.dma_semaphore, #tpu.memory_space<semaphore_mem>>) {add = true}
      %mul3A_167 = arith.constant 5 : i32
      %mul3A_168 = arith.muli %scan3A_82, %mul3A_167 : i32
      %add3A_169 = arith.constant 0 : i32
      %add3A_170 = arith.addi %mul3A_168, %add3A_169 : i32
      %dma_wait3A_171 = arith.constant 0 : i32
      %dma_wait3A_172 = tpu.memref_slice %arg8[%add3A_170, %dma_wait3A_171] : memref<125x80xi32, #tpu.memory_space<vmem>> -> memref<1x80xi32, #tpu.memory_space<vmem>>
      %dma_wait3A_173 = tpu.memref_squeeze %dma_wait3A_172 : memref<1x80xi32, #tpu.memory_space<vmem>> -> memref<80xi32, #tpu.memory_space<vmem>>
      %dma_wait3A_174 = arith.constant 0 : i32
      %dma_wait3A_175 = arith.constant 0 : i32
      %dma_wait3A_176 = tpu.memref_slice %arg9[%dma_wait3A_174, %dma_wait3A_175] : memref<10000x16xf32, #tpu.memory_space<vmem_shared>> -> memref<10000x16xf32, #tpu.memory_space<vmem_shared>>
      tpu.wait_indirect_dma semaphore(%arg21 : memref<!tpu.dma_semaphore, #tpu.memory_space<semaphore_mem>>) src(%arg11 : memref<80x16xf32, #tpu.memory_space<vmem>>) dst(%dma_wait3A_176 : memref<10000x16xf32, #tpu.memory_space<vmem_shared>>)
      %add3A_177 = arith.constant 5 : i32
      %add3A_178 = arith.addi %add3A_170, %add3A_177 : i32
      %lt3A = arith.constant 125 : i32
      %lt3A_179 = arith.cmpi slt, %add3A_178, %lt3A : i32
      %convert_element_type3A = arith.extui %lt3A_179 : i1 to i32
      %cond3A = arith.constant 0 : i32
      %cond3A_180 = arith.cmpi ne, %convert_element_type3A, %cond3A : i32
      scf.if %cond3A_180 {
        %mul3A_249 = arith.constant 80 : i32
        %mul3A_250 = arith.muli %add3A_178, %mul3A_249 : i32
        %multiple_of3A_251 = tpu.assume_multiple %mul3A_250, 80 : i32
        %dma_start3A_252 = tpu.memref_slice %arg6[%multiple_of3A_251] : memref<10000xi32, #tpu.memory_space<vmem>> -> memref<80xi32, #tpu.memory_space<vmem>>
        %dma_start3A_253 = arith.constant 0 : i32
        %dma_start3A_254 = arith.constant 0 : i32
        %dma_start3A_255 = tpu.memref_slice %arg10[%dma_start3A_253, %dma_start3A_254] : memref<10000x16xf32, #tpu.memory_space<vmem_shared>> -> memref<10000x16xf32, #tpu.memory_space<vmem_shared>>
        tpu.enqueue_indirect_dma source(%dma_start3A_255 : memref<10000x16xf32, #tpu.memory_space<vmem_shared>>) target(%arg11 : memref<80x16xf32, #tpu.memory_space<vmem>>) offsets(%dma_start3A_252 : memref<80xi32, #tpu.memory_space<vmem>>) semaphore(%arg16 : memref<!tpu.dma_semaphore, #tpu.memory_space<semaphore_mem>>)
      } else {
      }
      %mul3A_181 = arith.constant 5 : i32
      %mul3A_182 = arith.muli %scan3A_82, %mul3A_181 : i32
      %add3A_183 = arith.constant 1 : i32
      %add3A_184 = arith.addi %mul3A_182, %add3A_183 : i32
      %dma_wait3A_185 = arith.constant 0 : i32
      %dma_wait3A_186 = tpu.memref_slice %arg8[%add3A_184, %dma_wait3A_185] : memref<125x80xi32, #tpu.memory_space<vmem>> -> memref<1x80xi32, #tpu.memory_space<vmem>>
      %dma_wait3A_187 = tpu.memref_squeeze %dma_wait3A_186 : memref<1x80xi32, #tpu.memory_space<vmem>> -> memref<80xi32, #tpu.memory_space<vmem>>
      %dma_wait3A_188 = arith.constant 0 : i32
      %dma_wait3A_189 = arith.constant 0 : i32
      %dma_wait3A_190 = tpu.memref_slice %arg9[%dma_wait3A_188, %dma_wait3A_189] : memref<10000x16xf32, #tpu.memory_space<vmem_shared>> -> memref<10000x16xf32, #tpu.memory_space<vmem_shared>>
      tpu.wait_indirect_dma semaphore(%arg22 : memref<!tpu.dma_semaphore, #tpu.memory_space<semaphore_mem>>) src(%arg12 : memref<80x16xf32, #tpu.memory_space<vmem>>) dst(%dma_wait3A_190 : memref<10000x16xf32, #tpu.memory_space<vmem_shared>>)
      %add3A_191 = arith.constant 5 : i32
      %add3A_192 = arith.addi %add3A_184, %add3A_191 : i32
      %lt3A_193 = arith.constant 125 : i32
      %lt3A_194 = arith.cmpi slt, %add3A_192, %lt3A_193 : i32
      %convert_element_type3A_195 = arith.extui %lt3A_194 : i1 to i32
      %cond3A_196 = arith.constant 0 : i32
      %cond3A_197 = arith.cmpi ne, %convert_element_type3A_195, %cond3A_196 : i32
      scf.if %cond3A_197 {
        %mul3A_249 = arith.constant 80 : i32
        %mul3A_250 = arith.muli %add3A_192, %mul3A_249 : i32
        %multiple_of3A_251 = tpu.assume_multiple %mul3A_250, 80 : i32
        %dma_start3A_252 = tpu.memref_slice %arg6[%multiple_of3A_251] : memref<10000xi32, #tpu.memory_space<vmem>> -> memref<80xi32, #tpu.memory_space<vmem>>
        %dma_start3A_253 = arith.constant 0 : i32
        %dma_start3A_254 = arith.constant 0 : i32
        %dma_start3A_255 = tpu.memref_slice %arg10[%dma_start3A_253, %dma_start3A_254] : memref<10000x16xf32, #tpu.memory_space<vmem_shared>> -> memref<10000x16xf32, #tpu.memory_space<vmem_shared>>
        tpu.enqueue_indirect_dma source(%dma_start3A_255 : memref<10000x16xf32, #tpu.memory_space<vmem_shared>>) target(%arg12 : memref<80x16xf32, #tpu.memory_space<vmem>>) offsets(%dma_start3A_252 : memref<80xi32, #tpu.memory_space<vmem>>) semaphore(%arg17 : memref<!tpu.dma_semaphore, #tpu.memory_space<semaphore_mem>>)
      } else {
      }
      %mul3A_198 = arith.constant 5 : i32
      %mul3A_199 = arith.muli %scan3A_82, %mul3A_198 : i32
      %add3A_200 = arith.constant 2 : i32
      %add3A_201 = arith.addi %mul3A_199, %add3A_200 : i32
      %dma_wait3A_202 = arith.constant 0 : i32
      %dma_wait3A_203 = tpu.memref_slice %arg8[%add3A_201, %dma_wait3A_202] : memref<125x80xi32, #tpu.memory_space<vmem>> -> memref<1x80xi32, #tpu.memory_space<vmem>>
      %dma_wait3A_204 = tpu.memref_squeeze %dma_wait3A_203 : memref<1x80xi32, #tpu.memory_space<vmem>> -> memref<80xi32, #tpu.memory_space<vmem>>
      %dma_wait3A_205 = arith.constant 0 : i32
      %dma_wait3A_206 = arith.constant 0 : i32
      %dma_wait3A_207 = tpu.memref_slice %arg9[%dma_wait3A_205, %dma_wait3A_206] : memref<10000x16xf32, #tpu.memory_space<vmem_shared>> -> memref<10000x16xf32, #tpu.memory_space<vmem_shared>>
      tpu.wait_indirect_dma semaphore(%arg23 : memref<!tpu.dma_semaphore, #tpu.memory_space<semaphore_mem>>) src(%arg13 : memref<80x16xf32, #tpu.memory_space<vmem>>) dst(%dma_wait3A_207 : memref<10000x16xf32, #tpu.memory_space<vmem_shared>>)
      %add3A_208 = arith.constant 5 : i32
      %add3A_209 = arith.addi %add3A_201, %add3A_208 : i32
      %lt3A_210 = arith.constant 125 : i32
      %lt3A_211 = arith.cmpi slt, %add3A_209, %lt3A_210 : i32
      %convert_element_type3A_212 = arith.extui %lt3A_211 : i1 to i32
      %cond3A_213 = arith.constant 0 : i32
      %cond3A_214 = arith.cmpi ne, %convert_element_type3A_212, %cond3A_213 : i32
      scf.if %cond3A_214 {
        %mul3A_249 = arith.constant 80 : i32
        %mul3A_250 = arith.muli %add3A_209, %mul3A_249 : i32
        %multiple_of3A_251 = tpu.assume_multiple %mul3A_250, 80 : i32
        %dma_start3A_252 = tpu.memref_slice %arg6[%multiple_of3A_251] : memref<10000xi32, #tpu.memory_space<vmem>> -> memref<80xi32, #tpu.memory_space<vmem>>
        %dma_start3A_253 = arith.constant 0 : i32
        %dma_start3A_254 = arith.constant 0 : i32
        %dma_start3A_255 = tpu.memref_slice %arg10[%dma_start3A_253, %dma_start3A_254] : memref<10000x16xf32, #tpu.memory_space<vmem_shared>> -> memref<10000x16xf32, #tpu.memory_space<vmem_shared>>
        tpu.enqueue_indirect_dma source(%dma_start3A_255 : memref<10000x16xf32, #tpu.memory_space<vmem_shared>>) target(%arg13 : memref<80x16xf32, #tpu.memory_space<vmem>>) offsets(%dma_start3A_252 : memref<80xi32, #tpu.memory_space<vmem>>) semaphore(%arg18 : memref<!tpu.dma_semaphore, #tpu.memory_space<semaphore_mem>>)
      } else {
      }
      %mul3A_215 = arith.constant 5 : i32
      %mul3A_216 = arith.muli %scan3A_82, %mul3A_215 : i32
      %add3A_217 = arith.constant 3 : i32
      %add3A_218 = arith.addi %mul3A_216, %add3A_217 : i32
      %dma_wait3A_219 = arith.constant 0 : i32
      %dma_wait3A_220 = tpu.memref_slice %arg8[%add3A_218, %dma_wait3A_219] : memref<125x80xi32, #tpu.memory_space<vmem>> -> memref<1x80xi32, #tpu.memory_space<vmem>>
      %dma_wait3A_221 = tpu.memref_squeeze %dma_wait3A_220 : memref<1x80xi32, #tpu.memory_space<vmem>> -> memref<80xi32, #tpu.memory_space<vmem>>
      %dma_wait3A_222 = arith.constant 0 : i32
      %dma_wait3A_223 = arith.constant 0 : i32
      %dma_wait3A_224 = tpu.memref_slice %arg9[%dma_wait3A_222, %dma_wait3A_223] : memref<10000x16xf32, #tpu.memory_space<vmem_shared>> -> memref<10000x16xf32, #tpu.memory_space<vmem_shared>>
      tpu.wait_indirect_dma semaphore(%arg24 : memref<!tpu.dma_semaphore, #tpu.memory_space<semaphore_mem>>) src(%arg14 : memref<80x16xf32, #tpu.memory_space<vmem>>) dst(%dma_wait3A_224 : memref<10000x16xf32, #tpu.memory_space<vmem_shared>>)
      %add3A_225 = arith.constant 5 : i32
      %add3A_226 = arith.addi %add3A_218, %add3A_225 : i32
      %lt3A_227 = arith.constant 125 : i32
      %lt3A_228 = arith.cmpi slt, %add3A_226, %lt3A_227 : i32
      %convert_element_type3A_229 = arith.extui %lt3A_228 : i1 to i32
      %cond3A_230 = arith.constant 0 : i32
      %cond3A_231 = arith.cmpi ne, %convert_element_type3A_229, %cond3A_230 : i32
      scf.if %cond3A_231 {
        %mul3A_249 = arith.constant 80 : i32
        %mul3A_250 = arith.muli %add3A_226, %mul3A_249 : i32
        %multiple_of3A_251 = tpu.assume_multiple %mul3A_250, 80 : i32
        %dma_start3A_252 = tpu.memref_slice %arg6[%multiple_of3A_251] : memref<10000xi32, #tpu.memory_space<vmem>> -> memref<80xi32, #tpu.memory_space<vmem>>
        %dma_start3A_253 = arith.constant 0 : i32
        %dma_start3A_254 = arith.constant 0 : i32
        %dma_start3A_255 = tpu.memref_slice %arg10[%dma_start3A_253, %dma_start3A_254] : memref<10000x16xf32, #tpu.memory_space<vmem_shared>> -> memref<10000x16xf32, #tpu.memory_space<vmem_shared>>
        tpu.enqueue_indirect_dma source(%dma_start3A_255 : memref<10000x16xf32, #tpu.memory_space<vmem_shared>>) target(%arg14 : memref<80x16xf32, #tpu.memory_space<vmem>>) offsets(%dma_start3A_252 : memref<80xi32, #tpu.memory_space<vmem>>) semaphore(%arg19 : memref<!tpu.dma_semaphore, #tpu.memory_space<semaphore_mem>>)
      } else {
      }
      %mul3A_232 = arith.constant 5 : i32
      %mul3A_233 = arith.muli %scan3A_82, %mul3A_232 : i32
      %add3A_234 = arith.constant 4 : i32
      %add3A_235 = arith.addi %mul3A_233, %add3A_234 : i32
      %dma_wait3A_236 = arith.constant 0 : i32
      %dma_wait3A_237 = tpu.memref_slice %arg8[%add3A_235, %dma_wait3A_236] : memref<125x80xi32, #tpu.memory_space<vmem>> -> memref<1x80xi32, #tpu.memory_space<vmem>>
      %dma_wait3A_238 = tpu.memref_squeeze %dma_wait3A_237 : memref<1x80xi32, #tpu.memory_space<vmem>> -> memref<80xi32, #tpu.memory_space<vmem>>
      %dma_wait3A_239 = arith.constant 0 : i32
      %dma_wait3A_240 = arith.constant 0 : i32
      %dma_wait3A_241 = tpu.memref_slice %arg9[%dma_wait3A_239, %dma_wait3A_240] : memref<10000x16xf32, #tpu.memory_space<vmem_shared>> -> memref<10000x16xf32, #tpu.memory_space<vmem_shared>>
      tpu.wait_indirect_dma semaphore(%arg25 : memref<!tpu.dma_semaphore, #tpu.memory_space<semaphore_mem>>) src(%arg15 : memref<80x16xf32, #tpu.memory_space<vmem>>) dst(%dma_wait3A_241 : memref<10000x16xf32, #tpu.memory_space<vmem_shared>>)
      %add3A_242 = arith.constant 5 : i32
      %add3A_243 = arith.addi %add3A_235, %add3A_242 : i32
      %lt3A_244 = arith.constant 125 : i32
      %lt3A_245 = arith.cmpi slt, %add3A_243, %lt3A_244 : i32
      %convert_element_type3A_246 = arith.extui %lt3A_245 : i1 to i32
      %cond3A_247 = arith.constant 0 : i32
      %cond3A_248 = arith.cmpi ne, %convert_element_type3A_246, %cond3A_247 : i32
      scf.if %cond3A_248 {
        %mul3A_249 = arith.constant 80 : i32
        %mul3A_250 = arith.muli %add3A_243, %mul3A_249 : i32
        %multiple_of3A_251 = tpu.assume_multiple %mul3A_250, 80 : i32
        %dma_start3A_252 = tpu.memref_slice %arg6[%multiple_of3A_251] : memref<10000xi32, #tpu.memory_space<vmem>> -> memref<80xi32, #tpu.memory_space<vmem>>
        %dma_start3A_253 = arith.constant 0 : i32
        %dma_start3A_254 = arith.constant 0 : i32
        %dma_start3A_255 = tpu.memref_slice %arg10[%dma_start3A_253, %dma_start3A_254] : memref<10000x16xf32, #tpu.memory_space<vmem_shared>> -> memref<10000x16xf32, #tpu.memory_space<vmem_shared>>
        tpu.enqueue_indirect_dma source(%dma_start3A_255 : memref<10000x16xf32, #tpu.memory_space<vmem_shared>>) target(%arg15 : memref<80x16xf32, #tpu.memory_space<vmem>>) offsets(%dma_start3A_252 : memref<80xi32, #tpu.memory_space<vmem>>) semaphore(%arg20 : memref<!tpu.dma_semaphore, #tpu.memory_space<semaphore_mem>>)
      } else {
      }
    }
    %scan3A_80 = arith.constant 25 : i32
    %barrier3A_81 = arith.constant 0 : index
    tpu.barrier barrier_id(%barrier3A_81)
    "tpu.region"() ({
      %run_scoped3A = tpu.sem_alloc : memref<!tpu.dma_semaphore, #tpu.memory_space<semaphore_mem>>
      %dma_start3A_82 = arith.constant 0 : i32
      %dma_start3A_83 = tpu.memref_slice %arg5[%arg0, %mul3A_2, %dma_start3A_82] : memref<2x10000x16xf32, #tpu.memory_space<hbm>> -> memref<1x625x16xf32, #tpu.memory_space<hbm>>
      %dma_start3A_84 = tpu.memref_squeeze %dma_start3A_83 : memref<1x625x16xf32, #tpu.memory_space<hbm>> -> memref<625x16xf32, #tpu.memory_space<hbm>>
      %dma_start3A_85 = arith.constant 0 : i32
      %dma_start3A_86 = tpu.memref_slice %arg9[%mul3A_2, %dma_start3A_85] : memref<10000x16xf32, #tpu.memory_space<vmem_shared>> -> memref<625x16xf32, #tpu.memory_space<vmem_shared>>
      tpu.enqueue_dma source(%dma_start3A_86 : memref<625x16xf32, #tpu.memory_space<vmem_shared>>) target(%dma_start3A_84 : memref<625x16xf32, #tpu.memory_space<hbm>>) target_semaphore(%run_scoped3A : memref<!tpu.dma_semaphore, #tpu.memory_space<semaphore_mem>>)
      %dma_wait3A_87 = arith.constant 0 : i32
      %dma_wait3A_88 = tpu.memref_slice %arg5[%arg0, %mul3A_2, %dma_wait3A_87] : memref<2x10000x16xf32, #tpu.memory_space<hbm>> -> memref<1x625x16xf32, #tpu.memory_space<hbm>>
      %dma_wait3A_89 = tpu.memref_squeeze %dma_wait3A_88 : memref<1x625x16xf32, #tpu.memory_space<hbm>> -> memref<625x16xf32, #tpu.memory_space<hbm>>
      %dma_wait3A_90 = arith.constant 0 : i32
      %dma_wait3A_91 = tpu.memref_slice %arg9[%mul3A_2, %dma_wait3A_90] : memref<10000x16xf32, #tpu.memory_space<vmem_shared>> -> memref<625x16xf32, #tpu.memory_space<vmem_shared>>
      tpu.wait_dma2 semaphore(%run_scoped3A : memref<!tpu.dma_semaphore, #tpu.memory_space<semaphore_mem>>) src(%dma_wait3A_91 : memref<625x16xf32, #tpu.memory_space<vmem_shared>>) dst(%dma_wait3A_89 : memref<625x16xf32, #tpu.memory_space<hbm>>)
      tpu.yield
    }) : () -> ()
    return
  }
}

module attributes {stable_mosaic.version = 14 : i64} {
  func.func @body(%arg0: memref<1250x1024xf32, #tpu.memory_space<vmem>>, %arg1: memref<1024x128xf32, #tpu.memory_space<vmem>>, %arg2: memref<2x1250x128xf32, #tpu.memory_space<vmem>>, %arg3: memref<1250x128xf32, #tpu.memory_space<vmem>>, %arg4: memref<1250x128xf32, #tpu.memory_space<vmem>>) attributes {dimension_semantics = [], scalar_prefetch = 0 : i64, scratch_operands = 0 : i64, tpu.core_type = #tpu.core_type<tc>} {
    %get3A = arith.constant 0 : index
    %get3A_0 = arith.constant 0 : index
    %get3A_1 = arith.constant 0 : index
    %get3A_2 = vector.load %arg2[%get3A, %get3A_0, %get3A_1] : memref<2x1250x128xf32, #tpu.memory_space<vmem>>, vector<1x1250x128xf32>
    %get3A_3 = vector.shape_cast %get3A_2 : vector<1x1250x128xf32> to vector<1250x128xf32>
    %get3A_4 = arith.constant 1 : index
    %get3A_5 = arith.constant 0 : index
    %get3A_6 = arith.constant 0 : index
    %get3A_7 = vector.load %arg2[%get3A_4, %get3A_5, %get3A_6] : memref<2x1250x128xf32, #tpu.memory_space<vmem>>, vector<1x1250x128xf32>
    %get3A_8 = vector.shape_cast %get3A_7 : vector<1x1250x128xf32> to vector<1250x128xf32>
    %add3A = arith.addf %get3A_3, %get3A_8 : vector<1250x128xf32>
    %add3A_9 = arith.constant 1.000000e+00 : f32
    %add3A_10 = vector.broadcast %add3A_9 : f32 to vector<1250x128xf32>
    %add3A_11 = arith.addf %add3A, %add3A_10 : vector<1250x128xf32>
    %rsqrt3A = math.rsqrt %add3A_11 : vector<1250x128xf32>
    %swap3A = arith.constant 0 : index
    %swap3A_12 = arith.constant 0 : index
    %swap3A_13 = vector.load %arg3[%swap3A, %swap3A_12] : memref<1250x128xf32, #tpu.memory_space<vmem>>, vector<1250x128xf32>
    tpu.vector_store %arg3[%swap3A, %swap3A_12], %rsqrt3A {strides = array<i32>} : memref<1250x128xf32, #tpu.memory_space<vmem>>, vector<1250x128xf32>,
    %get3A_14 = arith.constant 0 : index
    %get3A_15 = arith.constant 0 : index
    %get3A_16 = vector.load %arg0[%get3A_14, %get3A_15] : memref<1250x1024xf32, #tpu.memory_space<vmem>>, vector<1250x1024xf32>
    %get3A_17 = arith.constant 0 : index
    %get3A_18 = arith.constant 0 : index
    %get3A_19 = vector.load %arg1[%get3A_17, %get3A_18] : memref<1024x128xf32, #tpu.memory_space<vmem>>, vector<1024x128xf32>
    %dot_general3A = arith.constant dense<0.000000e+00> : vector<1250x128xf32>
    %dot_general3A_20 = tpu.matmul %get3A_16, %get3A_19, %dot_general3A {dimension_numbers = #tpu.dot_dimension_numbers<[1], [0], [0], [1], [0, 0, 1, 1], [], []>, transpose_lhs_hint = false} : vector<1250x1024xf32>, vector<1024x128xf32>, vector<1250x128xf32> -> vector<1250x128xf32>
    %mul3A = arith.mulf %rsqrt3A, %dot_general3A_20 : vector<1250x128xf32>
    %swap3A_21 = arith.constant 0 : index
    %swap3A_22 = arith.constant 0 : index
    %swap3A_23 = vector.load %arg4[%swap3A_21, %swap3A_22] : memref<1250x128xf32, #tpu.memory_space<vmem>>, vector<1250x128xf32>
    tpu.vector_store %arg4[%swap3A_21, %swap3A_22], %mul3A {strides = array<i32>} : memref<1250x128xf32, #tpu.memory_space<vmem>>, vector<1250x128xf32>,
    return
  }
}

module attributes {stable_mosaic.version = 14 : i64} {
  func.func @body(%arg0: memref<2x1250x128xf32, #tpu.memory_space<vmem>>, %arg1: memref<1250x128xf32, #tpu.memory_space<vmem>>, %arg2: memref<1x128xf32, #tpu.memory_space<vmem>>, %arg3: memref<128x128xf32, #tpu.memory_space<vmem>>, %arg4: memref<1250x128xf32, #tpu.memory_space<vmem>>, %arg5: memref<1250x128xf32, #tpu.memory_space<vmem>>) attributes {dimension_semantics = [], scalar_prefetch = 0 : i64, scratch_operands = 0 : i64, tpu.core_type = #tpu.core_type<tc>} {
    %get3A = arith.constant 0 : index
    %get3A_0 = arith.constant 0 : index
    %get3A_1 = vector.load %arg4[%get3A, %get3A_0] : memref<1250x128xf32, #tpu.memory_space<vmem>>, vector<1250x128xf32>
    %get3A_2 = arith.constant 0 : index
    %get3A_3 = arith.constant 0 : index
    %get3A_4 = arith.constant 0 : index
    %get3A_5 = vector.load %arg0[%get3A_2, %get3A_3, %get3A_4] : memref<2x1250x128xf32, #tpu.memory_space<vmem>>, vector<1x1250x128xf32>
    %get3A_6 = vector.shape_cast %get3A_5 : vector<1x1250x128xf32> to vector<1250x128xf32>
    %get3A_7 = arith.constant 1 : index
    %get3A_8 = arith.constant 0 : index
    %get3A_9 = arith.constant 0 : index
    %get3A_10 = vector.load %arg0[%get3A_7, %get3A_8, %get3A_9] : memref<2x1250x128xf32, #tpu.memory_space<vmem>>, vector<1x1250x128xf32>
    %get3A_11 = vector.shape_cast %get3A_10 : vector<1x1250x128xf32> to vector<1250x128xf32>
    %add3A = arith.addf %get3A_6, %get3A_11 : vector<1250x128xf32>
    %get3A_12 = arith.constant 0 : index
    %get3A_13 = arith.constant 0 : index
    %get3A_14 = vector.load %arg1[%get3A_12, %get3A_13] : memref<1250x128xf32, #tpu.memory_space<vmem>>, vector<1250x128xf32>
    %add3A_15 = arith.addf %add3A, %get3A_14 : vector<1250x128xf32>
    %mul3A = arith.mulf %get3A_1, %add3A_15 : vector<1250x128xf32>
    %get3A_16 = arith.constant 0 : index
    %get3A_17 = arith.constant 0 : index
    %get3A_18 = vector.load %arg2[%get3A_16, %get3A_17] : memref<1x128xf32, #tpu.memory_space<vmem>>, vector<1x128xf32>
    %add3A_19 = vector.broadcast %get3A_18 : vector<1x128xf32> to vector<1250x128xf32>
    %add3A_20 = arith.addf %mul3A, %add3A_19 : vector<1250x128xf32>
    %ge3A = arith.constant 0.000000e+00 : f32
    %ge3A_21 = vector.broadcast %ge3A : f32 to vector<1250x128xf32>
    %ge3A_22 = arith.cmpf oge, %add3A_20, %ge3A_21 : vector<1250x128xf32>
    %mul3A_23 = arith.constant 0.00999999977 : f32
    %mul3A_24 = vector.broadcast %mul3A_23 : f32 to vector<1250x128xf32>
    %mul3A_25 = arith.mulf %mul3A_24, %add3A_20 : vector<1250x128xf32>
    %select_n3A = arith.select %ge3A_22, %add3A_20, %mul3A_25 : vector<1250x128xi1>, vector<1250x128xf32>
    %get3A_26 = arith.constant 0 : index
    %get3A_27 = arith.constant 0 : index
    %get3A_28 = vector.load %arg3[%get3A_26, %get3A_27] : memref<128x128xf32, #tpu.memory_space<vmem>>, vector<128x128xf32>
    %dot_general3A = arith.constant dense<0.000000e+00> : vector<1250x128xf32>
    %dot_general3A_29 = tpu.matmul %select_n3A, %get3A_28, %dot_general3A {dimension_numbers = #tpu.dot_dimension_numbers<[1], [0], [0], [1], [0, 0, 1, 1], [], []>, transpose_lhs_hint = false} : vector<1250x128xf32>, vector<128x128xf32>, vector<1250x128xf32> -> vector<1250x128xf32>
    %mul3A_30 = arith.mulf %get3A_1, %dot_general3A_29 : vector<1250x128xf32>
    %swap3A = arith.constant 0 : index
    %swap3A_31 = arith.constant 0 : index
    %swap3A_32 = vector.load %arg5[%swap3A, %swap3A_31] : memref<1250x128xf32, #tpu.memory_space<vmem>>, vector<1250x128xf32>
    tpu.vector_store %arg5[%swap3A, %swap3A_31], %mul3A_30 {strides = array<i32>} : memref<1250x128xf32, #tpu.memory_space<vmem>>, vector<1250x128xf32>,
    return
  }
}

module attributes {stable_mosaic.version = 14 : i64} {
  func.func @body(%arg0: memref<2x1250x128xf32, #tpu.memory_space<vmem>>, %arg1: memref<1250x128xf32, #tpu.memory_space<vmem>>, %arg2: memref<1x128xf32, #tpu.memory_space<vmem>>, %arg3: memref<1250x128xf32, #tpu.memory_space<vmem>>, %arg4: memref<1250x8x16xf32, #tpu.memory_space<vmem>>) attributes {dimension_semantics = [], scalar_prefetch = 0 : i64, scratch_operands = 0 : i64, tpu.core_type = #tpu.core_type<tc>} {
    %get3A = arith.constant 0 : index
    %get3A_0 = arith.constant 0 : index
    %get3A_1 = vector.load %arg3[%get3A, %get3A_0] : memref<1250x128xf32, #tpu.memory_space<vmem>>, vector<1250x128xf32>
    %get3A_2 = arith.constant 0 : index
    %get3A_3 = arith.constant 0 : index
    %get3A_4 = arith.constant 0 : index
    %get3A_5 = vector.load %arg0[%get3A_2, %get3A_3, %get3A_4] : memref<2x1250x128xf32, #tpu.memory_space<vmem>>, vector<1x1250x128xf32>
    %get3A_6 = vector.shape_cast %get3A_5 : vector<1x1250x128xf32> to vector<1250x128xf32>
    %get3A_7 = arith.constant 1 : index
    %get3A_8 = arith.constant 0 : index
    %get3A_9 = arith.constant 0 : index
    %get3A_10 = vector.load %arg0[%get3A_7, %get3A_8, %get3A_9] : memref<2x1250x128xf32, #tpu.memory_space<vmem>>, vector<1x1250x128xf32>
    %get3A_11 = vector.shape_cast %get3A_10 : vector<1x1250x128xf32> to vector<1250x128xf32>
    %add3A = arith.addf %get3A_6, %get3A_11 : vector<1250x128xf32>
    %get3A_12 = arith.constant 0 : index
    %get3A_13 = arith.constant 0 : index
    %get3A_14 = vector.load %arg1[%get3A_12, %get3A_13] : memref<1250x128xf32, #tpu.memory_space<vmem>>, vector<1250x128xf32>
    %add3A_15 = arith.addf %add3A, %get3A_14 : vector<1250x128xf32>
    %mul3A = arith.mulf %get3A_1, %add3A_15 : vector<1250x128xf32>
    %get3A_16 = arith.constant 0 : index
    %get3A_17 = arith.constant 0 : index
    %get3A_18 = vector.load %arg2[%get3A_16, %get3A_17] : memref<1x128xf32, #tpu.memory_space<vmem>>, vector<1x128xf32>
    %add3A_19 = vector.broadcast %get3A_18 : vector<1x128xf32> to vector<1250x128xf32>
    %add3A_20 = arith.addf %mul3A, %add3A_19 : vector<1250x128xf32>
    %reshape3A = vector.shape_cast %add3A_20 : vector<1250x128xf32> to vector<1250x8x16xf32>
    %reduce_max3A = arith.constant dense<0xFF800000> : vector<1250x8xf32>
    %reduce_max3A_21 = vector.multi_reduction <maximumf>, %reshape3A, %reduce_max3A [2] : vector<1250x8x16xf32> to vector<1250x8xf32>
    %broadcast_in_dim3A = vector.shape_cast %reduce_max3A_21 : vector<1250x8xf32> to vector<1250x8x1xf32>
    %sub3A = vector.broadcast %broadcast_in_dim3A : vector<1250x8x1xf32> to vector<1250x8x16xf32>
    %sub3A_22 = arith.subf %reshape3A, %sub3A : vector<1250x8x16xf32>
    %exp3A = math.exp %sub3A_22 : vector<1250x8x16xf32>
    %reduce_sum3A = arith.constant dense<0.000000e+00> : vector<1250x8xf32>
    %reduce_sum3A_23 = vector.multi_reduction <add>, %exp3A, %reduce_sum3A [2] : vector<1250x8x16xf32> to vector<1250x8xf32>
    %broadcast_in_dim3A_24 = vector.shape_cast %reduce_sum3A_23 : vector<1250x8xf32> to vector<1250x8x1xf32>
    %div3A = vector.broadcast %broadcast_in_dim3A_24 : vector<1250x8x1xf32> to vector<1250x8x16xf32>
    %div3A_25 = arith.divf %exp3A, %div3A : vector<1250x8x16xf32>
    %swap3A = arith.constant 0 : index
    %swap3A_26 = arith.constant 0 : index
    %swap3A_27 = arith.constant 0 : index
    %swap3A_28 = vector.load %arg4[%swap3A, %swap3A_26, %swap3A_27] : memref<1250x8x16xf32, #tpu.memory_space<vmem>>, vector<1250x8x16xf32>
    tpu.vector_store %arg4[%swap3A, %swap3A_26, %swap3A_27], %div3A_25 {strides = array<i32>} : memref<1250x8x16xf32, #tpu.memory_space<vmem>>, vector<1250x8x16xf32>,
    return
  }
}

</mosaic_0001>

<sc_bundles>
// kernel: kernel.12.cloned.1.call-start
scs
__scs_entry_jumppad:
0x0: {  	(pc) =	sbr.rel $0x88, $3  }
0x1: {  	(tag) =	ssettag $0x0;
	lr =	simm.s32 $0x1  }
0x2: {  	[smem:$0x3F97] =	sst lr;
	_ =	strace $0xD0000000  }
0x3: {  	_ = 	snop  }
0x4: {  	_ = 	snop  }
0x5: {  	_ = 	snop  }
0x6: {  	_ = 	snop  }
0x7: {  	_ = 	snop  }
__scs_overlays_trampoline_lowered:
0x8: {  	[smem:$0x3FA6] =	sst s0  }
0x9: {  	[smem:$0x3FA7] =	sst s1  }
0xa: {  	[smem:$0x3FA8] =	sst s2  }
0xb: {  	[smem:$0x3FA9] =	sst s3  }
0xc: {  	[smem:$0x3FAA] =	sst s4  }
0xd: {  	[smem:$0x3FAB] =	sst s5  }
0xe: {  	[smem:$0x3FAC] =	sst s6  }
0xf: {  	[smem:$0x3FAD] =	sst s7  }
0x10: {  	[smem:$0x3FAE] =	sst s8  }
0x11: {  	[smem:$0x3FAF] =	sst s9;
	s0 =	simm.s32 @!p0 $0x0  }
0x12: {  	s1 =	sld [smem:$0x3F95];
	s0 =	simm.s32 @p0 $0x1  }
0x13: {  	[smem:$0x3FB0] =	sst s0;
	s0 =	simm.s32 @!p1 $0x0  }
0x14: {  	s2 =	sld [smem:$0x3F94];
	s0 =	simm.s32 @p1 $0x1  }
0x15: {  	[smem:$0x3FB1] =	sst s0;
	s0 =	simm.s32 @!p2 $0x0  }
0x16: {  	s3 =	sld [smem:$0x3FDB];
	s0 =	simm.s32 @p2 $0x1  }
0x17: {  	s4 =	simm.s32 $0x1BF5;
	[smem:$0x3FB3] =	sst s0  }
0x18: {  	s0 =	sld [smem:$0x3F96];
	_ =	swait.ge [sflag:s4], $0x0  }
0x19: {  	s7 =	sld [smem:$0x3F97]  }
0x1a: {  	s8 =	sadd.s32 $0xFFFFE003, lr  }
0x1b: {  	s9 =	sadd.s32 $0xFFFFFEF7, lr;
	s5 =	simm.s32 $0xFFFFFFFF;
	p2 =	slt.u32 s8, $0xFFFFF086  }
0x1c: {  	p1 =	slt.u32 s9, $0xF7A;
	s5 =	simm.s32 @!p2 $0x0  }
0x1d: {  	s5 =	simm.s32 @p1 $0x1;
	p0 =	seq.s32 s7, s2  }
0x1e: {  	s7 =	smul.u32 @!p0 $0xF7A, s2;
	p2 =	seq.s32 @!p0 s5, $0x0  }
0x1f: {  	s9 =	smul.u32 $0xF7A, s1;
	s8 =	simm.s32 @!p0 $0x1BF5;
	p2 =	por !p2, p0  }
0x20: {  	[sflag:s8] =	ssyncset.s32 @!p0 $0xFFFFF086;
	s6 =	sadd.s32 @!p0 s3, s7;
	s7 =	simm.s32 @!p0 $0x108  }
0x21: {  	s3 =	sadd.s32 s3, s9;
	s6 =	sadd.s32 @!p0 $0x88, s6;
	s7 =	simm.s32 @p2 $0x1082  }
0x22: {  	[simem:s7], [sflag:s8] =	dma.local @!p0 [hbm:s6], $0xF7A  }
0x23: {  	s9 =	sor.u32 $0xD0000000, s2;
	s6 =	simm.s32 $0x108;
	_ =	swait.ge @!p0 [sflag:s8], $0x0  }
0x24: {  	s3 =	sadd.s32 $0x88, s3;
	s6 =	simm.s32 @!p1 $0x1082;
	[sflag:s4] =	ssyncset.s32 $0xFFFFF086  }
0x25: {  	[simem:s6], [sflag:s4] =	dma.local [hbm:s3], $0xF7A  }
0x26: {  	[smem:$0x3F97] =	sst s1;
	(tag) =	ssettag s2;
	_ =	strace s9  }
0x27: {  	s1 =	sld [smem:$0x3FA7]  }
0x28: {  	s2 =	sld [smem:$0x3FA8]  }
0x29: {  	s4 =	sld [smem:$0x3FAA]  }
0x2a: {  	p0 =	seq.s32 s5, $0x0;
	s5 =	sld [smem:$0x3FAB]  }
0x2b: {  	s6 =	sld [smem:$0x3FAC]  }
0x2c: {  	s7 =	sld [smem:$0x3FAD]  }
0x2d: {  	s3 =	simm.s32 $0x108;
	s8 =	sld [smem:$0x3FAE]  }
0x2e: {  	s3 =	simm.s32 @!p0 $0x1082;
	s9 =	sld [smem:$0x3FAF]  }
0x2f: {  	lr =	sadd.s32 s0, s3;
	s0 =	sld [smem:$0x3FA6]  }
0x30: {  	s3 =	sld [smem:$0x3FA9]  }
0x31: {  	[smem:$0x3FB2] =	sst s10  }
0x32: {  	s10 =	sld [smem:$0x3FB0];
	_ =	sdelay $0x3  }
0x33: {  	p0 =	seq.s32 s10, $0x1;
	s10 =	sld [smem:$0x3FB2];
	_ =	sdelay $0x3  }
0x34: {  	[smem:$0x3FB2] =	sst s10  }
0x35: {  	s10 =	sld [smem:$0x3FB1];
	_ =	sdelay $0x3  }
0x36: {  	p1 =	seq.s32 s10, $0x1;
	s10 =	sld [smem:$0x3FB2];
	_ =	sdelay $0x3  }
0x37: {  	[smem:$0x3FB2] =	sst s10  }
0x38: {  	s10 =	sld [smem:$0x3FB3]  }
0x39: {  	_ = 	snop;
	(pc) =	sbr.ind lr, $3  }
0x3a: {  	_ = 	snop  }
0x3b: {  	_ = 	snop  }
0x3c: {  	p2 =	seq.s32 s10, $0x1;
	s10 =	sld [smem:$0x3FB2]  }
0x3d: {  	_ =	shalt  }
0x3e: {  	_ =	shalt  }
0x3f: {  	_ =	shalt  }
0x40: {  	_ =	shalt  }
0x41: {  	_ =	shalt  }
0x42: {  	_ =	shalt  }
0x43: {  	_ =	shalt  }
0x44: {  	_ =	shalt  }
0x45: {  	_ =	shalt  }
0x46: {  	_ =	shalt  }
0x47: {  	_ =	shalt  }
0x48: {  	_ =	shalt  }
0x49: {  	_ =	shalt  }
0x4a: {  	_ =	shalt  }
0x4b: {  	_ =	shalt  }
0x4c: {  	_ =	shalt  }
0x4d: {  	_ =	shalt  }
0x4e: {  	_ =	shalt  }
0x4f: {  	_ =	shalt  }
0x50: {  	_ =	shalt  }
0x51: {  	_ =	shalt  }
0x52: {  	_ =	shalt  }
0x53: {  	_ =	shalt  }
0x54: {  	_ =	shalt  }
0x55: {  	_ =	shalt  }
0x56: {  	_ =	shalt  }
0x57: {  	_ =	shalt  }
0x58: {  	_ =	shalt  }
0x59: {  	_ =	shalt  }
0x5a: {  	_ =	shalt  }
0x5b: {  	_ =	shalt  }
0x5c: {  	_ =	shalt  }
0x5d: {  	_ =	shalt  }
0x5e: {  	_ =	shalt  }
0x5f: {  	_ =	shalt  }
0x60: {  	_ =	shalt  }
0x61: {  	_ =	shalt  }
0x62: {  	_ =	shalt  }
0x63: {  	_ =	shalt  }
0x64: {  	_ =	shalt  }
0x65: {  	_ =	shalt  }
0x66: {  	_ =	shalt  }
0x67: {  	_ =	shalt  }
0x68: {  	_ =	shalt  }
0x69: {  	_ =	shalt  }
0x6a: {  	_ =	shalt  }
0x6b: {  	_ =	shalt  }
0x6c: {  	_ =	shalt  }
0x6d: {  	_ =	shalt  }
0x6e: {  	_ =	shalt  }
0x6f: {  	_ =	shalt  }
0x70: {  	_ =	shalt  }
0x71: {  	_ =	shalt  }
0x72: {  	_ =	shalt  }
0x73: {  	_ =	shalt  }
0x74: {  	_ =	shalt  }
0x75: {  	_ =	shalt  }
0x76: {  	_ =	shalt  }
0x77: {  	_ =	shalt  }
0x78: {  	_ =	shalt  }
0x79: {  	_ =	shalt  }
0x7a: {  	_ =	shalt  }
0x7b: {  	_ =	shalt  }
0x7c: {  	_ =	shalt  }
0x7d: {  	_ =	shalt  }
0x7e: {  	_ =	shalt  }
0x7f: {  	_ =	shalt  }
0x80: {  	_ =	shalt  }
0x81: {  	_ =	shalt  }
0x82: {  	_ =	shalt  }
0x83: {  	_ =	shalt  }
0x84: {  	_ =	shalt  }
0x85: {  	_ =	shalt  }
0x86: {  	_ =	shalt  }
0x87: {  	_ =	shalt  }
.Lfunc_end0:
.L_simem_size_0:
called_computation_lowered:
.L_overlay_start_0:
0x88: {  	s2 =	sld [smem:$0x3FD9]  }
0x89: {  	s3 =	sld [smem:$0x3FFE];
	_ =	sdelay $0x1  }
0x8a: {  	s1 =	srdreg.scid  }
0x8b: {  	s0 =	sand.u32 $0x1, s1  }
0x8c: {  	s17 =	sshll.u32 s0, $0xA;
	s2 =	sadd.s32 s3, s2  }
0x8d: {  	s2 =	sadd.s32 s2, s17  }
0x8e: {  	[smem:$0x3FBE] =	sst s2  }
0x8f: {  	_ = 	snop  }
0x90: {  	s2 =	sld [smem:$0x3FD0];
	(tm) =	ssettm $0x1  }
0x91: {  	s18 =	sld [smem:$0x3FFB];
	_ =	sdelay $0x3  }
0x92: {  	_ =	strace s18  }
0x93: {  	s3 =	sld [smem:$0x3FFC];
	_ =	sdelay $0x3  }
0x94: {  	_ =	strace s3  }
0x95: {  	s3 =	sld [smem:$0x3FFD];
	_ =	sdelay $0x3  }
0x96: {  	_ =	strace s3  }
0x97: {  	_ =	strace $0x8FFFFFFF  }
0x98: {  	s19 =	sld [smem:$0x3FDB];
	_ =	sdelay $0x1  }
0x99: {  	s4 =	simm.s32 $_scs_section_size  }
0x9a: {  	s5 =	simm.s32 $_size__tile_overlayer_lowered;
	s6 =	simm.s32 $_tile_overlayer_lowered  }
0x9b: {  	s22 =	simm.s32 $0x1BFF;
	s21 =	sshll.u32 s6, $0x1;
	s3 =	sadd.s32 s4, s19  }
0x9c: {  	s7 =	simm.s32 $0x0;
	s20 =	sshll.u32 s5, $0x1;
	s5 =	sadd.s32 s21, s3  }
0x9d: {  	[timem:s7], [sflag:s22] =	dma.local [hbm:s5], s20  }
0x9e: {  	_ =	swait.ge [sflag:s22], s20  }
0x9f: {  	s4 =	ssub.s32 $0x0, s20;
	[sflag:s22] =	ssyncset.done $0x0  }
0xa0: {  	[sflag:s22] =	ssyncadd.s32 s4;
	_ =	sdelay $0x1  }
0xa1: {  	s23 =	simm.s32 $0x1B8B  }
0xa2: {  	_ =	swait.ge [sflag:s23], $0x1  }
0xa3: {  	[sflag:s23] =	ssyncset.done $0x0  }
0xa4: {  	s25 =	simm.s32 $0x1B8E;
	s24 =	sld [smem:$0x3FFE];
	[sflag:s23] =	ssyncadd.s32 $0xFFFFFFFF  }
0xa5: {  	s26 =	simm.s32 $execute0_lowered;
	[smem:$0x3FD2] =	sst s25  }
0xa6: {  	s5 =	sshll.u32 s26, $0x1;
	_ =	strace $0x80000046;
	[dreg:$0x1] =	wrdreg $0xFFFFFFFF  }
0xa7: {  	s28 =	simm.s32 $_size_execute0_lowered;
	s3 =	sadd.s32 s3, s5;
	[dreg:$0x0] =	wrdreg $0x0  }
0xa8: {  	s5 =	sshll.u32 s28, $0x1;
	[dreg:$0x2] =	wrdreg s3  }
0xa9: {  	[dreg:$0x3] =	wrdreg s5  }
0xaa: {  	[dreg:$0x4] =	wrdreg $0xC0  }
0xab: {  	_ =	task [dreg:s7], $0x5FFFF  }
0xac: {  	[dreg:$0x1] =	wrdreg $0xFFFFFFFF  }
0xad: {  	[dreg:$0x0] =	wrdreg $0x60  }
0xae: {  	[dreg:$0x2] =	wrdreg s24  }
0xaf: {  	[dreg:$0x3] =	wrdreg s2  }
0xb0: {  	[dreg:$0x4] =	wrdreg $0x4E200  }
0xb1: {  	[dreg:$0x5] =	wrdreg $0x9  }
0xb2: {  	_ =	task.clear_ibuf [dreg:s7], $0x6FFFF;
	_ =	strace $0x90000046  }
0xb3: {  	s29 =	simm.s32 $0x9;
	_ =	strace $0x80000048  }
0xb4: {  	_ =	swait.ge [sflag:s29], $0x1  }
0xb5: {  	[sflag:s29] =	ssyncadd.s32 $0xFFFFFFFF  }
0xb6: {  	_ =	strace $0x90000048  }
0xb7: {  	_ =	sfence  }
0xb8: {  	s30 =	sld [smem:$0x0];
	_ =	sdelay $0x2  }
0xb9: {  	s31 =	sshll.u32 s1, $0xD;
	s1 =	sshrl.u32 s1, $0x2  }
0xba: {  	s3 =	sand.u32 $0x4000, s31;
	s1 =	sadd.s32 s1, s30  }
0xbb: {  	s0 =	sor.u32 s3, s0;
	s1 =	sshll.u32 s1, $0x11  }
0xbc: {  	s0 =	sor.u32 s1, s0  }
0xbd: {  	s0 =	sadd.s32 $0x8F2B, s0  }
0xbe: {  	[sflag:s0] =	ssyncadd.remote.s32 $0x1  }
0xbf: {  	_ =	sfence.sel $0xFFFF  }
0xc0: {  	[dreg:$0x0] =	wrdreg $0xFFFFFFFF;
	(pc) =	sbr.abs _section_cstart, $3  }
0xc1: {  	[dreg:$0x1] =	wrdreg $0xFFFFFFFF  }
0xc2: {  	_ =	task.clear_ibuf [dreg:s7], $0x2FFFF;
	_ =	strace $0x9FFFFFFF  }
0xc3: {  	(tm) =	ssettm $0x7FFFFFFF  }
tec
execute0_lowered:
.L_overlay_start_1:
0x0: {  	(tag) =	ssettag $0x1  }
0x1: {  	s5 =	rddreg [dreg:$0x0]  }
0x2: {  	s6 =	rddreg [dreg:$0x1]  }
0x3: {  	s2 =	rddreg [dreg:$0x2];
	s3 =	srdreg.scid  }
0x4: {  	s0 =	rddreg [dreg:$0x3];
	s1 =	stileid.u32  }
0x5: {  	s13 =	simm.s32 $0x2;
	s14 =	simm.s32 $0x3;
	s15 =	simm.s32 $0x50  }
0x6: {  	s16 =	simm.s32 $0x2710;
	s17 =	simm.s32 $0x2760;
	s18 =	simm.s32 $0x27B0  }
0x7: {  	s19 =	simm.s32 $0x2800;
	s20 =	simm.s32 $0x2850;
	s21 =	simm.s32 $0x4  }
0x8: {  	s22 =	simm.s32 $0x5;
	s24 =	simm.s32 $0x6;
	s25 =	simm.s32 $0x0  }
0x9: {  	s7 =	sand.u32 $0x1, s3;
	s3 =	simm.s32 $0x0;
	s8 =	smul.u32 $0x2710, s1  }
0xa: {  	s23 =	sshll.u32 s1, $0x6;
	s4 =	sshll.u32 s7, $0x4;
	[smem:$0x7FF] =	sst s3  }
0xb: {  	s9 =	smul.u32 $0x27100, s7;
	s7 =	ssub.s32 $0x2, s7;
	s4 =	sor.u32 s1, s4  }
0xc: {  	_ =	strace $0x80000047;
	s11 =	sshrl.u32 s7, $0x1;
	s31 =	sshrl.u32 s8, $0x3  }
0xd: {  	s12 =	sadd.s32 s8, s2;
	s10 =	smul.u32 $0x2710, s4;
	s4 =	sadd.s32 $0x17A00, s5  }
0xe: {  	s9 =	sadd.s32 s8, s9;
	s11 =	ssub.s32 s7, s11;
	s6 =	sadd.s32 s6, s31  }
0xf: {  	s7 =	sor.u32 $0x1C03, s23;
	s9 =	sshrl.u32 s9, $0x3;
	s10 =	sshrl.u32 s10, $0x3  }
0x10: {  	s23 =	sor.u32 $0x1C06, s23;
	s9 =	sadd.s32 s9, s5;
	s5 =	sadd.s32 s5, s10  }
0x11: {  	s8 =	sadd.s32 $0x17C00, s9;
	s9 =	smax.u32 s11, $0x1;
	s10 =	simm.s32 $0x7530  }
0x12: {  	s11 =	sshrl.u32 s12, $0x3;
	s12 =	simm.s32 $0x1;
	s5 =	sadd.s32 $0xDC40, s5  }
.LBB2_1:
0x13: {  	[tilespmem:s3], [sflag:$0x1] =	stream.linear.gather [hbm4b:s5+s3], $0x2710, $0x38;
	[tilespmem:$0x7A30] =	vst v63  }
0x14: {  	_ = 	snop  }
0x15: {  	[tilespmem:s10], [sflag:$0x2] =	stream.linear.gather [hbm4b:s4+s3], $0x500, $0x38;
	[tilespmem:$0x7A30] =	vst v63  }
0x16: {  	[spmem:s11], [sflag:s7] =	dma.local [hbm:s6], $0x4E2  }
0x17: {  	_ =	swait.ge [sflag:s12], $0x2710  }
0x18: {  	[sflag:s12] =	ssyncset.done $0x0  }
0x19: {  	s26 =	simm.s32 $0x0;
	[sflag:s12] =	ssyncadd.s32 $0xFFFFD8F0  }
0x1a: {  	v0 =	vld [tilespmem:s26+$0x40]  }
0x1b: {  	v1 =	vld [tilespmem:s26+$0x0]  }
0x1c: {  	v2 =	vld [tilespmem:s26+$0x10]  }
0x1d: {  	v3 =	vld [tilespmem:s26+$0x20]  }
0x1e: {  	s28 =	simm.s32 $0x140;
	v4 =	vld [tilespmem:s26+$0x30]  }
.LBB2_2:
0x1f: {  	s29 =	sshra.s32 s28, $0x2;
	p0 =	sne.s32 s28, $0x9B00;
	s28 =	sadd.s32 $0x140, s28;
	[tilespmem:s26+$0x2750] =	vst v0  }
.Ltmp0:
0x20: {  	v0 =	vld [tilespmem:s29+$0x40];
	[tilespmem:s26+$0x2710] =	vst v1;
	(pc) =	sbr.rel @p0 .LBB2_2-.Ltmp0, $4  }
0x21: {  	v1 =	vld [tilespmem:s29+$0x0];
	[tilespmem:s26+$0x2720] =	vst v2  }
0x22: {  	v2 =	vld [tilespmem:s29+$0x10];
	[tilespmem:s26+$0x2730] =	vst v3  }
0x23: {  	v3 =	vld [tilespmem:s29+$0x20];
	[tilespmem:s26+$0x2740] =	vst v4;
	s26 =	smov.u32 s29  }
0x24: {  	v4 =	vld [tilespmem:s26+$0x30]  }
0x25: {  	[tilespmem:s26+$0x2750] =	vst v0  }
0x26: {  	[tilespmem:s26+$0x2710] =	vst v1  }
0x27: {  	[tilespmem:s26+$0x2720] =	vst v2  }
0x28: {  	[tilespmem:s26+$0x2730] =	vst v3  }
0x29: {  	[tilespmem:s26+$0x2740] =	vst v4  }
0x2a: {  	_ =	swait.ge [sflag:s13], $0x500  }
0x2b: {  	[sflag:s13] =	ssyncset.done $0x0  }
0x2c: {  	[sflag:s13] =	ssyncadd.s32 $0xFFFFFB00  }
0x2d: {  	_ =	swait.ge [sflag:s14], $0x4E2  }
0x2e: {  	[sflag:s14] =	ssyncset.done $0x0  }
0x2f: {  	[sflag:s14] =	ssyncadd.s32 $0xFFFFFB1E  }
0x30: {  	[bflag:$0x0] =	sbarrier.arrive $0xFFFF  }
0x31: {  	[spmem:s2] =	stream.indirect.scatter.add.f32 [tilespmem:s10], [sflag:$0x1], $0x10, s16, s15, $0xb8;
	[tilespmem:$0x7A30] =	vst v63  }
0x32: {  	_ = 	snop  }
0x33: {  	[spmem:s2] =	stream.indirect.scatter.add.f32 [tilespmem:s10], [sflag:$0x2], $0x10, s17, s15, $0xb8;
	[tilespmem:$0x7A30] =	vst v63  }
0x34: {  	_ = 	snop  }
0x35: {  	[spmem:s2] =	stream.indirect.scatter.add.f32 [tilespmem:s10], [sflag:$0x3], $0x10, s18, s15, $0xb8;
	[tilespmem:$0x7A30] =	vst v63  }
0x36: {  	_ = 	snop  }
0x37: {  	[spmem:s2] =	stream.indirect.scatter.add.f32 [tilespmem:s10], [sflag:$0x4], $0x10, s19, s15, $0xb8;
	[tilespmem:$0x7A30] =	vst v63  }
0x38: {  	_ = 	snop  }
0x39: {  	[spmem:s2] =	stream.indirect.scatter.add.f32 [tilespmem:s10], [sflag:$0x5], $0x10, s20, s15, $0xb8;
	[tilespmem:$0x7A30] =	vst v63  }
0x3a: {  	_ =	swait.ge [sflag:s12], $0x500  }
0x3b: {  	[sflag:s12] =	ssyncset.done $0x0  }
0x3c: {  	s31 =	simm.s32 $0x28A0;
	[sflag:s12] =	ssyncadd.s32 $0xFFFFFB00  }
0x3d: {  	[spmem:s2] =	stream.indirect.scatter.add.f32 [tilespmem:s10], [sflag:$0x1], $0x10, s31, s15, $0xb8;
	[tilespmem:$0x7A30] =	vst v63  }
0x3e: {  	_ =	swait.ge [sflag:s13], $0x500  }
0x3f: {  	[sflag:s13] =	ssyncset.done $0x0  }
0x40: {  	s29 =	simm.s32 $0x28F0;
	[sflag:s13] =	ssyncadd.s32 $0xFFFFFB00  }
0x41: {  	[spmem:s2] =	stream.indirect.scatter.add.f32 [tilespmem:s10], [sflag:$0x2], $0x10, s29, s15, $0xb8;
	[tilespmem:$0x7A30] =	vst v63  }
0x42: {  	_ =	swait.ge [sflag:s14], $0x500  }
0x43: {  	[sflag:s14] =	ssyncset.done $0x0  }
0x44: {  	s30 =	simm.s32 $0x2940;
	[sflag:s14] =	ssyncadd.s32 $0xFFFFFB00  }
0x45: {  	[spmem:s2] =	stream.indirect.scatter.add.f32 [tilespmem:s10], [sflag:$0x3], $0x10, s30, s15, $0xb8;
	[tilespmem:$0x7A30] =	vst v63  }
0x46: {  	_ =	swait.ge [sflag:s21], $0x500  }
0x47: {  	[sflag:s21] =	ssyncset.done $0x0  }
0x48: {  	s31 =	simm.s32 $0x2990;
	[sflag:s21] =	ssyncadd.s32 $0xFFFFFB00  }
0x49: {  	[spmem:s2] =	stream.indirect.scatter.add.f32 [tilespmem:s10], [sflag:$0x4], $0x10, s31, s15, $0xb8;
	[tilespmem:$0x7A30] =	vst v63  }
0x4a: {  	_ =	swait.ge [sflag:s22], $0x500  }
0x4b: {  	[sflag:s22] =	ssyncset.done $0x0  }
0x4c: {  	s28 =	simm.s32 $0x29E0;
	s26 =	simm.s32 $0xFFFF7040;
	[sflag:s22] =	ssyncadd.s32 $0xFFFFFB00  }
.LBB2_4:
0x4d: {  	[spmem:s2] =	stream.indirect.scatter.add.f32 [tilespmem:s10], [sflag:$0x5], $0x10, s28, s15, $0xb8;
	[tilespmem:$0x7A30] =	vst v63  }
0x4e: {  	s28 =	smov.u32 s26  }
0x4f: {  	p0 =	sne.s32 s26, $0xFFFFF9C0;
	s26 =	sadd.s32 $0x640, s26;
	_ =	swait.ge [sflag:s12], $0x500  }
0x50: {  	s28 =	sshra.s32 s28, $0x2;
	[sflag:s12] =	ssyncset.done $0x0  }
0x51: {  	s29 =	sadd.s32 $0x4E20, s28;
	[sflag:s12] =	ssyncadd.s32 $0xFFFFFB00  }
0x52: {  	[spmem:s2] =	stream.indirect.scatter.add.f32 [tilespmem:s10], [sflag:$0x1], $0x10, s29, s15, $0xb8;
	[tilespmem:$0x7A30] =	vst v63  }
0x53: {  	_ =	swait.ge [sflag:s13], $0x500  }
0x54: {  	[sflag:s13] =	ssyncset.done $0x0  }
0x55: {  	s29 =	sadd.s32 $0x4E70, s28;
	[sflag:s13] =	ssyncadd.s32 $0xFFFFFB00  }
0x56: {  	[spmem:s2] =	stream.indirect.scatter.add.f32 [tilespmem:s10], [sflag:$0x2], $0x10, s29, s15, $0xb8;
	[tilespmem:$0x7A30] =	vst v63  }
0x57: {  	_ =	swait.ge [sflag:s14], $0x500  }
0x58: {  	[sflag:s14] =	ssyncset.done $0x0  }
0x59: {  	s29 =	sadd.s32 $0x4EC0, s28;
	[sflag:s14] =	ssyncadd.s32 $0xFFFFFB00  }
0x5a: {  	[spmem:s2] =	stream.indirect.scatter.add.f32 [tilespmem:s10], [sflag:$0x3], $0x10, s29, s15, $0xb8;
	[tilespmem:$0x7A30] =	vst v63  }
0x5b: {  	_ =	swait.ge [sflag:s21], $0x500  }
0x5c: {  	[sflag:s21] =	ssyncset.done $0x0  }
.Ltmp1:
0x5d: {  	s29 =	sadd.s32 $0x4F10, s28;
	[sflag:s21] =	ssyncadd.s32 $0xFFFFFB00;
	(pc) =	sbr.rel @p0 .LBB2_4-.Ltmp1, $4  }
0x5e: {  	[spmem:s2] =	stream.indirect.scatter.add.f32 [tilespmem:s10], [sflag:$0x4], $0x10, s29, s15, $0xb8;
	[tilespmem:$0x7A30] =	vst v63  }
0x5f: {  	_ =	swait.ge [sflag:s22], $0x500  }
0x60: {  	[sflag:s22] =	ssyncset.done $0x0  }
0x61: {  	s28 =	sadd.s32 $0x4F60, s28;
	[sflag:s22] =	ssyncadd.s32 $0xFFFFFB00  }
0x62: {  	[spmem:s2] =	stream.indirect.scatter.add.f32 [tilespmem:s10], [sflag:$0x5], $0x10, s28, s15, $0xb8;
	[tilespmem:$0x7A30] =	vst v63  }
0x63: {  	_ =	swait.ge [sflag:s12], $0x500  }
0x64: {  	[sflag:s12] =	ssyncset.done $0x0  }
0x65: {  	[sflag:s12] =	ssyncadd.s32 $0xFFFFFB00  }
0x66: {  	_ =	swait.ge [sflag:s13], $0x500  }
0x67: {  	[sflag:s13] =	ssyncset.done $0x0  }
0x68: {  	[sflag:s13] =	ssyncadd.s32 $0xFFFFFB00  }
0x69: {  	_ =	swait.ge [sflag:s14], $0x500  }
0x6a: {  	[sflag:s14] =	ssyncset.done $0x0  }
0x6b: {  	[sflag:s14] =	ssyncadd.s32 $0xFFFFFB00  }
0x6c: {  	_ =	swait.ge [sflag:s21], $0x500  }
0x6d: {  	[sflag:s21] =	ssyncset.done $0x0  }
0x6e: {  	[sflag:s21] =	ssyncadd.s32 $0xFFFFFB00  }
0x6f: {  	_ =	swait.ge [sflag:s22], $0x500  }
0x70: {  	s25 =	sadd.s32 $0x1, s25;
	[sflag:s22] =	ssyncset.done $0x0  }
0x71: {  	p0 =	sne.s32 s25, s9;
	[sflag:s22] =	ssyncadd.s32 $0xFFFFFB00  }
.Ltmp2:
0x72: {  	[bflag:$0x0] =	sbarrier.arrive $0xFFFF;
	(pc) =	sbr.rel @p0 .LBB2_1-.Ltmp2, $4  }
0x73: {  	[hbm:s8], [sflag:s23] =	dma.local [spmem:s11], $0x4E2  }
0x74: {  	_ =	swait.ge [sflag:s24], $0x4E2  }
0x75: {  	[sflag:s24] =	ssyncset.done $0x0  }
0x76: {  	[sflag:s24] =	ssyncadd.s32 $0xFFFFFB1E  }
0x77: {  	_ =	sfence.sel $0x180000  }
0x78: {  	[bflag:$0x0] =	sbarrier.arrive $0xFFFF  }
0x79: {  	p0 =	sne.s32 s1, $0x0;
	_ =	strace $0x90000047  }
0x7a: {  	s0 =	sadd.s32 @!p0 $0x100000, s0;
	[bflag:$0x2] =	sbarrier.arrive $0xFFFF  }
0x7b: {  	[sflag:s0] =	ssyncadd.tile.s32 @!p0 $0x1;
	_ =	shalt  }
.Lfunc_end2:
_tile_overlayer_lowered:
.L_overlay_start_2:
0x7c: {  	(tag) =	ssettag $0x2  }
0x7d: {  	s0 =	rddreg [dreg:$0x0];
	s2 =	stileid.u32  }
0x7e: {  	s1 =	rddreg [dreg:$0x1];
	p0 =	sne.s32 s2, $0x0  }
0x7f: {  	s3 =	rddreg [dreg:$0x2];
	[bflag:$0x3] =	sbarrier.arrive $0xFFFF;
	s2 =	simm.s32 @!p0 $0x1C06  }
0x80: {  	[timem:s3], [sflag:s2] =	dma.local @!p0 [hbm:s0], s1  }
0x81: {  	s0 =	simm.s32 @!p0 $0x6  }
0x82: {  	_ =	swait.ge @!p0 [sflag:s0], s1  }
0x83: {  	s1 =	ssub.s32 @!p0 $0x0, s1;
	[sflag:s0] =	ssyncset.done @!p0 $0x0  }
0x84: {  	[sflag:s0] =	ssyncadd.s32 @!p0 s1  }
0x85: {  	[bflag:$0x3] =	sbarrier.arrive $0xFFFF  }
0x86: {  	_ =	shalt  }

// kernel: kernel.15.cloned.1.call-start
scs
__scs_entry_jumppad:
0x0: {  	(pc) =	sbr.rel $0x88, $3  }
0x1: {  	(tag) =	ssettag $0x0;
	lr =	simm.s32 $0x1  }
0x2: {  	[smem:$0x3F97] =	sst lr;
	_ =	strace $0xD0000000  }
0x3: {  	_ = 	snop  }
0x4: {  	_ = 	snop  }
0x5: {  	_ = 	snop  }
0x6: {  	_ = 	snop  }
0x7: {  	_ = 	snop  }
__scs_overlays_trampoline_lowered:
0x8: {  	[smem:$0x3FA6] =	sst s0  }
0x9: {  	[smem:$0x3FA7] =	sst s1  }
0xa: {  	[smem:$0x3FA8] =	sst s2  }
0xb: {  	[smem:$0x3FA9] =	sst s3  }
0xc: {  	[smem:$0x3FAA] =	sst s4  }
0xd: {  	[smem:$0x3FAB] =	sst s5  }
0xe: {  	[smem:$0x3FAC] =	sst s6  }
0xf: {  	[smem:$0x3FAD] =	sst s7  }
0x10: {  	[smem:$0x3FAE] =	sst s8  }
0x11: {  	[smem:$0x3FAF] =	sst s9;
	s0 =	simm.s32 @!p0 $0x0  }
0x12: {  	s1 =	sld [smem:$0x3F95];
	s0 =	simm.s32 @p0 $0x1  }
0x13: {  	[smem:$0x3FB0] =	sst s0;
	s0 =	simm.s32 @!p1 $0x0  }
0x14: {  	s2 =	sld [smem:$0x3F94];
	s0 =	simm.s32 @p1 $0x1  }
0x15: {  	[smem:$0x3FB1] =	sst s0;
	s0 =	simm.s32 @!p2 $0x0  }
0x16: {  	s3 =	sld [smem:$0x3FDB];
	s0 =	simm.s32 @p2 $0x1  }
0x17: {  	s4 =	simm.s32 $0x1BF5;
	[smem:$0x3FB3] =	sst s0  }
0x18: {  	s0 =	sld [smem:$0x3F96];
	_ =	swait.ge [sflag:s4], $0x0  }
0x19: {  	s7 =	sld [smem:$0x3F97]  }
0x1a: {  	s8 =	sadd.s32 $0xFFFFE003, lr  }
0x1b: {  	s9 =	sadd.s32 $0xFFFFFEF7, lr;
	s5 =	simm.s32 $0xFFFFFFFF;
	p2 =	slt.u32 s8, $0xFFFFF086  }
0x1c: {  	p1 =	slt.u32 s9, $0xF7A;
	s5 =	simm.s32 @!p2 $0x0  }
0x1d: {  	s5 =	simm.s32 @p1 $0x1;
	p0 =	seq.s32 s7, s2  }
0x1e: {  	s7 =	smul.u32 @!p0 $0xF7A, s2;
	p2 =	seq.s32 @!p0 s5, $0x0  }
0x1f: {  	s9 =	smul.u32 $0xF7A, s1;
	s8 =	simm.s32 @!p0 $0x1BF5;
	p2 =	por !p2, p0  }
0x20: {  	[sflag:s8] =	ssyncset.s32 @!p0 $0xFFFFF086;
	s6 =	sadd.s32 @!p0 s3, s7;
	s7 =	simm.s32 @!p0 $0x108  }
0x21: {  	s3 =	sadd.s32 s3, s9;
	s6 =	sadd.s32 @!p0 $0x88, s6;
	s7 =	simm.s32 @p2 $0x1082  }
0x22: {  	[simem:s7], [sflag:s8] =	dma.local @!p0 [hbm:s6], $0xF7A  }
0x23: {  	s9 =	sor.u32 $0xD0000000, s2;
	s6 =	simm.s32 $0x108;
	_ =	swait.ge @!p0 [sflag:s8], $0x0  }
0x24: {  	s3 =	sadd.s32 $0x88, s3;
	s6 =	simm.s32 @!p1 $0x1082;
	[sflag:s4] =	ssyncset.s32 $0xFFFFF086  }
0x25: {  	[simem:s6], [sflag:s4] =	dma.local [hbm:s3], $0xF7A  }
0x26: {  	[smem:$0x3F97] =	sst s1;
	(tag) =	ssettag s2;
	_ =	strace s9  }
0x27: {  	s1 =	sld [smem:$0x3FA7]  }
0x28: {  	s2 =	sld [smem:$0x3FA8]  }
0x29: {  	s4 =	sld [smem:$0x3FAA]  }
0x2a: {  	p0 =	seq.s32 s5, $0x0;
	s5 =	sld [smem:$0x3FAB]  }
0x2b: {  	s6 =	sld [smem:$0x3FAC]  }
0x2c: {  	s7 =	sld [smem:$0x3FAD]  }
0x2d: {  	s3 =	simm.s32 $0x108;
	s8 =	sld [smem:$0x3FAE]  }
0x2e: {  	s3 =	simm.s32 @!p0 $0x1082;
	s9 =	sld [smem:$0x3FAF]  }
0x2f: {  	lr =	sadd.s32 s0, s3;
	s0 =	sld [smem:$0x3FA6]  }
0x30: {  	s3 =	sld [smem:$0x3FA9]  }
0x31: {  	[smem:$0x3FB2] =	sst s10  }
0x32: {  	s10 =	sld [smem:$0x3FB0];
	_ =	sdelay $0x3  }
0x33: {  	p0 =	seq.s32 s10, $0x1;
	s10 =	sld [smem:$0x3FB2];
	_ =	sdelay $0x3  }
0x34: {  	[smem:$0x3FB2] =	sst s10  }
0x35: {  	s10 =	sld [smem:$0x3FB1];
	_ =	sdelay $0x3  }
0x36: {  	p1 =	seq.s32 s10, $0x1;
	s10 =	sld [smem:$0x3FB2];
	_ =	sdelay $0x3  }
0x37: {  	[smem:$0x3FB2] =	sst s10  }
0x38: {  	s10 =	sld [smem:$0x3FB3]  }
0x39: {  	_ = 	snop;
	(pc) =	sbr.ind lr, $3  }
0x3a: {  	_ = 	snop  }
0x3b: {  	_ = 	snop  }
0x3c: {  	p2 =	seq.s32 s10, $0x1;
	s10 =	sld [smem:$0x3FB2]  }
0x3d: {  	_ =	shalt  }
0x3e: {  	_ =	shalt  }
0x3f: {  	_ =	shalt  }
0x40: {  	_ =	shalt  }
0x41: {  	_ =	shalt  }
0x42: {  	_ =	shalt  }
0x43: {  	_ =	shalt  }
0x44: {  	_ =	shalt  }
0x45: {  	_ =	shalt  }
0x46: {  	_ =	shalt  }
0x47: {  	_ =	shalt  }
0x48: {  	_ =	shalt  }
0x49: {  	_ =	shalt  }
0x4a: {  	_ =	shalt  }
0x4b: {  	_ =	shalt  }
0x4c: {  	_ =	shalt  }
0x4d: {  	_ =	shalt  }
0x4e: {  	_ =	shalt  }
0x4f: {  	_ =	shalt  }
0x50: {  	_ =	shalt  }
0x51: {  	_ =	shalt  }
0x52: {  	_ =	shalt  }
0x53: {  	_ =	shalt  }
0x54: {  	_ =	shalt  }
0x55: {  	_ =	shalt  }
0x56: {  	_ =	shalt  }
0x57: {  	_ =	shalt  }
0x58: {  	_ =	shalt  }
0x59: {  	_ =	shalt  }
0x5a: {  	_ =	shalt  }
0x5b: {  	_ =	shalt  }
0x5c: {  	_ =	shalt  }
0x5d: {  	_ =	shalt  }
0x5e: {  	_ =	shalt  }
0x5f: {  	_ =	shalt  }
0x60: {  	_ =	shalt  }
0x61: {  	_ =	shalt  }
0x62: {  	_ =	shalt  }
0x63: {  	_ =	shalt  }
0x64: {  	_ =	shalt  }
0x65: {  	_ =	shalt  }
0x66: {  	_ =	shalt  }
0x67: {  	_ =	shalt  }
0x68: {  	_ =	shalt  }
0x69: {  	_ =	shalt  }
0x6a: {  	_ =	shalt  }
0x6b: {  	_ =	shalt  }
0x6c: {  	_ =	shalt  }
0x6d: {  	_ =	shalt  }
0x6e: {  	_ =	shalt  }
0x6f: {  	_ =	shalt  }
0x70: {  	_ =	shalt  }
0x71: {  	_ =	shalt  }
0x72: {  	_ =	shalt  }
0x73: {  	_ =	shalt  }
0x74: {  	_ =	shalt  }
0x75: {  	_ =	shalt  }
0x76: {  	_ =	shalt  }
0x77: {  	_ =	shalt  }
0x78: {  	_ =	shalt  }
0x79: {  	_ =	shalt  }
0x7a: {  	_ =	shalt  }
0x7b: {  	_ =	shalt  }
0x7c: {  	_ =	shalt  }
0x7d: {  	_ =	shalt  }
0x7e: {  	_ =	shalt  }
0x7f: {  	_ =	shalt  }
0x80: {  	_ =	shalt  }
0x81: {  	_ =	shalt  }
0x82: {  	_ =	shalt  }
0x83: {  	_ =	shalt  }
0x84: {  	_ =	shalt  }
0x85: {  	_ =	shalt  }
0x86: {  	_ =	shalt  }
0x87: {  	_ =	shalt  }
.Lfunc_end0:
.L_simem_size_0:
called_computation.1_lowered:
.L_overlay_start_0:
0x88: {  	s2 =	sld [smem:$0x3FD9]  }
0x89: {  	s3 =	sld [smem:$0x3FFE];
	_ =	sdelay $0x1  }
0x8a: {  	s1 =	srdreg.scid  }
0x8b: {  	s0 =	sand.u32 $0x1, s1  }
0x8c: {  	s17 =	sshll.u32 s0, $0xA;
	s2 =	sadd.s32 s3, s2  }
0x8d: {  	s2 =	sadd.s32 s2, s17  }
0x8e: {  	[smem:$0x3FBE] =	sst s2  }
0x8f: {  	_ = 	snop  }
0x90: {  	s2 =	sld [smem:$0x3FD0];
	(tm) =	ssettm $0x1  }
0x91: {  	s18 =	sld [smem:$0x3FFB];
	_ =	sdelay $0x3  }
0x92: {  	_ =	strace s18  }
0x93: {  	s3 =	sld [smem:$0x3FFC];
	_ =	sdelay $0x3  }
0x94: {  	_ =	strace s3  }
0x95: {  	s3 =	sld [smem:$0x3FFD];
	_ =	sdelay $0x3  }
0x96: {  	_ =	strace s3  }
0x97: {  	_ =	strace $0x8FFFFFFF  }
0x98: {  	s19 =	sld [smem:$0x3FDB];
	_ =	sdelay $0x1  }
0x99: {  	s4 =	simm.s32 $_scs_section_size  }
0x9a: {  	s5 =	simm.s32 $_size__tile_overlayer_lowered;
	s6 =	simm.s32 $_tile_overlayer_lowered  }
0x9b: {  	s22 =	simm.s32 $0x1BFF;
	s21 =	sshll.u32 s6, $0x1;
	s3 =	sadd.s32 s4, s19  }
0x9c: {  	s7 =	simm.s32 $0x0;
	s20 =	sshll.u32 s5, $0x1;
	s5 =	sadd.s32 s21, s3  }
0x9d: {  	[timem:s7], [sflag:s22] =	dma.local [hbm:s5], s20  }
0x9e: {  	_ =	swait.ge [sflag:s22], s20  }
0x9f: {  	s4 =	ssub.s32 $0x0, s20;
	[sflag:s22] =	ssyncset.done $0x0  }
0xa0: {  	[sflag:s22] =	ssyncadd.s32 s4;
	_ =	sdelay $0x1  }
0xa1: {  	s23 =	simm.s32 $0x1B8B  }
0xa2: {  	_ =	swait.ge [sflag:s23], $0x1  }
0xa3: {  	[sflag:s23] =	ssyncset.done $0x0  }
0xa4: {  	s25 =	simm.s32 $0x1B8E;
	s24 =	sld [smem:$0x3FFE];
	[sflag:s23] =	ssyncadd.s32 $0xFFFFFFFF  }
0xa5: {  	s26 =	simm.s32 $execute0_lowered;
	[smem:$0x3FD2] =	sst s25  }
0xa6: {  	s5 =	sshll.u32 s26, $0x1;
	_ =	strace $0x80000049;
	[dreg:$0x1] =	wrdreg $0xFFFFFFFF  }
0xa7: {  	s28 =	simm.s32 $_size_execute0_lowered;
	s3 =	sadd.s32 s3, s5;
	[dreg:$0x0] =	wrdreg $0x0  }
0xa8: {  	s5 =	sshll.u32 s28, $0x1;
	[dreg:$0x2] =	wrdreg s3  }
0xa9: {  	[dreg:$0x3] =	wrdreg s5  }
0xaa: {  	[dreg:$0x4] =	wrdreg $0xC0  }
0xab: {  	_ =	task [dreg:s7], $0x5FFFF  }
0xac: {  	[dreg:$0x1] =	wrdreg $0xFFFFFFFF  }
0xad: {  	[dreg:$0x0] =	wrdreg $0x60  }
0xae: {  	[dreg:$0x2] =	wrdreg s24  }
0xaf: {  	[dreg:$0x3] =	wrdreg s2  }
0xb0: {  	[dreg:$0x4] =	wrdreg $0x75300  }
0xb1: {  	[dreg:$0x5] =	wrdreg $0x9C400  }
0xb2: {  	[dreg:$0x6] =	wrdreg $0x9  }
0xb3: {  	_ =	task.clear_ibuf [dreg:s7], $0x7FFFF;
	_ =	strace $0x90000049  }
0xb4: {  	s29 =	simm.s32 $0x9;
	_ =	strace $0x8000004B  }
0xb5: {  	_ =	swait.ge [sflag:s29], $0x1  }
0xb6: {  	[sflag:s29] =	ssyncadd.s32 $0xFFFFFFFF  }
0xb7: {  	_ =	strace $0x9000004B  }
0xb8: {  	_ =	sfence  }
0xb9: {  	s30 =	sld [smem:$0x0];
	_ =	sdelay $0x2  }
0xba: {  	s31 =	sshll.u32 s1, $0xD;
	s1 =	sshrl.u32 s1, $0x2  }
0xbb: {  	s3 =	sand.u32 $0x4000, s31;
	s1 =	sadd.s32 s1, s30  }
0xbc: {  	s0 =	sor.u32 s3, s0;
	s1 =	sshll.u32 s1, $0x11  }
0xbd: {  	s0 =	sor.u32 s1, s0  }
0xbe: {  	s0 =	sadd.s32 $0x8F2B, s0  }
0xbf: {  	[sflag:s0] =	ssyncadd.remote.s32 $0x1  }
0xc0: {  	_ =	sfence.sel $0xFFFF  }
0xc1: {  	[dreg:$0x0] =	wrdreg $0xFFFFFFFF;
	(pc) =	sbr.abs _section_cstart, $3  }
0xc2: {  	[dreg:$0x1] =	wrdreg $0xFFFFFFFF  }
0xc3: {  	_ =	task.clear_ibuf [dreg:s7], $0x2FFFF;
	_ =	strace $0x9FFFFFFF  }
0xc4: {  	(tm) =	ssettm $0x7FFFFFFF  }
0xc5: {  	_ =	shalt  }
tec
execute0_lowered:
.L_overlay_start_1:
0x0: {  	(tag) =	ssettag $0x1  }
0x1: {  	s0 =	rddreg [dreg:$0x0]  }
0x2: {  	s1 =	srdreg.scid;
	s4 =	rddreg [dreg:$0x1]  }
0x3: {  	s2 =	rddreg [dreg:$0x2];
	s11 =	stileid.u32  }
0x4: {  	s3 =	rddreg [dreg:$0x3];
	s7 =	simm.s32 $0x0;
	s17 =	simm.s32 $0x1  }
0x5: {  	s18 =	simm.s32 $0x2;
	s19 =	simm.s32 $0x3;
	s20 =	simm.s32 $0x4  }
0x6: {  	s21 =	simm.s32 $0x50;
	s22 =	simm.s32 $0xC350;
	s28 =	simm.s32 $0xD250  }
0x7: {  	s30 =	simm.s32 $0xD750;
	s31 =	simm.s32 $0x5;
	s13 =	simm.s32 $0x8  }
0x8: {  	s29 =	simm.s32 $0xB;
	s1 =	sand.u32 $0x1, s1;
	s6 =	smul.u32 $0x2710, s11  }
0x9: {  	[smem:$0x7FF] =	sst s7;
	s5 =	sshll.u32 s1, $0x4;
	s23 =	smul.u32 $0x27100, s1  }
0xa: {  	_ =	strace $0x8000004A;
	s1 =	ssub.s32 $0x2, s1;
	s5 =	sor.u32 s11, s5  }
0xb: {  	s8 =	sshrl.u32 s6, $0x3;
	s9 =	sshrl.u32 s1, $0x1;
	s25 =	sadd.s32 s6, s2  }
0xc: {  	s26 =	sadd.s32 s6, s3;
	s5 =	smul.u32 $0x2710, s5;
	s10 =	sadd.s32 s8, s0  }
0xd: {  	s7 =	sadd.s32 s6, s23;
	s1 =	ssub.s32 s1, s9;
	s4 =	sadd.s32 s4, s8  }
0xe: {  	s14 =	sshrl.u32 s25, $0x3;
	s16 =	sshrl.u32 s26, $0x3;
	s23 =	simm.s32 $0xC850  }
0xf: {  	s25 =	simm.s32 $0xCD50;
	s26 =	simm.s32 $0xA;
	s7 =	sshrl.u32 s7, $0x3  }
0x10: {  	[dreg:$0x7] =	wrdreg s4;
	s10 =	sadd.s32 $0x17A00, s10;
	s12 =	smax.u32 s1, $0x1  }
0x11: {  	s1 =	simm.s32 $0x6;
	s4 =	simm.s32 $0x0;
	s5 =	sshrl.u32 s5, $0x3  }
0x12: {  	s5 =	sadd.s32 s5, s0;
	s0 =	sadd.s32 s7, s0;
	s7 =	sshll.u32 s11, $0x6  }
0x13: {  	s24 =	sadd.s32 $0xDC40, s5;
	s5 =	sadd.s32 $0x4000, s5;
	s9 =	sor.u32 $0x1C03, s7  }
0x14: {  	s11 =	sadd.s32 $0x1CA00, s0;
	s15 =	sor.u32 $0x1C04, s7;
	[dreg:$0x5] =	wrdreg s24  }
0x15: {  	s0 =	simm.s32 $0x7;
	[dreg:$0x6] =	wrdreg s5;
	s24 =	simm.s32 $0x9  }
.LBB2_1:
0x16: {  	s5 =	simm.s32 $0x0;
	s6 =	rddreg [dreg:$0x5];
	s8 =	simm.s32 $0x2710  }
0x17: {  	[tilespmem:s8], [sflag:$0x1] =	stream.linear.gather [hbm4b:s6+s5], $0x2710, $0x38;
	[tilespmem:$0xDC50] =	vst v63  }
0x18: {  	s8 =	rddreg [dreg:$0x6]  }
0x19: {  	[tilespmem:s5], [sflag:$0x2] =	stream.linear.gather [hbm4b:s8+s5], $0x2710, $0x38;
	[tilespmem:$0xDC50] =	vst v63  }
0x1a: {  	s8 =	rddreg [dreg:$0x7]  }
0x1b: {  	[spmem:s14], [sflag:s9] =	dma.local [hbm:s8], $0x4E2  }
0x1c: {  	[spmem:s16], [sflag:s15] =	dma.local [hbm:s10], $0x4E2  }
0x1d: {  	_ =	swait.ge [sflag:s17], $0x2710  }
0x1e: {  	[sflag:s17] =	ssyncset.done $0x0  }
0x1f: {  	s5 =	simm.s32 $0x0;
	[sflag:s17] =	ssyncadd.s32 $0xFFFFD8F0  }
0x20: {  	v0 =	vld [tilespmem:s5+$0x2750]  }
0x21: {  	v1 =	vld [tilespmem:s5+$0x2710]  }
0x22: {  	v2 =	vld [tilespmem:s5+$0x2720]  }
0x23: {  	v3 =	vld [tilespmem:s5+$0x2730]  }
0x24: {  	s6 =	simm.s32 $0x140;
	v4 =	vld [tilespmem:s5+$0x2740]  }
.LBB2_2:
0x25: {  	s8 =	sshra.s32 s6, $0x2;
	p0 =	sne.s32 s6, $0x9B00;
	s6 =	sadd.s32 $0x140, s6;
	[tilespmem:s5+$0x4E60] =	vst v0  }
.Ltmp0:
0x26: {  	v0 =	vld [tilespmem:s8+$0x2750];
	[tilespmem:s5+$0x4E20] =	vst v1;
	(pc) =	sbr.rel @p0 .LBB2_2-.Ltmp0, $4  }
0x27: {  	v1 =	vld [tilespmem:s8+$0x2710];
	[tilespmem:s5+$0x4E30] =	vst v2  }
0x28: {  	v2 =	vld [tilespmem:s8+$0x2720];
	[tilespmem:s5+$0x4E40] =	vst v3  }
0x29: {  	v3 =	vld [tilespmem:s8+$0x2730];
	[tilespmem:s5+$0x4E50] =	vst v4;
	s5 =	smov.u32 s8  }
0x2a: {  	v4 =	vld [tilespmem:s5+$0x2740]  }
0x2b: {  	[tilespmem:s5+$0x4E60] =	vst v0  }
0x2c: {  	[tilespmem:s5+$0x4E20] =	vst v1  }
0x2d: {  	[tilespmem:s5+$0x4E30] =	vst v2  }
0x2e: {  	[tilespmem:s5+$0x4E40] =	vst v3  }
0x2f: {  	[tilespmem:s5+$0x4E50] =	vst v4  }
0x30: {  	_ =	swait.ge [sflag:s18], $0x2710  }
0x31: {  	[sflag:s18] =	ssyncset.done $0x0  }
0x32: {  	[sflag:s18] =	ssyncadd.s32 $0xFFFFD8F0  }
0x33: {  	_ =	swait.ge [sflag:s19], $0x4E2  }
0x34: {  	[sflag:s19] =	ssyncset.done $0x0  }
0x35: {  	[sflag:s19] =	ssyncadd.s32 $0xFFFFFB1E  }
0x36: {  	_ =	swait.ge [sflag:s20], $0x4E2  }
0x37: {  	[sflag:s20] =	ssyncset.done $0x0  }
0x38: {  	[sflag:s20] =	ssyncadd.s32 $0xFFFFFB1E  }
0x39: {  	s8 =	simm.s32 $0x0;
	[bflag:$0x0] =	sbarrier.arrive $0xFFFF  }
0x3a: {  	[tilespmem:s22], [sflag:$0x1] =	stream.indirect.gather [spmem:s3], $0x10, s8, s21, $0xb8;
	[tilespmem:$0xDC50] =	vst v63  }
0x3b: {  	_ = 	snop  }
0x3c: {  	[tilespmem:s23], [sflag:$0x2] =	stream.indirect.gather [spmem:s3], $0x10, s21, s21, $0xb8;
	[tilespmem:$0xDC50] =	vst v63  }
0x3d: {  	s6 =	simm.s32 $0xA0  }
0x3e: {  	[tilespmem:s25], [sflag:$0x3] =	stream.indirect.gather [spmem:s3], $0x10, s6, s21, $0xb8;
	[tilespmem:$0xDC50] =	vst v63  }
0x3f: {  	s8 =	simm.s32 $0xF0  }
0x40: {  	[tilespmem:s28], [sflag:$0x4] =	stream.indirect.gather [spmem:s3], $0x10, s8, s21, $0xb8;
	[tilespmem:$0xDC50] =	vst v63  }
0x41: {  	s6 =	simm.s32 $0x140  }
0x42: {  	[tilespmem:s30], [sflag:$0x5] =	stream.indirect.gather [spmem:s3], $0x10, s6, s21, $0xb8;
	[tilespmem:$0xDC50] =	vst v63  }
0x43: {  	_ =	swait.ge [sflag:s17], $0x500  }
0x44: {  	[sflag:s17] =	ssyncset.done $0x0  }
0x45: {  	s8 =	simm.s32 $0x4E20;
	[sflag:s17] =	ssyncadd.s32 $0xFFFFFB00  }
0x46: {  	[spmem:s2] =	stream.indirect.scatter.add.f32 [tilespmem:s22], [sflag:$0x6], $0x10, s8, s21, $0xb8;
	[tilespmem:$0xDC50] =	vst v63  }
0x47: {  	_ =	swait.ge [sflag:s18], $0x500  }
0x48: {  	[sflag:s18] =	ssyncset.done $0x0  }
0x49: {  	s6 =	simm.s32 $0x4E70;
	[sflag:s18] =	ssyncadd.s32 $0xFFFFFB00  }
0x4a: {  	[spmem:s2] =	stream.indirect.scatter.add.f32 [tilespmem:s23], [sflag:$0x7], $0x10, s6, s21, $0xb8;
	[tilespmem:$0xDC50] =	vst v63  }
0x4b: {  	_ =	swait.ge [sflag:s19], $0x500  }
0x4c: {  	[sflag:s19] =	ssyncset.done $0x0  }
0x4d: {  	s8 =	simm.s32 $0x4EC0;
	[sflag:s19] =	ssyncadd.s32 $0xFFFFFB00  }
0x4e: {  	[spmem:s2] =	stream.indirect.scatter.add.f32 [tilespmem:s25], [sflag:$0x8], $0x10, s8, s21, $0xb8;
	[tilespmem:$0xDC50] =	vst v63  }
0x4f: {  	_ =	swait.ge [sflag:s20], $0x500  }
0x50: {  	[sflag:s20] =	ssyncset.done $0x0  }
0x51: {  	s6 =	simm.s32 $0x4F10;
	[sflag:s20] =	ssyncadd.s32 $0xFFFFFB00  }
0x52: {  	[spmem:s2] =	stream.indirect.scatter.add.f32 [tilespmem:s28], [sflag:$0x9], $0x10, s6, s21, $0xb8;
	[tilespmem:$0xDC50] =	vst v63  }
0x53: {  	_ =	swait.ge [sflag:s31], $0x500  }
0x54: {  	[sflag:s31] =	ssyncset.done $0x0  }
0x55: {  	s8 =	simm.s32 $0x4F60;
	[sflag:s31] =	ssyncadd.s32 $0xFFFFFB00  }
0x56: {  	[spmem:s2] =	stream.indirect.scatter.add.f32 [tilespmem:s30], [sflag:$0xA], $0x10, s8, s21, $0xb8;
	[tilespmem:$0xDC50] =	vst v63  }
0x57: {  	_ =	swait.ge [sflag:s1], $0x500  }
0x58: {  	[sflag:s1] =	ssyncset.done $0x0  }
0x59: {  	s6 =	simm.s32 $0x190;
	[sflag:s1] =	ssyncadd.s32 $0xFFFFFB00  }
0x5a: {  	[tilespmem:s22], [sflag:$0x1] =	stream.indirect.gather [spmem:s3], $0x10, s6, s21, $0xb8;
	[tilespmem:$0xDC50] =	vst v63  }
0x5b: {  	_ =	swait.ge [sflag:s0], $0x500  }
0x5c: {  	[sflag:s0] =	ssyncset.done $0x0  }
0x5d: {  	s8 =	simm.s32 $0x1E0;
	[sflag:s0] =	ssyncadd.s32 $0xFFFFFB00  }
0x5e: {  	[tilespmem:s23], [sflag:$0x2] =	stream.indirect.gather [spmem:s3], $0x10, s8, s21, $0xb8;
	[tilespmem:$0xDC50] =	vst v63  }
0x5f: {  	_ =	swait.ge [sflag:s13], $0x500  }
0x60: {  	[sflag:s13] =	ssyncset.done $0x0  }
0x61: {  	s6 =	simm.s32 $0x230;
	[sflag:s13] =	ssyncadd.s32 $0xFFFFFB00  }
0x62: {  	[tilespmem:s25], [sflag:$0x3] =	stream.indirect.gather [spmem:s3], $0x10, s6, s21, $0xb8;
	[tilespmem:$0xDC50] =	vst v63  }
0x63: {  	_ =	swait.ge [sflag:s24], $0x500  }
0x64: {  	[sflag:s24] =	ssyncset.done $0x0  }
0x65: {  	s8 =	simm.s32 $0x280;
	[sflag:s24] =	ssyncadd.s32 $0xFFFFFB00  }
0x66: {  	[tilespmem:s28], [sflag:$0x4] =	stream.indirect.gather [spmem:s3], $0x10, s8, s21, $0xb8;
	[tilespmem:$0xDC50] =	vst v63  }
0x67: {  	_ =	swait.ge [sflag:s26], $0x500  }
0x68: {  	[sflag:s26] =	ssyncset.done $0x0  }
0x69: {  	s5 =	simm.s32 $0x640;
	s6 =	simm.s32 $0x2D0;
	[sflag:s26] =	ssyncadd.s32 $0xFFFFFB00  }
.LBB2_4:
0x6a: {  	[tilespmem:s30], [sflag:$0x5] =	stream.indirect.gather [spmem:s3], $0x10, s6, s21, $0xb8;
	[tilespmem:$0xDC50] =	vst v63  }
0x6b: {  	s6 =	smov.u32 s5  }
0x6c: {  	p0 =	sne.s32 s5, $0x8FC0;
	s5 =	sadd.s32 $0x640, s5;
	_ =	swait.ge [sflag:s17], $0x500  }
0x6d: {  	s6 =	sshra.s32 s6, $0x2;
	[sflag:s17] =	ssyncset.done $0x0  }
0x6e: {  	s8 =	sadd.s32 $0x4E20, s6;
	[sflag:s17] =	ssyncadd.s32 $0xFFFFFB00  }
0x6f: {  	[spmem:s2] =	stream.indirect.scatter.add.f32 [tilespmem:s22], [sflag:$0x6], $0x10, s8, s21, $0xb8;
	[tilespmem:$0xDC50] =	vst v63  }
0x70: {  	_ =	swait.ge [sflag:s18], $0x500  }
0x71: {  	[sflag:s18] =	ssyncset.done $0x0  }
0x72: {  	s8 =	sadd.s32 $0x4E70, s6;
	[sflag:s18] =	ssyncadd.s32 $0xFFFFFB00  }
0x73: {  	[spmem:s2] =	stream.indirect.scatter.add.f32 [tilespmem:s23], [sflag:$0x7], $0x10, s8, s21, $0xb8;
	[tilespmem:$0xDC50] =	vst v63  }
0x74: {  	_ =	swait.ge [sflag:s19], $0x500  }
0x75: {  	[sflag:s19] =	ssyncset.done $0x0  }
0x76: {  	s8 =	sadd.s32 $0x4EC0, s6;
	[sflag:s19] =	ssyncadd.s32 $0xFFFFFB00  }
0x77: {  	[spmem:s2] =	stream.indirect.scatter.add.f32 [tilespmem:s25], [sflag:$0x8], $0x10, s8, s21, $0xb8;
	[tilespmem:$0xDC50] =	vst v63  }
0x78: {  	_ =	swait.ge [sflag:s20], $0x500  }
0x79: {  	[sflag:s20] =	ssyncset.done $0x0  }
0x7a: {  	s8 =	sadd.s32 $0x4F10, s6;
	[sflag:s20] =	ssyncadd.s32 $0xFFFFFB00  }
0x7b: {  	[spmem:s2] =	stream.indirect.scatter.add.f32 [tilespmem:s28], [sflag:$0x9], $0x10, s8, s21, $0xb8;
	[tilespmem:$0xDC50] =	vst v63  }
0x7c: {  	_ =	swait.ge [sflag:s31], $0x500  }
0x7d: {  	[sflag:s31] =	ssyncset.done $0x0  }
0x7e: {  	s8 =	sadd.s32 $0x4F60, s6;
	[sflag:s31] =	ssyncadd.s32 $0xFFFFFB00  }
0x7f: {  	[spmem:s2] =	stream.indirect.scatter.add.f32 [tilespmem:s30], [sflag:$0xA], $0x10, s8, s21, $0xb8;
	[tilespmem:$0xDC50] =	vst v63  }
0x80: {  	_ =	swait.ge [sflag:s1], $0x500  }
0x81: {  	[sflag:s1] =	ssyncset.done $0x0  }
0x82: {  	s8 =	sadd.s32 $0x190, s6;
	[sflag:s1] =	ssyncadd.s32 $0xFFFFFB00  }
0x83: {  	[tilespmem:s22], [sflag:$0x1] =	stream.indirect.gather [spmem:s3], $0x10, s8, s21, $0xb8;
	[tilespmem:$0xDC50] =	vst v63  }
0x84: {  	_ =	swait.ge [sflag:s0], $0x500  }
0x85: {  	[sflag:s0] =	ssyncset.done $0x0  }
0x86: {  	s8 =	sadd.s32 $0x1E0, s6;
	[sflag:s0] =	ssyncadd.s32 $0xFFFFFB00  }
0x87: {  	[tilespmem:s23], [sflag:$0x2] =	stream.indirect.gather [spmem:s3], $0x10, s8, s21, $0xb8;
	[tilespmem:$0xDC50] =	vst v63  }
0x88: {  	_ =	swait.ge [sflag:s13], $0x500  }
0x89: {  	[sflag:s13] =	ssyncset.done $0x0  }
0x8a: {  	s8 =	sadd.s32 $0x230, s6;
	[sflag:s13] =	ssyncadd.s32 $0xFFFFFB00  }
0x8b: {  	[tilespmem:s25], [sflag:$0x3] =	stream.indirect.gather [spmem:s3], $0x10, s8, s21, $0xb8;
	[tilespmem:$0xDC50] =	vst v63  }
0x8c: {  	_ =	swait.ge [sflag:s24], $0x500  }
0x8d: {  	[sflag:s24] =	ssyncset.done $0x0  }
.Ltmp1:
0x8e: {  	s8 =	sadd.s32 $0x280, s6;
	[sflag:s24] =	ssyncadd.s32 $0xFFFFFB00;
	(pc) =	sbr.rel @p0 .LBB2_4-.Ltmp1, $4  }
0x8f: {  	[tilespmem:s28], [sflag:$0x4] =	stream.indirect.gather [spmem:s3], $0x10, s8, s21, $0xb8;
	[tilespmem:$0xDC50] =	vst v63  }
0x90: {  	_ =	swait.ge [sflag:s26], $0x500  }
0x91: {  	[sflag:s26] =	ssyncset.done $0x0  }
0x92: {  	s6 =	sadd.s32 $0x2D0, s6;
	[sflag:s26] =	ssyncadd.s32 $0xFFFFFB00  }
0x93: {  	[tilespmem:s30], [sflag:$0x5] =	stream.indirect.gather [spmem:s3], $0x10, s6, s21, $0xb8;
	[tilespmem:$0xDC50] =	vst v63  }
0x94: {  	_ =	swait.ge [sflag:s17], $0x500  }
0x95: {  	[sflag:s17] =	ssyncset.done $0x0  }
0x96: {  	s5 =	simm.s32 $0x73A0;
	[sflag:s17] =	ssyncadd.s32 $0xFFFFFB00  }
0x97: {  	[spmem:s2] =	stream.indirect.scatter.add.f32 [tilespmem:s22], [sflag:$0x6], $0x10, s5, s21, $0xb8;
	[tilespmem:$0xDC50] =	vst v63  }
0x98: {  	_ =	swait.ge [sflag:s18], $0x500  }
0x99: {  	[sflag:s18] =	ssyncset.done $0x0  }
0x9a: {  	s8 =	simm.s32 $0x73F0;
	[sflag:s18] =	ssyncadd.s32 $0xFFFFFB00  }
0x9b: {  	[spmem:s2] =	stream.indirect.scatter.add.f32 [tilespmem:s23], [sflag:$0x7], $0x10, s8, s21, $0xb8;
	[tilespmem:$0xDC50] =	vst v63  }
0x9c: {  	_ =	swait.ge [sflag:s19], $0x500  }
0x9d: {  	[sflag:s19] =	ssyncset.done $0x0  }
0x9e: {  	s6 =	simm.s32 $0x7440;
	[sflag:s19] =	ssyncadd.s32 $0xFFFFFB00  }
0x9f: {  	[spmem:s2] =	stream.indirect.scatter.add.f32 [tilespmem:s25], [sflag:$0x8], $0x10, s6, s21, $0xb8;
	[tilespmem:$0xDC50] =	vst v63  }
0xa0: {  	_ =	swait.ge [sflag:s20], $0x500  }
0xa1: {  	[sflag:s20] =	ssyncset.done $0x0  }
0xa2: {  	s8 =	simm.s32 $0x7490;
	[sflag:s20] =	ssyncadd.s32 $0xFFFFFB00  }
0xa3: {  	[spmem:s2] =	stream.indirect.scatter.add.f32 [tilespmem:s28], [sflag:$0x9], $0x10, s8, s21, $0xb8;
	[tilespmem:$0xDC50] =	vst v63  }
0xa4: {  	_ =	swait.ge [sflag:s31], $0x500  }
0xa5: {  	[sflag:s31] =	ssyncset.done $0x0  }
0xa6: {  	s6 =	simm.s32 $0x74E0;
	[sflag:s31] =	ssyncadd.s32 $0xFFFFFB00  }
0xa7: {  	[spmem:s2] =	stream.indirect.scatter.add.f32 [tilespmem:s30], [sflag:$0xA], $0x10, s6, s21, $0xb8;
	[tilespmem:$0xDC50] =	vst v63  }
0xa8: {  	_ =	swait.ge [sflag:s1], $0x500  }
0xa9: {  	[sflag:s1] =	ssyncset.done $0x0  }
0xaa: {  	[sflag:s1] =	ssyncadd.s32 $0xFFFFFB00  }
0xab: {  	_ =	swait.ge [sflag:s0], $0x500  }
0xac: {  	[sflag:s0] =	ssyncset.done $0x0  }
0xad: {  	[sflag:s0] =	ssyncadd.s32 $0xFFFFFB00  }
0xae: {  	_ =	swait.ge [sflag:s13], $0x500  }
0xaf: {  	[sflag:s13] =	ssyncset.done $0x0  }
0xb0: {  	[sflag:s13] =	ssyncadd.s32 $0xFFFFFB00  }
0xb1: {  	_ =	swait.ge [sflag:s24], $0x500  }
0xb2: {  	[sflag:s24] =	ssyncset.done $0x0  }
0xb3: {  	[sflag:s24] =	ssyncadd.s32 $0xFFFFFB00  }
0xb4: {  	_ =	swait.ge [sflag:s26], $0x500  }
0xb5: {  	s4 =	sadd.s32 $0x1, s4;
	[sflag:s26] =	ssyncset.done $0x0  }
0xb6: {  	p0 =	sne.s32 s4, s12;
	[sflag:s26] =	ssyncadd.s32 $0xFFFFFB00  }
.Ltmp2:
0xb7: {  	s8 =	sor.u32 $0x1C0B, s7;
	[bflag:$0x0] =	sbarrier.arrive $0xFFFF;
	(pc) =	sbr.rel @p0 .LBB2_1-.Ltmp2, $4  }
0xb8: {  	[hbm:s11], [sflag:s8] =	dma.local [spmem:s14], $0x4E2  }
0xb9: {  	_ =	swait.ge [sflag:s29], $0x4E2  }
0xba: {  	[sflag:s29] =	ssyncset.done $0x0  }
0xbb: {  	[sflag:s29] =	ssyncadd.s32 $0xFFFFFB1E  }
0xbc: {  	_ =	sfence.sel $0x180000  }
0xbd: {  	[bflag:$0x0] =	sbarrier.arrive $0xFFFF  }
0xbe: {  	_ =	strace $0x9000004A  }
0xbf: {  	s0 =	stileid.u32;
	[bflag:$0x2] =	sbarrier.arrive $0xFFFF  }
0xc0: {  	p0 =	sne.s32 s0, $0x0;
	s0 =	rddreg [dreg:$0x4]  }
0xc1: {  	s0 =	sadd.s32 @!p0 $0x100000, s0  }
0xc2: {  	[sflag:s0] =	ssyncadd.tile.s32 @!p0 $0x1;
	_ =	shalt  }
.Lfunc_end2:
_tile_overlayer_lowered:
.L_overlay_start_2:
0xc3: {  	(tag) =	ssettag $0x2  }
0xc4: {  	s0 =	rddreg [dreg:$0x0];
	s2 =	stileid.u32  }
0xc5: {  	s1 =	rddreg [dreg:$0x1];
	p0 =	sne.s32 s2, $0x0  }
0xc6: {  	s3 =	rddreg [dreg:$0x2];
	[bflag:$0x3] =	sbarrier.arrive $0xFFFF;
	s2 =	simm.s32 @!p0 $0x1C0B  }
0xc7: {  	[timem:s3], [sflag:s2] =	dma.local @!p0 [hbm:s0], s1  }
0xc8: {  	s0 =	simm.s32 @!p0 $0xB  }
0xc9: {  	_ =	swait.ge @!p0 [sflag:s0], s1  }
0xca: {  	s1 =	ssub.s32 @!p0 $0x0, s1;
	[sflag:s0] =	ssyncset.done @!p0 $0x0  }
0xcb: {  	[sflag:s0] =	ssyncadd.s32 @!p0 s1  }
0xcc: {  	[bflag:$0x3] =	sbarrier.arrive $0xFFFF  }
0xcd: {  	_ =	shalt  }

// kernel: kernel.18.cloned.1.call-start
scs
__scs_entry_jumppad:
0x0: {  	(pc) =	sbr.rel $0x88, $3  }
0x1: {  	(tag) =	ssettag $0x0;
	lr =	simm.s32 $0x1  }
0x2: {  	[smem:$0x3F97] =	sst lr;
	_ =	strace $0xD0000000  }
0x3: {  	_ = 	snop  }
0x4: {  	_ = 	snop  }
0x5: {  	_ = 	snop  }
0x6: {  	_ = 	snop  }
0x7: {  	_ = 	snop  }
__scs_overlays_trampoline_lowered:
0x8: {  	[smem:$0x3FA6] =	sst s0  }
0x9: {  	[smem:$0x3FA7] =	sst s1  }
0xa: {  	[smem:$0x3FA8] =	sst s2  }
0xb: {  	[smem:$0x3FA9] =	sst s3  }
0xc: {  	[smem:$0x3FAA] =	sst s4  }
0xd: {  	[smem:$0x3FAB] =	sst s5  }
0xe: {  	[smem:$0x3FAC] =	sst s6  }
0xf: {  	[smem:$0x3FAD] =	sst s7  }
0x10: {  	[smem:$0x3FAE] =	sst s8  }
0x11: {  	[smem:$0x3FAF] =	sst s9;
	s0 =	simm.s32 @!p0 $0x0  }
0x12: {  	s1 =	sld [smem:$0x3F95];
	s0 =	simm.s32 @p0 $0x1  }
0x13: {  	[smem:$0x3FB0] =	sst s0;
	s0 =	simm.s32 @!p1 $0x0  }
0x14: {  	s2 =	sld [smem:$0x3F94];
	s0 =	simm.s32 @p1 $0x1  }
0x15: {  	[smem:$0x3FB1] =	sst s0;
	s0 =	simm.s32 @!p2 $0x0  }
0x16: {  	s3 =	sld [smem:$0x3FDB];
	s0 =	simm.s32 @p2 $0x1  }
0x17: {  	s4 =	simm.s32 $0x1BF5;
	[smem:$0x3FB3] =	sst s0  }
0x18: {  	s0 =	sld [smem:$0x3F96];
	_ =	swait.ge [sflag:s4], $0x0  }
0x19: {  	s7 =	sld [smem:$0x3F97]  }
0x1a: {  	s8 =	sadd.s32 $0xFFFFE003, lr  }
0x1b: {  	s9 =	sadd.s32 $0xFFFFFEF7, lr;
	s5 =	simm.s32 $0xFFFFFFFF;
	p2 =	slt.u32 s8, $0xFFFFF086  }
0x1c: {  	p1 =	slt.u32 s9, $0xF7A;
	s5 =	simm.s32 @!p2 $0x0  }
0x1d: {  	s5 =	simm.s32 @p1 $0x1;
	p0 =	seq.s32 s7, s2  }
0x1e: {  	s7 =	smul.u32 @!p0 $0xF7A, s2;
	p2 =	seq.s32 @!p0 s5, $0x0  }
0x1f: {  	s9 =	smul.u32 $0xF7A, s1;
	s8 =	simm.s32 @!p0 $0x1BF5;
	p2 =	por !p2, p0  }
0x20: {  	[sflag:s8] =	ssyncset.s32 @!p0 $0xFFFFF086;
	s6 =	sadd.s32 @!p0 s3, s7;
	s7 =	simm.s32 @!p0 $0x108  }
0x21: {  	s3 =	sadd.s32 s3, s9;
	s6 =	sadd.s32 @!p0 $0x88, s6;
	s7 =	simm.s32 @p2 $0x1082  }
0x22: {  	[simem:s7], [sflag:s8] =	dma.local @!p0 [hbm:s6], $0xF7A  }
0x23: {  	s9 =	sor.u32 $0xD0000000, s2;
	s6 =	simm.s32 $0x108;
	_ =	swait.ge @!p0 [sflag:s8], $0x0  }
0x24: {  	s3 =	sadd.s32 $0x88, s3;
	s6 =	simm.s32 @!p1 $0x1082;
	[sflag:s4] =	ssyncset.s32 $0xFFFFF086  }
0x25: {  	[simem:s6], [sflag:s4] =	dma.local [hbm:s3], $0xF7A  }
0x26: {  	[smem:$0x3F97] =	sst s1;
	(tag) =	ssettag s2;
	_ =	strace s9  }
0x27: {  	s1 =	sld [smem:$0x3FA7]  }
0x28: {  	s2 =	sld [smem:$0x3FA8]  }
0x29: {  	s4 =	sld [smem:$0x3FAA]  }
0x2a: {  	p0 =	seq.s32 s5, $0x0;
	s5 =	sld [smem:$0x3FAB]  }
0x2b: {  	s6 =	sld [smem:$0x3FAC]  }
0x2c: {  	s7 =	sld [smem:$0x3FAD]  }
0x2d: {  	s3 =	simm.s32 $0x108;
	s8 =	sld [smem:$0x3FAE]  }
0x2e: {  	s3 =	simm.s32 @!p0 $0x1082;
	s9 =	sld [smem:$0x3FAF]  }
0x2f: {  	lr =	sadd.s32 s0, s3;
	s0 =	sld [smem:$0x3FA6]  }
0x30: {  	s3 =	sld [smem:$0x3FA9]  }
0x31: {  	[smem:$0x3FB2] =	sst s10  }
0x32: {  	s10 =	sld [smem:$0x3FB0];
	_ =	sdelay $0x3  }
0x33: {  	p0 =	seq.s32 s10, $0x1;
	s10 =	sld [smem:$0x3FB2];
	_ =	sdelay $0x3  }
0x34: {  	[smem:$0x3FB2] =	sst s10  }
0x35: {  	s10 =	sld [smem:$0x3FB1];
	_ =	sdelay $0x3  }
0x36: {  	p1 =	seq.s32 s10, $0x1;
	s10 =	sld [smem:$0x3FB2];
	_ =	sdelay $0x3  }
0x37: {  	[smem:$0x3FB2] =	sst s10  }
0x38: {  	s10 =	sld [smem:$0x3FB3]  }
0x39: {  	_ = 	snop;
	(pc) =	sbr.ind lr, $3  }
0x3a: {  	_ = 	snop  }
0x3b: {  	_ = 	snop  }
0x3c: {  	p2 =	seq.s32 s10, $0x1;
	s10 =	sld [smem:$0x3FB2]  }
0x3d: {  	_ =	shalt  }
0x3e: {  	_ =	shalt  }
0x3f: {  	_ =	shalt  }
0x40: {  	_ =	shalt  }
0x41: {  	_ =	shalt  }
0x42: {  	_ =	shalt  }
0x43: {  	_ =	shalt  }
0x44: {  	_ =	shalt  }
0x45: {  	_ =	shalt  }
0x46: {  	_ =	shalt  }
0x47: {  	_ =	shalt  }
0x48: {  	_ =	shalt  }
0x49: {  	_ =	shalt  }
0x4a: {  	_ =	shalt  }
0x4b: {  	_ =	shalt  }
0x4c: {  	_ =	shalt  }
0x4d: {  	_ =	shalt  }
0x4e: {  	_ =	shalt  }
0x4f: {  	_ =	shalt  }
0x50: {  	_ =	shalt  }
0x51: {  	_ =	shalt  }
0x52: {  	_ =	shalt  }
0x53: {  	_ =	shalt  }
0x54: {  	_ =	shalt  }
0x55: {  	_ =	shalt  }
0x56: {  	_ =	shalt  }
0x57: {  	_ =	shalt  }
0x58: {  	_ =	shalt  }
0x59: {  	_ =	shalt  }
0x5a: {  	_ =	shalt  }
0x5b: {  	_ =	shalt  }
0x5c: {  	_ =	shalt  }
0x5d: {  	_ =	shalt  }
0x5e: {  	_ =	shalt  }
0x5f: {  	_ =	shalt  }
0x60: {  	_ =	shalt  }
0x61: {  	_ =	shalt  }
0x62: {  	_ =	shalt  }
0x63: {  	_ =	shalt  }
0x64: {  	_ =	shalt  }
0x65: {  	_ =	shalt  }
0x66: {  	_ =	shalt  }
0x67: {  	_ =	shalt  }
0x68: {  	_ =	shalt  }
0x69: {  	_ =	shalt  }
0x6a: {  	_ =	shalt  }
0x6b: {  	_ =	shalt  }
0x6c: {  	_ =	shalt  }
0x6d: {  	_ =	shalt  }
0x6e: {  	_ =	shalt  }
0x6f: {  	_ =	shalt  }
0x70: {  	_ =	shalt  }
0x71: {  	_ =	shalt  }
0x72: {  	_ =	shalt  }
0x73: {  	_ =	shalt  }
0x74: {  	_ =	shalt  }
0x75: {  	_ =	shalt  }
0x76: {  	_ =	shalt  }
0x77: {  	_ =	shalt  }
0x78: {  	_ =	shalt  }
0x79: {  	_ =	shalt  }
0x7a: {  	_ =	shalt  }
0x7b: {  	_ =	shalt  }
0x7c: {  	_ =	shalt  }
0x7d: {  	_ =	shalt  }
0x7e: {  	_ =	shalt  }
0x7f: {  	_ =	shalt  }
0x80: {  	_ =	shalt  }
0x81: {  	_ =	shalt  }
0x82: {  	_ =	shalt  }
0x83: {  	_ =	shalt  }
0x84: {  	_ =	shalt  }
0x85: {  	_ =	shalt  }
0x86: {  	_ =	shalt  }
0x87: {  	_ =	shalt  }
.Lfunc_end0:
.L_simem_size_0:
called_computation.2_lowered:
.L_overlay_start_0:
0x88: {  	s2 =	sld [smem:$0x3FD9]  }
0x89: {  	s3 =	sld [smem:$0x3FFE];
	_ =	sdelay $0x1  }
0x8a: {  	s1 =	srdreg.scid  }
0x8b: {  	s0 =	sand.u32 $0x1, s1  }
0x8c: {  	s17 =	sshll.u32 s0, $0xA;
	s2 =	sadd.s32 s3, s2  }
0x8d: {  	s2 =	sadd.s32 s2, s17  }
0x8e: {  	[smem:$0x3FBE] =	sst s2  }
0x8f: {  	_ = 	snop  }
0x90: {  	s2 =	sld [smem:$0x3FD0];
	(tm) =	ssettm $0x1  }
0x91: {  	s18 =	sld [smem:$0x3FFB];
	_ =	sdelay $0x3  }
0x92: {  	_ =	strace s18  }
0x93: {  	s3 =	sld [smem:$0x3FFC];
	_ =	sdelay $0x3  }
0x94: {  	_ =	strace s3  }
0x95: {  	s3 =	sld [smem:$0x3FFD];
	_ =	sdelay $0x3  }
0x96: {  	_ =	strace s3  }
0x97: {  	_ =	strace $0x8FFFFFFF  }
0x98: {  	s19 =	sld [smem:$0x3FDB];
	_ =	sdelay $0x1  }
0x99: {  	s4 =	simm.s32 $_scs_section_size  }
0x9a: {  	s5 =	simm.s32 $_size__tile_overlayer_lowered;
	s6 =	simm.s32 $_tile_overlayer_lowered  }
0x9b: {  	s22 =	simm.s32 $0x1BFF;
	s21 =	sshll.u32 s6, $0x1;
	s3 =	sadd.s32 s4, s19  }
0x9c: {  	s7 =	simm.s32 $0x0;
	s20 =	sshll.u32 s5, $0x1;
	s5 =	sadd.s32 s21, s3  }
0x9d: {  	[timem:s7], [sflag:s22] =	dma.local [hbm:s5], s20  }
0x9e: {  	_ =	swait.ge [sflag:s22], s20  }
0x9f: {  	s4 =	ssub.s32 $0x0, s20;
	[sflag:s22] =	ssyncset.done $0x0  }
0xa0: {  	[sflag:s22] =	ssyncadd.s32 s4;
	_ =	sdelay $0x1  }
0xa1: {  	s23 =	simm.s32 $0x1B8B  }
0xa2: {  	_ =	swait.ge [sflag:s23], $0x1  }
0xa3: {  	[sflag:s23] =	ssyncset.done $0x0  }
0xa4: {  	s25 =	simm.s32 $0x1B8E;
	s24 =	sld [smem:$0x3FFE];
	[sflag:s23] =	ssyncadd.s32 $0xFFFFFFFF  }
0xa5: {  	s26 =	simm.s32 $execute0_lowered;
	[smem:$0x3FD2] =	sst s25  }
0xa6: {  	s5 =	sshll.u32 s26, $0x1;
	_ =	strace $0x8000004C;
	[dreg:$0x1] =	wrdreg $0xFFFFFFFF  }
0xa7: {  	s28 =	simm.s32 $_size_execute0_lowered;
	s3 =	sadd.s32 s3, s5;
	[dreg:$0x0] =	wrdreg $0x0  }
0xa8: {  	s5 =	sshll.u32 s28, $0x1;
	[dreg:$0x2] =	wrdreg s3  }
0xa9: {  	[dreg:$0x3] =	wrdreg s5  }
0xaa: {  	[dreg:$0x4] =	wrdreg $0xC0  }
0xab: {  	_ =	task [dreg:s7], $0x5FFFF  }
0xac: {  	[dreg:$0x1] =	wrdreg $0xFFFFFFFF  }
0xad: {  	[dreg:$0x0] =	wrdreg $0x60  }
0xae: {  	[dreg:$0x2] =	wrdreg s24  }
0xaf: {  	[dreg:$0x3] =	wrdreg s2  }
0xb0: {  	[dreg:$0x4] =	wrdreg $0x75300  }
0xb1: {  	[dreg:$0x5] =	wrdreg $0x9C400  }
0xb2: {  	[dreg:$0x6] =	wrdreg $0x9  }
0xb3: {  	_ =	task.clear_ibuf [dreg:s7], $0x7FFFF;
	_ =	strace $0x9000004C  }
0xb4: {  	s29 =	simm.s32 $0x9;
	_ =	strace $0x8000004E  }
0xb5: {  	_ =	swait.ge [sflag:s29], $0x1  }
0xb6: {  	[sflag:s29] =	ssyncadd.s32 $0xFFFFFFFF  }
0xb7: {  	_ =	strace $0x9000004E  }
0xb8: {  	_ =	sfence  }
0xb9: {  	s30 =	sld [smem:$0x0];
	_ =	sdelay $0x2  }
0xba: {  	s31 =	sshll.u32 s1, $0xD;
	s1 =	sshrl.u32 s1, $0x2  }
0xbb: {  	s3 =	sand.u32 $0x4000, s31;
	s1 =	sadd.s32 s1, s30  }
0xbc: {  	s0 =	sor.u32 s3, s0;
	s1 =	sshll.u32 s1, $0x11  }
0xbd: {  	s0 =	sor.u32 s1, s0  }
0xbe: {  	s0 =	sadd.s32 $0x8F2B, s0  }
0xbf: {  	[sflag:s0] =	ssyncadd.remote.s32 $0x1  }
0xc0: {  	_ =	sfence.sel $0xFFFF  }
0xc1: {  	[dreg:$0x0] =	wrdreg $0xFFFFFFFF;
	(pc) =	sbr.abs _section_cstart, $3  }
0xc2: {  	[dreg:$0x1] =	wrdreg $0xFFFFFFFF  }
0xc3: {  	_ =	task.clear_ibuf [dreg:s7], $0x2FFFF;
	_ =	strace $0x9FFFFFFF  }
0xc4: {  	(tm) =	ssettm $0x7FFFFFFF  }
0xc5: {  	_ =	shalt  }
tec
execute0_lowered:
.L_overlay_start_1:
0x0: {  	(tag) =	ssettag $0x1  }
0x1: {  	s0 =	rddreg [dreg:$0x0]  }
0x2: {  	s1 =	srdreg.scid;
	s4 =	rddreg [dreg:$0x1]  }
0x3: {  	s2 =	rddreg [dreg:$0x2];
	s11 =	stileid.u32  }
0x4: {  	s3 =	rddreg [dreg:$0x3];
	s7 =	simm.s32 $0x0;
	s17 =	simm.s32 $0x1  }
0x5: {  	s18 =	simm.s32 $0x2;
	s19 =	simm.s32 $0x3;
	s20 =	simm.s32 $0x4  }
0x6: {  	s21 =	simm.s32 $0x50;
	s22 =	simm.s32 $0xC350;
	s28 =	simm.s32 $0xD250  }
0x7: {  	s30 =	simm.s32 $0xD750;
	s31 =	simm.s32 $0x5;
	s13 =	simm.s32 $0x8  }
0x8: {  	s29 =	simm.s32 $0xB;
	s1 =	sand.u32 $0x1, s1;
	s6 =	smul.u32 $0x2710, s11  }
0x9: {  	[smem:$0x7FF] =	sst s7;
	s5 =	sshll.u32 s1, $0x4;
	s23 =	smul.u32 $0x27100, s1  }
0xa: {  	_ =	strace $0x8000004D;
	s1 =	ssub.s32 $0x2, s1;
	s5 =	sor.u32 s11, s5  }
0xb: {  	s8 =	sshrl.u32 s6, $0x3;
	s9 =	sshrl.u32 s1, $0x1;
	s25 =	sadd.s32 s6, s2  }
0xc: {  	s26 =	sadd.s32 s6, s3;
	s5 =	smul.u32 $0x2710, s5;
	s10 =	sadd.s32 s8, s0  }
0xd: {  	s7 =	sadd.s32 s6, s23;
	s1 =	ssub.s32 s1, s9;
	s4 =	sadd.s32 s4, s8  }
0xe: {  	s14 =	sshrl.u32 s25, $0x3;
	s16 =	sshrl.u32 s26, $0x3;
	s23 =	simm.s32 $0xC850  }
0xf: {  	s25 =	simm.s32 $0xCD50;
	s26 =	simm.s32 $0xA;
	s7 =	sshrl.u32 s7, $0x3  }
0x10: {  	[dreg:$0x7] =	wrdreg s4;
	s10 =	sadd.s32 $0x17A00, s10;
	s12 =	smax.u32 s1, $0x1  }
0x11: {  	s1 =	simm.s32 $0x6;
	s4 =	simm.s32 $0x0;
	s5 =	sshrl.u32 s5, $0x3  }
0x12: {  	s5 =	sadd.s32 s5, s0;
	s0 =	sadd.s32 s7, s0;
	s7 =	sshll.u32 s11, $0x6  }
0x13: {  	s24 =	sadd.s32 $0xDC40, s5;
	s5 =	sadd.s32 $0x4000, s5;
	s9 =	sor.u32 $0x1C03, s7  }
0x14: {  	s11 =	sadd.s32 $0x1CA00, s0;
	s15 =	sor.u32 $0x1C04, s7;
	[dreg:$0x5] =	wrdreg s24  }
0x15: {  	s0 =	simm.s32 $0x7;
	[dreg:$0x6] =	wrdreg s5;
	s24 =	simm.s32 $0x9  }
.LBB2_1:
0x16: {  	s5 =	simm.s32 $0x0;
	s6 =	rddreg [dreg:$0x5];
	s8 =	simm.s32 $0x2710  }
0x17: {  	[tilespmem:s8], [sflag:$0x1] =	stream.linear.gather [hbm4b:s6+s5], $0x2710, $0x38;
	[tilespmem:$0xDC50] =	vst v63  }
0x18: {  	s8 =	rddreg [dreg:$0x6]  }
0x19: {  	[tilespmem:s5], [sflag:$0x2] =	stream.linear.gather [hbm4b:s8+s5], $0x2710, $0x38;
	[tilespmem:$0xDC50] =	vst v63  }
0x1a: {  	s8 =	rddreg [dreg:$0x7]  }
0x1b: {  	[spmem:s14], [sflag:s9] =	dma.local [hbm:s8], $0x4E2  }
0x1c: {  	[spmem:s16], [sflag:s15] =	dma.local [hbm:s10], $0x4E2  }
0x1d: {  	_ =	swait.ge [sflag:s17], $0x2710  }
0x1e: {  	[sflag:s17] =	ssyncset.done $0x0  }
0x1f: {  	s5 =	simm.s32 $0x0;
	[sflag:s17] =	ssyncadd.s32 $0xFFFFD8F0  }
0x20: {  	v0 =	vld [tilespmem:s5+$0x2750]  }
0x21: {  	v1 =	vld [tilespmem:s5+$0x2710]  }
0x22: {  	v2 =	vld [tilespmem:s5+$0x2720]  }
0x23: {  	v3 =	vld [tilespmem:s5+$0x2730]  }
0x24: {  	s6 =	simm.s32 $0x140;
	v4 =	vld [tilespmem:s5+$0x2740]  }
.LBB2_2:
0x25: {  	s8 =	sshra.s32 s6, $0x2;
	p0 =	sne.s32 s6, $0x9B00;
	s6 =	sadd.s32 $0x140, s6;
	[tilespmem:s5+$0x4E60] =	vst v0  }
.Ltmp0:
0x26: {  	v0 =	vld [tilespmem:s8+$0x2750];
	[tilespmem:s5+$0x4E20] =	vst v1;
	(pc) =	sbr.rel @p0 .LBB2_2-.Ltmp0, $4  }
0x27: {  	v1 =	vld [tilespmem:s8+$0x2710];
	[tilespmem:s5+$0x4E30] =	vst v2  }
0x28: {  	v2 =	vld [tilespmem:s8+$0x2720];
	[tilespmem:s5+$0x4E40] =	vst v3  }
0x29: {  	v3 =	vld [tilespmem:s8+$0x2730];
	[tilespmem:s5+$0x4E50] =	vst v4;
	s5 =	smov.u32 s8  }
0x2a: {  	v4 =	vld [tilespmem:s5+$0x2740]  }
0x2b: {  	[tilespmem:s5+$0x4E60] =	vst v0  }
0x2c: {  	[tilespmem:s5+$0x4E20] =	vst v1  }
0x2d: {  	[tilespmem:s5+$0x4E30] =	vst v2  }
0x2e: {  	[tilespmem:s5+$0x4E40] =	vst v3  }
0x2f: {  	[tilespmem:s5+$0x4E50] =	vst v4  }
0x30: {  	_ =	swait.ge [sflag:s18], $0x2710  }
0x31: {  	[sflag:s18] =	ssyncset.done $0x0  }
0x32: {  	[sflag:s18] =	ssyncadd.s32 $0xFFFFD8F0  }
0x33: {  	_ =	swait.ge [sflag:s19], $0x4E2  }
0x34: {  	[sflag:s19] =	ssyncset.done $0x0  }
0x35: {  	[sflag:s19] =	ssyncadd.s32 $0xFFFFFB1E  }
0x36: {  	_ =	swait.ge [sflag:s20], $0x4E2  }
0x37: {  	[sflag:s20] =	ssyncset.done $0x0  }
0x38: {  	[sflag:s20] =	ssyncadd.s32 $0xFFFFFB1E  }
0x39: {  	s8 =	simm.s32 $0x0;
	[bflag:$0x0] =	sbarrier.arrive $0xFFFF  }
0x3a: {  	[tilespmem:s22], [sflag:$0x1] =	stream.indirect.gather [spmem:s3], $0x10, s8, s21, $0xb8;
	[tilespmem:$0xDC50] =	vst v63  }
0x3b: {  	_ = 	snop  }
0x3c: {  	[tilespmem:s23], [sflag:$0x2] =	stream.indirect.gather [spmem:s3], $0x10, s21, s21, $0xb8;
	[tilespmem:$0xDC50] =	vst v63  }
0x3d: {  	s6 =	simm.s32 $0xA0  }
0x3e: {  	[tilespmem:s25], [sflag:$0x3] =	stream.indirect.gather [spmem:s3], $0x10, s6, s21, $0xb8;
	[tilespmem:$0xDC50] =	vst v63  }
0x3f: {  	s8 =	simm.s32 $0xF0  }
0x40: {  	[tilespmem:s28], [sflag:$0x4] =	stream.indirect.gather [spmem:s3], $0x10, s8, s21, $0xb8;
	[tilespmem:$0xDC50] =	vst v63  }
0x41: {  	s6 =	simm.s32 $0x140  }
0x42: {  	[tilespmem:s30], [sflag:$0x5] =	stream.indirect.gather [spmem:s3], $0x10, s6, s21, $0xb8;
	[tilespmem:$0xDC50] =	vst v63  }
0x43: {  	_ =	swait.ge [sflag:s17], $0x500  }
0x44: {  	[sflag:s17] =	ssyncset.done $0x0  }
0x45: {  	s8 =	simm.s32 $0x4E20;
	[sflag:s17] =	ssyncadd.s32 $0xFFFFFB00  }
0x46: {  	[spmem:s2] =	stream.indirect.scatter.add.f32 [tilespmem:s22], [sflag:$0x6], $0x10, s8, s21, $0xb8;
	[tilespmem:$0xDC50] =	vst v63  }
0x47: {  	_ =	swait.ge [sflag:s18], $0x500  }
0x48: {  	[sflag:s18] =	ssyncset.done $0x0  }
0x49: {  	s6 =	simm.s32 $0x4E70;
	[sflag:s18] =	ssyncadd.s32 $0xFFFFFB00  }
0x4a: {  	[spmem:s2] =	stream.indirect.scatter.add.f32 [tilespmem:s23], [sflag:$0x7], $0x10, s6, s21, $0xb8;
	[tilespmem:$0xDC50] =	vst v63  }
0x4b: {  	_ =	swait.ge [sflag:s19], $0x500  }
0x4c: {  	[sflag:s19] =	ssyncset.done $0x0  }
0x4d: {  	s8 =	simm.s32 $0x4EC0;
	[sflag:s19] =	ssyncadd.s32 $0xFFFFFB00  }
0x4e: {  	[spmem:s2] =	stream.indirect.scatter.add.f32 [tilespmem:s25], [sflag:$0x8], $0x10, s8, s21, $0xb8;
	[tilespmem:$0xDC50] =	vst v63  }
0x4f: {  	_ =	swait.ge [sflag:s20], $0x500  }
0x50: {  	[sflag:s20] =	ssyncset.done $0x0  }
0x51: {  	s6 =	simm.s32 $0x4F10;
	[sflag:s20] =	ssyncadd.s32 $0xFFFFFB00  }
0x52: {  	[spmem:s2] =	stream.indirect.scatter.add.f32 [tilespmem:s28], [sflag:$0x9], $0x10, s6, s21, $0xb8;
	[tilespmem:$0xDC50] =	vst v63  }
0x53: {  	_ =	swait.ge [sflag:s31], $0x500  }
0x54: {  	[sflag:s31] =	ssyncset.done $0x0  }
0x55: {  	s8 =	simm.s32 $0x4F60;
	[sflag:s31] =	ssyncadd.s32 $0xFFFFFB00  }
0x56: {  	[spmem:s2] =	stream.indirect.scatter.add.f32 [tilespmem:s30], [sflag:$0xA], $0x10, s8, s21, $0xb8;
	[tilespmem:$0xDC50] =	vst v63  }
0x57: {  	_ =	swait.ge [sflag:s1], $0x500  }
0x58: {  	[sflag:s1] =	ssyncset.done $0x0  }
0x59: {  	s6 =	simm.s32 $0x190;
	[sflag:s1] =	ssyncadd.s32 $0xFFFFFB00  }
0x5a: {  	[tilespmem:s22], [sflag:$0x1] =	stream.indirect.gather [spmem:s3], $0x10, s6, s21, $0xb8;
	[tilespmem:$0xDC50] =	vst v63  }
0x5b: {  	_ =	swait.ge [sflag:s0], $0x500  }
0x5c: {  	[sflag:s0] =	ssyncset.done $0x0  }
0x5d: {  	s8 =	simm.s32 $0x1E0;
	[sflag:s0] =	ssyncadd.s32 $0xFFFFFB00  }
0x5e: {  	[tilespmem:s23], [sflag:$0x2] =	stream.indirect.gather [spmem:s3], $0x10, s8, s21, $0xb8;
	[tilespmem:$0xDC50] =	vst v63  }
0x5f: {  	_ =	swait.ge [sflag:s13], $0x500  }
0x60: {  	[sflag:s13] =	ssyncset.done $0x0  }
0x61: {  	s6 =	simm.s32 $0x230;
	[sflag:s13] =	ssyncadd.s32 $0xFFFFFB00  }
0x62: {  	[tilespmem:s25], [sflag:$0x3] =	stream.indirect.gather [spmem:s3], $0x10, s6, s21, $0xb8;
	[tilespmem:$0xDC50] =	vst v63  }
0x63: {  	_ =	swait.ge [sflag:s24], $0x500  }
0x64: {  	[sflag:s24] =	ssyncset.done $0x0  }
0x65: {  	s8 =	simm.s32 $0x280;
	[sflag:s24] =	ssyncadd.s32 $0xFFFFFB00  }
0x66: {  	[tilespmem:s28], [sflag:$0x4] =	stream.indirect.gather [spmem:s3], $0x10, s8, s21, $0xb8;
	[tilespmem:$0xDC50] =	vst v63  }
0x67: {  	_ =	swait.ge [sflag:s26], $0x500  }
0x68: {  	[sflag:s26] =	ssyncset.done $0x0  }
0x69: {  	s5 =	simm.s32 $0x640;
	s6 =	simm.s32 $0x2D0;
	[sflag:s26] =	ssyncadd.s32 $0xFFFFFB00  }
.LBB2_4:
0x6a: {  	[tilespmem:s30], [sflag:$0x5] =	stream.indirect.gather [spmem:s3], $0x10, s6, s21, $0xb8;
	[tilespmem:$0xDC50] =	vst v63  }
0x6b: {  	s6 =	smov.u32 s5  }
0x6c: {  	p0 =	sne.s32 s5, $0x8FC0;
	s5 =	sadd.s32 $0x640, s5;
	_ =	swait.ge [sflag:s17], $0x500  }
0x6d: {  	s6 =	sshra.s32 s6, $0x2;
	[sflag:s17] =	ssyncset.done $0x0  }
0x6e: {  	s8 =	sadd.s32 $0x4E20, s6;
	[sflag:s17] =	ssyncadd.s32 $0xFFFFFB00  }
0x6f: {  	[spmem:s2] =	stream.indirect.scatter.add.f32 [tilespmem:s22], [sflag:$0x6], $0x10, s8, s21, $0xb8;
	[tilespmem:$0xDC50] =	vst v63  }
0x70: {  	_ =	swait.ge [sflag:s18], $0x500  }
0x71: {  	[sflag:s18] =	ssyncset.done $0x0  }
0x72: {  	s8 =	sadd.s32 $0x4E70, s6;
	[sflag:s18] =	ssyncadd.s32 $0xFFFFFB00  }
0x73: {  	[spmem:s2] =	stream.indirect.scatter.add.f32 [tilespmem:s23], [sflag:$0x7], $0x10, s8, s21, $0xb8;
	[tilespmem:$0xDC50] =	vst v63  }
0x74: {  	_ =	swait.ge [sflag:s19], $0x500  }
0x75: {  	[sflag:s19] =	ssyncset.done $0x0  }
0x76: {  	s8 =	sadd.s32 $0x4EC0, s6;
	[sflag:s19] =	ssyncadd.s32 $0xFFFFFB00  }
0x77: {  	[spmem:s2] =	stream.indirect.scatter.add.f32 [tilespmem:s25], [sflag:$0x8], $0x10, s8, s21, $0xb8;
	[tilespmem:$0xDC50] =	vst v63  }
0x78: {  	_ =	swait.ge [sflag:s20], $0x500  }
0x79: {  	[sflag:s20] =	ssyncset.done $0x0  }
0x7a: {  	s8 =	sadd.s32 $0x4F10, s6;
	[sflag:s20] =	ssyncadd.s32 $0xFFFFFB00  }
0x7b: {  	[spmem:s2] =	stream.indirect.scatter.add.f32 [tilespmem:s28], [sflag:$0x9], $0x10, s8, s21, $0xb8;
	[tilespmem:$0xDC50] =	vst v63  }
0x7c: {  	_ =	swait.ge [sflag:s31], $0x500  }
0x7d: {  	[sflag:s31] =	ssyncset.done $0x0  }
0x7e: {  	s8 =	sadd.s32 $0x4F60, s6;
	[sflag:s31] =	ssyncadd.s32 $0xFFFFFB00  }
0x7f: {  	[spmem:s2] =	stream.indirect.scatter.add.f32 [tilespmem:s30], [sflag:$0xA], $0x10, s8, s21, $0xb8;
	[tilespmem:$0xDC50] =	vst v63  }
0x80: {  	_ =	swait.ge [sflag:s1], $0x500  }
0x81: {  	[sflag:s1] =	ssyncset.done $0x0  }
0x82: {  	s8 =	sadd.s32 $0x190, s6;
	[sflag:s1] =	ssyncadd.s32 $0xFFFFFB00  }
0x83: {  	[tilespmem:s22], [sflag:$0x1] =	stream.indirect.gather [spmem:s3], $0x10, s8, s21, $0xb8;
	[tilespmem:$0xDC50] =	vst v63  }
0x84: {  	_ =	swait.ge [sflag:s0], $0x500  }
0x85: {  	[sflag:s0] =	ssyncset.done $0x0  }
0x86: {  	s8 =	sadd.s32 $0x1E0, s6;
	[sflag:s0] =	ssyncadd.s32 $0xFFFFFB00  }
0x87: {  	[tilespmem:s23], [sflag:$0x2] =	stream.indirect.gather [spmem:s3], $0x10, s8, s21, $0xb8;
	[tilespmem:$0xDC50] =	vst v63  }
0x88: {  	_ =	swait.ge [sflag:s13], $0x500  }
0x89: {  	[sflag:s13] =	ssyncset.done $0x0  }
0x8a: {  	s8 =	sadd.s32 $0x230, s6;
	[sflag:s13] =	ssyncadd.s32 $0xFFFFFB00  }
0x8b: {  	[tilespmem:s25], [sflag:$0x3] =	stream.indirect.gather [spmem:s3], $0x10, s8, s21, $0xb8;
	[tilespmem:$0xDC50] =	vst v63  }
0x8c: {  	_ =	swait.ge [sflag:s24], $0x500  }
0x8d: {  	[sflag:s24] =	ssyncset.done $0x0  }
.Ltmp1:
0x8e: {  	s8 =	sadd.s32 $0x280, s6;
	[sflag:s24] =	ssyncadd.s32 $0xFFFFFB00;
	(pc) =	sbr.rel @p0 .LBB2_4-.Ltmp1, $4  }
0x8f: {  	[tilespmem:s28], [sflag:$0x4] =	stream.indirect.gather [spmem:s3], $0x10, s8, s21, $0xb8;
	[tilespmem:$0xDC50] =	vst v63  }
0x90: {  	_ =	swait.ge [sflag:s26], $0x500  }
0x91: {  	[sflag:s26] =	ssyncset.done $0x0  }
0x92: {  	s6 =	sadd.s32 $0x2D0, s6;
	[sflag:s26] =	ssyncadd.s32 $0xFFFFFB00  }
0x93: {  	[tilespmem:s30], [sflag:$0x5] =	stream.indirect.gather [spmem:s3], $0x10, s6, s21, $0xb8;
	[tilespmem:$0xDC50] =	vst v63  }
0x94: {  	_ =	swait.ge [sflag:s17], $0x500  }
0x95: {  	[sflag:s17] =	ssyncset.done $0x0  }
0x96: {  	s5 =	simm.s32 $0x73A0;
	[sflag:s17] =	ssyncadd.s32 $0xFFFFFB00  }
0x97: {  	[spmem:s2] =	stream.indirect.scatter.add.f32 [tilespmem:s22], [sflag:$0x6], $0x10, s5, s21, $0xb8;
	[tilespmem:$0xDC50] =	vst v63  }
0x98: {  	_ =	swait.ge [sflag:s18], $0x500  }
0x99: {  	[sflag:s18] =	ssyncset.done $0x0  }
0x9a: {  	s8 =	simm.s32 $0x73F0;
	[sflag:s18] =	ssyncadd.s32 $0xFFFFFB00  }
0x9b: {  	[spmem:s2] =	stream.indirect.scatter.add.f32 [tilespmem:s23], [sflag:$0x7], $0x10, s8, s21, $0xb8;
	[tilespmem:$0xDC50] =	vst v63  }
0x9c: {  	_ =	swait.ge [sflag:s19], $0x500  }
0x9d: {  	[sflag:s19] =	ssyncset.done $0x0  }
0x9e: {  	s6 =	simm.s32 $0x7440;
	[sflag:s19] =	ssyncadd.s32 $0xFFFFFB00  }
0x9f: {  	[spmem:s2] =	stream.indirect.scatter.add.f32 [tilespmem:s25], [sflag:$0x8], $0x10, s6, s21, $0xb8;
	[tilespmem:$0xDC50] =	vst v63  }
0xa0: {  	_ =	swait.ge [sflag:s20], $0x500  }
0xa1: {  	[sflag:s20] =	ssyncset.done $0x0  }
0xa2: {  	s8 =	simm.s32 $0x7490;
	[sflag:s20] =	ssyncadd.s32 $0xFFFFFB00  }
0xa3: {  	[spmem:s2] =	stream.indirect.scatter.add.f32 [tilespmem:s28], [sflag:$0x9], $0x10, s8, s21, $0xb8;
	[tilespmem:$0xDC50] =	vst v63  }
0xa4: {  	_ =	swait.ge [sflag:s31], $0x500  }
0xa5: {  	[sflag:s31] =	ssyncset.done $0x0  }
0xa6: {  	s6 =	simm.s32 $0x74E0;
	[sflag:s31] =	ssyncadd.s32 $0xFFFFFB00  }
0xa7: {  	[spmem:s2] =	stream.indirect.scatter.add.f32 [tilespmem:s30], [sflag:$0xA], $0x10, s6, s21, $0xb8;
	[tilespmem:$0xDC50] =	vst v63  }
0xa8: {  	_ =	swait.ge [sflag:s1], $0x500  }
0xa9: {  	[sflag:s1] =	ssyncset.done $0x0  }
0xaa: {  	[sflag:s1] =	ssyncadd.s32 $0xFFFFFB00  }
0xab: {  	_ =	swait.ge [sflag:s0], $0x500  }
0xac: {  	[sflag:s0] =	ssyncset.done $0x0  }
0xad: {  	[sflag:s0] =	ssyncadd.s32 $0xFFFFFB00  }
0xae: {  	_ =	swait.ge [sflag:s13], $0x500  }
0xaf: {  	[sflag:s13] =	ssyncset.done $0x0  }
0xb0: {  	[sflag:s13] =	ssyncadd.s32 $0xFFFFFB00  }
0xb1: {  	_ =	swait.ge [sflag:s24], $0x500  }
0xb2: {  	[sflag:s24] =	ssyncset.done $0x0  }
0xb3: {  	[sflag:s24] =	ssyncadd.s32 $0xFFFFFB00  }
0xb4: {  	_ =	swait.ge [sflag:s26], $0x500  }
0xb5: {  	s4 =	sadd.s32 $0x1, s4;
	[sflag:s26] =	ssyncset.done $0x0  }
0xb6: {  	p0 =	sne.s32 s4, s12;
	[sflag:s26] =	ssyncadd.s32 $0xFFFFFB00  }
.Ltmp2:
0xb7: {  	s8 =	sor.u32 $0x1C0B, s7;
	[bflag:$0x0] =	sbarrier.arrive $0xFFFF;
	(pc) =	sbr.rel @p0 .LBB2_1-.Ltmp2, $4  }
0xb8: {  	[hbm:s11], [sflag:s8] =	dma.local [spmem:s14], $0x4E2  }
0xb9: {  	_ =	swait.ge [sflag:s29], $0x4E2  }
0xba: {  	[sflag:s29] =	ssyncset.done $0x0  }
0xbb: {  	[sflag:s29] =	ssyncadd.s32 $0xFFFFFB1E  }
0xbc: {  	_ =	sfence.sel $0x180000  }
0xbd: {  	[bflag:$0x0] =	sbarrier.arrive $0xFFFF  }
0xbe: {  	_ =	strace $0x9000004D  }
0xbf: {  	s0 =	stileid.u32;
	[bflag:$0x2] =	sbarrier.arrive $0xFFFF  }
0xc0: {  	p0 =	sne.s32 s0, $0x0;
	s0 =	rddreg [dreg:$0x4]  }
0xc1: {  	s0 =	sadd.s32 @!p0 $0x100000, s0  }
0xc2: {  	[sflag:s0] =	ssyncadd.tile.s32 @!p0 $0x1;
	_ =	shalt  }
.Lfunc_end2:
_tile_overlayer_lowered:
.L_overlay_start_2:
0xc3: {  	(tag) =	ssettag $0x2  }
0xc4: {  	s0 =	rddreg [dreg:$0x0];
	s2 =	stileid.u32  }
0xc5: {  	s1 =	rddreg [dreg:$0x1];
	p0 =	sne.s32 s2, $0x0  }
0xc6: {  	s3 =	rddreg [dreg:$0x2];
	[bflag:$0x3] =	sbarrier.arrive $0xFFFF;
	s2 =	simm.s32 @!p0 $0x1C0B  }
0xc7: {  	[timem:s3], [sflag:s2] =	dma.local @!p0 [hbm:s0], s1  }
0xc8: {  	s0 =	simm.s32 @!p0 $0xB  }
0xc9: {  	_ =	swait.ge @!p0 [sflag:s0], s1  }
0xca: {  	s1 =	ssub.s32 @!p0 $0x0, s1;
	[sflag:s0] =	ssyncset.done @!p0 $0x0  }
0xcb: {  	[sflag:s0] =	ssyncadd.s32 @!p0 s1  }
0xcc: {  	[bflag:$0x3] =	sbarrier.arrive $0xFFFF  }
0xcd: {  	_ =	shalt  }

// kernel: kernel.21.cloned.1.call-start
scs
__scs_entry_jumppad:
0x0: {  	(pc) =	sbr.rel $0x88, $3  }
0x1: {  	(tag) =	ssettag $0x0;
	lr =	simm.s32 $0x1  }
0x2: {  	[smem:$0x3F97] =	sst lr;
	_ =	strace $0xD0000000  }
0x3: {  	_ = 	snop  }
0x4: {  	_ = 	snop  }
0x5: {  	_ = 	snop  }
0x6: {  	_ = 	snop  }
0x7: {  	_ = 	snop  }
__scs_overlays_trampoline_lowered:
0x8: {  	[smem:$0x3FA6] =	sst s0  }
0x9: {  	[smem:$0x3FA7] =	sst s1  }
0xa: {  	[smem:$0x3FA8] =	sst s2  }
0xb: {  	[smem:$0x3FA9] =	sst s3  }
0xc: {  	[smem:$0x3FAA] =	sst s4  }
0xd: {  	[smem:$0x3FAB] =	sst s5  }
0xe: {  	[smem:$0x3FAC] =	sst s6  }
0xf: {  	[smem:$0x3FAD] =	sst s7  }
0x10: {  	[smem:$0x3FAE] =	sst s8  }
0x11: {  	[smem:$0x3FAF] =	sst s9;
	s0 =	simm.s32 @!p0 $0x0  }
0x12: {  	s1 =	sld [smem:$0x3F95];
	s0 =	simm.s32 @p0 $0x1  }
0x13: {  	[smem:$0x3FB0] =	sst s0;
	s0 =	simm.s32 @!p1 $0x0  }
0x14: {  	s2 =	sld [smem:$0x3F94];
	s0 =	simm.s32 @p1 $0x1  }
0x15: {  	[smem:$0x3FB1] =	sst s0;
	s0 =	simm.s32 @!p2 $0x0  }
0x16: {  	s3 =	sld [smem:$0x3FDB];
	s0 =	simm.s32 @p2 $0x1  }
0x17: {  	s4 =	simm.s32 $0x1BF5;
	[smem:$0x3FB3] =	sst s0  }
0x18: {  	s0 =	sld [smem:$0x3F96];
	_ =	swait.ge [sflag:s4], $0x0  }
0x19: {  	s7 =	sld [smem:$0x3F97]  }
0x1a: {  	s8 =	sadd.s32 $0xFFFFE003, lr  }
0x1b: {  	s9 =	sadd.s32 $0xFFFFFEF7, lr;
	s5 =	simm.s32 $0xFFFFFFFF;
	p2 =	slt.u32 s8, $0xFFFFF086  }
0x1c: {  	p1 =	slt.u32 s9, $0xF7A;
	s5 =	simm.s32 @!p2 $0x0  }
0x1d: {  	s5 =	simm.s32 @p1 $0x1;
	p0 =	seq.s32 s7, s2  }
0x1e: {  	s7 =	smul.u32 @!p0 $0xF7A, s2;
	p2 =	seq.s32 @!p0 s5, $0x0  }
0x1f: {  	s9 =	smul.u32 $0xF7A, s1;
	s8 =	simm.s32 @!p0 $0x1BF5;
	p2 =	por !p2, p0  }
0x20: {  	[sflag:s8] =	ssyncset.s32 @!p0 $0xFFFFF086;
	s6 =	sadd.s32 @!p0 s3, s7;
	s7 =	simm.s32 @!p0 $0x108  }
0x21: {  	s3 =	sadd.s32 s3, s9;
	s6 =	sadd.s32 @!p0 $0x88, s6;
	s7 =	simm.s32 @p2 $0x1082  }
0x22: {  	[simem:s7], [sflag:s8] =	dma.local @!p0 [hbm:s6], $0xF7A  }
0x23: {  	s9 =	sor.u32 $0xD0000000, s2;
	s6 =	simm.s32 $0x108;
	_ =	swait.ge @!p0 [sflag:s8], $0x0  }
0x24: {  	s3 =	sadd.s32 $0x88, s3;
	s6 =	simm.s32 @!p1 $0x1082;
	[sflag:s4] =	ssyncset.s32 $0xFFFFF086  }
0x25: {  	[simem:s6], [sflag:s4] =	dma.local [hbm:s3], $0xF7A  }
0x26: {  	[smem:$0x3F97] =	sst s1;
	(tag) =	ssettag s2;
	_ =	strace s9  }
0x27: {  	s1 =	sld [smem:$0x3FA7]  }
0x28: {  	s2 =	sld [smem:$0x3FA8]  }
0x29: {  	s4 =	sld [smem:$0x3FAA]  }
0x2a: {  	p0 =	seq.s32 s5, $0x0;
	s5 =	sld [smem:$0x3FAB]  }
0x2b: {  	s6 =	sld [smem:$0x3FAC]  }
0x2c: {  	s7 =	sld [smem:$0x3FAD]  }
0x2d: {  	s3 =	simm.s32 $0x108;
	s8 =	sld [smem:$0x3FAE]  }
0x2e: {  	s3 =	simm.s32 @!p0 $0x1082;
	s9 =	sld [smem:$0x3FAF]  }
0x2f: {  	lr =	sadd.s32 s0, s3;
	s0 =	sld [smem:$0x3FA6]  }
0x30: {  	s3 =	sld [smem:$0x3FA9]  }
0x31: {  	[smem:$0x3FB2] =	sst s10  }
0x32: {  	s10 =	sld [smem:$0x3FB0];
	_ =	sdelay $0x3  }
0x33: {  	p0 =	seq.s32 s10, $0x1;
	s10 =	sld [smem:$0x3FB2];
	_ =	sdelay $0x3  }
0x34: {  	[smem:$0x3FB2] =	sst s10  }
0x35: {  	s10 =	sld [smem:$0x3FB1];
	_ =	sdelay $0x3  }
0x36: {  	p1 =	seq.s32 s10, $0x1;
	s10 =	sld [smem:$0x3FB2];
	_ =	sdelay $0x3  }
0x37: {  	[smem:$0x3FB2] =	sst s10  }
0x38: {  	s10 =	sld [smem:$0x3FB3]  }
0x39: {  	_ = 	snop;
	(pc) =	sbr.ind lr, $3  }
0x3a: {  	_ = 	snop  }
0x3b: {  	_ = 	snop  }
0x3c: {  	p2 =	seq.s32 s10, $0x1;
	s10 =	sld [smem:$0x3FB2]  }
0x3d: {  	_ =	shalt  }
0x3e: {  	_ =	shalt  }
0x3f: {  	_ =	shalt  }
0x40: {  	_ =	shalt  }
0x41: {  	_ =	shalt  }
0x42: {  	_ =	shalt  }
0x43: {  	_ =	shalt  }
0x44: {  	_ =	shalt  }
0x45: {  	_ =	shalt  }
0x46: {  	_ =	shalt  }
0x47: {  	_ =	shalt  }
0x48: {  	_ =	shalt  }
0x49: {  	_ =	shalt  }
0x4a: {  	_ =	shalt  }
0x4b: {  	_ =	shalt  }
0x4c: {  	_ =	shalt  }
0x4d: {  	_ =	shalt  }
0x4e: {  	_ =	shalt  }
0x4f: {  	_ =	shalt  }
0x50: {  	_ =	shalt  }
0x51: {  	_ =	shalt  }
0x52: {  	_ =	shalt  }
0x53: {  	_ =	shalt  }
0x54: {  	_ =	shalt  }
0x55: {  	_ =	shalt  }
0x56: {  	_ =	shalt  }
0x57: {  	_ =	shalt  }
0x58: {  	_ =	shalt  }
0x59: {  	_ =	shalt  }
0x5a: {  	_ =	shalt  }
0x5b: {  	_ =	shalt  }
0x5c: {  	_ =	shalt  }
0x5d: {  	_ =	shalt  }
0x5e: {  	_ =	shalt  }
0x5f: {  	_ =	shalt  }
0x60: {  	_ =	shalt  }
0x61: {  	_ =	shalt  }
0x62: {  	_ =	shalt  }
0x63: {  	_ =	shalt  }
0x64: {  	_ =	shalt  }
0x65: {  	_ =	shalt  }
0x66: {  	_ =	shalt  }
0x67: {  	_ =	shalt  }
0x68: {  	_ =	shalt  }
0x69: {  	_ =	shalt  }
0x6a: {  	_ =	shalt  }
0x6b: {  	_ =	shalt  }
0x6c: {  	_ =	shalt  }
0x6d: {  	_ =	shalt  }
0x6e: {  	_ =	shalt  }
0x6f: {  	_ =	shalt  }
0x70: {  	_ =	shalt  }
0x71: {  	_ =	shalt  }
0x72: {  	_ =	shalt  }
0x73: {  	_ =	shalt  }
0x74: {  	_ =	shalt  }
0x75: {  	_ =	shalt  }
0x76: {  	_ =	shalt  }
0x77: {  	_ =	shalt  }
0x78: {  	_ =	shalt  }
0x79: {  	_ =	shalt  }
0x7a: {  	_ =	shalt  }
0x7b: {  	_ =	shalt  }
0x7c: {  	_ =	shalt  }
0x7d: {  	_ =	shalt  }
0x7e: {  	_ =	shalt  }
0x7f: {  	_ =	shalt  }
0x80: {  	_ =	shalt  }
0x81: {  	_ =	shalt  }
0x82: {  	_ =	shalt  }
0x83: {  	_ =	shalt  }
0x84: {  	_ =	shalt  }
0x85: {  	_ =	shalt  }
0x86: {  	_ =	shalt  }
0x87: {  	_ =	shalt  }
.Lfunc_end0:
.L_simem_size_0:
called_computation.3_lowered:
.L_overlay_start_0:
0x88: {  	s2 =	sld [smem:$0x3FD9]  }
0x89: {  	s3 =	sld [smem:$0x3FFE];
	_ =	sdelay $0x1  }
0x8a: {  	s1 =	srdreg.scid  }
0x8b: {  	s0 =	sand.u32 $0x1, s1  }
0x8c: {  	s17 =	sshll.u32 s0, $0xA;
	s2 =	sadd.s32 s3, s2  }
0x8d: {  	s2 =	sadd.s32 s2, s17  }
0x8e: {  	[smem:$0x3FBE] =	sst s2  }
0x8f: {  	_ = 	snop  }
0x90: {  	s2 =	sld [smem:$0x3FD0];
	(tm) =	ssettm $0x1  }
0x91: {  	s18 =	sld [smem:$0x3FFB];
	_ =	sdelay $0x3  }
0x92: {  	_ =	strace s18  }
0x93: {  	s3 =	sld [smem:$0x3FFC];
	_ =	sdelay $0x3  }
0x94: {  	_ =	strace s3  }
0x95: {  	s3 =	sld [smem:$0x3FFD];
	_ =	sdelay $0x3  }
0x96: {  	_ =	strace s3  }
0x97: {  	_ =	strace $0x8FFFFFFF  }
0x98: {  	s19 =	sld [smem:$0x3FDB];
	_ =	sdelay $0x1  }
0x99: {  	s4 =	simm.s32 $_scs_section_size  }
0x9a: {  	s5 =	simm.s32 $_size__tile_overlayer_lowered;
	s6 =	simm.s32 $_tile_overlayer_lowered  }
0x9b: {  	s22 =	simm.s32 $0x1BFF;
	s21 =	sshll.u32 s6, $0x1;
	s3 =	sadd.s32 s4, s19  }
0x9c: {  	s7 =	simm.s32 $0x0;
	s20 =	sshll.u32 s5, $0x1;
	s5 =	sadd.s32 s21, s3  }
0x9d: {  	[timem:s7], [sflag:s22] =	dma.local [hbm:s5], s20  }
0x9e: {  	_ =	swait.ge [sflag:s22], s20  }
0x9f: {  	s4 =	ssub.s32 $0x0, s20;
	[sflag:s22] =	ssyncset.done $0x0  }
0xa0: {  	[sflag:s22] =	ssyncadd.s32 s4;
	_ =	sdelay $0x1  }
0xa1: {  	s23 =	simm.s32 $0x1B8B  }
0xa2: {  	_ =	swait.ge [sflag:s23], $0x1  }
0xa3: {  	[sflag:s23] =	ssyncset.done $0x0  }
0xa4: {  	s25 =	simm.s32 $0x1B8E;
	s24 =	sld [smem:$0x3FFE];
	[sflag:s23] =	ssyncadd.s32 $0xFFFFFFFF  }
0xa5: {  	s26 =	simm.s32 $execute0_lowered;
	[smem:$0x3FD2] =	sst s25  }
0xa6: {  	s5 =	sshll.u32 s26, $0x1;
	_ =	strace $0x8000004F;
	[dreg:$0x1] =	wrdreg $0xFFFFFFFF  }
0xa7: {  	s28 =	simm.s32 $_size_execute0_lowered;
	s3 =	sadd.s32 s3, s5;
	[dreg:$0x0] =	wrdreg $0x0  }
0xa8: {  	s5 =	sshll.u32 s28, $0x1;
	[dreg:$0x2] =	wrdreg s3  }
0xa9: {  	[dreg:$0x3] =	wrdreg s5  }
0xaa: {  	[dreg:$0x4] =	wrdreg $0xC0  }
0xab: {  	_ =	task [dreg:s7], $0x5FFFF  }
0xac: {  	[dreg:$0x1] =	wrdreg $0xFFFFFFFF  }
0xad: {  	[dreg:$0x0] =	wrdreg $0x60  }
0xae: {  	[dreg:$0x2] =	wrdreg s24  }
0xaf: {  	[dreg:$0x3] =	wrdreg s2  }
0xb0: {  	[dreg:$0x4] =	wrdreg $0x75300  }
0xb1: {  	[dreg:$0x5] =	wrdreg $0x9C400  }
0xb2: {  	[dreg:$0x6] =	wrdreg $0x9  }
0xb3: {  	_ =	task.clear_ibuf [dreg:s7], $0x7FFFF;
	_ =	strace $0x9000004F  }
0xb4: {  	s29 =	simm.s32 $0x9;
	_ =	strace $0x80000051  }
0xb5: {  	_ =	swait.ge [sflag:s29], $0x1  }
0xb6: {  	[sflag:s29] =	ssyncadd.s32 $0xFFFFFFFF  }
0xb7: {  	_ =	strace $0x90000051  }
0xb8: {  	_ =	sfence  }
0xb9: {  	s30 =	sld [smem:$0x0];
	_ =	sdelay $0x2  }
0xba: {  	s31 =	sshll.u32 s1, $0xD;
	s1 =	sshrl.u32 s1, $0x2  }
0xbb: {  	s3 =	sand.u32 $0x4000, s31;
	s1 =	sadd.s32 s1, s30  }
0xbc: {  	s0 =	sor.u32 s3, s0;
	s1 =	sshll.u32 s1, $0x11  }
0xbd: {  	s0 =	sor.u32 s1, s0  }
0xbe: {  	s0 =	sadd.s32 $0x8F2B, s0  }
0xbf: {  	[sflag:s0] =	ssyncadd.remote.s32 $0x1  }
0xc0: {  	_ =	sfence.sel $0xFFFF  }
0xc1: {  	[dreg:$0x0] =	wrdreg $0xFFFFFFFF;
	(pc) =	sbr.abs _section_cstart, $3  }
0xc2: {  	[dreg:$0x1] =	wrdreg $0xFFFFFFFF  }
0xc3: {  	_ =	task.clear_ibuf [dreg:s7], $0x2FFFF;
	_ =	strace $0x9FFFFFFF  }
0xc4: {  	(tm) =	ssettm $0x7FFFFFFF  }
0xc5: {  	_ =	shalt  }
tec
execute0_lowered:
.L_overlay_start_1:
0x0: {  	(tag) =	ssettag $0x1  }
0x1: {  	s0 =	rddreg [dreg:$0x0]  }
0x2: {  	s1 =	srdreg.scid;
	s4 =	rddreg [dreg:$0x1]  }
0x3: {  	s2 =	rddreg [dreg:$0x2];
	s11 =	stileid.u32  }
0x4: {  	s3 =	rddreg [dreg:$0x3];
	s7 =	simm.s32 $0x0;
	s17 =	simm.s32 $0x1  }
0x5: {  	s18 =	simm.s32 $0x2;
	s19 =	simm.s32 $0x3;
	s20 =	simm.s32 $0x4  }
0x6: {  	s21 =	simm.s32 $0x50;
	s22 =	simm.s32 $0xC350;
	s28 =	simm.s32 $0xD250  }
0x7: {  	s30 =	simm.s32 $0xD750;
	s31 =	simm.s32 $0x5;
	s13 =	simm.s32 $0x8  }
0x8: {  	s29 =	simm.s32 $0xB;
	s1 =	sand.u32 $0x1, s1;
	s6 =	smul.u32 $0x2710, s11  }
0x9: {  	[smem:$0x7FF] =	sst s7;
	s5 =	sshll.u32 s1, $0x4;
	s23 =	smul.u32 $0x27100, s1  }
0xa: {  	_ =	strace $0x80000050;
	s1 =	ssub.s32 $0x2, s1;
	s5 =	sor.u32 s11, s5  }
0xb: {  	s8 =	sshrl.u32 s6, $0x3;
	s9 =	sshrl.u32 s1, $0x1;
	s25 =	sadd.s32 s6, s2  }
0xc: {  	s26 =	sadd.s32 s6, s3;
	s5 =	smul.u32 $0x2710, s5;
	s10 =	sadd.s32 s8, s0  }
0xd: {  	s7 =	sadd.s32 s6, s23;
	s1 =	ssub.s32 s1, s9;
	s4 =	sadd.s32 s4, s8  }
0xe: {  	s14 =	sshrl.u32 s25, $0x3;
	s16 =	sshrl.u32 s26, $0x3;
	s23 =	simm.s32 $0xC850  }
0xf: {  	s25 =	simm.s32 $0xCD50;
	s26 =	simm.s32 $0xA;
	s7 =	sshrl.u32 s7, $0x3  }
0x10: {  	[dreg:$0x7] =	wrdreg s4;
	s10 =	sadd.s32 $0x17A00, s10;
	s12 =	smax.u32 s1, $0x1  }
0x11: {  	s1 =	simm.s32 $0x6;
	s4 =	simm.s32 $0x0;
	s5 =	sshrl.u32 s5, $0x3  }
0x12: {  	s5 =	sadd.s32 s5, s0;
	s0 =	sadd.s32 s7, s0;
	s7 =	sshll.u32 s11, $0x6  }
0x13: {  	s24 =	sadd.s32 $0xDC40, s5;
	s5 =	sadd.s32 $0x4000, s5;
	s9 =	sor.u32 $0x1C03, s7  }
0x14: {  	s11 =	sadd.s32 $0x1CA00, s0;
	s15 =	sor.u32 $0x1C04, s7;
	[dreg:$0x5] =	wrdreg s24  }
0x15: {  	s0 =	simm.s32 $0x7;
	[dreg:$0x6] =	wrdreg s5;
	s24 =	simm.s32 $0x9  }
.LBB2_1:
0x16: {  	s5 =	simm.s32 $0x0;
	s6 =	rddreg [dreg:$0x5];
	s8 =	simm.s32 $0x2710  }
0x17: {  	[tilespmem:s8], [sflag:$0x1] =	stream.linear.gather [hbm4b:s6+s5], $0x2710, $0x38;
	[tilespmem:$0xDC50] =	vst v63  }
0x18: {  	s8 =	rddreg [dreg:$0x6]  }
0x19: {  	[tilespmem:s5], [sflag:$0x2] =	stream.linear.gather [hbm4b:s8+s5], $0x2710, $0x38;
	[tilespmem:$0xDC50] =	vst v63  }
0x1a: {  	s8 =	rddreg [dreg:$0x7]  }
0x1b: {  	[spmem:s14], [sflag:s9] =	dma.local [hbm:s8], $0x4E2  }
0x1c: {  	[spmem:s16], [sflag:s15] =	dma.local [hbm:s10], $0x4E2  }
0x1d: {  	_ =	swait.ge [sflag:s17], $0x2710  }
0x1e: {  	[sflag:s17] =	ssyncset.done $0x0  }
0x1f: {  	s5 =	simm.s32 $0x0;
	[sflag:s17] =	ssyncadd.s32 $0xFFFFD8F0  }
0x20: {  	v0 =	vld [tilespmem:s5+$0x2750]  }
0x21: {  	v1 =	vld [tilespmem:s5+$0x2710]  }
0x22: {  	v2 =	vld [tilespmem:s5+$0x2720]  }
0x23: {  	v3 =	vld [tilespmem:s5+$0x2730]  }
0x24: {  	s6 =	simm.s32 $0x140;
	v4 =	vld [tilespmem:s5+$0x2740]  }
.LBB2_2:
0x25: {  	s8 =	sshra.s32 s6, $0x2;
	p0 =	sne.s32 s6, $0x9B00;
	s6 =	sadd.s32 $0x140, s6;
	[tilespmem:s5+$0x4E60] =	vst v0  }
.Ltmp0:
0x26: {  	v0 =	vld [tilespmem:s8+$0x2750];
	[tilespmem:s5+$0x4E20] =	vst v1;
	(pc) =	sbr.rel @p0 .LBB2_2-.Ltmp0, $4  }
0x27: {  	v1 =	vld [tilespmem:s8+$0x2710];
	[tilespmem:s5+$0x4E30] =	vst v2  }
0x28: {  	v2 =	vld [tilespmem:s8+$0x2720];
	[tilespmem:s5+$0x4E40] =	vst v3  }
0x29: {  	v3 =	vld [tilespmem:s8+$0x2730];
	[tilespmem:s5+$0x4E50] =	vst v4;
	s5 =	smov.u32 s8  }
0x2a: {  	v4 =	vld [tilespmem:s5+$0x2740]  }
0x2b: {  	[tilespmem:s5+$0x4E60] =	vst v0  }
0x2c: {  	[tilespmem:s5+$0x4E20] =	vst v1  }
0x2d: {  	[tilespmem:s5+$0x4E30] =	vst v2  }
0x2e: {  	[tilespmem:s5+$0x4E40] =	vst v3  }
0x2f: {  	[tilespmem:s5+$0x4E50] =	vst v4  }
0x30: {  	_ =	swait.ge [sflag:s18], $0x2710  }
0x31: {  	[sflag:s18] =	ssyncset.done $0x0  }
0x32: {  	[sflag:s18] =	ssyncadd.s32 $0xFFFFD8F0  }
0x33: {  	_ =	swait.ge [sflag:s19], $0x4E2  }
0x34: {  	[sflag:s19] =	ssyncset.done $0x0  }
0x35: {  	[sflag:s19] =	ssyncadd.s32 $0xFFFFFB1E  }
0x36: {  	_ =	swait.ge [sflag:s20], $0x4E2  }
0x37: {  	[sflag:s20] =	ssyncset.done $0x0  }
0x38: {  	[sflag:s20] =	ssyncadd.s32 $0xFFFFFB1E  }
0x39: {  	s8 =	simm.s32 $0x0;
	[bflag:$0x0] =	sbarrier.arrive $0xFFFF  }
0x3a: {  	[tilespmem:s22], [sflag:$0x1] =	stream.indirect.gather [spmem:s3], $0x10, s8, s21, $0xb8;
	[tilespmem:$0xDC50] =	vst v63  }
0x3b: {  	_ = 	snop  }
0x3c: {  	[tilespmem:s23], [sflag:$0x2] =	stream.indirect.gather [spmem:s3], $0x10, s21, s21, $0xb8;
	[tilespmem:$0xDC50] =	vst v63  }
0x3d: {  	s6 =	simm.s32 $0xA0  }
0x3e: {  	[tilespmem:s25], [sflag:$0x3] =	stream.indirect.gather [spmem:s3], $0x10, s6, s21, $0xb8;
	[tilespmem:$0xDC50] =	vst v63  }
0x3f: {  	s8 =	simm.s32 $0xF0  }
0x40: {  	[tilespmem:s28], [sflag:$0x4] =	stream.indirect.gather [spmem:s3], $0x10, s8, s21, $0xb8;
	[tilespmem:$0xDC50] =	vst v63  }
0x41: {  	s6 =	simm.s32 $0x140  }
0x42: {  	[tilespmem:s30], [sflag:$0x5] =	stream.indirect.gather [spmem:s3], $0x10, s6, s21, $0xb8;
	[tilespmem:$0xDC50] =	vst v63  }
0x43: {  	_ =	swait.ge [sflag:s17], $0x500  }
0x44: {  	[sflag:s17] =	ssyncset.done $0x0  }
0x45: {  	s8 =	simm.s32 $0x4E20;
	[sflag:s17] =	ssyncadd.s32 $0xFFFFFB00  }
0x46: {  	[spmem:s2] =	stream.indirect.scatter.add.f32 [tilespmem:s22], [sflag:$0x6], $0x10, s8, s21, $0xb8;
	[tilespmem:$0xDC50] =	vst v63  }
0x47: {  	_ =	swait.ge [sflag:s18], $0x500  }
0x48: {  	[sflag:s18] =	ssyncset.done $0x0  }
0x49: {  	s6 =	simm.s32 $0x4E70;
	[sflag:s18] =	ssyncadd.s32 $0xFFFFFB00  }
0x4a: {  	[spmem:s2] =	stream.indirect.scatter.add.f32 [tilespmem:s23], [sflag:$0x7], $0x10, s6, s21, $0xb8;
	[tilespmem:$0xDC50] =	vst v63  }
0x4b: {  	_ =	swait.ge [sflag:s19], $0x500  }
0x4c: {  	[sflag:s19] =	ssyncset.done $0x0  }
0x4d: {  	s8 =	simm.s32 $0x4EC0;
	[sflag:s19] =	ssyncadd.s32 $0xFFFFFB00  }
0x4e: {  	[spmem:s2] =	stream.indirect.scatter.add.f32 [tilespmem:s25], [sflag:$0x8], $0x10, s8, s21, $0xb8;
	[tilespmem:$0xDC50] =	vst v63  }
0x4f: {  	_ =	swait.ge [sflag:s20], $0x500  }
0x50: {  	[sflag:s20] =	ssyncset.done $0x0  }
0x51: {  	s6 =	simm.s32 $0x4F10;
	[sflag:s20] =	ssyncadd.s32 $0xFFFFFB00  }
0x52: {  	[spmem:s2] =	stream.indirect.scatter.add.f32 [tilespmem:s28], [sflag:$0x9], $0x10, s6, s21, $0xb8;
	[tilespmem:$0xDC50] =	vst v63  }
0x53: {  	_ =	swait.ge [sflag:s31], $0x500  }
0x54: {  	[sflag:s31] =	ssyncset.done $0x0  }
0x55: {  	s8 =	simm.s32 $0x4F60;
	[sflag:s31] =	ssyncadd.s32 $0xFFFFFB00  }
0x56: {  	[spmem:s2] =	stream.indirect.scatter.add.f32 [tilespmem:s30], [sflag:$0xA], $0x10, s8, s21, $0xb8;
	[tilespmem:$0xDC50] =	vst v63  }
0x57: {  	_ =	swait.ge [sflag:s1], $0x500  }
0x58: {  	[sflag:s1] =	ssyncset.done $0x0  }
0x59: {  	s6 =	simm.s32 $0x190;
	[sflag:s1] =	ssyncadd.s32 $0xFFFFFB00  }
0x5a: {  	[tilespmem:s22], [sflag:$0x1] =	stream.indirect.gather [spmem:s3], $0x10, s6, s21, $0xb8;
	[tilespmem:$0xDC50] =	vst v63  }
0x5b: {  	_ =	swait.ge [sflag:s0], $0x500  }
0x5c: {  	[sflag:s0] =	ssyncset.done $0x0  }
0x5d: {  	s8 =	simm.s32 $0x1E0;
	[sflag:s0] =	ssyncadd.s32 $0xFFFFFB00  }
0x5e: {  	[tilespmem:s23], [sflag:$0x2] =	stream.indirect.gather [spmem:s3], $0x10, s8, s21, $0xb8;
	[tilespmem:$0xDC50] =	vst v63  }
0x5f: {  	_ =	swait.ge [sflag:s13], $0x500  }
0x60: {  	[sflag:s13] =	ssyncset.done $0x0  }
0x61: {  	s6 =	simm.s32 $0x230;
	[sflag:s13] =	ssyncadd.s32 $0xFFFFFB00  }
0x62: {  	[tilespmem:s25], [sflag:$0x3] =	stream.indirect.gather [spmem:s3], $0x10, s6, s21, $0xb8;
	[tilespmem:$0xDC50] =	vst v63  }
0x63: {  	_ =	swait.ge [sflag:s24], $0x500  }
0x64: {  	[sflag:s24] =	ssyncset.done $0x0  }
0x65: {  	s8 =	simm.s32 $0x280;
	[sflag:s24] =	ssyncadd.s32 $0xFFFFFB00  }
0x66: {  	[tilespmem:s28], [sflag:$0x4] =	stream.indirect.gather [spmem:s3], $0x10, s8, s21, $0xb8;
	[tilespmem:$0xDC50] =	vst v63  }
0x67: {  	_ =	swait.ge [sflag:s26], $0x500  }
0x68: {  	[sflag:s26] =	ssyncset.done $0x0  }
0x69: {  	s5 =	simm.s32 $0x640;
	s6 =	simm.s32 $0x2D0;
	[sflag:s26] =	ssyncadd.s32 $0xFFFFFB00  }
.LBB2_4:
0x6a: {  	[tilespmem:s30], [sflag:$0x5] =	stream.indirect.gather [spmem:s3], $0x10, s6, s21, $0xb8;
	[tilespmem:$0xDC50] =	vst v63  }
0x6b: {  	s6 =	smov.u32 s5  }
0x6c: {  	p0 =	sne.s32 s5, $0x8FC0;
	s5 =	sadd.s32 $0x640, s5;
	_ =	swait.ge [sflag:s17], $0x500  }
0x6d: {  	s6 =	sshra.s32 s6, $0x2;
	[sflag:s17] =	ssyncset.done $0x0  }
0x6e: {  	s8 =	sadd.s32 $0x4E20, s6;
	[sflag:s17] =	ssyncadd.s32 $0xFFFFFB00  }
0x6f: {  	[spmem:s2] =	stream.indirect.scatter.add.f32 [tilespmem:s22], [sflag:$0x6], $0x10, s8, s21, $0xb8;
	[tilespmem:$0xDC50] =	vst v63  }
0x70: {  	_ =	swait.ge [sflag:s18], $0x500  }
0x71: {  	[sflag:s18] =	ssyncset.done $0x0  }
0x72: {  	s8 =	sadd.s32 $0x4E70, s6;
	[sflag:s18] =	ssyncadd.s32 $0xFFFFFB00  }
0x73: {  	[spmem:s2] =	stream.indirect.scatter.add.f32 [tilespmem:s23], [sflag:$0x7], $0x10, s8, s21, $0xb8;
	[tilespmem:$0xDC50] =	vst v63  }
0x74: {  	_ =	swait.ge [sflag:s19], $0x500  }
0x75: {  	[sflag:s19] =	ssyncset.done $0x0  }
0x76: {  	s8 =	sadd.s32 $0x4EC0, s6;
	[sflag:s19] =	ssyncadd.s32 $0xFFFFFB00  }
0x77: {  	[spmem:s2] =	stream.indirect.scatter.add.f32 [tilespmem:s25], [sflag:$0x8], $0x10, s8, s21, $0xb8;
	[tilespmem:$0xDC50] =	vst v63  }
0x78: {  	_ =	swait.ge [sflag:s20], $0x500  }
0x79: {  	[sflag:s20] =	ssyncset.done $0x0  }
0x7a: {  	s8 =	sadd.s32 $0x4F10, s6;
	[sflag:s20] =	ssyncadd.s32 $0xFFFFFB00  }
0x7b: {  	[spmem:s2] =	stream.indirect.scatter.add.f32 [tilespmem:s28], [sflag:$0x9], $0x10, s8, s21, $0xb8;
	[tilespmem:$0xDC50] =	vst v63  }
0x7c: {  	_ =	swait.ge [sflag:s31], $0x500  }
0x7d: {  	[sflag:s31] =	ssyncset.done $0x0  }
0x7e: {  	s8 =	sadd.s32 $0x4F60, s6;
	[sflag:s31] =	ssyncadd.s32 $0xFFFFFB00  }
0x7f: {  	[spmem:s2] =	stream.indirect.scatter.add.f32 [tilespmem:s30], [sflag:$0xA], $0x10, s8, s21, $0xb8;
	[tilespmem:$0xDC50] =	vst v63  }
0x80: {  	_ =	swait.ge [sflag:s1], $0x500  }
0x81: {  	[sflag:s1] =	ssyncset.done $0x0  }
0x82: {  	s8 =	sadd.s32 $0x190, s6;
	[sflag:s1] =	ssyncadd.s32 $0xFFFFFB00  }
0x83: {  	[tilespmem:s22], [sflag:$0x1] =	stream.indirect.gather [spmem:s3], $0x10, s8, s21, $0xb8;
	[tilespmem:$0xDC50] =	vst v63  }
0x84: {  	_ =	swait.ge [sflag:s0], $0x500  }
0x85: {  	[sflag:s0] =	ssyncset.done $0x0  }
0x86: {  	s8 =	sadd.s32 $0x1E0, s6;
	[sflag:s0] =	ssyncadd.s32 $0xFFFFFB00  }
0x87: {  	[tilespmem:s23], [sflag:$0x2] =	stream.indirect.gather [spmem:s3], $0x10, s8, s21, $0xb8;
	[tilespmem:$0xDC50] =	vst v63  }
0x88: {  	_ =	swait.ge [sflag:s13], $0x500  }
0x89: {  	[sflag:s13] =	ssyncset.done $0x0  }
0x8a: {  	s8 =	sadd.s32 $0x230, s6;
	[sflag:s13] =	ssyncadd.s32 $0xFFFFFB00  }
0x8b: {  	[tilespmem:s25], [sflag:$0x3] =	stream.indirect.gather [spmem:s3], $0x10, s8, s21, $0xb8;
	[tilespmem:$0xDC50] =	vst v63  }
0x8c: {  	_ =	swait.ge [sflag:s24], $0x500  }
0x8d: {  	[sflag:s24] =	ssyncset.done $0x0  }
.Ltmp1:
0x8e: {  	s8 =	sadd.s32 $0x280, s6;
	[sflag:s24] =	ssyncadd.s32 $0xFFFFFB00;
	(pc) =	sbr.rel @p0 .LBB2_4-.Ltmp1, $4  }
0x8f: {  	[tilespmem:s28], [sflag:$0x4] =	stream.indirect.gather [spmem:s3], $0x10, s8, s21, $0xb8;
	[tilespmem:$0xDC50] =	vst v63  }
0x90: {  	_ =	swait.ge [sflag:s26], $0x500  }
0x91: {  	[sflag:s26] =	ssyncset.done $0x0  }
0x92: {  	s6 =	sadd.s32 $0x2D0, s6;
	[sflag:s26] =	ssyncadd.s32 $0xFFFFFB00  }
0x93: {  	[tilespmem:s30], [sflag:$0x5] =	stream.indirect.gather [spmem:s3], $0x10, s6, s21, $0xb8;
	[tilespmem:$0xDC50] =	vst v63  }
0x94: {  	_ =	swait.ge [sflag:s17], $0x500  }
0x95: {  	[sflag:s17] =	ssyncset.done $0x0  }
0x96: {  	s5 =	simm.s32 $0x73A0;
	[sflag:s17] =	ssyncadd.s32 $0xFFFFFB00  }
0x97: {  	[spmem:s2] =	stream.indirect.scatter.add.f32 [tilespmem:s22], [sflag:$0x6], $0x10, s5, s21, $0xb8;
	[tilespmem:$0xDC50] =	vst v63  }
0x98: {  	_ =	swait.ge [sflag:s18], $0x500  }
0x99: {  	[sflag:s18] =	ssyncset.done $0x0  }
0x9a: {  	s8 =	simm.s32 $0x73F0;
	[sflag:s18] =	ssyncadd.s32 $0xFFFFFB00  }
0x9b: {  	[spmem:s2] =	stream.indirect.scatter.add.f32 [tilespmem:s23], [sflag:$0x7], $0x10, s8, s21, $0xb8;
	[tilespmem:$0xDC50] =	vst v63  }
0x9c: {  	_ =	swait.ge [sflag:s19], $0x500  }
0x9d: {  	[sflag:s19] =	ssyncset.done $0x0  }
0x9e: {  	s6 =	simm.s32 $0x7440;
	[sflag:s19] =	ssyncadd.s32 $0xFFFFFB00  }
0x9f: {  	[spmem:s2] =	stream.indirect.scatter.add.f32 [tilespmem:s25], [sflag:$0x8], $0x10, s6, s21, $0xb8;
	[tilespmem:$0xDC50] =	vst v63  }
0xa0: {  	_ =	swait.ge [sflag:s20], $0x500  }
0xa1: {  	[sflag:s20] =	ssyncset.done $0x0  }
0xa2: {  	s8 =	simm.s32 $0x7490;
	[sflag:s20] =	ssyncadd.s32 $0xFFFFFB00  }
0xa3: {  	[spmem:s2] =	stream.indirect.scatter.add.f32 [tilespmem:s28], [sflag:$0x9], $0x10, s8, s21, $0xb8;
	[tilespmem:$0xDC50] =	vst v63  }
0xa4: {  	_ =	swait.ge [sflag:s31], $0x500  }
0xa5: {  	[sflag:s31] =	ssyncset.done $0x0  }
0xa6: {  	s6 =	simm.s32 $0x74E0;
	[sflag:s31] =	ssyncadd.s32 $0xFFFFFB00  }
0xa7: {  	[spmem:s2] =	stream.indirect.scatter.add.f32 [tilespmem:s30], [sflag:$0xA], $0x10, s6, s21, $0xb8;
	[tilespmem:$0xDC50] =	vst v63  }
0xa8: {  	_ =	swait.ge [sflag:s1], $0x500  }
0xa9: {  	[sflag:s1] =	ssyncset.done $0x0  }
0xaa: {  	[sflag:s1] =	ssyncadd.s32 $0xFFFFFB00  }
0xab: {  	_ =	swait.ge [sflag:s0], $0x500  }
0xac: {  	[sflag:s0] =	ssyncset.done $0x0  }
0xad: {  	[sflag:s0] =	ssyncadd.s32 $0xFFFFFB00  }
0xae: {  	_ =	swait.ge [sflag:s13], $0x500  }
0xaf: {  	[sflag:s13] =	ssyncset.done $0x0  }
0xb0: {  	[sflag:s13] =	ssyncadd.s32 $0xFFFFFB00  }
0xb1: {  	_ =	swait.ge [sflag:s24], $0x500  }
0xb2: {  	[sflag:s24] =	ssyncset.done $0x0  }
0xb3: {  	[sflag:s24] =	ssyncadd.s32 $0xFFFFFB00  }
0xb4: {  	_ =	swait.ge [sflag:s26], $0x500  }
0xb5: {  	s4 =	sadd.s32 $0x1, s4;
	[sflag:s26] =	ssyncset.done $0x0  }
0xb6: {  	p0 =	sne.s32 s4, s12;
	[sflag:s26] =	ssyncadd.s32 $0xFFFFFB00  }
.Ltmp2:
0xb7: {  	s8 =	sor.u32 $0x1C0B, s7;
	[bflag:$0x0] =	sbarrier.arrive $0xFFFF;
	(pc) =	sbr.rel @p0 .LBB2_1-.Ltmp2, $4  }
0xb8: {  	[hbm:s11], [sflag:s8] =	dma.local [spmem:s14], $0x4E2  }
0xb9: {  	_ =	swait.ge [sflag:s29], $0x4E2  }
0xba: {  	[sflag:s29] =	ssyncset.done $0x0  }
0xbb: {  	[sflag:s29] =	ssyncadd.s32 $0xFFFFFB1E  }
0xbc: {  	_ =	sfence.sel $0x180000  }
0xbd: {  	[bflag:$0x0] =	sbarrier.arrive $0xFFFF  }
0xbe: {  	_ =	strace $0x90000050  }
0xbf: {  	s0 =	stileid.u32;
	[bflag:$0x2] =	sbarrier.arrive $0xFFFF  }
0xc0: {  	p0 =	sne.s32 s0, $0x0;
	s0 =	rddreg [dreg:$0x4]  }
0xc1: {  	s0 =	sadd.s32 @!p0 $0x100000, s0  }
0xc2: {  	[sflag:s0] =	ssyncadd.tile.s32 @!p0 $0x1;
	_ =	shalt  }
.Lfunc_end2:
_tile_overlayer_lowered:
.L_overlay_start_2:
0xc3: {  	(tag) =	ssettag $0x2  }
0xc4: {  	s0 =	rddreg [dreg:$0x0];
	s2 =	stileid.u32  }
0xc5: {  	s1 =	rddreg [dreg:$0x1];
	p0 =	sne.s32 s2, $0x0  }
0xc6: {  	s3 =	rddreg [dreg:$0x2];
	[bflag:$0x3] =	sbarrier.arrive $0xFFFF;
	s2 =	simm.s32 @!p0 $0x1C0B  }
0xc7: {  	[timem:s3], [sflag:s2] =	dma.local @!p0 [hbm:s0], s1  }
0xc8: {  	s0 =	simm.s32 @!p0 $0xB  }
0xc9: {  	_ =	swait.ge @!p0 [sflag:s0], s1  }
0xca: {  	s1 =	ssub.s32 @!p0 $0x0, s1;
	[sflag:s0] =	ssyncset.done @!p0 $0x0  }
0xcb: {  	[sflag:s0] =	ssyncadd.s32 @!p0 s1  }
0xcc: {  	[bflag:$0x3] =	sbarrier.arrive $0xFFFF  }
0xcd: {  	_ =	shalt  }

// kernel: kernel.24.cloned.1.call-start
scs
__scs_entry_jumppad:
0x0: {  	(pc) =	sbr.rel $0x88, $3  }
0x1: {  	(tag) =	ssettag $0x0;
	lr =	simm.s32 $0x1  }
0x2: {  	[smem:$0x3F97] =	sst lr;
	_ =	strace $0xD0000000  }
0x3: {  	_ = 	snop  }
0x4: {  	_ = 	snop  }
0x5: {  	_ = 	snop  }
0x6: {  	_ = 	snop  }
0x7: {  	_ = 	snop  }
__scs_overlays_trampoline_lowered:
0x8: {  	[smem:$0x3FA6] =	sst s0  }
0x9: {  	[smem:$0x3FA7] =	sst s1  }
0xa: {  	[smem:$0x3FA8] =	sst s2  }
0xb: {  	[smem:$0x3FA9] =	sst s3  }
0xc: {  	[smem:$0x3FAA] =	sst s4  }
0xd: {  	[smem:$0x3FAB] =	sst s5  }
0xe: {  	[smem:$0x3FAC] =	sst s6  }
0xf: {  	[smem:$0x3FAD] =	sst s7  }
0x10: {  	[smem:$0x3FAE] =	sst s8  }
0x11: {  	[smem:$0x3FAF] =	sst s9;
	s0 =	simm.s32 @!p0 $0x0  }
0x12: {  	s1 =	sld [smem:$0x3F95];
	s0 =	simm.s32 @p0 $0x1  }
0x13: {  	[smem:$0x3FB0] =	sst s0;
	s0 =	simm.s32 @!p1 $0x0  }
0x14: {  	s2 =	sld [smem:$0x3F94];
	s0 =	simm.s32 @p1 $0x1  }
0x15: {  	[smem:$0x3FB1] =	sst s0;
	s0 =	simm.s32 @!p2 $0x0  }
0x16: {  	s3 =	sld [smem:$0x3FDB];
	s0 =	simm.s32 @p2 $0x1  }
0x17: {  	s4 =	simm.s32 $0x1BF5;
	[smem:$0x3FB3] =	sst s0  }
0x18: {  	s0 =	sld [smem:$0x3F96];
	_ =	swait.ge [sflag:s4], $0x0  }
0x19: {  	s7 =	sld [smem:$0x3F97]  }
0x1a: {  	s8 =	sadd.s32 $0xFFFFE003, lr  }
0x1b: {  	s9 =	sadd.s32 $0xFFFFFEF7, lr;
	s5 =	simm.s32 $0xFFFFFFFF;
	p2 =	slt.u32 s8, $0xFFFFF086  }
0x1c: {  	p1 =	slt.u32 s9, $0xF7A;
	s5 =	simm.s32 @!p2 $0x0  }
0x1d: {  	s5 =	simm.s32 @p1 $0x1;
	p0 =	seq.s32 s7, s2  }
0x1e: {  	s7 =	smul.u32 @!p0 $0xF7A, s2;
	p2 =	seq.s32 @!p0 s5, $0x0  }
0x1f: {  	s9 =	smul.u32 $0xF7A, s1;
	s8 =	simm.s32 @!p0 $0x1BF5;
	p2 =	por !p2, p0  }
0x20: {  	[sflag:s8] =	ssyncset.s32 @!p0 $0xFFFFF086;
	s6 =	sadd.s32 @!p0 s3, s7;
	s7 =	simm.s32 @!p0 $0x108  }
0x21: {  	s3 =	sadd.s32 s3, s9;
	s6 =	sadd.s32 @!p0 $0x88, s6;
	s7 =	simm.s32 @p2 $0x1082  }
0x22: {  	[simem:s7], [sflag:s8] =	dma.local @!p0 [hbm:s6], $0xF7A  }
0x23: {  	s9 =	sor.u32 $0xD0000000, s2;
	s6 =	simm.s32 $0x108;
	_ =	swait.ge @!p0 [sflag:s8], $0x0  }
0x24: {  	s3 =	sadd.s32 $0x88, s3;
	s6 =	simm.s32 @!p1 $0x1082;
	[sflag:s4] =	ssyncset.s32 $0xFFFFF086  }
0x25: {  	[simem:s6], [sflag:s4] =	dma.local [hbm:s3], $0xF7A  }
0x26: {  	[smem:$0x3F97] =	sst s1;
	(tag) =	ssettag s2;
	_ =	strace s9  }
0x27: {  	s1 =	sld [smem:$0x3FA7]  }
0x28: {  	s2 =	sld [smem:$0x3FA8]  }
0x29: {  	s4 =	sld [smem:$0x3FAA]  }
0x2a: {  	p0 =	seq.s32 s5, $0x0;
	s5 =	sld [smem:$0x3FAB]  }
0x2b: {  	s6 =	sld [smem:$0x3FAC]  }
0x2c: {  	s7 =	sld [smem:$0x3FAD]  }
0x2d: {  	s3 =	simm.s32 $0x108;
	s8 =	sld [smem:$0x3FAE]  }
0x2e: {  	s3 =	simm.s32 @!p0 $0x1082;
	s9 =	sld [smem:$0x3FAF]  }
0x2f: {  	lr =	sadd.s32 s0, s3;
	s0 =	sld [smem:$0x3FA6]  }
0x30: {  	s3 =	sld [smem:$0x3FA9]  }
0x31: {  	[smem:$0x3FB2] =	sst s10  }
0x32: {  	s10 =	sld [smem:$0x3FB0];
	_ =	sdelay $0x3  }
0x33: {  	p0 =	seq.s32 s10, $0x1;
	s10 =	sld [smem:$0x3FB2];
	_ =	sdelay $0x3  }
0x34: {  	[smem:$0x3FB2] =	sst s10  }
0x35: {  	s10 =	sld [smem:$0x3FB1];
	_ =	sdelay $0x3  }
0x36: {  	p1 =	seq.s32 s10, $0x1;
	s10 =	sld [smem:$0x3FB2];
	_ =	sdelay $0x3  }
0x37: {  	[smem:$0x3FB2] =	sst s10  }
0x38: {  	s10 =	sld [smem:$0x3FB3]  }
0x39: {  	_ = 	snop;
	(pc) =	sbr.ind lr, $3  }
0x3a: {  	_ = 	snop  }
0x3b: {  	_ = 	snop  }
0x3c: {  	p2 =	seq.s32 s10, $0x1;
	s10 =	sld [smem:$0x3FB2]  }
0x3d: {  	_ =	shalt  }
0x3e: {  	_ =	shalt  }
0x3f: {  	_ =	shalt  }
0x40: {  	_ =	shalt  }
0x41: {  	_ =	shalt  }
0x42: {  	_ =	shalt  }
0x43: {  	_ =	shalt  }
0x44: {  	_ =	shalt  }
0x45: {  	_ =	shalt  }
0x46: {  	_ =	shalt  }
0x47: {  	_ =	shalt  }
0x48: {  	_ =	shalt  }
0x49: {  	_ =	shalt  }
0x4a: {  	_ =	shalt  }
0x4b: {  	_ =	shalt  }
0x4c: {  	_ =	shalt  }
0x4d: {  	_ =	shalt  }
0x4e: {  	_ =	shalt  }
0x4f: {  	_ =	shalt  }
0x50: {  	_ =	shalt  }
0x51: {  	_ =	shalt  }
0x52: {  	_ =	shalt  }
0x53: {  	_ =	shalt  }
0x54: {  	_ =	shalt  }
0x55: {  	_ =	shalt  }
0x56: {  	_ =	shalt  }
0x57: {  	_ =	shalt  }
0x58: {  	_ =	shalt  }
0x59: {  	_ =	shalt  }
0x5a: {  	_ =	shalt  }
0x5b: {  	_ =	shalt  }
0x5c: {  	_ =	shalt  }
0x5d: {  	_ =	shalt  }
0x5e: {  	_ =	shalt  }
0x5f: {  	_ =	shalt  }
0x60: {  	_ =	shalt  }
0x61: {  	_ =	shalt  }
0x62: {  	_ =	shalt  }
0x63: {  	_ =	shalt  }
0x64: {  	_ =	shalt  }
0x65: {  	_ =	shalt  }
0x66: {  	_ =	shalt  }
0x67: {  	_ =	shalt  }
0x68: {  	_ =	shalt  }
0x69: {  	_ =	shalt  }
0x6a: {  	_ =	shalt  }
0x6b: {  	_ =	shalt  }
0x6c: {  	_ =	shalt  }
0x6d: {  	_ =	shalt  }
0x6e: {  	_ =	shalt  }
0x6f: {  	_ =	shalt  }
0x70: {  	_ =	shalt  }
0x71: {  	_ =	shalt  }
0x72: {  	_ =	shalt  }
0x73: {  	_ =	shalt  }
0x74: {  	_ =	shalt  }
0x75: {  	_ =	shalt  }
0x76: {  	_ =	shalt  }
0x77: {  	_ =	shalt  }
0x78: {  	_ =	shalt  }
0x79: {  	_ =	shalt  }
0x7a: {  	_ =	shalt  }
0x7b: {  	_ =	shalt  }
0x7c: {  	_ =	shalt  }
0x7d: {  	_ =	shalt  }
0x7e: {  	_ =	shalt  }
0x7f: {  	_ =	shalt  }
0x80: {  	_ =	shalt  }
0x81: {  	_ =	shalt  }
0x82: {  	_ =	shalt  }
0x83: {  	_ =	shalt  }
0x84: {  	_ =	shalt  }
0x85: {  	_ =	shalt  }
0x86: {  	_ =	shalt  }
0x87: {  	_ =	shalt  }
.Lfunc_end0:
.L_simem_size_0:
called_computation.4_lowered:
.L_overlay_start_0:
0x88: {  	s2 =	sld [smem:$0x3FD9]  }
0x89: {  	s3 =	sld [smem:$0x3FFE];
	_ =	sdelay $0x1  }
0x8a: {  	s1 =	srdreg.scid  }
0x8b: {  	s0 =	sand.u32 $0x1, s1  }
0x8c: {  	s17 =	sshll.u32 s0, $0xA;
	s2 =	sadd.s32 s3, s2  }
0x8d: {  	s2 =	sadd.s32 s2, s17  }
0x8e: {  	[smem:$0x3FBE] =	sst s2  }
0x8f: {  	_ = 	snop  }
0x90: {  	s2 =	sld [smem:$0x3FD0];
	(tm) =	ssettm $0x1  }
0x91: {  	s18 =	sld [smem:$0x3FFB];
	_ =	sdelay $0x3  }
0x92: {  	_ =	strace s18  }
0x93: {  	s3 =	sld [smem:$0x3FFC];
	_ =	sdelay $0x3  }
0x94: {  	_ =	strace s3  }
0x95: {  	s3 =	sld [smem:$0x3FFD];
	_ =	sdelay $0x3  }
0x96: {  	_ =	strace s3  }
0x97: {  	_ =	strace $0x8FFFFFFF  }
0x98: {  	s19 =	sld [smem:$0x3FDB];
	_ =	sdelay $0x1  }
0x99: {  	s4 =	simm.s32 $_scs_section_size  }
0x9a: {  	s5 =	simm.s32 $_size__tile_overlayer_lowered;
	s6 =	simm.s32 $_tile_overlayer_lowered  }
0x9b: {  	s22 =	simm.s32 $0x1BFF;
	s21 =	sshll.u32 s6, $0x1;
	s3 =	sadd.s32 s4, s19  }
0x9c: {  	s7 =	simm.s32 $0x0;
	s20 =	sshll.u32 s5, $0x1;
	s5 =	sadd.s32 s21, s3  }
0x9d: {  	[timem:s7], [sflag:s22] =	dma.local [hbm:s5], s20  }
0x9e: {  	_ =	swait.ge [sflag:s22], s20  }
0x9f: {  	s4 =	ssub.s32 $0x0, s20;
	[sflag:s22] =	ssyncset.done $0x0  }
0xa0: {  	[sflag:s22] =	ssyncadd.s32 s4;
	_ =	sdelay $0x1  }
0xa1: {  	s23 =	simm.s32 $0x1B8B  }
0xa2: {  	_ =	swait.ge [sflag:s23], $0x1  }
0xa3: {  	[sflag:s23] =	ssyncset.done $0x0  }
0xa4: {  	s25 =	simm.s32 $0x1B8E;
	s24 =	sld [smem:$0x3FFE];
	[sflag:s23] =	ssyncadd.s32 $0xFFFFFFFF  }
0xa5: {  	s26 =	simm.s32 $execute0_lowered;
	[smem:$0x3FD2] =	sst s25  }
0xa6: {  	s5 =	sshll.u32 s26, $0x1;
	_ =	strace $0x80000052;
	[dreg:$0x1] =	wrdreg $0xFFFFFFFF  }
0xa7: {  	s28 =	simm.s32 $_size_execute0_lowered;
	s3 =	sadd.s32 s3, s5;
	[dreg:$0x0] =	wrdreg $0x0  }
0xa8: {  	s5 =	sshll.u32 s28, $0x1;
	[dreg:$0x2] =	wrdreg s3  }
0xa9: {  	[dreg:$0x3] =	wrdreg s5  }
0xaa: {  	[dreg:$0x4] =	wrdreg $0xC0  }
0xab: {  	_ =	task [dreg:s7], $0x5FFFF  }
0xac: {  	[dreg:$0x1] =	wrdreg $0xFFFFFFFF  }
0xad: {  	[dreg:$0x0] =	wrdreg $0x60  }
0xae: {  	[dreg:$0x2] =	wrdreg s24  }
0xaf: {  	[dreg:$0x3] =	wrdreg s2  }
0xb0: {  	[dreg:$0x4] =	wrdreg $0x75300  }
0xb1: {  	[dreg:$0x5] =	wrdreg $0x9C400  }
0xb2: {  	[dreg:$0x6] =	wrdreg $0x9  }
0xb3: {  	_ =	task.clear_ibuf [dreg:s7], $0x7FFFF;
	_ =	strace $0x90000052  }
0xb4: {  	s29 =	simm.s32 $0x9;
	_ =	strace $0x80000054  }
0xb5: {  	_ =	swait.ge [sflag:s29], $0x1  }
0xb6: {  	[sflag:s29] =	ssyncadd.s32 $0xFFFFFFFF  }
0xb7: {  	_ =	strace $0x90000054  }
0xb8: {  	_ =	sfence  }
0xb9: {  	s30 =	sld [smem:$0x0];
	_ =	sdelay $0x2  }
0xba: {  	s31 =	sshll.u32 s1, $0xD;
	s1 =	sshrl.u32 s1, $0x2  }
0xbb: {  	s3 =	sand.u32 $0x4000, s31;
	s1 =	sadd.s32 s1, s30  }
0xbc: {  	s0 =	sor.u32 s3, s0;
	s1 =	sshll.u32 s1, $0x11  }
0xbd: {  	s0 =	sor.u32 s1, s0  }
0xbe: {  	s0 =	sadd.s32 $0x8F2B, s0  }
0xbf: {  	[sflag:s0] =	ssyncadd.remote.s32 $0x1  }
0xc0: {  	_ =	sfence.sel $0xFFFF  }
0xc1: {  	[dreg:$0x0] =	wrdreg $0xFFFFFFFF;
	(pc) =	sbr.abs _section_cstart, $3  }
0xc2: {  	[dreg:$0x1] =	wrdreg $0xFFFFFFFF  }
0xc3: {  	_ =	task.clear_ibuf [dreg:s7], $0x2FFFF;
	_ =	strace $0x9FFFFFFF  }
0xc4: {  	(tm) =	ssettm $0x7FFFFFFF  }
0xc5: {  	_ =	shalt  }
tec
execute0_lowered:
.L_overlay_start_1:
0x0: {  	(tag) =	ssettag $0x1  }
0x1: {  	s0 =	rddreg [dreg:$0x0]  }
0x2: {  	s1 =	srdreg.scid;
	s4 =	rddreg [dreg:$0x1]  }
0x3: {  	s2 =	rddreg [dreg:$0x2];
	s11 =	stileid.u32  }
0x4: {  	s3 =	rddreg [dreg:$0x3];
	s7 =	simm.s32 $0x0;
	s17 =	simm.s32 $0x1  }
0x5: {  	s18 =	simm.s32 $0x2;
	s19 =	simm.s32 $0x3;
	s20 =	simm.s32 $0x4  }
0x6: {  	s21 =	simm.s32 $0x50;
	s22 =	simm.s32 $0xC350;
	s28 =	simm.s32 $0xD250  }
0x7: {  	s30 =	simm.s32 $0xD750;
	s31 =	simm.s32 $0x5;
	s13 =	simm.s32 $0x8  }
0x8: {  	s29 =	simm.s32 $0xB;
	s1 =	sand.u32 $0x1, s1;
	s6 =	smul.u32 $0x2710, s11  }
0x9: {  	[smem:$0x7FF] =	sst s7;
	s5 =	sshll.u32 s1, $0x4;
	s23 =	smul.u32 $0x27100, s1  }
0xa: {  	_ =	strace $0x80000053;
	s1 =	ssub.s32 $0x2, s1;
	s5 =	sor.u32 s11, s5  }
0xb: {  	s8 =	sshrl.u32 s6, $0x3;
	s9 =	sshrl.u32 s1, $0x1;
	s25 =	sadd.s32 s6, s2  }
0xc: {  	s26 =	sadd.s32 s6, s3;
	s5 =	smul.u32 $0x2710, s5;
	s10 =	sadd.s32 s8, s0  }
0xd: {  	s7 =	sadd.s32 s6, s23;
	s1 =	ssub.s32 s1, s9;
	s4 =	sadd.s32 s4, s8  }
0xe: {  	s14 =	sshrl.u32 s25, $0x3;
	s16 =	sshrl.u32 s26, $0x3;
	s23 =	simm.s32 $0xC850  }
0xf: {  	s25 =	simm.s32 $0xCD50;
	s26 =	simm.s32 $0xA;
	s7 =	sshrl.u32 s7, $0x3  }
0x10: {  	[dreg:$0x7] =	wrdreg s4;
	s10 =	sadd.s32 $0x17A00, s10;
	s12 =	smax.u32 s1, $0x1  }
0x11: {  	s1 =	simm.s32 $0x6;
	s4 =	simm.s32 $0x0;
	s5 =	sshrl.u32 s5, $0x3  }
0x12: {  	s5 =	sadd.s32 s5, s0;
	s0 =	sadd.s32 s7, s0;
	s7 =	sshll.u32 s11, $0x6  }
0x13: {  	s24 =	sadd.s32 $0xDC40, s5;
	s5 =	sadd.s32 $0x4000, s5;
	s9 =	sor.u32 $0x1C03, s7  }
0x14: {  	s11 =	sadd.s32 $0x1CA00, s0;
	s15 =	sor.u32 $0x1C04, s7;
	[dreg:$0x5] =	wrdreg s24  }
0x15: {  	s0 =	simm.s32 $0x7;
	[dreg:$0x6] =	wrdreg s5;
	s24 =	simm.s32 $0x9  }
.LBB2_1:
0x16: {  	s5 =	simm.s32 $0x0;
	s6 =	rddreg [dreg:$0x5];
	s8 =	simm.s32 $0x2710  }
0x17: {  	[tilespmem:s8], [sflag:$0x1] =	stream.linear.gather [hbm4b:s6+s5], $0x2710, $0x38;
	[tilespmem:$0xDC50] =	vst v63  }
0x18: {  	s8 =	rddreg [dreg:$0x6]  }
0x19: {  	[tilespmem:s5], [sflag:$0x2] =	stream.linear.gather [hbm4b:s8+s5], $0x2710, $0x38;
	[tilespmem:$0xDC50] =	vst v63  }
0x1a: {  	s8 =	rddreg [dreg:$0x7]  }
0x1b: {  	[spmem:s14], [sflag:s9] =	dma.local [hbm:s8], $0x4E2  }
0x1c: {  	[spmem:s16], [sflag:s15] =	dma.local [hbm:s10], $0x4E2  }
0x1d: {  	_ =	swait.ge [sflag:s17], $0x2710  }
0x1e: {  	[sflag:s17] =	ssyncset.done $0x0  }
0x1f: {  	s5 =	simm.s32 $0x0;
	[sflag:s17] =	ssyncadd.s32 $0xFFFFD8F0  }
0x20: {  	v0 =	vld [tilespmem:s5+$0x2750]  }
0x21: {  	v1 =	vld [tilespmem:s5+$0x2710]  }
0x22: {  	v2 =	vld [tilespmem:s5+$0x2720]  }
0x23: {  	v3 =	vld [tilespmem:s5+$0x2730]  }
0x24: {  	s6 =	simm.s32 $0x140;
	v4 =	vld [tilespmem:s5+$0x2740]  }
.LBB2_2:
0x25: {  	s8 =	sshra.s32 s6, $0x2;
	p0 =	sne.s32 s6, $0x9B00;
	s6 =	sadd.s32 $0x140, s6;
	[tilespmem:s5+$0x4E60] =	vst v0  }
.Ltmp0:
0x26: {  	v0 =	vld [tilespmem:s8+$0x2750];
	[tilespmem:s5+$0x4E20] =	vst v1;
	(pc) =	sbr.rel @p0 .LBB2_2-.Ltmp0, $4  }
0x27: {  	v1 =	vld [tilespmem:s8+$0x2710];
	[tilespmem:s5+$0x4E30] =	vst v2  }
0x28: {  	v2 =	vld [tilespmem:s8+$0x2720];
	[tilespmem:s5+$0x4E40] =	vst v3  }
0x29: {  	v3 =	vld [tilespmem:s8+$0x2730];
	[tilespmem:s5+$0x4E50] =	vst v4;
	s5 =	smov.u32 s8  }
0x2a: {  	v4 =	vld [tilespmem:s5+$0x2740]  }
0x2b: {  	[tilespmem:s5+$0x4E60] =	vst v0  }
0x2c: {  	[tilespmem:s5+$0x4E20] =	vst v1  }
0x2d: {  	[tilespmem:s5+$0x4E30] =	vst v2  }
0x2e: {  	[tilespmem:s5+$0x4E40] =	vst v3  }
0x2f: {  	[tilespmem:s5+$0x4E50] =	vst v4  }
0x30: {  	_ =	swait.ge [sflag:s18], $0x2710  }
0x31: {  	[sflag:s18] =	ssyncset.done $0x0  }
0x32: {  	[sflag:s18] =	ssyncadd.s32 $0xFFFFD8F0  }
0x33: {  	_ =	swait.ge [sflag:s19], $0x4E2  }
0x34: {  	[sflag:s19] =	ssyncset.done $0x0  }
0x35: {  	[sflag:s19] =	ssyncadd.s32 $0xFFFFFB1E  }
0x36: {  	_ =	swait.ge [sflag:s20], $0x4E2  }
0x37: {  	[sflag:s20] =	ssyncset.done $0x0  }
0x38: {  	[sflag:s20] =	ssyncadd.s32 $0xFFFFFB1E  }
0x39: {  	s8 =	simm.s32 $0x0;
	[bflag:$0x0] =	sbarrier.arrive $0xFFFF  }
0x3a: {  	[tilespmem:s22], [sflag:$0x1] =	stream.indirect.gather [spmem:s3], $0x10, s8, s21, $0xb8;
	[tilespmem:$0xDC50] =	vst v63  }
0x3b: {  	_ = 	snop  }
0x3c: {  	[tilespmem:s23], [sflag:$0x2] =	stream.indirect.gather [spmem:s3], $0x10, s21, s21, $0xb8;
	[tilespmem:$0xDC50] =	vst v63  }
0x3d: {  	s6 =	simm.s32 $0xA0  }
0x3e: {  	[tilespmem:s25], [sflag:$0x3] =	stream.indirect.gather [spmem:s3], $0x10, s6, s21, $0xb8;
	[tilespmem:$0xDC50] =	vst v63  }
0x3f: {  	s8 =	simm.s32 $0xF0  }
0x40: {  	[tilespmem:s28], [sflag:$0x4] =	stream.indirect.gather [spmem:s3], $0x10, s8, s21, $0xb8;
	[tilespmem:$0xDC50] =	vst v63  }
0x41: {  	s6 =	simm.s32 $0x140  }
0x42: {  	[tilespmem:s30], [sflag:$0x5] =	stream.indirect.gather [spmem:s3], $0x10, s6, s21, $0xb8;
	[tilespmem:$0xDC50] =	vst v63  }
0x43: {  	_ =	swait.ge [sflag:s17], $0x500  }
0x44: {  	[sflag:s17] =	ssyncset.done $0x0  }
0x45: {  	s8 =	simm.s32 $0x4E20;
	[sflag:s17] =	ssyncadd.s32 $0xFFFFFB00  }
0x46: {  	[spmem:s2] =	stream.indirect.scatter.add.f32 [tilespmem:s22], [sflag:$0x6], $0x10, s8, s21, $0xb8;
	[tilespmem:$0xDC50] =	vst v63  }
0x47: {  	_ =	swait.ge [sflag:s18], $0x500  }
0x48: {  	[sflag:s18] =	ssyncset.done $0x0  }
0x49: {  	s6 =	simm.s32 $0x4E70;
	[sflag:s18] =	ssyncadd.s32 $0xFFFFFB00  }
0x4a: {  	[spmem:s2] =	stream.indirect.scatter.add.f32 [tilespmem:s23], [sflag:$0x7], $0x10, s6, s21, $0xb8;
	[tilespmem:$0xDC50] =	vst v63  }
0x4b: {  	_ =	swait.ge [sflag:s19], $0x500  }
0x4c: {  	[sflag:s19] =	ssyncset.done $0x0  }
0x4d: {  	s8 =	simm.s32 $0x4EC0;
	[sflag:s19] =	ssyncadd.s32 $0xFFFFFB00  }
0x4e: {  	[spmem:s2] =	stream.indirect.scatter.add.f32 [tilespmem:s25], [sflag:$0x8], $0x10, s8, s21, $0xb8;
	[tilespmem:$0xDC50] =	vst v63  }
0x4f: {  	_ =	swait.ge [sflag:s20], $0x500  }
0x50: {  	[sflag:s20] =	ssyncset.done $0x0  }
0x51: {  	s6 =	simm.s32 $0x4F10;
	[sflag:s20] =	ssyncadd.s32 $0xFFFFFB00  }
0x52: {  	[spmem:s2] =	stream.indirect.scatter.add.f32 [tilespmem:s28], [sflag:$0x9], $0x10, s6, s21, $0xb8;
	[tilespmem:$0xDC50] =	vst v63  }
0x53: {  	_ =	swait.ge [sflag:s31], $0x500  }
0x54: {  	[sflag:s31] =	ssyncset.done $0x0  }
0x55: {  	s8 =	simm.s32 $0x4F60;
	[sflag:s31] =	ssyncadd.s32 $0xFFFFFB00  }
0x56: {  	[spmem:s2] =	stream.indirect.scatter.add.f32 [tilespmem:s30], [sflag:$0xA], $0x10, s8, s21, $0xb8;
	[tilespmem:$0xDC50] =	vst v63  }
0x57: {  	_ =	swait.ge [sflag:s1], $0x500  }
0x58: {  	[sflag:s1] =	ssyncset.done $0x0  }
0x59: {  	s6 =	simm.s32 $0x190;
	[sflag:s1] =	ssyncadd.s32 $0xFFFFFB00  }
0x5a: {  	[tilespmem:s22], [sflag:$0x1] =	stream.indirect.gather [spmem:s3], $0x10, s6, s21, $0xb8;
	[tilespmem:$0xDC50] =	vst v63  }
0x5b: {  	_ =	swait.ge [sflag:s0], $0x500  }
0x5c: {  	[sflag:s0] =	ssyncset.done $0x0  }
0x5d: {  	s8 =	simm.s32 $0x1E0;
	[sflag:s0] =	ssyncadd.s32 $0xFFFFFB00  }
0x5e: {  	[tilespmem:s23], [sflag:$0x2] =	stream.indirect.gather [spmem:s3], $0x10, s8, s21, $0xb8;
	[tilespmem:$0xDC50] =	vst v63  }
0x5f: {  	_ =	swait.ge [sflag:s13], $0x500  }
0x60: {  	[sflag:s13] =	ssyncset.done $0x0  }
0x61: {  	s6 =	simm.s32 $0x230;
	[sflag:s13] =	ssyncadd.s32 $0xFFFFFB00  }
0x62: {  	[tilespmem:s25], [sflag:$0x3] =	stream.indirect.gather [spmem:s3], $0x10, s6, s21, $0xb8;
	[tilespmem:$0xDC50] =	vst v63  }
0x63: {  	_ =	swait.ge [sflag:s24], $0x500  }
0x64: {  	[sflag:s24] =	ssyncset.done $0x0  }
0x65: {  	s8 =	simm.s32 $0x280;
	[sflag:s24] =	ssyncadd.s32 $0xFFFFFB00  }
0x66: {  	[tilespmem:s28], [sflag:$0x4] =	stream.indirect.gather [spmem:s3], $0x10, s8, s21, $0xb8;
	[tilespmem:$0xDC50] =	vst v63  }
0x67: {  	_ =	swait.ge [sflag:s26], $0x500  }
0x68: {  	[sflag:s26] =	ssyncset.done $0x0  }
0x69: {  	s5 =	simm.s32 $0x640;
	s6 =	simm.s32 $0x2D0;
	[sflag:s26] =	ssyncadd.s32 $0xFFFFFB00  }
.LBB2_4:
0x6a: {  	[tilespmem:s30], [sflag:$0x5] =	stream.indirect.gather [spmem:s3], $0x10, s6, s21, $0xb8;
	[tilespmem:$0xDC50] =	vst v63  }
0x6b: {  	s6 =	smov.u32 s5  }
0x6c: {  	p0 =	sne.s32 s5, $0x8FC0;
	s5 =	sadd.s32 $0x640, s5;
	_ =	swait.ge [sflag:s17], $0x500  }
0x6d: {  	s6 =	sshra.s32 s6, $0x2;
	[sflag:s17] =	ssyncset.done $0x0  }
0x6e: {  	s8 =	sadd.s32 $0x4E20, s6;
	[sflag:s17] =	ssyncadd.s32 $0xFFFFFB00  }
0x6f: {  	[spmem:s2] =	stream.indirect.scatter.add.f32 [tilespmem:s22], [sflag:$0x6], $0x10, s8, s21, $0xb8;
	[tilespmem:$0xDC50] =	vst v63  }
0x70: {  	_ =	swait.ge [sflag:s18], $0x500  }
0x71: {  	[sflag:s18] =	ssyncset.done $0x0  }
0x72: {  	s8 =	sadd.s32 $0x4E70, s6;
	[sflag:s18] =	ssyncadd.s32 $0xFFFFFB00  }
0x73: {  	[spmem:s2] =	stream.indirect.scatter.add.f32 [tilespmem:s23], [sflag:$0x7], $0x10, s8, s21, $0xb8;
	[tilespmem:$0xDC50] =	vst v63  }
0x74: {  	_ =	swait.ge [sflag:s19], $0x500  }
0x75: {  	[sflag:s19] =	ssyncset.done $0x0  }
0x76: {  	s8 =	sadd.s32 $0x4EC0, s6;
	[sflag:s19] =	ssyncadd.s32 $0xFFFFFB00  }
0x77: {  	[spmem:s2] =	stream.indirect.scatter.add.f32 [tilespmem:s25], [sflag:$0x8], $0x10, s8, s21, $0xb8;
	[tilespmem:$0xDC50] =	vst v63  }
0x78: {  	_ =	swait.ge [sflag:s20], $0x500  }
0x79: {  	[sflag:s20] =	ssyncset.done $0x0  }
0x7a: {  	s8 =	sadd.s32 $0x4F10, s6;
	[sflag:s20] =	ssyncadd.s32 $0xFFFFFB00  }
0x7b: {  	[spmem:s2] =	stream.indirect.scatter.add.f32 [tilespmem:s28], [sflag:$0x9], $0x10, s8, s21, $0xb8;
	[tilespmem:$0xDC50] =	vst v63  }
0x7c: {  	_ =	swait.ge [sflag:s31], $0x500  }
0x7d: {  	[sflag:s31] =	ssyncset.done $0x0  }
0x7e: {  	s8 =	sadd.s32 $0x4F60, s6;
	[sflag:s31] =	ssyncadd.s32 $0xFFFFFB00  }
0x7f: {  	[spmem:s2] =	stream.indirect.scatter.add.f32 [tilespmem:s30], [sflag:$0xA], $0x10, s8, s21, $0xb8;
	[tilespmem:$0xDC50] =	vst v63  }
0x80: {  	_ =	swait.ge [sflag:s1], $0x500  }
0x81: {  	[sflag:s1] =	ssyncset.done $0x0  }
0x82: {  	s8 =	sadd.s32 $0x190, s6;
	[sflag:s1] =	ssyncadd.s32 $0xFFFFFB00  }
0x83: {  	[tilespmem:s22], [sflag:$0x1] =	stream.indirect.gather [spmem:s3], $0x10, s8, s21, $0xb8;
	[tilespmem:$0xDC50] =	vst v63  }
0x84: {  	_ =	swait.ge [sflag:s0], $0x500  }
0x85: {  	[sflag:s0] =	ssyncset.done $0x0  }
0x86: {  	s8 =	sadd.s32 $0x1E0, s6;
	[sflag:s0] =	ssyncadd.s32 $0xFFFFFB00  }
0x87: {  	[tilespmem:s23], [sflag:$0x2] =	stream.indirect.gather [spmem:s3], $0x10, s8, s21, $0xb8;
	[tilespmem:$0xDC50] =	vst v63  }
0x88: {  	_ =	swait.ge [sflag:s13], $0x500  }
0x89: {  	[sflag:s13] =	ssyncset.done $0x0  }
0x8a: {  	s8 =	sadd.s32 $0x230, s6;
	[sflag:s13] =	ssyncadd.s32 $0xFFFFFB00  }
0x8b: {  	[tilespmem:s25], [sflag:$0x3] =	stream.indirect.gather [spmem:s3], $0x10, s8, s21, $0xb8;
	[tilespmem:$0xDC50] =	vst v63  }
0x8c: {  	_ =	swait.ge [sflag:s24], $0x500  }
0x8d: {  	[sflag:s24] =	ssyncset.done $0x0  }
.Ltmp1:
0x8e: {  	s8 =	sadd.s32 $0x280, s6;
	[sflag:s24] =	ssyncadd.s32 $0xFFFFFB00;
	(pc) =	sbr.rel @p0 .LBB2_4-.Ltmp1, $4  }
0x8f: {  	[tilespmem:s28], [sflag:$0x4] =	stream.indirect.gather [spmem:s3], $0x10, s8, s21, $0xb8;
	[tilespmem:$0xDC50] =	vst v63  }
0x90: {  	_ =	swait.ge [sflag:s26], $0x500  }
0x91: {  	[sflag:s26] =	ssyncset.done $0x0  }
0x92: {  	s6 =	sadd.s32 $0x2D0, s6;
	[sflag:s26] =	ssyncadd.s32 $0xFFFFFB00  }
0x93: {  	[tilespmem:s30], [sflag:$0x5] =	stream.indirect.gather [spmem:s3], $0x10, s6, s21, $0xb8;
	[tilespmem:$0xDC50] =	vst v63  }
0x94: {  	_ =	swait.ge [sflag:s17], $0x500  }
0x95: {  	[sflag:s17] =	ssyncset.done $0x0  }
0x96: {  	s5 =	simm.s32 $0x73A0;
	[sflag:s17] =	ssyncadd.s32 $0xFFFFFB00  }
0x97: {  	[spmem:s2] =	stream.indirect.scatter.add.f32 [tilespmem:s22], [sflag:$0x6], $0x10, s5, s21, $0xb8;
	[tilespmem:$0xDC50] =	vst v63  }
0x98: {  	_ =	swait.ge [sflag:s18], $0x500  }
0x99: {  	[sflag:s18] =	ssyncset.done $0x0  }
0x9a: {  	s8 =	simm.s32 $0x73F0;
	[sflag:s18] =	ssyncadd.s32 $0xFFFFFB00  }
0x9b: {  	[spmem:s2] =	stream.indirect.scatter.add.f32 [tilespmem:s23], [sflag:$0x7], $0x10, s8, s21, $0xb8;
	[tilespmem:$0xDC50] =	vst v63  }
0x9c: {  	_ =	swait.ge [sflag:s19], $0x500  }
0x9d: {  	[sflag:s19] =	ssyncset.done $0x0  }
0x9e: {  	s6 =	simm.s32 $0x7440;
	[sflag:s19] =	ssyncadd.s32 $0xFFFFFB00  }
0x9f: {  	[spmem:s2] =	stream.indirect.scatter.add.f32 [tilespmem:s25], [sflag:$0x8], $0x10, s6, s21, $0xb8;
	[tilespmem:$0xDC50] =	vst v63  }
0xa0: {  	_ =	swait.ge [sflag:s20], $0x500  }
0xa1: {  	[sflag:s20] =	ssyncset.done $0x0  }
0xa2: {  	s8 =	simm.s32 $0x7490;
	[sflag:s20] =	ssyncadd.s32 $0xFFFFFB00  }
0xa3: {  	[spmem:s2] =	stream.indirect.scatter.add.f32 [tilespmem:s28], [sflag:$0x9], $0x10, s8, s21, $0xb8;
	[tilespmem:$0xDC50] =	vst v63  }
0xa4: {  	_ =	swait.ge [sflag:s31], $0x500  }
0xa5: {  	[sflag:s31] =	ssyncset.done $0x0  }
0xa6: {  	s6 =	simm.s32 $0x74E0;
	[sflag:s31] =	ssyncadd.s32 $0xFFFFFB00  }
0xa7: {  	[spmem:s2] =	stream.indirect.scatter.add.f32 [tilespmem:s30], [sflag:$0xA], $0x10, s6, s21, $0xb8;
	[tilespmem:$0xDC50] =	vst v63  }
0xa8: {  	_ =	swait.ge [sflag:s1], $0x500  }
0xa9: {  	[sflag:s1] =	ssyncset.done $0x0  }
0xaa: {  	[sflag:s1] =	ssyncadd.s32 $0xFFFFFB00  }
0xab: {  	_ =	swait.ge [sflag:s0], $0x500  }
0xac: {  	[sflag:s0] =	ssyncset.done $0x0  }
0xad: {  	[sflag:s0] =	ssyncadd.s32 $0xFFFFFB00  }
0xae: {  	_ =	swait.ge [sflag:s13], $0x500  }
0xaf: {  	[sflag:s13] =	ssyncset.done $0x0  }
0xb0: {  	[sflag:s13] =	ssyncadd.s32 $0xFFFFFB00  }
0xb1: {  	_ =	swait.ge [sflag:s24], $0x500  }
0xb2: {  	[sflag:s24] =	ssyncset.done $0x0  }
0xb3: {  	[sflag:s24] =	ssyncadd.s32 $0xFFFFFB00  }
0xb4: {  	_ =	swait.ge [sflag:s26], $0x500  }
0xb5: {  	s4 =	sadd.s32 $0x1, s4;
	[sflag:s26] =	ssyncset.done $0x0  }
0xb6: {  	p0 =	sne.s32 s4, s12;
	[sflag:s26] =	ssyncadd.s32 $0xFFFFFB00  }
.Ltmp2:
0xb7: {  	s8 =	sor.u32 $0x1C0B, s7;
	[bflag:$0x0] =	sbarrier.arrive $0xFFFF;
	(pc) =	sbr.rel @p0 .LBB2_1-.Ltmp2, $4  }
0xb8: {  	[hbm:s11], [sflag:s8] =	dma.local [spmem:s14], $0x4E2  }
0xb9: {  	_ =	swait.ge [sflag:s29], $0x4E2  }
0xba: {  	[sflag:s29] =	ssyncset.done $0x0  }
0xbb: {  	[sflag:s29] =	ssyncadd.s32 $0xFFFFFB1E  }
0xbc: {  	_ =	sfence.sel $0x180000  }
0xbd: {  	[bflag:$0x0] =	sbarrier.arrive $0xFFFF  }
0xbe: {  	_ =	strace $0x90000053  }
0xbf: {  	s0 =	stileid.u32;
	[bflag:$0x2] =	sbarrier.arrive $0xFFFF  }
0xc0: {  	p0 =	sne.s32 s0, $0x0;
	s0 =	rddreg [dreg:$0x4]  }
0xc1: {  	s0 =	sadd.s32 @!p0 $0x100000, s0  }
0xc2: {  	[sflag:s0] =	ssyncadd.tile.s32 @!p0 $0x1;
	_ =	shalt  }
.Lfunc_end2:
_tile_overlayer_lowered:
.L_overlay_start_2:
0xc3: {  	(tag) =	ssettag $0x2  }
0xc4: {  	s0 =	rddreg [dreg:$0x0];
	s2 =	stileid.u32  }
0xc5: {  	s1 =	rddreg [dreg:$0x1];
	p0 =	sne.s32 s2, $0x0  }
0xc6: {  	s3 =	rddreg [dreg:$0x2];
	[bflag:$0x3] =	sbarrier.arrive $0xFFFF;
	s2 =	simm.s32 @!p0 $0x1C0B  }
0xc7: {  	[timem:s3], [sflag:s2] =	dma.local @!p0 [hbm:s0], s1  }
0xc8: {  	s0 =	simm.s32 @!p0 $0xB  }
0xc9: {  	_ =	swait.ge @!p0 [sflag:s0], s1  }
0xca: {  	s1 =	ssub.s32 @!p0 $0x0, s1;
	[sflag:s0] =	ssyncset.done @!p0 $0x0  }
0xcb: {  	[sflag:s0] =	ssyncadd.s32 @!p0 s1  }
0xcc: {  	[bflag:$0x3] =	sbarrier.arrive $0xFFFF  }
0xcd: {  	_ =	shalt  }

</sc_bundles>
